<compile_context>
chip_gen: v7x
topology: tpu7x:2x2x1
jax: 0.10.2.dev20260603
libtpu: 0.0.44.dev20260713+nightly
codegen_flags: <defaults>
</compile_context>

<pallas_src>
import functools

import jax
import jax.numpy as jnp
from jax import lax
from jax.experimental import pallas as pl
from jax.experimental.pallas import tpu as pltpu
from jax.experimental.pallas import tpu_sc as plsc

BATCH = 4096
SLOT_NUM = 26
EMBED_DIM = 32
VOCAB = 1000000
TOTAL_NNZ = 1064960
NUM_ROWS = BATCH * SLOT_NUM

NC = 2
NS = 16
L = 16

ROWS_PER_SC = NUM_ROWS // NC
ROWS_PER_SUB = ROWS_PER_SC // NS
DUMMY_ROW = ROWS_PER_SC
ACC_ROWS = ROWS_PER_SC + 8

G = 128
SG = 8
NBUF = 4
LA = 3
NGROUPS = TOTAL_NNZ // G
BIG = 1 << 28


def _sc_body(table, vals1d, rows1d, bounds, out,
             vals_s, rows_s, rel_s, gath, bnd_v, acc,
             sem_g, sem_a, sem_l):
    cid = lax.axis_index("c")
    sid = lax.axis_index("s")

    pltpu.sync_copy(bounds, bnd_v)
    bv = bnd_v[pl.ds(0, L)]
    s = jnp.where(cid == 0, bv[0], bv[1])
    e = jnp.where(cid == 0, bv[1], bv[2])
    base = cid * ROWS_PER_SC

    g0 = (s // G) // SG * SG
    g1 = jnp.minimum(((e + (G - 1)) // G + (SG - 1)) // SG * SG, NGROUPS)
    gq = (g1 - g0 + (NS - 1)) // NS
    gq = (gq + (SG - 1)) // SG * SG
    ga = g0 + sid * gq
    gb = jnp.minimum(ga + gq, g1)
    nst = jnp.maximum((gb - ga + (SG - 1)) // SG, 0)

    def _zero(f, c):
        gath[f >> 1, pl.ds((f & 1) * L, L)] = jnp.zeros((L,), jnp.float32)
        return c
    lax.fori_loop(0, 2 * G, _zero, 0)
    row0 = sid * ROWS_PER_SUB
    zsrc = gath.at[pl.ds(0, G)]
    for kk in range(ROWS_PER_SUB // G):
        pltpu.sync_copy(zsrc, acc.at[pl.ds(row0 + kk * G, G)])
    plsc.subcore_barrier()

    ngr = nst * SG

    def _rel_compute(t, par):
        gs = ga + t * SG
        pbase = par * SG * G

        def _rel(f, c2):
            j = f >> 3
            i = f & 7
            r = rows_s[pl.ds(pbase + f * L, L)]
            off = jnp.where(gs + j < gb, 0, BIG) - base
            rel = r + off
            ok = (rel >= 0) & (rel < ROWS_PER_SC)
            rel_s[par * SG + j, pl.ds(i * L, L)] = jnp.where(ok, rel,
                                                             DUMMY_ROW)
            return c2
        lax.fori_loop(0, SG * (G // L), _rel, 0)

    def _fire_gather(gg):
        tg = gg // SG
        voff = (tg % 2) * SG * G + (gg % SG) * G
        pltpu.async_copy(table.at[vals_s.at[pl.ds(voff, G)]],
                         gath.at[pl.ds((gg % NBUF) * G, G)], sem_g)

    def _drain1(sem):
        pltpu.make_async_copy(table.at[pl.ds(0, G)],
                              gath.at[pl.ds(0, G)], sem).wait()

    @pl.when(nst > 0)
    def _prologue():
        gs0 = pl.multiple_of(ga, SG) * G
        pltpu.sync_copy(vals1d.at[pl.ds(gs0, SG * G)],
                        vals_s.at[pl.ds(0, SG * G)])
        pltpu.sync_copy(rows1d.at[pl.ds(gs0, SG * G)],
                        rows_s.at[pl.ds(0, SG * G)])
        _rel_compute(0, 0)
        for k in range(LA):
            @pl.when(k < ngr)
            def _f():
                _fire_gather(jnp.int32(k))

    def _group(g, c):
        t = g // SG
        j = g % SG
        par = t % 2

        @pl.when((j == 0) & (t + 1 < nst))
        def _fire_loads():
            gsn = pl.multiple_of(ga + (t + 1) * SG, SG)
            nxt = 1 - par
            pltpu.async_copy(vals1d.at[pl.ds(gsn * G, SG * G)],
                             vals_s.at[pl.ds(nxt * SG * G, SG * G)], sem_l)
            pltpu.async_copy(rows1d.at[pl.ds(gsn * G, SG * G)],
                             rows_s.at[pl.ds(nxt * SG * G, SG * G)], sem_l)

        @pl.when((j == 0) & (t > 0))
        def _rel_this_stage():
            _rel_compute(t, par)

        @pl.when((j == 4) & (t + 1 < nst))
        def _wait_loads():
            pltpu.make_async_copy(vals1d.at[pl.ds(0, SG * G)],
                                  vals_s.at[pl.ds(0, SG * G)], sem_l).wait()
            pltpu.make_async_copy(rows1d.at[pl.ds(0, SG * G)],
                                  rows_s.at[pl.ds(0, SG * G)], sem_l).wait()

        _drain1(sem_g)
        pltpu.async_copy(gath.at[pl.ds((g % NBUF) * G, G)],
                         acc.at[rel_s.at[par * SG + j]], sem_a, add=True)

        @pl.when(g >= 1)
        def _drain_scatter():
            _drain1(sem_a)

        @pl.when(g + LA < ngr)
        def _fire_next():
            _fire_gather(g + LA)
        return c
    lax.fori_loop(0, ngr, _group, 0)

    @pl.when(nst > 0)
    def _epilogue():
        _drain1(sem_a)
    plsc.subcore_barrier()

    for kk in range(ROWS_PER_SUB // G):
        pltpu.sync_copy(acc.at[pl.ds(row0 + kk * G, G)], zsrc)
        pltpu.sync_copy(zsrc, out.at[pl.ds(base + row0 + kk * G, G)])


@jax.jit
def _sc_lookup(table, vals2d, rows2d, bounds):
    mesh = plsc.VectorSubcoreMesh(core_axis_name="c", subcore_axis_name="s")
    return pl.kernel(
        _sc_body,
        out_type=jax.ShapeDtypeStruct((NUM_ROWS, EMBED_DIM), jnp.float32),
        mesh=mesh,
        compiler_params=pltpu.CompilerParams(use_tc_tiling_on_sc=False),
        scratch_types=[
            pltpu.VMEM((2 * SG * G,), jnp.int32),
            pltpu.VMEM((2 * SG * G,), jnp.int32),
            pltpu.VMEM((2 * SG, G), jnp.int32),
            pltpu.VMEM((NBUF * G, EMBED_DIM), jnp.float32),
            pltpu.VMEM((L,), jnp.int32),
            pltpu.VMEM_SHARED((ACC_ROWS, EMBED_DIM), jnp.float32),
            pltpu.SemaphoreType.DMA,
            pltpu.SemaphoreType.DMA,
            pltpu.SemaphoreType.DMA,
        ],
    )(table, vals2d, rows2d, bounds)


def kernel(values, row_indices, table):
    split = jnp.searchsorted(row_indices, ROWS_PER_SC).astype(jnp.int32)
    bounds = jnp.zeros((L,), jnp.int32).at[1].set(split).at[2].set(TOTAL_NNZ)
    out = _sc_lookup(table, values, row_indices, bounds)
    return out.reshape(BATCH, SLOT_NUM, EMBED_DIM)

# --- scband reference (transcript-rebuilt; emitter-appended) ---
"""Pipeline reference for scband-distributed-embedding-63488206569530 (READ-ONLY COPY).

The authoritative reference and input builder live on the scoring server;
editing this copy changes nothing except your own understanding.
"""

import jax, jax.numpy as jnp
import numpy as np

BATCH = 4096
SLOT_NUM = 26
EMBED_DIM = 32
VOCAB = 1000000
TOTAL_NNZ = 1064960
NUM_ROWS = BATCH * SLOT_NUM  # 106496


def setup_inputs(seed: int = 0) -> dict:
    key = jax.random.key(seed)
    k1, k2, k3 = jax.random.split(key, 3)
    values = jax.random.randint(k1, (TOTAL_NNZ,), 0, VOCAB, dtype=jnp.int32)
    row_indices = jnp.sort(jax.random.randint(k2, (TOTAL_NNZ,), 0, NUM_ROWS, dtype=jnp.int32))
    # Learned embedding table: [max_vocabulary_size_per_gpu, embedding_vec_size]
    table = jax.random.normal(k3, (VOCAB, EMBED_DIM), dtype=jnp.float32) * 0.01
    return {"values": values, "row_indices": row_indices, "table": table}


def reference(values, row_indices, table):
    # Gather embedding vectors for every nonzero key (sparse lookup)
    gathered = jnp.take(table, values, axis=0)  # [TOTAL_NNZ, EMBED_DIM]
    # Combine intra-slot with 'sum' combiner: reduce by (sample, slot) row id
    combined = jax.ops.segment_sum(gathered, row_indices, num_segments=NUM_ROWS)
    # Output shape [batchsize, slot_num, embedding_vec_size]
    emb_vector = combined.reshape(BATCH, SLOT_NUM, EMBED_DIM)
    return emb_vector

if __name__ == "__main__":
    import jax
    _d = setup_inputs()
    print(jax.jit(kernel)(*tuple(_d.values())))

</pallas_src>

<mosaic_0001>
#map = affine_map<(d0, d1) -> (0, 0)>
#map1 = affine_map<(d0, d1) -> (0)>
module attributes {stable_mosaic.version = 14 : i64} {
  func.func @_sc_body(%arg0: i32, %arg1: i32, %arg2: memref<1000000x32xf32, #tpu.memory_space<hbm>>, %arg3: memref<1064960xi32, #tpu.memory_space<hbm>>, %arg4: memref<1064960xi32, #tpu.memory_space<hbm>>, %arg5: memref<16xi32, #tpu.memory_space<hbm>>, %arg6: memref<106496x32xf32, #tpu.memory_space<hbm>>, %arg7: memref<2048xi32, #tpu.memory_space<vmem>>, %arg8: memref<2048xi32, #tpu.memory_space<vmem>>, %arg9: memref<16x128xi32, #tpu.memory_space<vmem>>, %arg10: memref<512x32xf32, #tpu.memory_space<vmem>>, %arg11: memref<16xi32, #tpu.memory_space<vmem>>, %arg12: memref<53256x32xf32, #tpu.memory_space<vmem_shared>>, %arg13: memref<!tpu.dma_semaphore, #tpu.memory_space<semaphore_mem>>, %arg14: memref<!tpu.dma_semaphore, #tpu.memory_space<semaphore_mem>>, %arg15: memref<!tpu.dma_semaphore, #tpu.memory_space<semaphore_mem>>) attributes {dimension_semantics = [#tpu.dimension_semantics<core_parallel>, #tpu.dimension_semantics<subcore_parallel>], iteration_bounds = array<i64: 2, 16>, scalar_prefetch = 0 : i64, scratch_operands = 9 : i64, tpu.core_type = #tpu.core_type<sc_vector_subcore>, window_params = [{transform_indices = #map}, {transform_indices = #map1}, {transform_indices = #map1}, {transform_indices = #map1}, {transform_indices = #map}]} {
    "tpu.region"() ({
      %run_scoped3A = tpu.sem_alloc : memref<!tpu.dma_semaphore, #tpu.memory_space<semaphore_mem>>
      tpu.enqueue_dma source(%arg5 : memref<16xi32, #tpu.memory_space<hbm>>) target(%arg11 : memref<16xi32, #tpu.memory_space<vmem>>) target_semaphore(%run_scoped3A : memref<!tpu.dma_semaphore, #tpu.memory_space<semaphore_mem>>)
      tpu.wait_dma2 semaphore(%run_scoped3A : memref<!tpu.dma_semaphore, #tpu.memory_space<semaphore_mem>>) src(%arg5 : memref<16xi32, #tpu.memory_space<hbm>>) dst(%arg11 : memref<16xi32, #tpu.memory_space<vmem>>)
      tpu.yield
    }) : () -> ()
    %get3A = arith.constant 0 : index
    %get3A_0 = tpu.vector_load %arg11[%get3A] {strides = array<i32>} : memref<16xi32, #tpu.memory_space<vmem>>, vector<16xi32>,
    %get3A_1 = vector.shape_cast %get3A_0 : vector<16xi32> to vector<16xi32>
    %eq3A = arith.constant 0 : i32
    %eq3A_2 = arith.cmpi eq, %arg0, %eq3A : i32
    %slice3A = vector.extract_strided_slice %get3A_1 {offsets = [0], sizes = [1], strides = [1]} : vector<16xi32> to vector<1xi32>
    %squeeze3A = vector.extract %slice3A[0] : i32 from vector<1xi32>
    %slice3A_3 = vector.extract_strided_slice %get3A_1 {offsets = [1], sizes = [1], strides = [1]} : vector<16xi32> to vector<1xi32>
    %squeeze3A_4 = vector.extract %slice3A_3[0] : i32 from vector<1xi32>
    %select_n3A = arith.select %eq3A_2, %squeeze3A, %squeeze3A_4 : i32
    %eq3A_5 = arith.constant 0 : i32
    %eq3A_6 = arith.cmpi eq, %arg0, %eq3A_5 : i32
    %slice3A_7 = vector.extract_strided_slice %get3A_1 {offsets = [1], sizes = [1], strides = [1]} : vector<16xi32> to vector<1xi32>
    %squeeze3A_8 = vector.extract %slice3A_7[0] : i32 from vector<1xi32>
    %slice3A_9 = vector.extract_strided_slice %get3A_1 {offsets = [2], sizes = [1], strides = [1]} : vector<16xi32> to vector<1xi32>
    %squeeze3A_10 = vector.extract %slice3A_9[0] : i32 from vector<1xi32>
    %select_n3A_11 = arith.select %eq3A_6, %squeeze3A_8, %squeeze3A_10 : i32
    %mul3A = arith.constant 53248 : i32
    %mul3A_12 = arith.muli %arg0, %mul3A : i32
    %jit3A = arith.constant 128 : i32
    %div3A = arith.divsi %select_n3A, %jit3A : i32
    %sign3A = arith.constant 0 : i32
    %sign3A_13 = arith.cmpi sgt, %select_n3A, %sign3A : i32
    %sign3A_14 = arith.extui %sign3A_13 : i1 to i32
    %sign3A_15 = arith.constant 0 : i32
    %sign3A_16 = arith.cmpi slt, %select_n3A, %sign3A_15 : i32
    %sign3A_17 = arith.extui %sign3A_16 : i1 to i32
    %sign3A_18 = arith.subi %sign3A_14, %sign3A_17 : i32
    %sign3A_19 = arith.constant 0 : i32
    %sign3A_20 = arith.cmpi sgt, %jit3A, %sign3A_19 : i32
    %sign3A_21 = arith.extui %sign3A_20 : i1 to i32
    %sign3A_22 = arith.constant 0 : i32
    %sign3A_23 = arith.cmpi slt, %jit3A, %sign3A_22 : i32
    %sign3A_24 = arith.extui %sign3A_23 : i1 to i32
    %sign3A_25 = arith.subi %sign3A_21, %sign3A_24 : i32
    %ne3A = arith.cmpi ne, %sign3A_18, %sign3A_25 : i32
    %rem3A = arith.remsi %select_n3A, %jit3A : i32
    %ne3A_26 = arith.constant 0 : i32
    %ne3A_27 = arith.cmpi ne, %rem3A, %ne3A_26 : i32
    %and3A = arith.andi %ne3A, %ne3A_27 : i1
    %sub3A = arith.constant 1 : i32
    %sub3A_28 = arith.subi %div3A, %sub3A : i32
    %select_n3A_29 = arith.select %and3A, %sub3A_28, %div3A : i32
    %jit3A_30 = arith.constant 8 : i32
    %div3A_31 = arith.divsi %select_n3A_29, %jit3A_30 : i32
    %sign3A_32 = arith.constant 0 : i32
    %sign3A_33 = arith.cmpi sgt, %select_n3A_29, %sign3A_32 : i32
    %sign3A_34 = arith.extui %sign3A_33 : i1 to i32
    %sign3A_35 = arith.constant 0 : i32
    %sign3A_36 = arith.cmpi slt, %select_n3A_29, %sign3A_35 : i32
    %sign3A_37 = arith.extui %sign3A_36 : i1 to i32
    %sign3A_38 = arith.subi %sign3A_34, %sign3A_37 : i32
    %sign3A_39 = arith.constant 0 : i32
    %sign3A_40 = arith.cmpi sgt, %jit3A_30, %sign3A_39 : i32
    %sign3A_41 = arith.extui %sign3A_40 : i1 to i32
    %sign3A_42 = arith.constant 0 : i32
    %sign3A_43 = arith.cmpi slt, %jit3A_30, %sign3A_42 : i32
    %sign3A_44 = arith.extui %sign3A_43 : i1 to i32
    %sign3A_45 = arith.subi %sign3A_41, %sign3A_44 : i32
    %ne3A_46 = arith.cmpi ne, %sign3A_38, %sign3A_45 : i32
    %rem3A_47 = arith.remsi %select_n3A_29, %jit3A_30 : i32
    %ne3A_48 = arith.constant 0 : i32
    %ne3A_49 = arith.cmpi ne, %rem3A_47, %ne3A_48 : i32
    %and3A_50 = arith.andi %ne3A_46, %ne3A_49 : i1
    %sub3A_51 = arith.constant 1 : i32
    %sub3A_52 = arith.subi %div3A_31, %sub3A_51 : i32
    %select_n3A_53 = arith.select %and3A_50, %sub3A_52, %div3A_31 : i32
    %mul3A_54 = arith.constant 8 : i32
    %mul3A_55 = arith.muli %select_n3A_53, %mul3A_54 : i32
    %add3A = arith.constant 127 : i32
    %add3A_56 = arith.addi %select_n3A_11, %add3A : i32
    %jit3A_57 = arith.constant 128 : i32
    %div3A_58 = arith.divsi %add3A_56, %jit3A_57 : i32
    %sign3A_59 = arith.constant 0 : i32
    %sign3A_60 = arith.cmpi sgt, %add3A_56, %sign3A_59 : i32
    %sign3A_61 = arith.extui %sign3A_60 : i1 to i32
    %sign3A_62 = arith.constant 0 : i32
    %sign3A_63 = arith.cmpi slt, %add3A_56, %sign3A_62 : i32
    %sign3A_64 = arith.extui %sign3A_63 : i1 to i32
    %sign3A_65 = arith.subi %sign3A_61, %sign3A_64 : i32
    %sign3A_66 = arith.constant 0 : i32
    %sign3A_67 = arith.cmpi sgt, %jit3A_57, %sign3A_66 : i32
    %sign3A_68 = arith.extui %sign3A_67 : i1 to i32
    %sign3A_69 = arith.constant 0 : i32
    %sign3A_70 = arith.cmpi slt, %jit3A_57, %sign3A_69 : i32
    %sign3A_71 = arith.extui %sign3A_70 : i1 to i32
    %sign3A_72 = arith.subi %sign3A_68, %sign3A_71 : i32
    %ne3A_73 = arith.cmpi ne, %sign3A_65, %sign3A_72 : i32
    %rem3A_74 = arith.remsi %add3A_56, %jit3A_57 : i32
    %ne3A_75 = arith.constant 0 : i32
    %ne3A_76 = arith.cmpi ne, %rem3A_74, %ne3A_75 : i32
    %and3A_77 = arith.andi %ne3A_73, %ne3A_76 : i1
    %sub3A_78 = arith.constant 1 : i32
    %sub3A_79 = arith.subi %div3A_58, %sub3A_78 : i32
    %select_n3A_80 = arith.select %and3A_77, %sub3A_79, %div3A_58 : i32
    %add3A_81 = arith.constant 7 : i32
    %add3A_82 = arith.addi %select_n3A_80, %add3A_81 : i32
    %jit3A_83 = arith.constant 8 : i32
    %div3A_84 = arith.divsi %add3A_82, %jit3A_83 : i32
    %sign3A_85 = arith.constant 0 : i32
    %sign3A_86 = arith.cmpi sgt, %add3A_82, %sign3A_85 : i32
    %sign3A_87 = arith.extui %sign3A_86 : i1 to i32
    %sign3A_88 = arith.constant 0 : i32
    %sign3A_89 = arith.cmpi slt, %add3A_82, %sign3A_88 : i32
    %sign3A_90 = arith.extui %sign3A_89 : i1 to i32
    %sign3A_91 = arith.subi %sign3A_87, %sign3A_90 : i32
    %sign3A_92 = arith.constant 0 : i32
    %sign3A_93 = arith.cmpi sgt, %jit3A_83, %sign3A_92 : i32
    %sign3A_94 = arith.extui %sign3A_93 : i1 to i32
    %sign3A_95 = arith.constant 0 : i32
    %sign3A_96 = arith.cmpi slt, %jit3A_83, %sign3A_95 : i32
    %sign3A_97 = arith.extui %sign3A_96 : i1 to i32
    %sign3A_98 = arith.subi %sign3A_94, %sign3A_97 : i32
    %ne3A_99 = arith.cmpi ne, %sign3A_91, %sign3A_98 : i32
    %rem3A_100 = arith.remsi %add3A_82, %jit3A_83 : i32
    %ne3A_101 = arith.constant 0 : i32
    %ne3A_102 = arith.cmpi ne, %rem3A_100, %ne3A_101 : i32
    %and3A_103 = arith.andi %ne3A_99, %ne3A_102 : i1
    %sub3A_104 = arith.constant 1 : i32
    %sub3A_105 = arith.subi %div3A_84, %sub3A_104 : i32
    %select_n3A_106 = arith.select %and3A_103, %sub3A_105, %div3A_84 : i32
    %mul3A_107 = arith.constant 8 : i32
    %mul3A_108 = arith.muli %select_n3A_106, %mul3A_107 : i32
    %min3A = arith.constant 8320 : i32
    %min3A_109 = arith.minsi %mul3A_108, %min3A : i32
    %sub3A_110 = arith.subi %min3A_109, %mul3A_55 : i32
    %add3A_111 = arith.constant 15 : i32
    %add3A_112 = arith.addi %sub3A_110, %add3A_111 : i32
    %jit3A_113 = arith.constant 16 : i32
    %div3A_114 = arith.divsi %add3A_112, %jit3A_113 : i32
    %sign3A_115 = arith.constant 0 : i32
    %sign3A_116 = arith.cmpi sgt, %add3A_112, %sign3A_115 : i32
    %sign3A_117 = arith.extui %sign3A_116 : i1 to i32
    %sign3A_118 = arith.constant 0 : i32
    %sign3A_119 = arith.cmpi slt, %add3A_112, %sign3A_118 : i32
    %sign3A_120 = arith.extui %sign3A_119 : i1 to i32
    %sign3A_121 = arith.subi %sign3A_117, %sign3A_120 : i32
    %sign3A_122 = arith.constant 0 : i32
    %sign3A_123 = arith.cmpi sgt, %jit3A_113, %sign3A_122 : i32
    %sign3A_124 = arith.extui %sign3A_123 : i1 to i32
    %sign3A_125 = arith.constant 0 : i32
    %sign3A_126 = arith.cmpi slt, %jit3A_113, %sign3A_125 : i32
    %sign3A_127 = arith.extui %sign3A_126 : i1 to i32
    %sign3A_128 = arith.subi %sign3A_124, %sign3A_127 : i32
    %ne3A_129 = arith.cmpi ne, %sign3A_121, %sign3A_128 : i32
    %rem3A_130 = arith.remsi %add3A_112, %jit3A_113 : i32
    %ne3A_131 = arith.constant 0 : i32
    %ne3A_132 = arith.cmpi ne, %rem3A_130, %ne3A_131 : i32
    %and3A_133 = arith.andi %ne3A_129, %ne3A_132 : i1
    %sub3A_134 = arith.constant 1 : i32
    %sub3A_135 = arith.subi %div3A_114, %sub3A_134 : i32
    %select_n3A_136 = arith.select %and3A_133, %sub3A_135, %div3A_114 : i32
    %add3A_137 = arith.constant 7 : i32
    %add3A_138 = arith.addi %select_n3A_136, %add3A_137 : i32
    %jit3A_139 = arith.constant 8 : i32
    %div3A_140 = arith.divsi %add3A_138, %jit3A_139 : i32
    %sign3A_141 = arith.constant 0 : i32
    %sign3A_142 = arith.cmpi sgt, %add3A_138, %sign3A_141 : i32
    %sign3A_143 = arith.extui %sign3A_142 : i1 to i32
    %sign3A_144 = arith.constant 0 : i32
    %sign3A_145 = arith.cmpi slt, %add3A_138, %sign3A_144 : i32
    %sign3A_146 = arith.extui %sign3A_145 : i1 to i32
    %sign3A_147 = arith.subi %sign3A_143, %sign3A_146 : i32
    %sign3A_148 = arith.constant 0 : i32
    %sign3A_149 = arith.cmpi sgt, %jit3A_139, %sign3A_148 : i32
    %sign3A_150 = arith.extui %sign3A_149 : i1 to i32
    %sign3A_151 = arith.constant 0 : i32
    %sign3A_152 = arith.cmpi slt, %jit3A_139, %sign3A_151 : i32
    %sign3A_153 = arith.extui %sign3A_152 : i1 to i32
    %sign3A_154 = arith.subi %sign3A_150, %sign3A_153 : i32
    %ne3A_155 = arith.cmpi ne, %sign3A_147, %sign3A_154 : i32
    %rem3A_156 = arith.remsi %add3A_138, %jit3A_139 : i32
    %ne3A_157 = arith.constant 0 : i32
    %ne3A_158 = arith.cmpi ne, %rem3A_156, %ne3A_157 : i32
    %and3A_159 = arith.andi %ne3A_155, %ne3A_158 : i1
    %sub3A_160 = arith.constant 1 : i32
    %sub3A_161 = arith.subi %div3A_140, %sub3A_160 : i32
    %select_n3A_162 = arith.select %and3A_159, %sub3A_161, %div3A_140 : i32
    %mul3A_163 = arith.constant 8 : i32
    %mul3A_164 = arith.muli %select_n3A_162, %mul3A_163 : i32
    %mul3A_165 = arith.muli %arg1, %mul3A_164 : i32
    %add3A_166 = arith.addi %mul3A_55, %mul3A_165 : i32
    %add3A_167 = arith.addi %add3A_166, %mul3A_164 : i32
    %min3A_168 = arith.minsi %add3A_167, %min3A_109 : i32
    %sub3A_169 = arith.subi %min3A_168, %add3A_166 : i32
    %add3A_170 = arith.constant 7 : i32
    %add3A_171 = arith.addi %sub3A_169, %add3A_170 : i32
    %jit3A_172 = arith.constant 8 : i32
    %div3A_173 = arith.divsi %add3A_171, %jit3A_172 : i32
    %sign3A_174 = arith.constant 0 : i32
    %sign3A_175 = arith.cmpi sgt, %add3A_171, %sign3A_174 : i32
    %sign3A_176 = arith.extui %sign3A_175 : i1 to i32
    %sign3A_177 = arith.constant 0 : i32
    %sign3A_178 = arith.cmpi slt, %add3A_171, %sign3A_177 : i32
    %sign3A_179 = arith.extui %sign3A_178 : i1 to i32
    %sign3A_180 = arith.subi %sign3A_176, %sign3A_179 : i32
    %sign3A_181 = arith.constant 0 : i32
    %sign3A_182 = arith.cmpi sgt, %jit3A_172, %sign3A_181 : i32
    %sign3A_183 = arith.extui %sign3A_182 : i1 to i32
    %sign3A_184 = arith.constant 0 : i32
    %sign3A_185 = arith.cmpi slt, %jit3A_172, %sign3A_184 : i32
    %sign3A_186 = arith.extui %sign3A_185 : i1 to i32
    %sign3A_187 = arith.subi %sign3A_183, %sign3A_186 : i32
    %ne3A_188 = arith.cmpi ne, %sign3A_180, %sign3A_187 : i32
    %rem3A_189 = arith.remsi %add3A_171, %jit3A_172 : i32
    %ne3A_190 = arith.constant 0 : i32
    %ne3A_191 = arith.cmpi ne, %rem3A_189, %ne3A_190 : i32
    %and3A_192 = arith.andi %ne3A_188, %ne3A_191 : i1
    %sub3A_193 = arith.constant 1 : i32
    %sub3A_194 = arith.subi %div3A_173, %sub3A_193 : i32
    %select_n3A_195 = arith.select %and3A_192, %sub3A_194, %div3A_173 : i32
    %max3A = arith.constant 0 : i32
    %max3A_196 = arith.maxsi %select_n3A_195, %max3A : i32
    %scan3A = arith.constant 0 : i32
    %scan3A_197 = arith.constant 0 : i32
    %scan3A_198 = arith.constant 256 : i32
    %scan3A_199 = arith.addi %scan3A_197, %scan3A_198 : i32
    %scan3A_200 = arith.constant 1 : i32
    scf.for %scan3A_405 = %scan3A_197 to %scan3A_199 step %scan3A_200  : i32 {
      %broadcast_in_dim3A = arith.constant 0.000000e+00 : f32
      %broadcast_in_dim3A_406 = vector.broadcast %broadcast_in_dim3A : f32 to vector<16xf32>
      %shift_right_arithmetic3A = arith.constant 1 : i32
      %shift_right_arithmetic3A_407 = arith.shrsi %scan3A_405, %shift_right_arithmetic3A : i32
      %and3A_408 = arith.constant 1 : i32
      %and3A_409 = arith.andi %scan3A_405, %and3A_408 : i32
      %mul3A_410 = arith.constant 16 : i32
      %mul3A_411 = arith.muli %and3A_409, %mul3A_410 : i32
      %swap3A = arith.index_cast %shift_right_arithmetic3A_407 : i32 to index
      %swap3A_412 = arith.index_cast %mul3A_411 : i32 to index
      %swap3A_413 = tpu.vector_load %arg10[%swap3A, %swap3A_412] {strides = array<i32>} : memref<512x32xf32, #tpu.memory_space<vmem>>, vector<1x16xf32>,
      %swap3A_414 = vector.shape_cast %swap3A_413 : vector<1x16xf32> to vector<16xf32>
      %swap3A_415 = vector.shape_cast %broadcast_in_dim3A_406 : vector<16xf32> to vector<1x16xf32>
      tpu.vector_store %arg10[%swap3A, %swap3A_412], %swap3A_415 {strides = array<i32>} : memref<512x32xf32, #tpu.memory_space<vmem>>, vector<1x16xf32>,
    }
    %scan3A_201 = arith.constant 256 : i32
    %mul3A_202 = arith.constant 3328 : i32
    %mul3A_203 = arith.muli %arg1, %mul3A_202 : i32
    %add3A_204 = arith.constant 0 : i32
    %add3A_205 = arith.addi %mul3A_203, %add3A_204 : i32
    "tpu.region"() ({
      %run_scoped3A = tpu.sem_alloc : memref<!tpu.dma_semaphore, #tpu.memory_space<semaphore_mem>>
      %dma_start3A = arith.constant 0 : i32
      %dma_start3A_405 = arith.constant 0 : i32
      %dma_start3A_406 = tpu.memref_slice %arg10[%dma_start3A, %dma_start3A_405] : memref<512x32xf32, #tpu.memory_space<vmem>> -> memref<128x32xf32, #tpu.memory_space<vmem>>
      %dma_start3A_407 = arith.constant 0 : i32
      %dma_start3A_408 = tpu.memref_slice %arg12[%add3A_205, %dma_start3A_407] : memref<53256x32xf32, #tpu.memory_space<vmem_shared>> -> memref<128x32xf32, #tpu.memory_space<vmem_shared>>
      %dma_start3A_409 = arith.constant 0 : i32
      %dma_start3A_410 = tpu.memref_slice %arg12[%add3A_205, %dma_start3A_409] : memref<53256x32xf32, #tpu.memory_space<vmem_shared>> -> memref<128x32xf32, #tpu.memory_space<vmem_shared>>
      %dma_start3A_411 = arith.constant 0 : i32
      %dma_start3A_412 = arith.constant 0 : i32
      %dma_start3A_413 = tpu.memref_slice %arg10[%dma_start3A_411, %dma_start3A_412] : memref<512x32xf32, #tpu.memory_space<vmem>> -> memref<128x32xf32, #tpu.memory_space<vmem>>
      tpu.enqueue_dma source(%dma_start3A_413 : memref<128x32xf32, #tpu.memory_space<vmem>>) target(%dma_start3A_410 : memref<128x32xf32, #tpu.memory_space<vmem_shared>>) target_semaphore(%run_scoped3A : memref<!tpu.dma_semaphore, #tpu.memory_space<semaphore_mem>>)
      %dma_wait3A = arith.constant 0 : i32
      %dma_wait3A_414 = arith.constant 0 : i32
      %dma_wait3A_415 = tpu.memref_slice %arg10[%dma_wait3A, %dma_wait3A_414] : memref<512x32xf32, #tpu.memory_space<vmem>> -> memref<128x32xf32, #tpu.memory_space<vmem>>
      %dma_wait3A_416 = arith.constant 0 : i32
      %dma_wait3A_417 = tpu.memref_slice %arg12[%add3A_205, %dma_wait3A_416] : memref<53256x32xf32, #tpu.memory_space<vmem_shared>> -> memref<128x32xf32, #tpu.memory_space<vmem_shared>>
      %dma_wait3A_418 = arith.constant 0 : i32
      %dma_wait3A_419 = tpu.memref_slice %arg12[%add3A_205, %dma_wait3A_418] : memref<53256x32xf32, #tpu.memory_space<vmem_shared>> -> memref<128x32xf32, #tpu.memory_space<vmem_shared>>
      %dma_wait3A_420 = arith.constant 0 : i32
      %dma_wait3A_421 = arith.constant 0 : i32
      %dma_wait3A_422 = tpu.memref_slice %arg10[%dma_wait3A_420, %dma_wait3A_421] : memref<512x32xf32, #tpu.memory_space<vmem>> -> memref<128x32xf32, #tpu.memory_space<vmem>>
      tpu.wait_dma2 semaphore(%run_scoped3A : memref<!tpu.dma_semaphore, #tpu.memory_space<semaphore_mem>>) src(%dma_wait3A_422 : memref<128x32xf32, #tpu.memory_space<vmem>>) dst(%dma_wait3A_419 : memref<128x32xf32, #tpu.memory_space<vmem_shared>>)
      tpu.yield
    }) : () -> ()
    %add3A_206 = arith.constant 128 : i32
    %add3A_207 = arith.addi %mul3A_203, %add3A_206 : i32
    "tpu.region"() ({
      %run_scoped3A = tpu.sem_alloc : memref<!tpu.dma_semaphore, #tpu.memory_space<semaphore_mem>>
      %dma_start3A = arith.constant 0 : i32
      %dma_start3A_405 = arith.constant 0 : i32
      %dma_start3A_406 = tpu.memref_slice %arg10[%dma_start3A, %dma_start3A_405] : memref<512x32xf32, #tpu.memory_space<vmem>> -> memref<128x32xf32, #tpu.memory_space<vmem>>
      %dma_start3A_407 = arith.constant 0 : i32
      %dma_start3A_408 = tpu.memref_slice %arg12[%add3A_207, %dma_start3A_407] : memref<53256x32xf32, #tpu.memory_space<vmem_shared>> -> memref<128x32xf32, #tpu.memory_space<vmem_shared>>
      %dma_start3A_409 = arith.constant 0 : i32
      %dma_start3A_410 = tpu.memref_slice %arg12[%add3A_207, %dma_start3A_409] : memref<53256x32xf32, #tpu.memory_space<vmem_shared>> -> memref<128x32xf32, #tpu.memory_space<vmem_shared>>
      %dma_start3A_411 = arith.constant 0 : i32
      %dma_start3A_412 = arith.constant 0 : i32
      %dma_start3A_413 = tpu.memref_slice %arg10[%dma_start3A_411, %dma_start3A_412] : memref<512x32xf32, #tpu.memory_space<vmem>> -> memref<128x32xf32, #tpu.memory_space<vmem>>
      tpu.enqueue_dma source(%dma_start3A_413 : memref<128x32xf32, #tpu.memory_space<vmem>>) target(%dma_start3A_410 : memref<128x32xf32, #tpu.memory_space<vmem_shared>>) target_semaphore(%run_scoped3A : memref<!tpu.dma_semaphore, #tpu.memory_space<semaphore_mem>>)
      %dma_wait3A = arith.constant 0 : i32
      %dma_wait3A_414 = arith.constant 0 : i32
      %dma_wait3A_415 = tpu.memref_slice %arg10[%dma_wait3A, %dma_wait3A_414] : memref<512x32xf32, #tpu.memory_space<vmem>> -> memref<128x32xf32, #tpu.memory_space<vmem>>
      %dma_wait3A_416 = arith.constant 0 : i32
      %dma_wait3A_417 = tpu.memref_slice %arg12[%add3A_207, %dma_wait3A_416] : memref<53256x32xf32, #tpu.memory_space<vmem_shared>> -> memref<128x32xf32, #tpu.memory_space<vmem_shared>>
      %dma_wait3A_418 = arith.constant 0 : i32
      %dma_wait3A_419 = tpu.memref_slice %arg12[%add3A_207, %dma_wait3A_418] : memref<53256x32xf32, #tpu.memory_space<vmem_shared>> -> memref<128x32xf32, #tpu.memory_space<vmem_shared>>
      %dma_wait3A_420 = arith.constant 0 : i32
      %dma_wait3A_421 = arith.constant 0 : i32
      %dma_wait3A_422 = tpu.memref_slice %arg10[%dma_wait3A_420, %dma_wait3A_421] : memref<512x32xf32, #tpu.memory_space<vmem>> -> memref<128x32xf32, #tpu.memory_space<vmem>>
      tpu.wait_dma2 semaphore(%run_scoped3A : memref<!tpu.dma_semaphore, #tpu.memory_space<semaphore_mem>>) src(%dma_wait3A_422 : memref<128x32xf32, #tpu.memory_space<vmem>>) dst(%dma_wait3A_419 : memref<128x32xf32, #tpu.memory_space<vmem_shared>>)
      tpu.yield
    }) : () -> ()
    %add3A_208 = arith.constant 256 : i32
    %add3A_209 = arith.addi %mul3A_203, %add3A_208 : i32
    "tpu.region"() ({
      %run_scoped3A = tpu.sem_alloc : memref<!tpu.dma_semaphore, #tpu.memory_space<semaphore_mem>>
      %dma_start3A = arith.constant 0 : i32
      %dma_start3A_405 = arith.constant 0 : i32
      %dma_start3A_406 = tpu.memref_slice %arg10[%dma_start3A, %dma_start3A_405] : memref<512x32xf32, #tpu.memory_space<vmem>> -> memref<128x32xf32, #tpu.memory_space<vmem>>
      %dma_start3A_407 = arith.constant 0 : i32
      %dma_start3A_408 = tpu.memref_slice %arg12[%add3A_209, %dma_start3A_407] : memref<53256x32xf32, #tpu.memory_space<vmem_shared>> -> memref<128x32xf32, #tpu.memory_space<vmem_shared>>
      %dma_start3A_409 = arith.constant 0 : i32
      %dma_start3A_410 = tpu.memref_slice %arg12[%add3A_209, %dma_start3A_409] : memref<53256x32xf32, #tpu.memory_space<vmem_shared>> -> memref<128x32xf32, #tpu.memory_space<vmem_shared>>
      %dma_start3A_411 = arith.constant 0 : i32
      %dma_start3A_412 = arith.constant 0 : i32
      %dma_start3A_413 = tpu.memref_slice %arg10[%dma_start3A_411, %dma_start3A_412] : memref<512x32xf32, #tpu.memory_space<vmem>> -> memref<128x32xf32, #tpu.memory_space<vmem>>
      tpu.enqueue_dma source(%dma_start3A_413 : memref<128x32xf32, #tpu.memory_space<vmem>>) target(%dma_start3A_410 : memref<128x32xf32, #tpu.memory_space<vmem_shared>>) target_semaphore(%run_scoped3A : memref<!tpu.dma_semaphore, #tpu.memory_space<semaphore_mem>>)
      %dma_wait3A = arith.constant 0 : i32
      %dma_wait3A_414 = arith.constant 0 : i32
      %dma_wait3A_415 = tpu.memref_slice %arg10[%dma_wait3A, %dma_wait3A_414] : memref<512x32xf32, #tpu.memory_space<vmem>> -> memref<128x32xf32, #tpu.memory_space<vmem>>
      %dma_wait3A_416 = arith.constant 0 : i32
      %dma_wait3A_417 = tpu.memref_slice %arg12[%add3A_209, %dma_wait3A_416] : memref<53256x32xf32, #tpu.memory_space<vmem_shared>> -> memref<128x32xf32, #tpu.memory_space<vmem_shared>>
      %dma_wait3A_418 = arith.constant 0 : i32
      %dma_wait3A_419 = tpu.memref_slice %arg12[%add3A_209, %dma_wait3A_418] : memref<53256x32xf32, #tpu.memory_space<vmem_shared>> -> memref<128x32xf32, #tpu.memory_space<vmem_shared>>
      %dma_wait3A_420 = arith.constant 0 : i32
      %dma_wait3A_421 = arith.constant 0 : i32
      %dma_wait3A_422 = tpu.memref_slice %arg10[%dma_wait3A_420, %dma_wait3A_421] : memref<512x32xf32, #tpu.memory_space<vmem>> -> memref<128x32xf32, #tpu.memory_space<vmem>>
      tpu.wait_dma2 semaphore(%run_scoped3A : memref<!tpu.dma_semaphore, #tpu.memory_space<semaphore_mem>>) src(%dma_wait3A_422 : memref<128x32xf32, #tpu.memory_space<vmem>>) dst(%dma_wait3A_419 : memref<128x32xf32, #tpu.memory_space<vmem_shared>>)
      tpu.yield
    }) : () -> ()
    %add3A_210 = arith.constant 384 : i32
    %add3A_211 = arith.addi %mul3A_203, %add3A_210 : i32
    "tpu.region"() ({
      %run_scoped3A = tpu.sem_alloc : memref<!tpu.dma_semaphore, #tpu.memory_space<semaphore_mem>>
      %dma_start3A = arith.constant 0 : i32
      %dma_start3A_405 = arith.constant 0 : i32
      %dma_start3A_406 = tpu.memref_slice %arg10[%dma_start3A, %dma_start3A_405] : memref<512x32xf32, #tpu.memory_space<vmem>> -> memref<128x32xf32, #tpu.memory_space<vmem>>
      %dma_start3A_407 = arith.constant 0 : i32
      %dma_start3A_408 = tpu.memref_slice %arg12[%add3A_211, %dma_start3A_407] : memref<53256x32xf32, #tpu.memory_space<vmem_shared>> -> memref<128x32xf32, #tpu.memory_space<vmem_shared>>
      %dma_start3A_409 = arith.constant 0 : i32
      %dma_start3A_410 = tpu.memref_slice %arg12[%add3A_211, %dma_start3A_409] : memref<53256x32xf32, #tpu.memory_space<vmem_shared>> -> memref<128x32xf32, #tpu.memory_space<vmem_shared>>
      %dma_start3A_411 = arith.constant 0 : i32
      %dma_start3A_412 = arith.constant 0 : i32
      %dma_start3A_413 = tpu.memref_slice %arg10[%dma_start3A_411, %dma_start3A_412] : memref<512x32xf32, #tpu.memory_space<vmem>> -> memref<128x32xf32, #tpu.memory_space<vmem>>
      tpu.enqueue_dma source(%dma_start3A_413 : memref<128x32xf32, #tpu.memory_space<vmem>>) target(%dma_start3A_410 : memref<128x32xf32, #tpu.memory_space<vmem_shared>>) target_semaphore(%run_scoped3A : memref<!tpu.dma_semaphore, #tpu.memory_space<semaphore_mem>>)
      %dma_wait3A = arith.constant 0 : i32
      %dma_wait3A_414 = arith.constant 0 : i32
      %dma_wait3A_415 = tpu.memref_slice %arg10[%dma_wait3A, %dma_wait3A_414] : memref<512x32xf32, #tpu.memory_space<vmem>> -> memref<128x32xf32, #tpu.memory_space<vmem>>
      %dma_wait3A_416 = arith.constant 0 : i32
      %dma_wait3A_417 = tpu.memref_slice %arg12[%add3A_211, %dma_wait3A_416] : memref<53256x32xf32, #tpu.memory_space<vmem_shared>> -> memref<128x32xf32, #tpu.memory_space<vmem_shared>>
      %dma_wait3A_418 = arith.constant 0 : i32
      %dma_wait3A_419 = tpu.memref_slice %arg12[%add3A_211, %dma_wait3A_418] : memref<53256x32xf32, #tpu.memory_space<vmem_shared>> -> memref<128x32xf32, #tpu.memory_space<vmem_shared>>
      %dma_wait3A_420 = arith.constant 0 : i32
      %dma_wait3A_421 = arith.constant 0 : i32
      %dma_wait3A_422 = tpu.memref_slice %arg10[%dma_wait3A_420, %dma_wait3A_421] : memref<512x32xf32, #tpu.memory_space<vmem>> -> memref<128x32xf32, #tpu.memory_space<vmem>>
      tpu.wait_dma2 semaphore(%run_scoped3A : memref<!tpu.dma_semaphore, #tpu.memory_space<semaphore_mem>>) src(%dma_wait3A_422 : memref<128x32xf32, #tpu.memory_space<vmem>>) dst(%dma_wait3A_419 : memref<128x32xf32, #tpu.memory_space<vmem_shared>>)
      tpu.yield
    }) : () -> ()
    %add3A_212 = arith.constant 512 : i32
    %add3A_213 = arith.addi %mul3A_203, %add3A_212 : i32
    "tpu.region"() ({
      %run_scoped3A = tpu.sem_alloc : memref<!tpu.dma_semaphore, #tpu.memory_space<semaphore_mem>>
      %dma_start3A = arith.constant 0 : i32
      %dma_start3A_405 = arith.constant 0 : i32
      %dma_start3A_406 = tpu.memref_slice %arg10[%dma_start3A, %dma_start3A_405] : memref<512x32xf32, #tpu.memory_space<vmem>> -> memref<128x32xf32, #tpu.memory_space<vmem>>
      %dma_start3A_407 = arith.constant 0 : i32
      %dma_start3A_408 = tpu.memref_slice %arg12[%add3A_213, %dma_start3A_407] : memref<53256x32xf32, #tpu.memory_space<vmem_shared>> -> memref<128x32xf32, #tpu.memory_space<vmem_shared>>
      %dma_start3A_409 = arith.constant 0 : i32
      %dma_start3A_410 = tpu.memref_slice %arg12[%add3A_213, %dma_start3A_409] : memref<53256x32xf32, #tpu.memory_space<vmem_shared>> -> memref<128x32xf32, #tpu.memory_space<vmem_shared>>
      %dma_start3A_411 = arith.constant 0 : i32
      %dma_start3A_412 = arith.constant 0 : i32
      %dma_start3A_413 = tpu.memref_slice %arg10[%dma_start3A_411, %dma_start3A_412] : memref<512x32xf32, #tpu.memory_space<vmem>> -> memref<128x32xf32, #tpu.memory_space<vmem>>
      tpu.enqueue_dma source(%dma_start3A_413 : memref<128x32xf32, #tpu.memory_space<vmem>>) target(%dma_start3A_410 : memref<128x32xf32, #tpu.memory_space<vmem_shared>>) target_semaphore(%run_scoped3A : memref<!tpu.dma_semaphore, #tpu.memory_space<semaphore_mem>>)
      %dma_wait3A = arith.constant 0 : i32
      %dma_wait3A_414 = arith.constant 0 : i32
      %dma_wait3A_415 = tpu.memref_slice %arg10[%dma_wait3A, %dma_wait3A_414] : memref<512x32xf32, #tpu.memory_space<vmem>> -> memref<128x32xf32, #tpu.memory_space<vmem>>
      %dma_wait3A_416 = arith.constant 0 : i32
      %dma_wait3A_417 = tpu.memref_slice %arg12[%add3A_213, %dma_wait3A_416] : memref<53256x32xf32, #tpu.memory_space<vmem_shared>> -> memref<128x32xf32, #tpu.memory_space<vmem_shared>>
      %dma_wait3A_418 = arith.constant 0 : i32
      %dma_wait3A_419 = tpu.memref_slice %arg12[%add3A_213, %dma_wait3A_418] : memref<53256x32xf32, #tpu.memory_space<vmem_shared>> -> memref<128x32xf32, #tpu.memory_space<vmem_shared>>
      %dma_wait3A_420 = arith.constant 0 : i32
      %dma_wait3A_421 = arith.constant 0 : i32
      %dma_wait3A_422 = tpu.memref_slice %arg10[%dma_wait3A_420, %dma_wait3A_421] : memref<512x32xf32, #tpu.memory_space<vmem>> -> memref<128x32xf32, #tpu.memory_space<vmem>>
      tpu.wait_dma2 semaphore(%run_scoped3A : memref<!tpu.dma_semaphore, #tpu.memory_space<semaphore_mem>>) src(%dma_wait3A_422 : memref<128x32xf32, #tpu.memory_space<vmem>>) dst(%dma_wait3A_419 : memref<128x32xf32, #tpu.memory_space<vmem_shared>>)
      tpu.yield
    }) : () -> ()
    %add3A_214 = arith.constant 640 : i32
    %add3A_215 = arith.addi %mul3A_203, %add3A_214 : i32
    "tpu.region"() ({
      %run_scoped3A = tpu.sem_alloc : memref<!tpu.dma_semaphore, #tpu.memory_space<semaphore_mem>>
      %dma_start3A = arith.constant 0 : i32
      %dma_start3A_405 = arith.constant 0 : i32
      %dma_start3A_406 = tpu.memref_slice %arg10[%dma_start3A, %dma_start3A_405] : memref<512x32xf32, #tpu.memory_space<vmem>> -> memref<128x32xf32, #tpu.memory_space<vmem>>
      %dma_start3A_407 = arith.constant 0 : i32
      %dma_start3A_408 = tpu.memref_slice %arg12[%add3A_215, %dma_start3A_407] : memref<53256x32xf32, #tpu.memory_space<vmem_shared>> -> memref<128x32xf32, #tpu.memory_space<vmem_shared>>
      %dma_start3A_409 = arith.constant 0 : i32
      %dma_start3A_410 = tpu.memref_slice %arg12[%add3A_215, %dma_start3A_409] : memref<53256x32xf32, #tpu.memory_space<vmem_shared>> -> memref<128x32xf32, #tpu.memory_space<vmem_shared>>
      %dma_start3A_411 = arith.constant 0 : i32
      %dma_start3A_412 = arith.constant 0 : i32
      %dma_start3A_413 = tpu.memref_slice %arg10[%dma_start3A_411, %dma_start3A_412] : memref<512x32xf32, #tpu.memory_space<vmem>> -> memref<128x32xf32, #tpu.memory_space<vmem>>
      tpu.enqueue_dma source(%dma_start3A_413 : memref<128x32xf32, #tpu.memory_space<vmem>>) target(%dma_start3A_410 : memref<128x32xf32, #tpu.memory_space<vmem_shared>>) target_semaphore(%run_scoped3A : memref<!tpu.dma_semaphore, #tpu.memory_space<semaphore_mem>>)
      %dma_wait3A = arith.constant 0 : i32
      %dma_wait3A_414 = arith.constant 0 : i32
      %dma_wait3A_415 = tpu.memref_slice %arg10[%dma_wait3A, %dma_wait3A_414] : memref<512x32xf32, #tpu.memory_space<vmem>> -> memref<128x32xf32, #tpu.memory_space<vmem>>
      %dma_wait3A_416 = arith.constant 0 : i32
      %dma_wait3A_417 = tpu.memref_slice %arg12[%add3A_215, %dma_wait3A_416] : memref<53256x32xf32, #tpu.memory_space<vmem_shared>> -> memref<128x32xf32, #tpu.memory_space<vmem_shared>>
      %dma_wait3A_418 = arith.constant 0 : i32
      %dma_wait3A_419 = tpu.memref_slice %arg12[%add3A_215, %dma_wait3A_418] : memref<53256x32xf32, #tpu.memory_space<vmem_shared>> -> memref<128x32xf32, #tpu.memory_space<vmem_shared>>
      %dma_wait3A_420 = arith.constant 0 : i32
      %dma_wait3A_421 = arith.constant 0 : i32
      %dma_wait3A_422 = tpu.memref_slice %arg10[%dma_wait3A_420, %dma_wait3A_421] : memref<512x32xf32, #tpu.memory_space<vmem>> -> memref<128x32xf32, #tpu.memory_space<vmem>>
      tpu.wait_dma2 semaphore(%run_scoped3A : memref<!tpu.dma_semaphore, #tpu.memory_space<semaphore_mem>>) src(%dma_wait3A_422 : memref<128x32xf32, #tpu.memory_space<vmem>>) dst(%dma_wait3A_419 : memref<128x32xf32, #tpu.memory_space<vmem_shared>>)
      tpu.yield
    }) : () -> ()
    %add3A_216 = arith.constant 768 : i32
    %add3A_217 = arith.addi %mul3A_203, %add3A_216 : i32
    "tpu.region"() ({
      %run_scoped3A = tpu.sem_alloc : memref<!tpu.dma_semaphore, #tpu.memory_space<semaphore_mem>>
      %dma_start3A = arith.constant 0 : i32
      %dma_start3A_405 = arith.constant 0 : i32
      %dma_start3A_406 = tpu.memref_slice %arg10[%dma_start3A, %dma_start3A_405] : memref<512x32xf32, #tpu.memory_space<vmem>> -> memref<128x32xf32, #tpu.memory_space<vmem>>
      %dma_start3A_407 = arith.constant 0 : i32
      %dma_start3A_408 = tpu.memref_slice %arg12[%add3A_217, %dma_start3A_407] : memref<53256x32xf32, #tpu.memory_space<vmem_shared>> -> memref<128x32xf32, #tpu.memory_space<vmem_shared>>
      %dma_start3A_409 = arith.constant 0 : i32
      %dma_start3A_410 = tpu.memref_slice %arg12[%add3A_217, %dma_start3A_409] : memref<53256x32xf32, #tpu.memory_space<vmem_shared>> -> memref<128x32xf32, #tpu.memory_space<vmem_shared>>
      %dma_start3A_411 = arith.constant 0 : i32
      %dma_start3A_412 = arith.constant 0 : i32
      %dma_start3A_413 = tpu.memref_slice %arg10[%dma_start3A_411, %dma_start3A_412] : memref<512x32xf32, #tpu.memory_space<vmem>> -> memref<128x32xf32, #tpu.memory_space<vmem>>
      tpu.enqueue_dma source(%dma_start3A_413 : memref<128x32xf32, #tpu.memory_space<vmem>>) target(%dma_start3A_410 : memref<128x32xf32, #tpu.memory_space<vmem_shared>>) target_semaphore(%run_scoped3A : memref<!tpu.dma_semaphore, #tpu.memory_space<semaphore_mem>>)
      %dma_wait3A = arith.constant 0 : i32
      %dma_wait3A_414 = arith.constant 0 : i32
      %dma_wait3A_415 = tpu.memref_slice %arg10[%dma_wait3A, %dma_wait3A_414] : memref<512x32xf32, #tpu.memory_space<vmem>> -> memref<128x32xf32, #tpu.memory_space<vmem>>
      %dma_wait3A_416 = arith.constant 0 : i32
      %dma_wait3A_417 = tpu.memref_slice %arg12[%add3A_217, %dma_wait3A_416] : memref<53256x32xf32, #tpu.memory_space<vmem_shared>> -> memref<128x32xf32, #tpu.memory_space<vmem_shared>>
      %dma_wait3A_418 = arith.constant 0 : i32
      %dma_wait3A_419 = tpu.memref_slice %arg12[%add3A_217, %dma_wait3A_418] : memref<53256x32xf32, #tpu.memory_space<vmem_shared>> -> memref<128x32xf32, #tpu.memory_space<vmem_shared>>
      %dma_wait3A_420 = arith.constant 0 : i32
      %dma_wait3A_421 = arith.constant 0 : i32
      %dma_wait3A_422 = tpu.memref_slice %arg10[%dma_wait3A_420, %dma_wait3A_421] : memref<512x32xf32, #tpu.memory_space<vmem>> -> memref<128x32xf32, #tpu.memory_space<vmem>>
      tpu.wait_dma2 semaphore(%run_scoped3A : memref<!tpu.dma_semaphore, #tpu.memory_space<semaphore_mem>>) src(%dma_wait3A_422 : memref<128x32xf32, #tpu.memory_space<vmem>>) dst(%dma_wait3A_419 : memref<128x32xf32, #tpu.memory_space<vmem_shared>>)
      tpu.yield
    }) : () -> ()
    %add3A_218 = arith.constant 896 : i32
    %add3A_219 = arith.addi %mul3A_203, %add3A_218 : i32
    "tpu.region"() ({
      %run_scoped3A = tpu.sem_alloc : memref<!tpu.dma_semaphore, #tpu.memory_space<semaphore_mem>>
      %dma_start3A = arith.constant 0 : i32
      %dma_start3A_405 = arith.constant 0 : i32
      %dma_start3A_406 = tpu.memref_slice %arg10[%dma_start3A, %dma_start3A_405] : memref<512x32xf32, #tpu.memory_space<vmem>> -> memref<128x32xf32, #tpu.memory_space<vmem>>
      %dma_start3A_407 = arith.constant 0 : i32
      %dma_start3A_408 = tpu.memref_slice %arg12[%add3A_219, %dma_start3A_407] : memref<53256x32xf32, #tpu.memory_space<vmem_shared>> -> memref<128x32xf32, #tpu.memory_space<vmem_shared>>
      %dma_start3A_409 = arith.constant 0 : i32
      %dma_start3A_410 = tpu.memref_slice %arg12[%add3A_219, %dma_start3A_409] : memref<53256x32xf32, #tpu.memory_space<vmem_shared>> -> memref<128x32xf32, #tpu.memory_space<vmem_shared>>
      %dma_start3A_411 = arith.constant 0 : i32
      %dma_start3A_412 = arith.constant 0 : i32
      %dma_start3A_413 = tpu.memref_slice %arg10[%dma_start3A_411, %dma_start3A_412] : memref<512x32xf32, #tpu.memory_space<vmem>> -> memref<128x32xf32, #tpu.memory_space<vmem>>
      tpu.enqueue_dma source(%dma_start3A_413 : memref<128x32xf32, #tpu.memory_space<vmem>>) target(%dma_start3A_410 : memref<128x32xf32, #tpu.memory_space<vmem_shared>>) target_semaphore(%run_scoped3A : memref<!tpu.dma_semaphore, #tpu.memory_space<semaphore_mem>>)
      %dma_wait3A = arith.constant 0 : i32
      %dma_wait3A_414 = arith.constant 0 : i32
      %dma_wait3A_415 = tpu.memref_slice %arg10[%dma_wait3A, %dma_wait3A_414] : memref<512x32xf32, #tpu.memory_space<vmem>> -> memref<128x32xf32, #tpu.memory_space<vmem>>
      %dma_wait3A_416 = arith.constant 0 : i32
      %dma_wait3A_417 = tpu.memref_slice %arg12[%add3A_219, %dma_wait3A_416] : memref<53256x32xf32, #tpu.memory_space<vmem_shared>> -> memref<128x32xf32, #tpu.memory_space<vmem_shared>>
      %dma_wait3A_418 = arith.constant 0 : i32
      %dma_wait3A_419 = tpu.memref_slice %arg12[%add3A_219, %dma_wait3A_418] : memref<53256x32xf32, #tpu.memory_space<vmem_shared>> -> memref<128x32xf32, #tpu.memory_space<vmem_shared>>
      %dma_wait3A_420 = arith.constant 0 : i32
      %dma_wait3A_421 = arith.constant 0 : i32
      %dma_wait3A_422 = tpu.memref_slice %arg10[%dma_wait3A_420, %dma_wait3A_421] : memref<512x32xf32, #tpu.memory_space<vmem>> -> memref<128x32xf32, #tpu.memory_space<vmem>>
      tpu.wait_dma2 semaphore(%run_scoped3A : memref<!tpu.dma_semaphore, #tpu.memory_space<semaphore_mem>>) src(%dma_wait3A_422 : memref<128x32xf32, #tpu.memory_space<vmem>>) dst(%dma_wait3A_419 : memref<128x32xf32, #tpu.memory_space<vmem_shared>>)
      tpu.yield
    }) : () -> ()
    %add3A_220 = arith.constant 1024 : i32
    %add3A_221 = arith.addi %mul3A_203, %add3A_220 : i32
    "tpu.region"() ({
      %run_scoped3A = tpu.sem_alloc : memref<!tpu.dma_semaphore, #tpu.memory_space<semaphore_mem>>
      %dma_start3A = arith.constant 0 : i32
      %dma_start3A_405 = arith.constant 0 : i32
      %dma_start3A_406 = tpu.memref_slice %arg10[%dma_start3A, %dma_start3A_405] : memref<512x32xf32, #tpu.memory_space<vmem>> -> memref<128x32xf32, #tpu.memory_space<vmem>>
      %dma_start3A_407 = arith.constant 0 : i32
      %dma_start3A_408 = tpu.memref_slice %arg12[%add3A_221, %dma_start3A_407] : memref<53256x32xf32, #tpu.memory_space<vmem_shared>> -> memref<128x32xf32, #tpu.memory_space<vmem_shared>>
      %dma_start3A_409 = arith.constant 0 : i32
      %dma_start3A_410 = tpu.memref_slice %arg12[%add3A_221, %dma_start3A_409] : memref<53256x32xf32, #tpu.memory_space<vmem_shared>> -> memref<128x32xf32, #tpu.memory_space<vmem_shared>>
      %dma_start3A_411 = arith.constant 0 : i32
      %dma_start3A_412 = arith.constant 0 : i32
      %dma_start3A_413 = tpu.memref_slice %arg10[%dma_start3A_411, %dma_start3A_412] : memref<512x32xf32, #tpu.memory_space<vmem>> -> memref<128x32xf32, #tpu.memory_space<vmem>>
      tpu.enqueue_dma source(%dma_start3A_413 : memref<128x32xf32, #tpu.memory_space<vmem>>) target(%dma_start3A_410 : memref<128x32xf32, #tpu.memory_space<vmem_shared>>) target_semaphore(%run_scoped3A : memref<!tpu.dma_semaphore, #tpu.memory_space<semaphore_mem>>)
      %dma_wait3A = arith.constant 0 : i32
      %dma_wait3A_414 = arith.constant 0 : i32
      %dma_wait3A_415 = tpu.memref_slice %arg10[%dma_wait3A, %dma_wait3A_414] : memref<512x32xf32, #tpu.memory_space<vmem>> -> memref<128x32xf32, #tpu.memory_space<vmem>>
      %dma_wait3A_416 = arith.constant 0 : i32
      %dma_wait3A_417 = tpu.memref_slice %arg12[%add3A_221, %dma_wait3A_416] : memref<53256x32xf32, #tpu.memory_space<vmem_shared>> -> memref<128x32xf32, #tpu.memory_space<vmem_shared>>
      %dma_wait3A_418 = arith.constant 0 : i32
      %dma_wait3A_419 = tpu.memref_slice %arg12[%add3A_221, %dma_wait3A_418] : memref<53256x32xf32, #tpu.memory_space<vmem_shared>> -> memref<128x32xf32, #tpu.memory_space<vmem_shared>>
      %dma_wait3A_420 = arith.constant 0 : i32
      %dma_wait3A_421 = arith.constant 0 : i32
      %dma_wait3A_422 = tpu.memref_slice %arg10[%dma_wait3A_420, %dma_wait3A_421] : memref<512x32xf32, #tpu.memory_space<vmem>> -> memref<128x32xf32, #tpu.memory_space<vmem>>
      tpu.wait_dma2 semaphore(%run_scoped3A : memref<!tpu.dma_semaphore, #tpu.memory_space<semaphore_mem>>) src(%dma_wait3A_422 : memref<128x32xf32, #tpu.memory_space<vmem>>) dst(%dma_wait3A_419 : memref<128x32xf32, #tpu.memory_space<vmem_shared>>)
      tpu.yield
    }) : () -> ()
    %add3A_222 = arith.constant 1152 : i32
    %add3A_223 = arith.addi %mul3A_203, %add3A_222 : i32
    "tpu.region"() ({
      %run_scoped3A = tpu.sem_alloc : memref<!tpu.dma_semaphore, #tpu.memory_space<semaphore_mem>>
      %dma_start3A = arith.constant 0 : i32
      %dma_start3A_405 = arith.constant 0 : i32
      %dma_start3A_406 = tpu.memref_slice %arg10[%dma_start3A, %dma_start3A_405] : memref<512x32xf32, #tpu.memory_space<vmem>> -> memref<128x32xf32, #tpu.memory_space<vmem>>
      %dma_start3A_407 = arith.constant 0 : i32
      %dma_start3A_408 = tpu.memref_slice %arg12[%add3A_223, %dma_start3A_407] : memref<53256x32xf32, #tpu.memory_space<vmem_shared>> -> memref<128x32xf32, #tpu.memory_space<vmem_shared>>
      %dma_start3A_409 = arith.constant 0 : i32
      %dma_start3A_410 = tpu.memref_slice %arg12[%add3A_223, %dma_start3A_409] : memref<53256x32xf32, #tpu.memory_space<vmem_shared>> -> memref<128x32xf32, #tpu.memory_space<vmem_shared>>
      %dma_start3A_411 = arith.constant 0 : i32
      %dma_start3A_412 = arith.constant 0 : i32
      %dma_start3A_413 = tpu.memref_slice %arg10[%dma_start3A_411, %dma_start3A_412] : memref<512x32xf32, #tpu.memory_space<vmem>> -> memref<128x32xf32, #tpu.memory_space<vmem>>
      tpu.enqueue_dma source(%dma_start3A_413 : memref<128x32xf32, #tpu.memory_space<vmem>>) target(%dma_start3A_410 : memref<128x32xf32, #tpu.memory_space<vmem_shared>>) target_semaphore(%run_scoped3A : memref<!tpu.dma_semaphore, #tpu.memory_space<semaphore_mem>>)
      %dma_wait3A = arith.constant 0 : i32
      %dma_wait3A_414 = arith.constant 0 : i32
      %dma_wait3A_415 = tpu.memref_slice %arg10[%dma_wait3A, %dma_wait3A_414] : memref<512x32xf32, #tpu.memory_space<vmem>> -> memref<128x32xf32, #tpu.memory_space<vmem>>
      %dma_wait3A_416 = arith.constant 0 : i32
      %dma_wait3A_417 = tpu.memref_slice %arg12[%add3A_223, %dma_wait3A_416] : memref<53256x32xf32, #tpu.memory_space<vmem_shared>> -> memref<128x32xf32, #tpu.memory_space<vmem_shared>>
      %dma_wait3A_418 = arith.constant 0 : i32
      %dma_wait3A_419 = tpu.memref_slice %arg12[%add3A_223, %dma_wait3A_418] : memref<53256x32xf32, #tpu.memory_space<vmem_shared>> -> memref<128x32xf32, #tpu.memory_space<vmem_shared>>
      %dma_wait3A_420 = arith.constant 0 : i32
      %dma_wait3A_421 = arith.constant 0 : i32
      %dma_wait3A_422 = tpu.memref_slice %arg10[%dma_wait3A_420, %dma_wait3A_421] : memref<512x32xf32, #tpu.memory_space<vmem>> -> memref<128x32xf32, #tpu.memory_space<vmem>>
      tpu.wait_dma2 semaphore(%run_scoped3A : memref<!tpu.dma_semaphore, #tpu.memory_space<semaphore_mem>>) src(%dma_wait3A_422 : memref<128x32xf32, #tpu.memory_space<vmem>>) dst(%dma_wait3A_419 : memref<128x32xf32, #tpu.memory_space<vmem_shared>>)
      tpu.yield
    }) : () -> ()
    %add3A_224 = arith.constant 1280 : i32
    %add3A_225 = arith.addi %mul3A_203, %add3A_224 : i32
    "tpu.region"() ({
      %run_scoped3A = tpu.sem_alloc : memref<!tpu.dma_semaphore, #tpu.memory_space<semaphore_mem>>
      %dma_start3A = arith.constant 0 : i32
      %dma_start3A_405 = arith.constant 0 : i32
      %dma_start3A_406 = tpu.memref_slice %arg10[%dma_start3A, %dma_start3A_405] : memref<512x32xf32, #tpu.memory_space<vmem>> -> memref<128x32xf32, #tpu.memory_space<vmem>>
      %dma_start3A_407 = arith.constant 0 : i32
      %dma_start3A_408 = tpu.memref_slice %arg12[%add3A_225, %dma_start3A_407] : memref<53256x32xf32, #tpu.memory_space<vmem_shared>> -> memref<128x32xf32, #tpu.memory_space<vmem_shared>>
      %dma_start3A_409 = arith.constant 0 : i32
      %dma_start3A_410 = tpu.memref_slice %arg12[%add3A_225, %dma_start3A_409] : memref<53256x32xf32, #tpu.memory_space<vmem_shared>> -> memref<128x32xf32, #tpu.memory_space<vmem_shared>>
      %dma_start3A_411 = arith.constant 0 : i32
      %dma_start3A_412 = arith.constant 0 : i32
      %dma_start3A_413 = tpu.memref_slice %arg10[%dma_start3A_411, %dma_start3A_412] : memref<512x32xf32, #tpu.memory_space<vmem>> -> memref<128x32xf32, #tpu.memory_space<vmem>>
      tpu.enqueue_dma source(%dma_start3A_413 : memref<128x32xf32, #tpu.memory_space<vmem>>) target(%dma_start3A_410 : memref<128x32xf32, #tpu.memory_space<vmem_shared>>) target_semaphore(%run_scoped3A : memref<!tpu.dma_semaphore, #tpu.memory_space<semaphore_mem>>)
      %dma_wait3A = arith.constant 0 : i32
      %dma_wait3A_414 = arith.constant 0 : i32
      %dma_wait3A_415 = tpu.memref_slice %arg10[%dma_wait3A, %dma_wait3A_414] : memref<512x32xf32, #tpu.memory_space<vmem>> -> memref<128x32xf32, #tpu.memory_space<vmem>>
      %dma_wait3A_416 = arith.constant 0 : i32
      %dma_wait3A_417 = tpu.memref_slice %arg12[%add3A_225, %dma_wait3A_416] : memref<53256x32xf32, #tpu.memory_space<vmem_shared>> -> memref<128x32xf32, #tpu.memory_space<vmem_shared>>
      %dma_wait3A_418 = arith.constant 0 : i32
      %dma_wait3A_419 = tpu.memref_slice %arg12[%add3A_225, %dma_wait3A_418] : memref<53256x32xf32, #tpu.memory_space<vmem_shared>> -> memref<128x32xf32, #tpu.memory_space<vmem_shared>>
      %dma_wait3A_420 = arith.constant 0 : i32
      %dma_wait3A_421 = arith.constant 0 : i32
      %dma_wait3A_422 = tpu.memref_slice %arg10[%dma_wait3A_420, %dma_wait3A_421] : memref<512x32xf32, #tpu.memory_space<vmem>> -> memref<128x32xf32, #tpu.memory_space<vmem>>
      tpu.wait_dma2 semaphore(%run_scoped3A : memref<!tpu.dma_semaphore, #tpu.memory_space<semaphore_mem>>) src(%dma_wait3A_422 : memref<128x32xf32, #tpu.memory_space<vmem>>) dst(%dma_wait3A_419 : memref<128x32xf32, #tpu.memory_space<vmem_shared>>)
      tpu.yield
    }) : () -> ()
    %add3A_226 = arith.constant 1408 : i32
    %add3A_227 = arith.addi %mul3A_203, %add3A_226 : i32
    "tpu.region"() ({
      %run_scoped3A = tpu.sem_alloc : memref<!tpu.dma_semaphore, #tpu.memory_space<semaphore_mem>>
      %dma_start3A = arith.constant 0 : i32
      %dma_start3A_405 = arith.constant 0 : i32
      %dma_start3A_406 = tpu.memref_slice %arg10[%dma_start3A, %dma_start3A_405] : memref<512x32xf32, #tpu.memory_space<vmem>> -> memref<128x32xf32, #tpu.memory_space<vmem>>
      %dma_start3A_407 = arith.constant 0 : i32
      %dma_start3A_408 = tpu.memref_slice %arg12[%add3A_227, %dma_start3A_407] : memref<53256x32xf32, #tpu.memory_space<vmem_shared>> -> memref<128x32xf32, #tpu.memory_space<vmem_shared>>
      %dma_start3A_409 = arith.constant 0 : i32
      %dma_start3A_410 = tpu.memref_slice %arg12[%add3A_227, %dma_start3A_409] : memref<53256x32xf32, #tpu.memory_space<vmem_shared>> -> memref<128x32xf32, #tpu.memory_space<vmem_shared>>
      %dma_start3A_411 = arith.constant 0 : i32
      %dma_start3A_412 = arith.constant 0 : i32
      %dma_start3A_413 = tpu.memref_slice %arg10[%dma_start3A_411, %dma_start3A_412] : memref<512x32xf32, #tpu.memory_space<vmem>> -> memref<128x32xf32, #tpu.memory_space<vmem>>
      tpu.enqueue_dma source(%dma_start3A_413 : memref<128x32xf32, #tpu.memory_space<vmem>>) target(%dma_start3A_410 : memref<128x32xf32, #tpu.memory_space<vmem_shared>>) target_semaphore(%run_scoped3A : memref<!tpu.dma_semaphore, #tpu.memory_space<semaphore_mem>>)
      %dma_wait3A = arith.constant 0 : i32
      %dma_wait3A_414 = arith.constant 0 : i32
      %dma_wait3A_415 = tpu.memref_slice %arg10[%dma_wait3A, %dma_wait3A_414] : memref<512x32xf32, #tpu.memory_space<vmem>> -> memref<128x32xf32, #tpu.memory_space<vmem>>
      %dma_wait3A_416 = arith.constant 0 : i32
      %dma_wait3A_417 = tpu.memref_slice %arg12[%add3A_227, %dma_wait3A_416] : memref<53256x32xf32, #tpu.memory_space<vmem_shared>> -> memref<128x32xf32, #tpu.memory_space<vmem_shared>>
      %dma_wait3A_418 = arith.constant 0 : i32
      %dma_wait3A_419 = tpu.memref_slice %arg12[%add3A_227, %dma_wait3A_418] : memref<53256x32xf32, #tpu.memory_space<vmem_shared>> -> memref<128x32xf32, #tpu.memory_space<vmem_shared>>
      %dma_wait3A_420 = arith.constant 0 : i32
      %dma_wait3A_421 = arith.constant 0 : i32
      %dma_wait3A_422 = tpu.memref_slice %arg10[%dma_wait3A_420, %dma_wait3A_421] : memref<512x32xf32, #tpu.memory_space<vmem>> -> memref<128x32xf32, #tpu.memory_space<vmem>>
      tpu.wait_dma2 semaphore(%run_scoped3A : memref<!tpu.dma_semaphore, #tpu.memory_space<semaphore_mem>>) src(%dma_wait3A_422 : memref<128x32xf32, #tpu.memory_space<vmem>>) dst(%dma_wait3A_419 : memref<128x32xf32, #tpu.memory_space<vmem_shared>>)
      tpu.yield
    }) : () -> ()
    %add3A_228 = arith.constant 1536 : i32
    %add3A_229 = arith.addi %mul3A_203, %add3A_228 : i32
    "tpu.region"() ({
      %run_scoped3A = tpu.sem_alloc : memref<!tpu.dma_semaphore, #tpu.memory_space<semaphore_mem>>
      %dma_start3A = arith.constant 0 : i32
      %dma_start3A_405 = arith.constant 0 : i32
      %dma_start3A_406 = tpu.memref_slice %arg10[%dma_start3A, %dma_start3A_405] : memref<512x32xf32, #tpu.memory_space<vmem>> -> memref<128x32xf32, #tpu.memory_space<vmem>>
      %dma_start3A_407 = arith.constant 0 : i32
      %dma_start3A_408 = tpu.memref_slice %arg12[%add3A_229, %dma_start3A_407] : memref<53256x32xf32, #tpu.memory_space<vmem_shared>> -> memref<128x32xf32, #tpu.memory_space<vmem_shared>>
      %dma_start3A_409 = arith.constant 0 : i32
      %dma_start3A_410 = tpu.memref_slice %arg12[%add3A_229, %dma_start3A_409] : memref<53256x32xf32, #tpu.memory_space<vmem_shared>> -> memref<128x32xf32, #tpu.memory_space<vmem_shared>>
      %dma_start3A_411 = arith.constant 0 : i32
      %dma_start3A_412 = arith.constant 0 : i32
      %dma_start3A_413 = tpu.memref_slice %arg10[%dma_start3A_411, %dma_start3A_412] : memref<512x32xf32, #tpu.memory_space<vmem>> -> memref<128x32xf32, #tpu.memory_space<vmem>>
      tpu.enqueue_dma source(%dma_start3A_413 : memref<128x32xf32, #tpu.memory_space<vmem>>) target(%dma_start3A_410 : memref<128x32xf32, #tpu.memory_space<vmem_shared>>) target_semaphore(%run_scoped3A : memref<!tpu.dma_semaphore, #tpu.memory_space<semaphore_mem>>)
      %dma_wait3A = arith.constant 0 : i32
      %dma_wait3A_414 = arith.constant 0 : i32
      %dma_wait3A_415 = tpu.memref_slice %arg10[%dma_wait3A, %dma_wait3A_414] : memref<512x32xf32, #tpu.memory_space<vmem>> -> memref<128x32xf32, #tpu.memory_space<vmem>>
      %dma_wait3A_416 = arith.constant 0 : i32
      %dma_wait3A_417 = tpu.memref_slice %arg12[%add3A_229, %dma_wait3A_416] : memref<53256x32xf32, #tpu.memory_space<vmem_shared>> -> memref<128x32xf32, #tpu.memory_space<vmem_shared>>
      %dma_wait3A_418 = arith.constant 0 : i32
      %dma_wait3A_419 = tpu.memref_slice %arg12[%add3A_229, %dma_wait3A_418] : memref<53256x32xf32, #tpu.memory_space<vmem_shared>> -> memref<128x32xf32, #tpu.memory_space<vmem_shared>>
      %dma_wait3A_420 = arith.constant 0 : i32
      %dma_wait3A_421 = arith.constant 0 : i32
      %dma_wait3A_422 = tpu.memref_slice %arg10[%dma_wait3A_420, %dma_wait3A_421] : memref<512x32xf32, #tpu.memory_space<vmem>> -> memref<128x32xf32, #tpu.memory_space<vmem>>
      tpu.wait_dma2 semaphore(%run_scoped3A : memref<!tpu.dma_semaphore, #tpu.memory_space<semaphore_mem>>) src(%dma_wait3A_422 : memref<128x32xf32, #tpu.memory_space<vmem>>) dst(%dma_wait3A_419 : memref<128x32xf32, #tpu.memory_space<vmem_shared>>)
      tpu.yield
    }) : () -> ()
    %add3A_230 = arith.constant 1664 : i32
    %add3A_231 = arith.addi %mul3A_203, %add3A_230 : i32
    "tpu.region"() ({
      %run_scoped3A = tpu.sem_alloc : memref<!tpu.dma_semaphore, #tpu.memory_space<semaphore_mem>>
      %dma_start3A = arith.constant 0 : i32
      %dma_start3A_405 = arith.constant 0 : i32
      %dma_start3A_406 = tpu.memref_slice %arg10[%dma_start3A, %dma_start3A_405] : memref<512x32xf32, #tpu.memory_space<vmem>> -> memref<128x32xf32, #tpu.memory_space<vmem>>
      %dma_start3A_407 = arith.constant 0 : i32
      %dma_start3A_408 = tpu.memref_slice %arg12[%add3A_231, %dma_start3A_407] : memref<53256x32xf32, #tpu.memory_space<vmem_shared>> -> memref<128x32xf32, #tpu.memory_space<vmem_shared>>
      %dma_start3A_409 = arith.constant 0 : i32
      %dma_start3A_410 = tpu.memref_slice %arg12[%add3A_231, %dma_start3A_409] : memref<53256x32xf32, #tpu.memory_space<vmem_shared>> -> memref<128x32xf32, #tpu.memory_space<vmem_shared>>
      %dma_start3A_411 = arith.constant 0 : i32
      %dma_start3A_412 = arith.constant 0 : i32
      %dma_start3A_413 = tpu.memref_slice %arg10[%dma_start3A_411, %dma_start3A_412] : memref<512x32xf32, #tpu.memory_space<vmem>> -> memref<128x32xf32, #tpu.memory_space<vmem>>
      tpu.enqueue_dma source(%dma_start3A_413 : memref<128x32xf32, #tpu.memory_space<vmem>>) target(%dma_start3A_410 : memref<128x32xf32, #tpu.memory_space<vmem_shared>>) target_semaphore(%run_scoped3A : memref<!tpu.dma_semaphore, #tpu.memory_space<semaphore_mem>>)
      %dma_wait3A = arith.constant 0 : i32
      %dma_wait3A_414 = arith.constant 0 : i32
      %dma_wait3A_415 = tpu.memref_slice %arg10[%dma_wait3A, %dma_wait3A_414] : memref<512x32xf32, #tpu.memory_space<vmem>> -> memref<128x32xf32, #tpu.memory_space<vmem>>
      %dma_wait3A_416 = arith.constant 0 : i32
      %dma_wait3A_417 = tpu.memref_slice %arg12[%add3A_231, %dma_wait3A_416] : memref<53256x32xf32, #tpu.memory_space<vmem_shared>> -> memref<128x32xf32, #tpu.memory_space<vmem_shared>>
      %dma_wait3A_418 = arith.constant 0 : i32
      %dma_wait3A_419 = tpu.memref_slice %arg12[%add3A_231, %dma_wait3A_418] : memref<53256x32xf32, #tpu.memory_space<vmem_shared>> -> memref<128x32xf32, #tpu.memory_space<vmem_shared>>
      %dma_wait3A_420 = arith.constant 0 : i32
      %dma_wait3A_421 = arith.constant 0 : i32
      %dma_wait3A_422 = tpu.memref_slice %arg10[%dma_wait3A_420, %dma_wait3A_421] : memref<512x32xf32, #tpu.memory_space<vmem>> -> memref<128x32xf32, #tpu.memory_space<vmem>>
      tpu.wait_dma2 semaphore(%run_scoped3A : memref<!tpu.dma_semaphore, #tpu.memory_space<semaphore_mem>>) src(%dma_wait3A_422 : memref<128x32xf32, #tpu.memory_space<vmem>>) dst(%dma_wait3A_419 : memref<128x32xf32, #tpu.memory_space<vmem_shared>>)
      tpu.yield
    }) : () -> ()
    %add3A_232 = arith.constant 1792 : i32
    %add3A_233 = arith.addi %mul3A_203, %add3A_232 : i32
    "tpu.region"() ({
      %run_scoped3A = tpu.sem_alloc : memref<!tpu.dma_semaphore, #tpu.memory_space<semaphore_mem>>
      %dma_start3A = arith.constant 0 : i32
      %dma_start3A_405 = arith.constant 0 : i32
      %dma_start3A_406 = tpu.memref_slice %arg10[%dma_start3A, %dma_start3A_405] : memref<512x32xf32, #tpu.memory_space<vmem>> -> memref<128x32xf32, #tpu.memory_space<vmem>>
      %dma_start3A_407 = arith.constant 0 : i32
      %dma_start3A_408 = tpu.memref_slice %arg12[%add3A_233, %dma_start3A_407] : memref<53256x32xf32, #tpu.memory_space<vmem_shared>> -> memref<128x32xf32, #tpu.memory_space<vmem_shared>>
      %dma_start3A_409 = arith.constant 0 : i32
      %dma_start3A_410 = tpu.memref_slice %arg12[%add3A_233, %dma_start3A_409] : memref<53256x32xf32, #tpu.memory_space<vmem_shared>> -> memref<128x32xf32, #tpu.memory_space<vmem_shared>>
      %dma_start3A_411 = arith.constant 0 : i32
      %dma_start3A_412 = arith.constant 0 : i32
      %dma_start3A_413 = tpu.memref_slice %arg10[%dma_start3A_411, %dma_start3A_412] : memref<512x32xf32, #tpu.memory_space<vmem>> -> memref<128x32xf32, #tpu.memory_space<vmem>>
      tpu.enqueue_dma source(%dma_start3A_413 : memref<128x32xf32, #tpu.memory_space<vmem>>) target(%dma_start3A_410 : memref<128x32xf32, #tpu.memory_space<vmem_shared>>) target_semaphore(%run_scoped3A : memref<!tpu.dma_semaphore, #tpu.memory_space<semaphore_mem>>)
      %dma_wait3A = arith.constant 0 : i32
      %dma_wait3A_414 = arith.constant 0 : i32
      %dma_wait3A_415 = tpu.memref_slice %arg10[%dma_wait3A, %dma_wait3A_414] : memref<512x32xf32, #tpu.memory_space<vmem>> -> memref<128x32xf32, #tpu.memory_space<vmem>>
      %dma_wait3A_416 = arith.constant 0 : i32
      %dma_wait3A_417 = tpu.memref_slice %arg12[%add3A_233, %dma_wait3A_416] : memref<53256x32xf32, #tpu.memory_space<vmem_shared>> -> memref<128x32xf32, #tpu.memory_space<vmem_shared>>
      %dma_wait3A_418 = arith.constant 0 : i32
      %dma_wait3A_419 = tpu.memref_slice %arg12[%add3A_233, %dma_wait3A_418] : memref<53256x32xf32, #tpu.memory_space<vmem_shared>> -> memref<128x32xf32, #tpu.memory_space<vmem_shared>>
      %dma_wait3A_420 = arith.constant 0 : i32
      %dma_wait3A_421 = arith.constant 0 : i32
      %dma_wait3A_422 = tpu.memref_slice %arg10[%dma_wait3A_420, %dma_wait3A_421] : memref<512x32xf32, #tpu.memory_space<vmem>> -> memref<128x32xf32, #tpu.memory_space<vmem>>
      tpu.wait_dma2 semaphore(%run_scoped3A : memref<!tpu.dma_semaphore, #tpu.memory_space<semaphore_mem>>) src(%dma_wait3A_422 : memref<128x32xf32, #tpu.memory_space<vmem>>) dst(%dma_wait3A_419 : memref<128x32xf32, #tpu.memory_space<vmem_shared>>)
      tpu.yield
    }) : () -> ()
    %add3A_234 = arith.constant 1920 : i32
    %add3A_235 = arith.addi %mul3A_203, %add3A_234 : i32
    "tpu.region"() ({
      %run_scoped3A = tpu.sem_alloc : memref<!tpu.dma_semaphore, #tpu.memory_space<semaphore_mem>>
      %dma_start3A = arith.constant 0 : i32
      %dma_start3A_405 = arith.constant 0 : i32
      %dma_start3A_406 = tpu.memref_slice %arg10[%dma_start3A, %dma_start3A_405] : memref<512x32xf32, #tpu.memory_space<vmem>> -> memref<128x32xf32, #tpu.memory_space<vmem>>
      %dma_start3A_407 = arith.constant 0 : i32
      %dma_start3A_408 = tpu.memref_slice %arg12[%add3A_235, %dma_start3A_407] : memref<53256x32xf32, #tpu.memory_space<vmem_shared>> -> memref<128x32xf32, #tpu.memory_space<vmem_shared>>
      %dma_start3A_409 = arith.constant 0 : i32
      %dma_start3A_410 = tpu.memref_slice %arg12[%add3A_235, %dma_start3A_409] : memref<53256x32xf32, #tpu.memory_space<vmem_shared>> -> memref<128x32xf32, #tpu.memory_space<vmem_shared>>
      %dma_start3A_411 = arith.constant 0 : i32
      %dma_start3A_412 = arith.constant 0 : i32
      %dma_start3A_413 = tpu.memref_slice %arg10[%dma_start3A_411, %dma_start3A_412] : memref<512x32xf32, #tpu.memory_space<vmem>> -> memref<128x32xf32, #tpu.memory_space<vmem>>
      tpu.enqueue_dma source(%dma_start3A_413 : memref<128x32xf32, #tpu.memory_space<vmem>>) target(%dma_start3A_410 : memref<128x32xf32, #tpu.memory_space<vmem_shared>>) target_semaphore(%run_scoped3A : memref<!tpu.dma_semaphore, #tpu.memory_space<semaphore_mem>>)
      %dma_wait3A = arith.constant 0 : i32
      %dma_wait3A_414 = arith.constant 0 : i32
      %dma_wait3A_415 = tpu.memref_slice %arg10[%dma_wait3A, %dma_wait3A_414] : memref<512x32xf32, #tpu.memory_space<vmem>> -> memref<128x32xf32, #tpu.memory_space<vmem>>
      %dma_wait3A_416 = arith.constant 0 : i32
      %dma_wait3A_417 = tpu.memref_slice %arg12[%add3A_235, %dma_wait3A_416] : memref<53256x32xf32, #tpu.memory_space<vmem_shared>> -> memref<128x32xf32, #tpu.memory_space<vmem_shared>>
      %dma_wait3A_418 = arith.constant 0 : i32
      %dma_wait3A_419 = tpu.memref_slice %arg12[%add3A_235, %dma_wait3A_418] : memref<53256x32xf32, #tpu.memory_space<vmem_shared>> -> memref<128x32xf32, #tpu.memory_space<vmem_shared>>
      %dma_wait3A_420 = arith.constant 0 : i32
      %dma_wait3A_421 = arith.constant 0 : i32
      %dma_wait3A_422 = tpu.memref_slice %arg10[%dma_wait3A_420, %dma_wait3A_421] : memref<512x32xf32, #tpu.memory_space<vmem>> -> memref<128x32xf32, #tpu.memory_space<vmem>>
      tpu.wait_dma2 semaphore(%run_scoped3A : memref<!tpu.dma_semaphore, #tpu.memory_space<semaphore_mem>>) src(%dma_wait3A_422 : memref<128x32xf32, #tpu.memory_space<vmem>>) dst(%dma_wait3A_419 : memref<128x32xf32, #tpu.memory_space<vmem_shared>>)
      tpu.yield
    }) : () -> ()
    %add3A_236 = arith.constant 2048 : i32
    %add3A_237 = arith.addi %mul3A_203, %add3A_236 : i32
    "tpu.region"() ({
      %run_scoped3A = tpu.sem_alloc : memref<!tpu.dma_semaphore, #tpu.memory_space<semaphore_mem>>
      %dma_start3A = arith.constant 0 : i32
      %dma_start3A_405 = arith.constant 0 : i32
      %dma_start3A_406 = tpu.memref_slice %arg10[%dma_start3A, %dma_start3A_405] : memref<512x32xf32, #tpu.memory_space<vmem>> -> memref<128x32xf32, #tpu.memory_space<vmem>>
      %dma_start3A_407 = arith.constant 0 : i32
      %dma_start3A_408 = tpu.memref_slice %arg12[%add3A_237, %dma_start3A_407] : memref<53256x32xf32, #tpu.memory_space<vmem_shared>> -> memref<128x32xf32, #tpu.memory_space<vmem_shared>>
      %dma_start3A_409 = arith.constant 0 : i32
      %dma_start3A_410 = tpu.memref_slice %arg12[%add3A_237, %dma_start3A_409] : memref<53256x32xf32, #tpu.memory_space<vmem_shared>> -> memref<128x32xf32, #tpu.memory_space<vmem_shared>>
      %dma_start3A_411 = arith.constant 0 : i32
      %dma_start3A_412 = arith.constant 0 : i32
      %dma_start3A_413 = tpu.memref_slice %arg10[%dma_start3A_411, %dma_start3A_412] : memref<512x32xf32, #tpu.memory_space<vmem>> -> memref<128x32xf32, #tpu.memory_space<vmem>>
      tpu.enqueue_dma source(%dma_start3A_413 : memref<128x32xf32, #tpu.memory_space<vmem>>) target(%dma_start3A_410 : memref<128x32xf32, #tpu.memory_space<vmem_shared>>) target_semaphore(%run_scoped3A : memref<!tpu.dma_semaphore, #tpu.memory_space<semaphore_mem>>)
      %dma_wait3A = arith.constant 0 : i32
      %dma_wait3A_414 = arith.constant 0 : i32
      %dma_wait3A_415 = tpu.memref_slice %arg10[%dma_wait3A, %dma_wait3A_414] : memref<512x32xf32, #tpu.memory_space<vmem>> -> memref<128x32xf32, #tpu.memory_space<vmem>>
      %dma_wait3A_416 = arith.constant 0 : i32
      %dma_wait3A_417 = tpu.memref_slice %arg12[%add3A_237, %dma_wait3A_416] : memref<53256x32xf32, #tpu.memory_space<vmem_shared>> -> memref<128x32xf32, #tpu.memory_space<vmem_shared>>
      %dma_wait3A_418 = arith.constant 0 : i32
      %dma_wait3A_419 = tpu.memref_slice %arg12[%add3A_237, %dma_wait3A_418] : memref<53256x32xf32, #tpu.memory_space<vmem_shared>> -> memref<128x32xf32, #tpu.memory_space<vmem_shared>>
      %dma_wait3A_420 = arith.constant 0 : i32
      %dma_wait3A_421 = arith.constant 0 : i32
      %dma_wait3A_422 = tpu.memref_slice %arg10[%dma_wait3A_420, %dma_wait3A_421] : memref<512x32xf32, #tpu.memory_space<vmem>> -> memref<128x32xf32, #tpu.memory_space<vmem>>
      tpu.wait_dma2 semaphore(%run_scoped3A : memref<!tpu.dma_semaphore, #tpu.memory_space<semaphore_mem>>) src(%dma_wait3A_422 : memref<128x32xf32, #tpu.memory_space<vmem>>) dst(%dma_wait3A_419 : memref<128x32xf32, #tpu.memory_space<vmem_shared>>)
      tpu.yield
    }) : () -> ()
    %add3A_238 = arith.constant 2176 : i32
    %add3A_239 = arith.addi %mul3A_203, %add3A_238 : i32
    "tpu.region"() ({
      %run_scoped3A = tpu.sem_alloc : memref<!tpu.dma_semaphore, #tpu.memory_space<semaphore_mem>>
      %dma_start3A = arith.constant 0 : i32
      %dma_start3A_405 = arith.constant 0 : i32
      %dma_start3A_406 = tpu.memref_slice %arg10[%dma_start3A, %dma_start3A_405] : memref<512x32xf32, #tpu.memory_space<vmem>> -> memref<128x32xf32, #tpu.memory_space<vmem>>
      %dma_start3A_407 = arith.constant 0 : i32
      %dma_start3A_408 = tpu.memref_slice %arg12[%add3A_239, %dma_start3A_407] : memref<53256x32xf32, #tpu.memory_space<vmem_shared>> -> memref<128x32xf32, #tpu.memory_space<vmem_shared>>
      %dma_start3A_409 = arith.constant 0 : i32
      %dma_start3A_410 = tpu.memref_slice %arg12[%add3A_239, %dma_start3A_409] : memref<53256x32xf32, #tpu.memory_space<vmem_shared>> -> memref<128x32xf32, #tpu.memory_space<vmem_shared>>
      %dma_start3A_411 = arith.constant 0 : i32
      %dma_start3A_412 = arith.constant 0 : i32
      %dma_start3A_413 = tpu.memref_slice %arg10[%dma_start3A_411, %dma_start3A_412] : memref<512x32xf32, #tpu.memory_space<vmem>> -> memref<128x32xf32, #tpu.memory_space<vmem>>
      tpu.enqueue_dma source(%dma_start3A_413 : memref<128x32xf32, #tpu.memory_space<vmem>>) target(%dma_start3A_410 : memref<128x32xf32, #tpu.memory_space<vmem_shared>>) target_semaphore(%run_scoped3A : memref<!tpu.dma_semaphore, #tpu.memory_space<semaphore_mem>>)
      %dma_wait3A = arith.constant 0 : i32
      %dma_wait3A_414 = arith.constant 0 : i32
      %dma_wait3A_415 = tpu.memref_slice %arg10[%dma_wait3A, %dma_wait3A_414] : memref<512x32xf32, #tpu.memory_space<vmem>> -> memref<128x32xf32, #tpu.memory_space<vmem>>
      %dma_wait3A_416 = arith.constant 0 : i32
      %dma_wait3A_417 = tpu.memref_slice %arg12[%add3A_239, %dma_wait3A_416] : memref<53256x32xf32, #tpu.memory_space<vmem_shared>> -> memref<128x32xf32, #tpu.memory_space<vmem_shared>>
      %dma_wait3A_418 = arith.constant 0 : i32
      %dma_wait3A_419 = tpu.memref_slice %arg12[%add3A_239, %dma_wait3A_418] : memref<53256x32xf32, #tpu.memory_space<vmem_shared>> -> memref<128x32xf32, #tpu.memory_space<vmem_shared>>
      %dma_wait3A_420 = arith.constant 0 : i32
      %dma_wait3A_421 = arith.constant 0 : i32
      %dma_wait3A_422 = tpu.memref_slice %arg10[%dma_wait3A_420, %dma_wait3A_421] : memref<512x32xf32, #tpu.memory_space<vmem>> -> memref<128x32xf32, #tpu.memory_space<vmem>>
      tpu.wait_dma2 semaphore(%run_scoped3A : memref<!tpu.dma_semaphore, #tpu.memory_space<semaphore_mem>>) src(%dma_wait3A_422 : memref<128x32xf32, #tpu.memory_space<vmem>>) dst(%dma_wait3A_419 : memref<128x32xf32, #tpu.memory_space<vmem_shared>>)
      tpu.yield
    }) : () -> ()
    %add3A_240 = arith.constant 2304 : i32
    %add3A_241 = arith.addi %mul3A_203, %add3A_240 : i32
    "tpu.region"() ({
      %run_scoped3A = tpu.sem_alloc : memref<!tpu.dma_semaphore, #tpu.memory_space<semaphore_mem>>
      %dma_start3A = arith.constant 0 : i32
      %dma_start3A_405 = arith.constant 0 : i32
      %dma_start3A_406 = tpu.memref_slice %arg10[%dma_start3A, %dma_start3A_405] : memref<512x32xf32, #tpu.memory_space<vmem>> -> memref<128x32xf32, #tpu.memory_space<vmem>>
      %dma_start3A_407 = arith.constant 0 : i32
      %dma_start3A_408 = tpu.memref_slice %arg12[%add3A_241, %dma_start3A_407] : memref<53256x32xf32, #tpu.memory_space<vmem_shared>> -> memref<128x32xf32, #tpu.memory_space<vmem_shared>>
      %dma_start3A_409 = arith.constant 0 : i32
      %dma_start3A_410 = tpu.memref_slice %arg12[%add3A_241, %dma_start3A_409] : memref<53256x32xf32, #tpu.memory_space<vmem_shared>> -> memref<128x32xf32, #tpu.memory_space<vmem_shared>>
      %dma_start3A_411 = arith.constant 0 : i32
      %dma_start3A_412 = arith.constant 0 : i32
      %dma_start3A_413 = tpu.memref_slice %arg10[%dma_start3A_411, %dma_start3A_412] : memref<512x32xf32, #tpu.memory_space<vmem>> -> memref<128x32xf32, #tpu.memory_space<vmem>>
      tpu.enqueue_dma source(%dma_start3A_413 : memref<128x32xf32, #tpu.memory_space<vmem>>) target(%dma_start3A_410 : memref<128x32xf32, #tpu.memory_space<vmem_shared>>) target_semaphore(%run_scoped3A : memref<!tpu.dma_semaphore, #tpu.memory_space<semaphore_mem>>)
      %dma_wait3A = arith.constant 0 : i32
      %dma_wait3A_414 = arith.constant 0 : i32
      %dma_wait3A_415 = tpu.memref_slice %arg10[%dma_wait3A, %dma_wait3A_414] : memref<512x32xf32, #tpu.memory_space<vmem>> -> memref<128x32xf32, #tpu.memory_space<vmem>>
      %dma_wait3A_416 = arith.constant 0 : i32
      %dma_wait3A_417 = tpu.memref_slice %arg12[%add3A_241, %dma_wait3A_416] : memref<53256x32xf32, #tpu.memory_space<vmem_shared>> -> memref<128x32xf32, #tpu.memory_space<vmem_shared>>
      %dma_wait3A_418 = arith.constant 0 : i32
      %dma_wait3A_419 = tpu.memref_slice %arg12[%add3A_241, %dma_wait3A_418] : memref<53256x32xf32, #tpu.memory_space<vmem_shared>> -> memref<128x32xf32, #tpu.memory_space<vmem_shared>>
      %dma_wait3A_420 = arith.constant 0 : i32
      %dma_wait3A_421 = arith.constant 0 : i32
      %dma_wait3A_422 = tpu.memref_slice %arg10[%dma_wait3A_420, %dma_wait3A_421] : memref<512x32xf32, #tpu.memory_space<vmem>> -> memref<128x32xf32, #tpu.memory_space<vmem>>
      tpu.wait_dma2 semaphore(%run_scoped3A : memref<!tpu.dma_semaphore, #tpu.memory_space<semaphore_mem>>) src(%dma_wait3A_422 : memref<128x32xf32, #tpu.memory_space<vmem>>) dst(%dma_wait3A_419 : memref<128x32xf32, #tpu.memory_space<vmem_shared>>)
      tpu.yield
    }) : () -> ()
    %add3A_242 = arith.constant 2432 : i32
    %add3A_243 = arith.addi %mul3A_203, %add3A_242 : i32
    "tpu.region"() ({
      %run_scoped3A = tpu.sem_alloc : memref<!tpu.dma_semaphore, #tpu.memory_space<semaphore_mem>>
      %dma_start3A = arith.constant 0 : i32
      %dma_start3A_405 = arith.constant 0 : i32
      %dma_start3A_406 = tpu.memref_slice %arg10[%dma_start3A, %dma_start3A_405] : memref<512x32xf32, #tpu.memory_space<vmem>> -> memref<128x32xf32, #tpu.memory_space<vmem>>
      %dma_start3A_407 = arith.constant 0 : i32
      %dma_start3A_408 = tpu.memref_slice %arg12[%add3A_243, %dma_start3A_407] : memref<53256x32xf32, #tpu.memory_space<vmem_shared>> -> memref<128x32xf32, #tpu.memory_space<vmem_shared>>
      %dma_start3A_409 = arith.constant 0 : i32
      %dma_start3A_410 = tpu.memref_slice %arg12[%add3A_243, %dma_start3A_409] : memref<53256x32xf32, #tpu.memory_space<vmem_shared>> -> memref<128x32xf32, #tpu.memory_space<vmem_shared>>
      %dma_start3A_411 = arith.constant 0 : i32
      %dma_start3A_412 = arith.constant 0 : i32
      %dma_start3A_413 = tpu.memref_slice %arg10[%dma_start3A_411, %dma_start3A_412] : memref<512x32xf32, #tpu.memory_space<vmem>> -> memref<128x32xf32, #tpu.memory_space<vmem>>
      tpu.enqueue_dma source(%dma_start3A_413 : memref<128x32xf32, #tpu.memory_space<vmem>>) target(%dma_start3A_410 : memref<128x32xf32, #tpu.memory_space<vmem_shared>>) target_semaphore(%run_scoped3A : memref<!tpu.dma_semaphore, #tpu.memory_space<semaphore_mem>>)
      %dma_wait3A = arith.constant 0 : i32
      %dma_wait3A_414 = arith.constant 0 : i32
      %dma_wait3A_415 = tpu.memref_slice %arg10[%dma_wait3A, %dma_wait3A_414] : memref<512x32xf32, #tpu.memory_space<vmem>> -> memref<128x32xf32, #tpu.memory_space<vmem>>
      %dma_wait3A_416 = arith.constant 0 : i32
      %dma_wait3A_417 = tpu.memref_slice %arg12[%add3A_243, %dma_wait3A_416] : memref<53256x32xf32, #tpu.memory_space<vmem_shared>> -> memref<128x32xf32, #tpu.memory_space<vmem_shared>>
      %dma_wait3A_418 = arith.constant 0 : i32
      %dma_wait3A_419 = tpu.memref_slice %arg12[%add3A_243, %dma_wait3A_418] : memref<53256x32xf32, #tpu.memory_space<vmem_shared>> -> memref<128x32xf32, #tpu.memory_space<vmem_shared>>
      %dma_wait3A_420 = arith.constant 0 : i32
      %dma_wait3A_421 = arith.constant 0 : i32
      %dma_wait3A_422 = tpu.memref_slice %arg10[%dma_wait3A_420, %dma_wait3A_421] : memref<512x32xf32, #tpu.memory_space<vmem>> -> memref<128x32xf32, #tpu.memory_space<vmem>>
      tpu.wait_dma2 semaphore(%run_scoped3A : memref<!tpu.dma_semaphore, #tpu.memory_space<semaphore_mem>>) src(%dma_wait3A_422 : memref<128x32xf32, #tpu.memory_space<vmem>>) dst(%dma_wait3A_419 : memref<128x32xf32, #tpu.memory_space<vmem_shared>>)
      tpu.yield
    }) : () -> ()
    %add3A_244 = arith.constant 2560 : i32
    %add3A_245 = arith.addi %mul3A_203, %add3A_244 : i32
    "tpu.region"() ({
      %run_scoped3A = tpu.sem_alloc : memref<!tpu.dma_semaphore, #tpu.memory_space<semaphore_mem>>
      %dma_start3A = arith.constant 0 : i32
      %dma_start3A_405 = arith.constant 0 : i32
      %dma_start3A_406 = tpu.memref_slice %arg10[%dma_start3A, %dma_start3A_405] : memref<512x32xf32, #tpu.memory_space<vmem>> -> memref<128x32xf32, #tpu.memory_space<vmem>>
      %dma_start3A_407 = arith.constant 0 : i32
      %dma_start3A_408 = tpu.memref_slice %arg12[%add3A_245, %dma_start3A_407] : memref<53256x32xf32, #tpu.memory_space<vmem_shared>> -> memref<128x32xf32, #tpu.memory_space<vmem_shared>>
      %dma_start3A_409 = arith.constant 0 : i32
      %dma_start3A_410 = tpu.memref_slice %arg12[%add3A_245, %dma_start3A_409] : memref<53256x32xf32, #tpu.memory_space<vmem_shared>> -> memref<128x32xf32, #tpu.memory_space<vmem_shared>>
      %dma_start3A_411 = arith.constant 0 : i32
      %dma_start3A_412 = arith.constant 0 : i32
      %dma_start3A_413 = tpu.memref_slice %arg10[%dma_start3A_411, %dma_start3A_412] : memref<512x32xf32, #tpu.memory_space<vmem>> -> memref<128x32xf32, #tpu.memory_space<vmem>>
      tpu.enqueue_dma source(%dma_start3A_413 : memref<128x32xf32, #tpu.memory_space<vmem>>) target(%dma_start3A_410 : memref<128x32xf32, #tpu.memory_space<vmem_shared>>) target_semaphore(%run_scoped3A : memref<!tpu.dma_semaphore, #tpu.memory_space<semaphore_mem>>)
      %dma_wait3A = arith.constant 0 : i32
      %dma_wait3A_414 = arith.constant 0 : i32
      %dma_wait3A_415 = tpu.memref_slice %arg10[%dma_wait3A, %dma_wait3A_414] : memref<512x32xf32, #tpu.memory_space<vmem>> -> memref<128x32xf32, #tpu.memory_space<vmem>>
      %dma_wait3A_416 = arith.constant 0 : i32
      %dma_wait3A_417 = tpu.memref_slice %arg12[%add3A_245, %dma_wait3A_416] : memref<53256x32xf32, #tpu.memory_space<vmem_shared>> -> memref<128x32xf32, #tpu.memory_space<vmem_shared>>
      %dma_wait3A_418 = arith.constant 0 : i32
      %dma_wait3A_419 = tpu.memref_slice %arg12[%add3A_245, %dma_wait3A_418] : memref<53256x32xf32, #tpu.memory_space<vmem_shared>> -> memref<128x32xf32, #tpu.memory_space<vmem_shared>>
      %dma_wait3A_420 = arith.constant 0 : i32
      %dma_wait3A_421 = arith.constant 0 : i32
      %dma_wait3A_422 = tpu.memref_slice %arg10[%dma_wait3A_420, %dma_wait3A_421] : memref<512x32xf32, #tpu.memory_space<vmem>> -> memref<128x32xf32, #tpu.memory_space<vmem>>
      tpu.wait_dma2 semaphore(%run_scoped3A : memref<!tpu.dma_semaphore, #tpu.memory_space<semaphore_mem>>) src(%dma_wait3A_422 : memref<128x32xf32, #tpu.memory_space<vmem>>) dst(%dma_wait3A_419 : memref<128x32xf32, #tpu.memory_space<vmem_shared>>)
      tpu.yield
    }) : () -> ()
    %add3A_246 = arith.constant 2688 : i32
    %add3A_247 = arith.addi %mul3A_203, %add3A_246 : i32
    "tpu.region"() ({
      %run_scoped3A = tpu.sem_alloc : memref<!tpu.dma_semaphore, #tpu.memory_space<semaphore_mem>>
      %dma_start3A = arith.constant 0 : i32
      %dma_start3A_405 = arith.constant 0 : i32
      %dma_start3A_406 = tpu.memref_slice %arg10[%dma_start3A, %dma_start3A_405] : memref<512x32xf32, #tpu.memory_space<vmem>> -> memref<128x32xf32, #tpu.memory_space<vmem>>
      %dma_start3A_407 = arith.constant 0 : i32
      %dma_start3A_408 = tpu.memref_slice %arg12[%add3A_247, %dma_start3A_407] : memref<53256x32xf32, #tpu.memory_space<vmem_shared>> -> memref<128x32xf32, #tpu.memory_space<vmem_shared>>
      %dma_start3A_409 = arith.constant 0 : i32
      %dma_start3A_410 = tpu.memref_slice %arg12[%add3A_247, %dma_start3A_409] : memref<53256x32xf32, #tpu.memory_space<vmem_shared>> -> memref<128x32xf32, #tpu.memory_space<vmem_shared>>
      %dma_start3A_411 = arith.constant 0 : i32
      %dma_start3A_412 = arith.constant 0 : i32
      %dma_start3A_413 = tpu.memref_slice %arg10[%dma_start3A_411, %dma_start3A_412] : memref<512x32xf32, #tpu.memory_space<vmem>> -> memref<128x32xf32, #tpu.memory_space<vmem>>
      tpu.enqueue_dma source(%dma_start3A_413 : memref<128x32xf32, #tpu.memory_space<vmem>>) target(%dma_start3A_410 : memref<128x32xf32, #tpu.memory_space<vmem_shared>>) target_semaphore(%run_scoped3A : memref<!tpu.dma_semaphore, #tpu.memory_space<semaphore_mem>>)
      %dma_wait3A = arith.constant 0 : i32
      %dma_wait3A_414 = arith.constant 0 : i32
      %dma_wait3A_415 = tpu.memref_slice %arg10[%dma_wait3A, %dma_wait3A_414] : memref<512x32xf32, #tpu.memory_space<vmem>> -> memref<128x32xf32, #tpu.memory_space<vmem>>
      %dma_wait3A_416 = arith.constant 0 : i32
      %dma_wait3A_417 = tpu.memref_slice %arg12[%add3A_247, %dma_wait3A_416] : memref<53256x32xf32, #tpu.memory_space<vmem_shared>> -> memref<128x32xf32, #tpu.memory_space<vmem_shared>>
      %dma_wait3A_418 = arith.constant 0 : i32
      %dma_wait3A_419 = tpu.memref_slice %arg12[%add3A_247, %dma_wait3A_418] : memref<53256x32xf32, #tpu.memory_space<vmem_shared>> -> memref<128x32xf32, #tpu.memory_space<vmem_shared>>
      %dma_wait3A_420 = arith.constant 0 : i32
      %dma_wait3A_421 = arith.constant 0 : i32
      %dma_wait3A_422 = tpu.memref_slice %arg10[%dma_wait3A_420, %dma_wait3A_421] : memref<512x32xf32, #tpu.memory_space<vmem>> -> memref<128x32xf32, #tpu.memory_space<vmem>>
      tpu.wait_dma2 semaphore(%run_scoped3A : memref<!tpu.dma_semaphore, #tpu.memory_space<semaphore_mem>>) src(%dma_wait3A_422 : memref<128x32xf32, #tpu.memory_space<vmem>>) dst(%dma_wait3A_419 : memref<128x32xf32, #tpu.memory_space<vmem_shared>>)
      tpu.yield
    }) : () -> ()
    %add3A_248 = arith.constant 2816 : i32
    %add3A_249 = arith.addi %mul3A_203, %add3A_248 : i32
    "tpu.region"() ({
      %run_scoped3A = tpu.sem_alloc : memref<!tpu.dma_semaphore, #tpu.memory_space<semaphore_mem>>
      %dma_start3A = arith.constant 0 : i32
      %dma_start3A_405 = arith.constant 0 : i32
      %dma_start3A_406 = tpu.memref_slice %arg10[%dma_start3A, %dma_start3A_405] : memref<512x32xf32, #tpu.memory_space<vmem>> -> memref<128x32xf32, #tpu.memory_space<vmem>>
      %dma_start3A_407 = arith.constant 0 : i32
      %dma_start3A_408 = tpu.memref_slice %arg12[%add3A_249, %dma_start3A_407] : memref<53256x32xf32, #tpu.memory_space<vmem_shared>> -> memref<128x32xf32, #tpu.memory_space<vmem_shared>>
      %dma_start3A_409 = arith.constant 0 : i32
      %dma_start3A_410 = tpu.memref_slice %arg12[%add3A_249, %dma_start3A_409] : memref<53256x32xf32, #tpu.memory_space<vmem_shared>> -> memref<128x32xf32, #tpu.memory_space<vmem_shared>>
      %dma_start3A_411 = arith.constant 0 : i32
      %dma_start3A_412 = arith.constant 0 : i32
      %dma_start3A_413 = tpu.memref_slice %arg10[%dma_start3A_411, %dma_start3A_412] : memref<512x32xf32, #tpu.memory_space<vmem>> -> memref<128x32xf32, #tpu.memory_space<vmem>>
      tpu.enqueue_dma source(%dma_start3A_413 : memref<128x32xf32, #tpu.memory_space<vmem>>) target(%dma_start3A_410 : memref<128x32xf32, #tpu.memory_space<vmem_shared>>) target_semaphore(%run_scoped3A : memref<!tpu.dma_semaphore, #tpu.memory_space<semaphore_mem>>)
      %dma_wait3A = arith.constant 0 : i32
      %dma_wait3A_414 = arith.constant 0 : i32
      %dma_wait3A_415 = tpu.memref_slice %arg10[%dma_wait3A, %dma_wait3A_414] : memref<512x32xf32, #tpu.memory_space<vmem>> -> memref<128x32xf32, #tpu.memory_space<vmem>>
      %dma_wait3A_416 = arith.constant 0 : i32
      %dma_wait3A_417 = tpu.memref_slice %arg12[%add3A_249, %dma_wait3A_416] : memref<53256x32xf32, #tpu.memory_space<vmem_shared>> -> memref<128x32xf32, #tpu.memory_space<vmem_shared>>
      %dma_wait3A_418 = arith.constant 0 : i32
      %dma_wait3A_419 = tpu.memref_slice %arg12[%add3A_249, %dma_wait3A_418] : memref<53256x32xf32, #tpu.memory_space<vmem_shared>> -> memref<128x32xf32, #tpu.memory_space<vmem_shared>>
      %dma_wait3A_420 = arith.constant 0 : i32
      %dma_wait3A_421 = arith.constant 0 : i32
      %dma_wait3A_422 = tpu.memref_slice %arg10[%dma_wait3A_420, %dma_wait3A_421] : memref<512x32xf32, #tpu.memory_space<vmem>> -> memref<128x32xf32, #tpu.memory_space<vmem>>
      tpu.wait_dma2 semaphore(%run_scoped3A : memref<!tpu.dma_semaphore, #tpu.memory_space<semaphore_mem>>) src(%dma_wait3A_422 : memref<128x32xf32, #tpu.memory_space<vmem>>) dst(%dma_wait3A_419 : memref<128x32xf32, #tpu.memory_space<vmem_shared>>)
      tpu.yield
    }) : () -> ()
    %add3A_250 = arith.constant 2944 : i32
    %add3A_251 = arith.addi %mul3A_203, %add3A_250 : i32
    "tpu.region"() ({
      %run_scoped3A = tpu.sem_alloc : memref<!tpu.dma_semaphore, #tpu.memory_space<semaphore_mem>>
      %dma_start3A = arith.constant 0 : i32
      %dma_start3A_405 = arith.constant 0 : i32
      %dma_start3A_406 = tpu.memref_slice %arg10[%dma_start3A, %dma_start3A_405] : memref<512x32xf32, #tpu.memory_space<vmem>> -> memref<128x32xf32, #tpu.memory_space<vmem>>
      %dma_start3A_407 = arith.constant 0 : i32
      %dma_start3A_408 = tpu.memref_slice %arg12[%add3A_251, %dma_start3A_407] : memref<53256x32xf32, #tpu.memory_space<vmem_shared>> -> memref<128x32xf32, #tpu.memory_space<vmem_shared>>
      %dma_start3A_409 = arith.constant 0 : i32
      %dma_start3A_410 = tpu.memref_slice %arg12[%add3A_251, %dma_start3A_409] : memref<53256x32xf32, #tpu.memory_space<vmem_shared>> -> memref<128x32xf32, #tpu.memory_space<vmem_shared>>
      %dma_start3A_411 = arith.constant 0 : i32
      %dma_start3A_412 = arith.constant 0 : i32
      %dma_start3A_413 = tpu.memref_slice %arg10[%dma_start3A_411, %dma_start3A_412] : memref<512x32xf32, #tpu.memory_space<vmem>> -> memref<128x32xf32, #tpu.memory_space<vmem>>
      tpu.enqueue_dma source(%dma_start3A_413 : memref<128x32xf32, #tpu.memory_space<vmem>>) target(%dma_start3A_410 : memref<128x32xf32, #tpu.memory_space<vmem_shared>>) target_semaphore(%run_scoped3A : memref<!tpu.dma_semaphore, #tpu.memory_space<semaphore_mem>>)
      %dma_wait3A = arith.constant 0 : i32
      %dma_wait3A_414 = arith.constant 0 : i32
      %dma_wait3A_415 = tpu.memref_slice %arg10[%dma_wait3A, %dma_wait3A_414] : memref<512x32xf32, #tpu.memory_space<vmem>> -> memref<128x32xf32, #tpu.memory_space<vmem>>
      %dma_wait3A_416 = arith.constant 0 : i32
      %dma_wait3A_417 = tpu.memref_slice %arg12[%add3A_251, %dma_wait3A_416] : memref<53256x32xf32, #tpu.memory_space<vmem_shared>> -> memref<128x32xf32, #tpu.memory_space<vmem_shared>>
      %dma_wait3A_418 = arith.constant 0 : i32
      %dma_wait3A_419 = tpu.memref_slice %arg12[%add3A_251, %dma_wait3A_418] : memref<53256x32xf32, #tpu.memory_space<vmem_shared>> -> memref<128x32xf32, #tpu.memory_space<vmem_shared>>
      %dma_wait3A_420 = arith.constant 0 : i32
      %dma_wait3A_421 = arith.constant 0 : i32
      %dma_wait3A_422 = tpu.memref_slice %arg10[%dma_wait3A_420, %dma_wait3A_421] : memref<512x32xf32, #tpu.memory_space<vmem>> -> memref<128x32xf32, #tpu.memory_space<vmem>>
      tpu.wait_dma2 semaphore(%run_scoped3A : memref<!tpu.dma_semaphore, #tpu.memory_space<semaphore_mem>>) src(%dma_wait3A_422 : memref<128x32xf32, #tpu.memory_space<vmem>>) dst(%dma_wait3A_419 : memref<128x32xf32, #tpu.memory_space<vmem_shared>>)
      tpu.yield
    }) : () -> ()
    %add3A_252 = arith.constant 3072 : i32
    %add3A_253 = arith.addi %mul3A_203, %add3A_252 : i32
    "tpu.region"() ({
      %run_scoped3A = tpu.sem_alloc : memref<!tpu.dma_semaphore, #tpu.memory_space<semaphore_mem>>
      %dma_start3A = arith.constant 0 : i32
      %dma_start3A_405 = arith.constant 0 : i32
      %dma_start3A_406 = tpu.memref_slice %arg10[%dma_start3A, %dma_start3A_405] : memref<512x32xf32, #tpu.memory_space<vmem>> -> memref<128x32xf32, #tpu.memory_space<vmem>>
      %dma_start3A_407 = arith.constant 0 : i32
      %dma_start3A_408 = tpu.memref_slice %arg12[%add3A_253, %dma_start3A_407] : memref<53256x32xf32, #tpu.memory_space<vmem_shared>> -> memref<128x32xf32, #tpu.memory_space<vmem_shared>>
      %dma_start3A_409 = arith.constant 0 : i32
      %dma_start3A_410 = tpu.memref_slice %arg12[%add3A_253, %dma_start3A_409] : memref<53256x32xf32, #tpu.memory_space<vmem_shared>> -> memref<128x32xf32, #tpu.memory_space<vmem_shared>>
      %dma_start3A_411 = arith.constant 0 : i32
      %dma_start3A_412 = arith.constant 0 : i32
      %dma_start3A_413 = tpu.memref_slice %arg10[%dma_start3A_411, %dma_start3A_412] : memref<512x32xf32, #tpu.memory_space<vmem>> -> memref<128x32xf32, #tpu.memory_space<vmem>>
      tpu.enqueue_dma source(%dma_start3A_413 : memref<128x32xf32, #tpu.memory_space<vmem>>) target(%dma_start3A_410 : memref<128x32xf32, #tpu.memory_space<vmem_shared>>) target_semaphore(%run_scoped3A : memref<!tpu.dma_semaphore, #tpu.memory_space<semaphore_mem>>)
      %dma_wait3A = arith.constant 0 : i32
      %dma_wait3A_414 = arith.constant 0 : i32
      %dma_wait3A_415 = tpu.memref_slice %arg10[%dma_wait3A, %dma_wait3A_414] : memref<512x32xf32, #tpu.memory_space<vmem>> -> memref<128x32xf32, #tpu.memory_space<vmem>>
      %dma_wait3A_416 = arith.constant 0 : i32
      %dma_wait3A_417 = tpu.memref_slice %arg12[%add3A_253, %dma_wait3A_416] : memref<53256x32xf32, #tpu.memory_space<vmem_shared>> -> memref<128x32xf32, #tpu.memory_space<vmem_shared>>
      %dma_wait3A_418 = arith.constant 0 : i32
      %dma_wait3A_419 = tpu.memref_slice %arg12[%add3A_253, %dma_wait3A_418] : memref<53256x32xf32, #tpu.memory_space<vmem_shared>> -> memref<128x32xf32, #tpu.memory_space<vmem_shared>>
      %dma_wait3A_420 = arith.constant 0 : i32
      %dma_wait3A_421 = arith.constant 0 : i32
      %dma_wait3A_422 = tpu.memref_slice %arg10[%dma_wait3A_420, %dma_wait3A_421] : memref<512x32xf32, #tpu.memory_space<vmem>> -> memref<128x32xf32, #tpu.memory_space<vmem>>
      tpu.wait_dma2 semaphore(%run_scoped3A : memref<!tpu.dma_semaphore, #tpu.memory_space<semaphore_mem>>) src(%dma_wait3A_422 : memref<128x32xf32, #tpu.memory_space<vmem>>) dst(%dma_wait3A_419 : memref<128x32xf32, #tpu.memory_space<vmem_shared>>)
      tpu.yield
    }) : () -> ()
    %add3A_254 = arith.constant 3200 : i32
    %add3A_255 = arith.addi %mul3A_203, %add3A_254 : i32
    "tpu.region"() ({
      %run_scoped3A = tpu.sem_alloc : memref<!tpu.dma_semaphore, #tpu.memory_space<semaphore_mem>>
      %dma_start3A = arith.constant 0 : i32
      %dma_start3A_405 = arith.constant 0 : i32
      %dma_start3A_406 = tpu.memref_slice %arg10[%dma_start3A, %dma_start3A_405] : memref<512x32xf32, #tpu.memory_space<vmem>> -> memref<128x32xf32, #tpu.memory_space<vmem>>
      %dma_start3A_407 = arith.constant 0 : i32
      %dma_start3A_408 = tpu.memref_slice %arg12[%add3A_255, %dma_start3A_407] : memref<53256x32xf32, #tpu.memory_space<vmem_shared>> -> memref<128x32xf32, #tpu.memory_space<vmem_shared>>
      %dma_start3A_409 = arith.constant 0 : i32
      %dma_start3A_410 = tpu.memref_slice %arg12[%add3A_255, %dma_start3A_409] : memref<53256x32xf32, #tpu.memory_space<vmem_shared>> -> memref<128x32xf32, #tpu.memory_space<vmem_shared>>
      %dma_start3A_411 = arith.constant 0 : i32
      %dma_start3A_412 = arith.constant 0 : i32
      %dma_start3A_413 = tpu.memref_slice %arg10[%dma_start3A_411, %dma_start3A_412] : memref<512x32xf32, #tpu.memory_space<vmem>> -> memref<128x32xf32, #tpu.memory_space<vmem>>
      tpu.enqueue_dma source(%dma_start3A_413 : memref<128x32xf32, #tpu.memory_space<vmem>>) target(%dma_start3A_410 : memref<128x32xf32, #tpu.memory_space<vmem_shared>>) target_semaphore(%run_scoped3A : memref<!tpu.dma_semaphore, #tpu.memory_space<semaphore_mem>>)
      %dma_wait3A = arith.constant 0 : i32
      %dma_wait3A_414 = arith.constant 0 : i32
      %dma_wait3A_415 = tpu.memref_slice %arg10[%dma_wait3A, %dma_wait3A_414] : memref<512x32xf32, #tpu.memory_space<vmem>> -> memref<128x32xf32, #tpu.memory_space<vmem>>
      %dma_wait3A_416 = arith.constant 0 : i32
      %dma_wait3A_417 = tpu.memref_slice %arg12[%add3A_255, %dma_wait3A_416] : memref<53256x32xf32, #tpu.memory_space<vmem_shared>> -> memref<128x32xf32, #tpu.memory_space<vmem_shared>>
      %dma_wait3A_418 = arith.constant 0 : i32
      %dma_wait3A_419 = tpu.memref_slice %arg12[%add3A_255, %dma_wait3A_418] : memref<53256x32xf32, #tpu.memory_space<vmem_shared>> -> memref<128x32xf32, #tpu.memory_space<vmem_shared>>
      %dma_wait3A_420 = arith.constant 0 : i32
      %dma_wait3A_421 = arith.constant 0 : i32
      %dma_wait3A_422 = tpu.memref_slice %arg10[%dma_wait3A_420, %dma_wait3A_421] : memref<512x32xf32, #tpu.memory_space<vmem>> -> memref<128x32xf32, #tpu.memory_space<vmem>>
      tpu.wait_dma2 semaphore(%run_scoped3A : memref<!tpu.dma_semaphore, #tpu.memory_space<semaphore_mem>>) src(%dma_wait3A_422 : memref<128x32xf32, #tpu.memory_space<vmem>>) dst(%dma_wait3A_419 : memref<128x32xf32, #tpu.memory_space<vmem_shared>>)
      tpu.yield
    }) : () -> ()
    %barrier3A = arith.constant 0 : index
    tpu.barrier barrier_id(%barrier3A)
    %mul3A_256 = arith.constant 8 : i32
    %mul3A_257 = arith.muli %max3A_196, %mul3A_256 : i32
    %gt3A = arith.constant 0 : i32
    %gt3A_258 = arith.cmpi sgt, %max3A_196, %gt3A : i32
    %convert_element_type3A = arith.extui %gt3A_258 : i1 to i32
    %cond3A = arith.constant 0 : i32
    %cond3A_259 = arith.cmpi ne, %convert_element_type3A, %cond3A : i32
    scf.if %cond3A_259 {
      %multiple_of3A = tpu.assume_multiple %add3A_166, 8 : i32
      %mul3A_405 = arith.constant 128 : i32
      %mul3A_406 = arith.muli %multiple_of3A, %mul3A_405 : i32
      "tpu.region"() ({
        %run_scoped3A = tpu.sem_alloc : memref<!tpu.dma_semaphore, #tpu.memory_space<semaphore_mem>>
        %dma_start3A = arith.constant 0 : i32
        %dma_start3A_430 = tpu.memref_slice %arg7[%dma_start3A] : memref<2048xi32, #tpu.memory_space<vmem>> -> memref<1024xi32, #tpu.memory_space<vmem>>
        %dma_start3A_431 = tpu.memref_slice %arg3[%mul3A_406] : memref<1064960xi32, #tpu.memory_space<hbm>> -> memref<1024xi32, #tpu.memory_space<hbm>>
        %dma_start3A_432 = arith.constant 0 : i32
        %dma_start3A_433 = tpu.memref_slice %arg7[%dma_start3A_432] : memref<2048xi32, #tpu.memory_space<vmem>> -> memref<1024xi32, #tpu.memory_space<vmem>>
        %dma_start3A_434 = tpu.memref_slice %arg3[%mul3A_406] : memref<1064960xi32, #tpu.memory_space<hbm>> -> memref<1024xi32, #tpu.memory_space<hbm>>
        tpu.enqueue_dma source(%dma_start3A_434 : memref<1024xi32, #tpu.memory_space<hbm>>) target(%dma_start3A_433 : memref<1024xi32, #tpu.memory_space<vmem>>) target_semaphore(%run_scoped3A : memref<!tpu.dma_semaphore, #tpu.memory_space<semaphore_mem>>)
        %dma_wait3A = arith.constant 0 : i32
        %dma_wait3A_435 = tpu.memref_slice %arg7[%dma_wait3A] : memref<2048xi32, #tpu.memory_space<vmem>> -> memref<1024xi32, #tpu.memory_space<vmem>>
        %dma_wait3A_436 = tpu.memref_slice %arg3[%mul3A_406] : memref<1064960xi32, #tpu.memory_space<hbm>> -> memref<1024xi32, #tpu.memory_space<hbm>>
        %dma_wait3A_437 = arith.constant 0 : i32
        %dma_wait3A_438 = tpu.memref_slice %arg7[%dma_wait3A_437] : memref<2048xi32, #tpu.memory_space<vmem>> -> memref<1024xi32, #tpu.memory_space<vmem>>
        %dma_wait3A_439 = tpu.memref_slice %arg3[%mul3A_406] : memref<1064960xi32, #tpu.memory_space<hbm>> -> memref<1024xi32, #tpu.memory_space<hbm>>
        tpu.wait_dma2 semaphore(%run_scoped3A : memref<!tpu.dma_semaphore, #tpu.memory_space<semaphore_mem>>) src(%dma_wait3A_439 : memref<1024xi32, #tpu.memory_space<hbm>>) dst(%dma_wait3A_438 : memref<1024xi32, #tpu.memory_space<vmem>>)
        tpu.yield
      }) : () -> ()
      "tpu.region"() ({
        %run_scoped3A = tpu.sem_alloc : memref<!tpu.dma_semaphore, #tpu.memory_space<semaphore_mem>>
        %dma_start3A = arith.constant 0 : i32
        %dma_start3A_430 = tpu.memref_slice %arg8[%dma_start3A] : memref<2048xi32, #tpu.memory_space<vmem>> -> memref<1024xi32, #tpu.memory_space<vmem>>
        %dma_start3A_431 = tpu.memref_slice %arg4[%mul3A_406] : memref<1064960xi32, #tpu.memory_space<hbm>> -> memref<1024xi32, #tpu.memory_space<hbm>>
        %dma_start3A_432 = arith.constant 0 : i32
        %dma_start3A_433 = tpu.memref_slice %arg8[%dma_start3A_432] : memref<2048xi32, #tpu.memory_space<vmem>> -> memref<1024xi32, #tpu.memory_space<vmem>>
        %dma_start3A_434 = tpu.memref_slice %arg4[%mul3A_406] : memref<1064960xi32, #tpu.memory_space<hbm>> -> memref<1024xi32, #tpu.memory_space<hbm>>
        tpu.enqueue_dma source(%dma_start3A_434 : memref<1024xi32, #tpu.memory_space<hbm>>) target(%dma_start3A_433 : memref<1024xi32, #tpu.memory_space<vmem>>) target_semaphore(%run_scoped3A : memref<!tpu.dma_semaphore, #tpu.memory_space<semaphore_mem>>)
        %dma_wait3A = arith.constant 0 : i32
        %dma_wait3A_435 = tpu.memref_slice %arg8[%dma_wait3A] : memref<2048xi32, #tpu.memory_space<vmem>> -> memref<1024xi32, #tpu.memory_space<vmem>>
        %dma_wait3A_436 = tpu.memref_slice %arg4[%mul3A_406] : memref<1064960xi32, #tpu.memory_space<hbm>> -> memref<1024xi32, #tpu.memory_space<hbm>>
        %dma_wait3A_437 = arith.constant 0 : i32
        %dma_wait3A_438 = tpu.memref_slice %arg8[%dma_wait3A_437] : memref<2048xi32, #tpu.memory_space<vmem>> -> memref<1024xi32, #tpu.memory_space<vmem>>
        %dma_wait3A_439 = tpu.memref_slice %arg4[%mul3A_406] : memref<1064960xi32, #tpu.memory_space<hbm>> -> memref<1024xi32, #tpu.memory_space<hbm>>
        tpu.wait_dma2 semaphore(%run_scoped3A : memref<!tpu.dma_semaphore, #tpu.memory_space<semaphore_mem>>) src(%dma_wait3A_439 : memref<1024xi32, #tpu.memory_space<hbm>>) dst(%dma_wait3A_438 : memref<1024xi32, #tpu.memory_space<vmem>>)
        tpu.yield
      }) : () -> ()
      %add3A_407 = arith.constant 0 : i32
      %add3A_408 = arith.addi %add3A_166, %add3A_407 : i32
      %scan3A_409 = arith.constant 0 : i32
      %scan3A_410 = arith.constant 0 : i32
      %scan3A_411 = arith.constant 64 : i32
      %scan3A_412 = arith.addi %scan3A_410, %scan3A_411 : i32
      %scan3A_413 = arith.constant 1 : i32
      scf.for %scan3A_430 = %scan3A_410 to %scan3A_412 step %scan3A_413  : i32 {
        %shift_right_arithmetic3A = arith.constant 3 : i32
        %shift_right_arithmetic3A_431 = arith.shrsi %scan3A_430, %shift_right_arithmetic3A : i32
        %and3A_432 = arith.constant 7 : i32
        %and3A_433 = arith.andi %scan3A_430, %and3A_432 : i32
        %mul3A_434 = arith.constant 16 : i32
        %mul3A_435 = arith.muli %scan3A_430, %mul3A_434 : i32
        %add3A_436 = arith.constant 0 : i32
        %add3A_437 = arith.addi %add3A_436, %mul3A_435 : i32
        %get3A_438 = arith.index_cast %add3A_437 : i32 to index
        %get3A_439 = tpu.vector_load %arg8[%get3A_438] {strides = array<i32>} : memref<2048xi32, #tpu.memory_space<vmem>>, vector<16xi32>,
        %get3A_440 = vector.shape_cast %get3A_439 : vector<16xi32> to vector<16xi32>
        %add3A_441 = arith.addi %add3A_408, %shift_right_arithmetic3A_431 : i32
        %lt3A = arith.cmpi slt, %add3A_441, %min3A_168 : i32
        %jit3A_442 = arith.constant 0 : i32
        %jit3A_443 = arith.constant 268435456 : i32
        %select_n3A_444 = arith.select %lt3A, %jit3A_442, %jit3A_443 : i32
        %sub3A_445 = arith.subi %select_n3A_444, %mul3A_12 : i32
        %add3A_446 = vector.broadcast %sub3A_445 : i32 to vector<16xi32>
        %add3A_447 = arith.addi %get3A_440, %add3A_446 : vector<16xi32>
        %ge3A = arith.constant 0 : i32
        %ge3A_448 = vector.broadcast %ge3A : i32 to vector<16xi32>
        %ge3A_449 = arith.cmpi sge, %add3A_447, %ge3A_448 : vector<16xi32>
        %lt3A_450 = arith.constant 53248 : i32
        %lt3A_451 = vector.broadcast %lt3A_450 : i32 to vector<16xi32>
        %lt3A_452 = arith.cmpi slt, %add3A_447, %lt3A_451 : vector<16xi32>
        %and3A_453 = arith.andi %ge3A_449, %lt3A_452 : vector<16xi1>
        %jit3A_454 = arith.constant 53248 : i32
        %broadcast_in_dim3A = vector.broadcast %jit3A_454 : i32 to vector<16xi32>
        %select_n3A_455 = arith.select %and3A_453, %add3A_447, %broadcast_in_dim3A : vector<16xi1>, vector<16xi32>
        %add3A_456 = arith.constant 0 : i32
        %add3A_457 = arith.addi %add3A_456, %shift_right_arithmetic3A_431 : i32
        %mul3A_458 = arith.constant 16 : i32
        %mul3A_459 = arith.muli %and3A_433, %mul3A_458 : i32
        %swap3A = arith.index_cast %add3A_457 : i32 to index
        %swap3A_460 = arith.index_cast %mul3A_459 : i32 to index
        %swap3A_461 = tpu.vector_load %arg9[%swap3A, %swap3A_460] {strides = array<i32>} : memref<16x128xi32, #tpu.memory_space<vmem>>, vector<1x16xi32>,
        %swap3A_462 = vector.shape_cast %swap3A_461 : vector<1x16xi32> to vector<16xi32>
        %swap3A_463 = vector.shape_cast %select_n3A_455 : vector<16xi32> to vector<1x16xi32>
        tpu.vector_store %arg9[%swap3A, %swap3A_460], %swap3A_463 {strides = array<i32>} : memref<16x128xi32, #tpu.memory_space<vmem>>, vector<1x16xi32>,
      }
      %scan3A_414 = arith.constant 64 : i32
      %gt3A_415 = arith.constant 0 : i32
      %gt3A_416 = arith.cmpi sgt, %mul3A_257, %gt3A_415 : i32
      %convert_element_type3A_417 = arith.extui %gt3A_416 : i1 to i32
      %cond3A_418 = arith.constant 0 : i32
      %cond3A_419 = arith.cmpi ne, %convert_element_type3A_417, %cond3A_418 : i32
      scf.if %cond3A_419 {
        %jit3A_430 = arith.constant 0 : i32
        %jit3A_431 = arith.constant 8 : i32
        %div3A_432 = arith.divsi %jit3A_430, %jit3A_431 : i32
        %sign3A_433 = arith.constant 0 : i32
        %sign3A_434 = arith.cmpi sgt, %jit3A_430, %sign3A_433 : i32
        %sign3A_435 = arith.extui %sign3A_434 : i1 to i32
        %sign3A_436 = arith.constant 0 : i32
        %sign3A_437 = arith.cmpi slt, %jit3A_430, %sign3A_436 : i32
        %sign3A_438 = arith.extui %sign3A_437 : i1 to i32
        %sign3A_439 = arith.subi %sign3A_435, %sign3A_438 : i32
        %sign3A_440 = arith.constant 0 : i32
        %sign3A_441 = arith.cmpi sgt, %jit3A_431, %sign3A_440 : i32
        %sign3A_442 = arith.extui %sign3A_441 : i1 to i32
        %sign3A_443 = arith.constant 0 : i32
        %sign3A_444 = arith.cmpi slt, %jit3A_431, %sign3A_443 : i32
        %sign3A_445 = arith.extui %sign3A_444 : i1 to i32
        %sign3A_446 = arith.subi %sign3A_442, %sign3A_445 : i32
        %ne3A_447 = arith.cmpi ne, %sign3A_439, %sign3A_446 : i32
        %rem3A_448 = arith.remsi %jit3A_430, %jit3A_431 : i32
        %ne3A_449 = arith.constant 0 : i32
        %ne3A_450 = arith.cmpi ne, %rem3A_448, %ne3A_449 : i32
        %and3A_451 = arith.andi %ne3A_447, %ne3A_450 : i1
        %sub3A_452 = arith.constant 1 : i32
        %sub3A_453 = arith.subi %div3A_432, %sub3A_452 : i32
        %select_n3A_454 = arith.select %and3A_451, %sub3A_453, %div3A_432 : i32
        %jit3A_455 = arith.constant 2 : i32
        %eq3A_456 = arith.constant 0 : i32
        %eq3A_457 = arith.cmpi eq, %jit3A_455, %eq3A_456 : i32
        %jit3A_458 = arith.constant 1 : i32
        %select_n3A_459 = arith.select %eq3A_457, %jit3A_458, %jit3A_455 : i32
        %rem3A_460 = arith.remsi %select_n3A_454, %select_n3A_459 : i32
        %ne3A_461 = arith.constant 0 : i32
        %ne3A_462 = arith.cmpi ne, %rem3A_460, %ne3A_461 : i32
        %lt3A = arith.constant 0 : i32
        %lt3A_463 = arith.cmpi slt, %rem3A_460, %lt3A : i32
        %lt3A_464 = arith.constant 0 : i32
        %lt3A_465 = arith.cmpi slt, %select_n3A_459, %lt3A_464 : i32
        %ne3A_466 = arith.xori %lt3A_463, %lt3A_465 : i1
        %and3A_467 = arith.andi %ne3A_466, %ne3A_462 : i1
        %add3A_468 = arith.addi %rem3A_460, %select_n3A_459 : i32
        %select_n3A_469 = arith.select %and3A_467, %add3A_468, %rem3A_460 : i32
        %mul3A_470 = arith.constant 8 : i32
        %mul3A_471 = arith.muli %select_n3A_469, %mul3A_470 : i32
        %mul3A_472 = arith.constant 128 : i32
        %mul3A_473 = arith.muli %mul3A_471, %mul3A_472 : i32
        %jit3A_474 = arith.constant 0 : i32
        %jit3A_475 = arith.constant 8 : i32
        %eq3A_476 = arith.constant 0 : i32
        %eq3A_477 = arith.cmpi eq, %jit3A_475, %eq3A_476 : i32
        %jit3A_478 = arith.constant 1 : i32
        %select_n3A_479 = arith.select %eq3A_477, %jit3A_478, %jit3A_475 : i32
        %rem3A_480 = arith.remsi %jit3A_474, %select_n3A_479 : i32
        %ne3A_481 = arith.constant 0 : i32
        %ne3A_482 = arith.cmpi ne, %rem3A_480, %ne3A_481 : i32
        %lt3A_483 = arith.constant 0 : i32
        %lt3A_484 = arith.cmpi slt, %rem3A_480, %lt3A_483 : i32
        %lt3A_485 = arith.constant 0 : i32
        %lt3A_486 = arith.cmpi slt, %select_n3A_479, %lt3A_485 : i32
        %ne3A_487 = arith.xori %lt3A_484, %lt3A_486 : i1
        %and3A_488 = arith.andi %ne3A_487, %ne3A_482 : i1
        %add3A_489 = arith.addi %rem3A_480, %select_n3A_479 : i32
        %select_n3A_490 = arith.select %and3A_488, %add3A_489, %rem3A_480 : i32
        %mul3A_491 = arith.constant 128 : i32
        %mul3A_492 = arith.muli %select_n3A_490, %mul3A_491 : i32
        %add3A_493 = arith.addi %mul3A_473, %mul3A_492 : i32
        %jit3A_494 = arith.constant 0 : i32
        %jit3A_495 = arith.constant 4 : i32
        %eq3A_496 = arith.constant 0 : i32
        %eq3A_497 = arith.cmpi eq, %jit3A_495, %eq3A_496 : i32
        %jit3A_498 = arith.constant 1 : i32
        %select_n3A_499 = arith.select %eq3A_497, %jit3A_498, %jit3A_495 : i32
        %rem3A_500 = arith.remsi %jit3A_494, %select_n3A_499 : i32
        %ne3A_501 = arith.constant 0 : i32
        %ne3A_502 = arith.cmpi ne, %rem3A_500, %ne3A_501 : i32
        %lt3A_503 = arith.constant 0 : i32
        %lt3A_504 = arith.cmpi slt, %rem3A_500, %lt3A_503 : i32
        %lt3A_505 = arith.constant 0 : i32
        %lt3A_506 = arith.cmpi slt, %select_n3A_499, %lt3A_505 : i32
        %ne3A_507 = arith.xori %lt3A_504, %lt3A_506 : i1
        %and3A_508 = arith.andi %ne3A_507, %ne3A_502 : i1
        %add3A_509 = arith.addi %rem3A_500, %select_n3A_499 : i32
        %select_n3A_510 = arith.select %and3A_508, %add3A_509, %rem3A_500 : i32
        %mul3A_511 = arith.constant 128 : i32
        %mul3A_512 = arith.muli %select_n3A_510, %mul3A_511 : i32
        %dma_start3A = arith.constant 0 : i32
        %dma_start3A_513 = tpu.memref_slice %arg10[%mul3A_512, %dma_start3A] : memref<512x32xf32, #tpu.memory_space<vmem>> -> memref<128x32xf32, #tpu.memory_space<vmem>>
        %dma_start3A_514 = tpu.memref_slice %arg7[%add3A_493] : memref<2048xi32, #tpu.memory_space<vmem>> -> memref<128xi32, #tpu.memory_space<vmem>>
        %dma_start3A_515 = arith.constant 0 : i32
        %dma_start3A_516 = arith.constant 0 : i32
        %dma_start3A_517 = tpu.memref_slice %arg2[%dma_start3A_515, %dma_start3A_516] : memref<1000000x32xf32, #tpu.memory_space<hbm>> -> memref<1000000x32xf32, #tpu.memory_space<hbm>>
        tpu.enqueue_indirect_dma source(%dma_start3A_517 : memref<1000000x32xf32, #tpu.memory_space<hbm>>) target(%dma_start3A_513 : memref<128x32xf32, #tpu.memory_space<vmem>>) offsets(%dma_start3A_514 : memref<128xi32, #tpu.memory_space<vmem>>) semaphore(%arg13 : memref<!tpu.dma_semaphore, #tpu.memory_space<semaphore_mem>>)
      } else {
      }
      %gt3A_420 = arith.constant 1 : i32
      %gt3A_421 = arith.cmpi sgt, %mul3A_257, %gt3A_420 : i32
      %convert_element_type3A_422 = arith.extui %gt3A_421 : i1 to i32
      %cond3A_423 = arith.constant 0 : i32
      %cond3A_424 = arith.cmpi ne, %convert_element_type3A_422, %cond3A_423 : i32
      scf.if %cond3A_424 {
        %jit3A_430 = arith.constant 1 : i32
        %jit3A_431 = arith.constant 8 : i32
        %div3A_432 = arith.divsi %jit3A_430, %jit3A_431 : i32
        %sign3A_433 = arith.constant 0 : i32
        %sign3A_434 = arith.cmpi sgt, %jit3A_430, %sign3A_433 : i32
        %sign3A_435 = arith.extui %sign3A_434 : i1 to i32
        %sign3A_436 = arith.constant 0 : i32
        %sign3A_437 = arith.cmpi slt, %jit3A_430, %sign3A_436 : i32
        %sign3A_438 = arith.extui %sign3A_437 : i1 to i32
        %sign3A_439 = arith.subi %sign3A_435, %sign3A_438 : i32
        %sign3A_440 = arith.constant 0 : i32
        %sign3A_441 = arith.cmpi sgt, %jit3A_431, %sign3A_440 : i32
        %sign3A_442 = arith.extui %sign3A_441 : i1 to i32
        %sign3A_443 = arith.constant 0 : i32
        %sign3A_444 = arith.cmpi slt, %jit3A_431, %sign3A_443 : i32
        %sign3A_445 = arith.extui %sign3A_444 : i1 to i32
        %sign3A_446 = arith.subi %sign3A_442, %sign3A_445 : i32
        %ne3A_447 = arith.cmpi ne, %sign3A_439, %sign3A_446 : i32
        %rem3A_448 = arith.remsi %jit3A_430, %jit3A_431 : i32
        %ne3A_449 = arith.constant 0 : i32
        %ne3A_450 = arith.cmpi ne, %rem3A_448, %ne3A_449 : i32
        %and3A_451 = arith.andi %ne3A_447, %ne3A_450 : i1
        %sub3A_452 = arith.constant 1 : i32
        %sub3A_453 = arith.subi %div3A_432, %sub3A_452 : i32
        %select_n3A_454 = arith.select %and3A_451, %sub3A_453, %div3A_432 : i32
        %jit3A_455 = arith.constant 2 : i32
        %eq3A_456 = arith.constant 0 : i32
        %eq3A_457 = arith.cmpi eq, %jit3A_455, %eq3A_456 : i32
        %jit3A_458 = arith.constant 1 : i32
        %select_n3A_459 = arith.select %eq3A_457, %jit3A_458, %jit3A_455 : i32
        %rem3A_460 = arith.remsi %select_n3A_454, %select_n3A_459 : i32
        %ne3A_461 = arith.constant 0 : i32
        %ne3A_462 = arith.cmpi ne, %rem3A_460, %ne3A_461 : i32
        %lt3A = arith.constant 0 : i32
        %lt3A_463 = arith.cmpi slt, %rem3A_460, %lt3A : i32
        %lt3A_464 = arith.constant 0 : i32
        %lt3A_465 = arith.cmpi slt, %select_n3A_459, %lt3A_464 : i32
        %ne3A_466 = arith.xori %lt3A_463, %lt3A_465 : i1
        %and3A_467 = arith.andi %ne3A_466, %ne3A_462 : i1
        %add3A_468 = arith.addi %rem3A_460, %select_n3A_459 : i32
        %select_n3A_469 = arith.select %and3A_467, %add3A_468, %rem3A_460 : i32
        %mul3A_470 = arith.constant 8 : i32
        %mul3A_471 = arith.muli %select_n3A_469, %mul3A_470 : i32
        %mul3A_472 = arith.constant 128 : i32
        %mul3A_473 = arith.muli %mul3A_471, %mul3A_472 : i32
        %jit3A_474 = arith.constant 1 : i32
        %jit3A_475 = arith.constant 8 : i32
        %eq3A_476 = arith.constant 0 : i32
        %eq3A_477 = arith.cmpi eq, %jit3A_475, %eq3A_476 : i32
        %jit3A_478 = arith.constant 1 : i32
        %select_n3A_479 = arith.select %eq3A_477, %jit3A_478, %jit3A_475 : i32
        %rem3A_480 = arith.remsi %jit3A_474, %select_n3A_479 : i32
        %ne3A_481 = arith.constant 0 : i32
        %ne3A_482 = arith.cmpi ne, %rem3A_480, %ne3A_481 : i32
        %lt3A_483 = arith.constant 0 : i32
        %lt3A_484 = arith.cmpi slt, %rem3A_480, %lt3A_483 : i32
        %lt3A_485 = arith.constant 0 : i32
        %lt3A_486 = arith.cmpi slt, %select_n3A_479, %lt3A_485 : i32
        %ne3A_487 = arith.xori %lt3A_484, %lt3A_486 : i1
        %and3A_488 = arith.andi %ne3A_487, %ne3A_482 : i1
        %add3A_489 = arith.addi %rem3A_480, %select_n3A_479 : i32
        %select_n3A_490 = arith.select %and3A_488, %add3A_489, %rem3A_480 : i32
        %mul3A_491 = arith.constant 128 : i32
        %mul3A_492 = arith.muli %select_n3A_490, %mul3A_491 : i32
        %add3A_493 = arith.addi %mul3A_473, %mul3A_492 : i32
        %jit3A_494 = arith.constant 1 : i32
        %jit3A_495 = arith.constant 4 : i32
        %eq3A_496 = arith.constant 0 : i32
        %eq3A_497 = arith.cmpi eq, %jit3A_495, %eq3A_496 : i32
        %jit3A_498 = arith.constant 1 : i32
        %select_n3A_499 = arith.select %eq3A_497, %jit3A_498, %jit3A_495 : i32
        %rem3A_500 = arith.remsi %jit3A_494, %select_n3A_499 : i32
        %ne3A_501 = arith.constant 0 : i32
        %ne3A_502 = arith.cmpi ne, %rem3A_500, %ne3A_501 : i32
        %lt3A_503 = arith.constant 0 : i32
        %lt3A_504 = arith.cmpi slt, %rem3A_500, %lt3A_503 : i32
        %lt3A_505 = arith.constant 0 : i32
        %lt3A_506 = arith.cmpi slt, %select_n3A_499, %lt3A_505 : i32
        %ne3A_507 = arith.xori %lt3A_504, %lt3A_506 : i1
        %and3A_508 = arith.andi %ne3A_507, %ne3A_502 : i1
        %add3A_509 = arith.addi %rem3A_500, %select_n3A_499 : i32
        %select_n3A_510 = arith.select %and3A_508, %add3A_509, %rem3A_500 : i32
        %mul3A_511 = arith.constant 128 : i32
        %mul3A_512 = arith.muli %select_n3A_510, %mul3A_511 : i32
        %dma_start3A = arith.constant 0 : i32
        %dma_start3A_513 = tpu.memref_slice %arg10[%mul3A_512, %dma_start3A] : memref<512x32xf32, #tpu.memory_space<vmem>> -> memref<128x32xf32, #tpu.memory_space<vmem>>
        %dma_start3A_514 = tpu.memref_slice %arg7[%add3A_493] : memref<2048xi32, #tpu.memory_space<vmem>> -> memref<128xi32, #tpu.memory_space<vmem>>
        %dma_start3A_515 = arith.constant 0 : i32
        %dma_start3A_516 = arith.constant 0 : i32
        %dma_start3A_517 = tpu.memref_slice %arg2[%dma_start3A_515, %dma_start3A_516] : memref<1000000x32xf32, #tpu.memory_space<hbm>> -> memref<1000000x32xf32, #tpu.memory_space<hbm>>
        tpu.enqueue_indirect_dma source(%dma_start3A_517 : memref<1000000x32xf32, #tpu.memory_space<hbm>>) target(%dma_start3A_513 : memref<128x32xf32, #tpu.memory_space<vmem>>) offsets(%dma_start3A_514 : memref<128xi32, #tpu.memory_space<vmem>>) semaphore(%arg13 : memref<!tpu.dma_semaphore, #tpu.memory_space<semaphore_mem>>)
      } else {
      }
      %gt3A_425 = arith.constant 2 : i32
      %gt3A_426 = arith.cmpi sgt, %mul3A_257, %gt3A_425 : i32
      %convert_element_type3A_427 = arith.extui %gt3A_426 : i1 to i32
      %cond3A_428 = arith.constant 0 : i32
      %cond3A_429 = arith.cmpi ne, %convert_element_type3A_427, %cond3A_428 : i32
      scf.if %cond3A_429 {
        %jit3A_430 = arith.constant 2 : i32
        %jit3A_431 = arith.constant 8 : i32
        %div3A_432 = arith.divsi %jit3A_430, %jit3A_431 : i32
        %sign3A_433 = arith.constant 0 : i32
        %sign3A_434 = arith.cmpi sgt, %jit3A_430, %sign3A_433 : i32
        %sign3A_435 = arith.extui %sign3A_434 : i1 to i32
        %sign3A_436 = arith.constant 0 : i32
        %sign3A_437 = arith.cmpi slt, %jit3A_430, %sign3A_436 : i32
        %sign3A_438 = arith.extui %sign3A_437 : i1 to i32
        %sign3A_439 = arith.subi %sign3A_435, %sign3A_438 : i32
        %sign3A_440 = arith.constant 0 : i32
        %sign3A_441 = arith.cmpi sgt, %jit3A_431, %sign3A_440 : i32
        %sign3A_442 = arith.extui %sign3A_441 : i1 to i32
        %sign3A_443 = arith.constant 0 : i32
        %sign3A_444 = arith.cmpi slt, %jit3A_431, %sign3A_443 : i32
        %sign3A_445 = arith.extui %sign3A_444 : i1 to i32
        %sign3A_446 = arith.subi %sign3A_442, %sign3A_445 : i32
        %ne3A_447 = arith.cmpi ne, %sign3A_439, %sign3A_446 : i32
        %rem3A_448 = arith.remsi %jit3A_430, %jit3A_431 : i32
        %ne3A_449 = arith.constant 0 : i32
        %ne3A_450 = arith.cmpi ne, %rem3A_448, %ne3A_449 : i32
        %and3A_451 = arith.andi %ne3A_447, %ne3A_450 : i1
        %sub3A_452 = arith.constant 1 : i32
        %sub3A_453 = arith.subi %div3A_432, %sub3A_452 : i32
        %select_n3A_454 = arith.select %and3A_451, %sub3A_453, %div3A_432 : i32
        %jit3A_455 = arith.constant 2 : i32
        %eq3A_456 = arith.constant 0 : i32
        %eq3A_457 = arith.cmpi eq, %jit3A_455, %eq3A_456 : i32
        %jit3A_458 = arith.constant 1 : i32
        %select_n3A_459 = arith.select %eq3A_457, %jit3A_458, %jit3A_455 : i32
        %rem3A_460 = arith.remsi %select_n3A_454, %select_n3A_459 : i32
        %ne3A_461 = arith.constant 0 : i32
        %ne3A_462 = arith.cmpi ne, %rem3A_460, %ne3A_461 : i32
        %lt3A = arith.constant 0 : i32
        %lt3A_463 = arith.cmpi slt, %rem3A_460, %lt3A : i32
        %lt3A_464 = arith.constant 0 : i32
        %lt3A_465 = arith.cmpi slt, %select_n3A_459, %lt3A_464 : i32
        %ne3A_466 = arith.xori %lt3A_463, %lt3A_465 : i1
        %and3A_467 = arith.andi %ne3A_466, %ne3A_462 : i1
        %add3A_468 = arith.addi %rem3A_460, %select_n3A_459 : i32
        %select_n3A_469 = arith.select %and3A_467, %add3A_468, %rem3A_460 : i32
        %mul3A_470 = arith.constant 8 : i32
        %mul3A_471 = arith.muli %select_n3A_469, %mul3A_470 : i32
        %mul3A_472 = arith.constant 128 : i32
        %mul3A_473 = arith.muli %mul3A_471, %mul3A_472 : i32
        %jit3A_474 = arith.constant 2 : i32
        %jit3A_475 = arith.constant 8 : i32
        %eq3A_476 = arith.constant 0 : i32
        %eq3A_477 = arith.cmpi eq, %jit3A_475, %eq3A_476 : i32
        %jit3A_478 = arith.constant 1 : i32
        %select_n3A_479 = arith.select %eq3A_477, %jit3A_478, %jit3A_475 : i32
        %rem3A_480 = arith.remsi %jit3A_474, %select_n3A_479 : i32
        %ne3A_481 = arith.constant 0 : i32
        %ne3A_482 = arith.cmpi ne, %rem3A_480, %ne3A_481 : i32
        %lt3A_483 = arith.constant 0 : i32
        %lt3A_484 = arith.cmpi slt, %rem3A_480, %lt3A_483 : i32
        %lt3A_485 = arith.constant 0 : i32
        %lt3A_486 = arith.cmpi slt, %select_n3A_479, %lt3A_485 : i32
        %ne3A_487 = arith.xori %lt3A_484, %lt3A_486 : i1
        %and3A_488 = arith.andi %ne3A_487, %ne3A_482 : i1
        %add3A_489 = arith.addi %rem3A_480, %select_n3A_479 : i32
        %select_n3A_490 = arith.select %and3A_488, %add3A_489, %rem3A_480 : i32
        %mul3A_491 = arith.constant 128 : i32
        %mul3A_492 = arith.muli %select_n3A_490, %mul3A_491 : i32
        %add3A_493 = arith.addi %mul3A_473, %mul3A_492 : i32
        %jit3A_494 = arith.constant 2 : i32
        %jit3A_495 = arith.constant 4 : i32
        %eq3A_496 = arith.constant 0 : i32
        %eq3A_497 = arith.cmpi eq, %jit3A_495, %eq3A_496 : i32
        %jit3A_498 = arith.constant 1 : i32
        %select_n3A_499 = arith.select %eq3A_497, %jit3A_498, %jit3A_495 : i32
        %rem3A_500 = arith.remsi %jit3A_494, %select_n3A_499 : i32
        %ne3A_501 = arith.constant 0 : i32
        %ne3A_502 = arith.cmpi ne, %rem3A_500, %ne3A_501 : i32
        %lt3A_503 = arith.constant 0 : i32
        %lt3A_504 = arith.cmpi slt, %rem3A_500, %lt3A_503 : i32
        %lt3A_505 = arith.constant 0 : i32
        %lt3A_506 = arith.cmpi slt, %select_n3A_499, %lt3A_505 : i32
        %ne3A_507 = arith.xori %lt3A_504, %lt3A_506 : i1
        %and3A_508 = arith.andi %ne3A_507, %ne3A_502 : i1
        %add3A_509 = arith.addi %rem3A_500, %select_n3A_499 : i32
        %select_n3A_510 = arith.select %and3A_508, %add3A_509, %rem3A_500 : i32
        %mul3A_511 = arith.constant 128 : i32
        %mul3A_512 = arith.muli %select_n3A_510, %mul3A_511 : i32
        %dma_start3A = arith.constant 0 : i32
        %dma_start3A_513 = tpu.memref_slice %arg10[%mul3A_512, %dma_start3A] : memref<512x32xf32, #tpu.memory_space<vmem>> -> memref<128x32xf32, #tpu.memory_space<vmem>>
        %dma_start3A_514 = tpu.memref_slice %arg7[%add3A_493] : memref<2048xi32, #tpu.memory_space<vmem>> -> memref<128xi32, #tpu.memory_space<vmem>>
        %dma_start3A_515 = arith.constant 0 : i32
        %dma_start3A_516 = arith.constant 0 : i32
        %dma_start3A_517 = tpu.memref_slice %arg2[%dma_start3A_515, %dma_start3A_516] : memref<1000000x32xf32, #tpu.memory_space<hbm>> -> memref<1000000x32xf32, #tpu.memory_space<hbm>>
        tpu.enqueue_indirect_dma source(%dma_start3A_517 : memref<1000000x32xf32, #tpu.memory_space<hbm>>) target(%dma_start3A_513 : memref<128x32xf32, #tpu.memory_space<vmem>>) offsets(%dma_start3A_514 : memref<128xi32, #tpu.memory_space<vmem>>) semaphore(%arg13 : memref<!tpu.dma_semaphore, #tpu.memory_space<semaphore_mem>>)
      } else {
      }
    } else {
    }
    %while3A = arith.constant 0 : i32
    %while3A_260 = arith.constant 0 : i32
    %while3A_261 = arith.subi %mul3A_257, %while3A_260 : i32
    %while3A_262 = arith.addi %while3A_260, %while3A_261 : i32
    %while3A_263 = arith.constant 1 : i32
    %while3A_264 = arith.divsi %while3A_261, %while3A_263 : i32
    %while3A_265 = arith.muli %while3A_264, %while3A_263 : i32
    %while3A_266 = arith.addi %while3A_260, %while3A_265 : i32
    %while3A_267 = arith.constant 1 : i32
    scf.for %while3A_405 = %while3A_260 to %while3A_266 step %while3A_267  : i32 {
      %jit3A_406 = arith.constant 8 : i32
      %div3A_407 = arith.divsi %while3A_405, %jit3A_406 : i32
      %sign3A_408 = arith.constant 0 : i32
      %sign3A_409 = arith.cmpi sgt, %while3A_405, %sign3A_408 : i32
      %sign3A_410 = arith.extui %sign3A_409 : i1 to i32
      %sign3A_411 = arith.constant 0 : i32
      %sign3A_412 = arith.cmpi slt, %while3A_405, %sign3A_411 : i32
      %sign3A_413 = arith.extui %sign3A_412 : i1 to i32
      %sign3A_414 = arith.subi %sign3A_410, %sign3A_413 : i32
      %sign3A_415 = arith.constant 0 : i32
      %sign3A_416 = arith.cmpi sgt, %jit3A_406, %sign3A_415 : i32
      %sign3A_417 = arith.extui %sign3A_416 : i1 to i32
      %sign3A_418 = arith.constant 0 : i32
      %sign3A_419 = arith.cmpi slt, %jit3A_406, %sign3A_418 : i32
      %sign3A_420 = arith.extui %sign3A_419 : i1 to i32
      %sign3A_421 = arith.subi %sign3A_417, %sign3A_420 : i32
      %ne3A_422 = arith.cmpi ne, %sign3A_414, %sign3A_421 : i32
      %rem3A_423 = arith.remsi %while3A_405, %jit3A_406 : i32
      %ne3A_424 = arith.constant 0 : i32
      %ne3A_425 = arith.cmpi ne, %rem3A_423, %ne3A_424 : i32
      %and3A_426 = arith.andi %ne3A_422, %ne3A_425 : i1
      %sub3A_427 = arith.constant 1 : i32
      %sub3A_428 = arith.subi %div3A_407, %sub3A_427 : i32
      %select_n3A_429 = arith.select %and3A_426, %sub3A_428, %div3A_407 : i32
      %jit3A_430 = arith.constant 8 : i32
      %eq3A_431 = arith.constant 0 : i32
      %eq3A_432 = arith.cmpi eq, %jit3A_430, %eq3A_431 : i32
      %jit3A_433 = arith.constant 1 : i32
      %select_n3A_434 = arith.select %eq3A_432, %jit3A_433, %jit3A_430 : i32
      %rem3A_435 = arith.remsi %while3A_405, %select_n3A_434 : i32
      %ne3A_436 = arith.constant 0 : i32
      %ne3A_437 = arith.cmpi ne, %rem3A_435, %ne3A_436 : i32
      %lt3A = arith.constant 0 : i32
      %lt3A_438 = arith.cmpi slt, %rem3A_435, %lt3A : i32
      %lt3A_439 = arith.constant 0 : i32
      %lt3A_440 = arith.cmpi slt, %select_n3A_434, %lt3A_439 : i32
      %ne3A_441 = arith.xori %lt3A_438, %lt3A_440 : i1
      %and3A_442 = arith.andi %ne3A_441, %ne3A_437 : i1
      %add3A_443 = arith.addi %rem3A_435, %select_n3A_434 : i32
      %select_n3A_444 = arith.select %and3A_442, %add3A_443, %rem3A_435 : i32
      %jit3A_445 = arith.constant 2 : i32
      %eq3A_446 = arith.constant 0 : i32
      %eq3A_447 = arith.cmpi eq, %jit3A_445, %eq3A_446 : i32
      %jit3A_448 = arith.constant 1 : i32
      %select_n3A_449 = arith.select %eq3A_447, %jit3A_448, %jit3A_445 : i32
      %rem3A_450 = arith.remsi %select_n3A_429, %select_n3A_449 : i32
      %ne3A_451 = arith.constant 0 : i32
      %ne3A_452 = arith.cmpi ne, %rem3A_450, %ne3A_451 : i32
      %lt3A_453 = arith.constant 0 : i32
      %lt3A_454 = arith.cmpi slt, %rem3A_450, %lt3A_453 : i32
      %lt3A_455 = arith.constant 0 : i32
      %lt3A_456 = arith.cmpi slt, %select_n3A_449, %lt3A_455 : i32
      %ne3A_457 = arith.xori %lt3A_454, %lt3A_456 : i1
      %and3A_458 = arith.andi %ne3A_457, %ne3A_452 : i1
      %add3A_459 = arith.addi %rem3A_450, %select_n3A_449 : i32
      %select_n3A_460 = arith.select %and3A_458, %add3A_459, %rem3A_450 : i32
      %eq3A_461 = arith.constant 0 : i32
      %eq3A_462 = arith.cmpi eq, %select_n3A_444, %eq3A_461 : i32
      %add3A_463 = arith.constant 1 : i32
      %add3A_464 = arith.addi %select_n3A_429, %add3A_463 : i32
      %lt3A_465 = arith.cmpi slt, %add3A_464, %max3A_196 : i32
      %and3A_466 = arith.andi %eq3A_462, %lt3A_465 : i1
      %convert_element_type3A_467 = arith.extui %and3A_466 : i1 to i32
      %cond3A_468 = arith.constant 0 : i32
      %cond3A_469 = arith.cmpi ne, %convert_element_type3A_467, %cond3A_468 : i32
      scf.if %cond3A_469 {
        %add3A_536 = arith.constant 1 : i32
        %add3A_537 = arith.addi %select_n3A_429, %add3A_536 : i32
        %mul3A_538 = arith.constant 8 : i32
        %mul3A_539 = arith.muli %add3A_537, %mul3A_538 : i32
        %add3A_540 = arith.addi %add3A_166, %mul3A_539 : i32
        %multiple_of3A = tpu.assume_multiple %add3A_540, 8 : i32
        %sub3A_541 = arith.constant 1 : i32
        %sub3A_542 = arith.subi %sub3A_541, %select_n3A_460 : i32
        %mul3A_543 = arith.constant 128 : i32
        %mul3A_544 = arith.muli %multiple_of3A, %mul3A_543 : i32
        %mul3A_545 = arith.constant 8 : i32
        %mul3A_546 = arith.muli %sub3A_542, %mul3A_545 : i32
        %mul3A_547 = arith.constant 128 : i32
        %mul3A_548 = arith.muli %mul3A_546, %mul3A_547 : i32
        %dma_start3A_549 = tpu.memref_slice %arg7[%mul3A_548] : memref<2048xi32, #tpu.memory_space<vmem>> -> memref<1024xi32, #tpu.memory_space<vmem>>
        %dma_start3A_550 = tpu.memref_slice %arg3[%mul3A_544] : memref<1064960xi32, #tpu.memory_space<hbm>> -> memref<1024xi32, #tpu.memory_space<hbm>>
        %dma_start3A_551 = tpu.memref_slice %arg7[%mul3A_548] : memref<2048xi32, #tpu.memory_space<vmem>> -> memref<1024xi32, #tpu.memory_space<vmem>>
        %dma_start3A_552 = tpu.memref_slice %arg3[%mul3A_544] : memref<1064960xi32, #tpu.memory_space<hbm>> -> memref<1024xi32, #tpu.memory_space<hbm>>
        tpu.enqueue_dma source(%dma_start3A_552 : memref<1024xi32, #tpu.memory_space<hbm>>) target(%dma_start3A_551 : memref<1024xi32, #tpu.memory_space<vmem>>) target_semaphore(%arg15 : memref<!tpu.dma_semaphore, #tpu.memory_space<semaphore_mem>>)
        %mul3A_553 = arith.constant 128 : i32
        %mul3A_554 = arith.muli %multiple_of3A, %mul3A_553 : i32
        %mul3A_555 = arith.constant 8 : i32
        %mul3A_556 = arith.muli %sub3A_542, %mul3A_555 : i32
        %mul3A_557 = arith.constant 128 : i32
        %mul3A_558 = arith.muli %mul3A_556, %mul3A_557 : i32
        %dma_start3A_559 = tpu.memref_slice %arg8[%mul3A_558] : memref<2048xi32, #tpu.memory_space<vmem>> -> memref<1024xi32, #tpu.memory_space<vmem>>
        %dma_start3A_560 = tpu.memref_slice %arg4[%mul3A_554] : memref<1064960xi32, #tpu.memory_space<hbm>> -> memref<1024xi32, #tpu.memory_space<hbm>>
        %dma_start3A_561 = tpu.memref_slice %arg8[%mul3A_558] : memref<2048xi32, #tpu.memory_space<vmem>> -> memref<1024xi32, #tpu.memory_space<vmem>>
        %dma_start3A_562 = tpu.memref_slice %arg4[%mul3A_554] : memref<1064960xi32, #tpu.memory_space<hbm>> -> memref<1024xi32, #tpu.memory_space<hbm>>
        tpu.enqueue_dma source(%dma_start3A_562 : memref<1024xi32, #tpu.memory_space<hbm>>) target(%dma_start3A_561 : memref<1024xi32, #tpu.memory_space<vmem>>) target_semaphore(%arg15 : memref<!tpu.dma_semaphore, #tpu.memory_space<semaphore_mem>>)
      } else {
      }
      %eq3A_470 = arith.constant 0 : i32
      %eq3A_471 = arith.cmpi eq, %select_n3A_444, %eq3A_470 : i32
      %gt3A_472 = arith.constant 0 : i32
      %gt3A_473 = arith.cmpi sgt, %select_n3A_429, %gt3A_472 : i32
      %and3A_474 = arith.andi %eq3A_471, %gt3A_473 : i1
      %convert_element_type3A_475 = arith.extui %and3A_474 : i1 to i32
      %cond3A_476 = arith.constant 0 : i32
      %cond3A_477 = arith.cmpi ne, %convert_element_type3A_475, %cond3A_476 : i32
      scf.if %cond3A_477 {
        %mul3A_536 = arith.constant 8 : i32
        %mul3A_537 = arith.muli %select_n3A_429, %mul3A_536 : i32
        %add3A_538 = arith.addi %add3A_166, %mul3A_537 : i32
        %mul3A_539 = arith.constant 8 : i32
        %mul3A_540 = arith.muli %select_n3A_460, %mul3A_539 : i32
        %mul3A_541 = arith.constant 128 : i32
        %mul3A_542 = arith.muli %mul3A_540, %mul3A_541 : i32
        %scan3A_543 = arith.constant 0 : i32
        %scan3A_544 = arith.constant 0 : i32
        %scan3A_545 = arith.constant 64 : i32
        %scan3A_546 = arith.addi %scan3A_544, %scan3A_545 : i32
        %scan3A_547 = arith.constant 1 : i32
        scf.for %scan3A_549 = %scan3A_544 to %scan3A_546 step %scan3A_547  : i32 {
          %shift_right_arithmetic3A = arith.constant 3 : i32
          %shift_right_arithmetic3A_550 = arith.shrsi %scan3A_549, %shift_right_arithmetic3A : i32
          %and3A_551 = arith.constant 7 : i32
          %and3A_552 = arith.andi %scan3A_549, %and3A_551 : i32
          %mul3A_553 = arith.constant 16 : i32
          %mul3A_554 = arith.muli %scan3A_549, %mul3A_553 : i32
          %add3A_555 = arith.addi %mul3A_542, %mul3A_554 : i32
          %get3A_556 = arith.index_cast %add3A_555 : i32 to index
          %get3A_557 = tpu.vector_load %arg8[%get3A_556] {strides = array<i32>} : memref<2048xi32, #tpu.memory_space<vmem>>, vector<16xi32>,
          %get3A_558 = vector.shape_cast %get3A_557 : vector<16xi32> to vector<16xi32>
          %add3A_559 = arith.addi %add3A_538, %shift_right_arithmetic3A_550 : i32
          %lt3A_560 = arith.cmpi slt, %add3A_559, %min3A_168 : i32
          %jit3A_561 = arith.constant 0 : i32
          %jit3A_562 = arith.constant 268435456 : i32
          %select_n3A_563 = arith.select %lt3A_560, %jit3A_561, %jit3A_562 : i32
          %sub3A_564 = arith.subi %select_n3A_563, %mul3A_12 : i32
          %add3A_565 = vector.broadcast %sub3A_564 : i32 to vector<16xi32>
          %add3A_566 = arith.addi %get3A_558, %add3A_565 : vector<16xi32>
          %ge3A_567 = arith.constant 0 : i32
          %ge3A_568 = vector.broadcast %ge3A_567 : i32 to vector<16xi32>
          %ge3A_569 = arith.cmpi sge, %add3A_566, %ge3A_568 : vector<16xi32>
          %lt3A_570 = arith.constant 53248 : i32
          %lt3A_571 = vector.broadcast %lt3A_570 : i32 to vector<16xi32>
          %lt3A_572 = arith.cmpi slt, %add3A_566, %lt3A_571 : vector<16xi32>
          %and3A_573 = arith.andi %ge3A_569, %lt3A_572 : vector<16xi1>
          %jit3A_574 = arith.constant 53248 : i32
          %broadcast_in_dim3A = vector.broadcast %jit3A_574 : i32 to vector<16xi32>
          %select_n3A_575 = arith.select %and3A_573, %add3A_566, %broadcast_in_dim3A : vector<16xi1>, vector<16xi32>
          %mul3A_576 = arith.constant 8 : i32
          %mul3A_577 = arith.muli %select_n3A_460, %mul3A_576 : i32
          %add3A_578 = arith.addi %mul3A_577, %shift_right_arithmetic3A_550 : i32
          %mul3A_579 = arith.constant 16 : i32
          %mul3A_580 = arith.muli %and3A_552, %mul3A_579 : i32
          %swap3A = arith.index_cast %add3A_578 : i32 to index
          %swap3A_581 = arith.index_cast %mul3A_580 : i32 to index
          %swap3A_582 = tpu.vector_load %arg9[%swap3A, %swap3A_581] {strides = array<i32>} : memref<16x128xi32, #tpu.memory_space<vmem>>, vector<1x16xi32>,
          %swap3A_583 = vector.shape_cast %swap3A_582 : vector<1x16xi32> to vector<16xi32>
          %swap3A_584 = vector.shape_cast %select_n3A_575 : vector<16xi32> to vector<1x16xi32>
          tpu.vector_store %arg9[%swap3A, %swap3A_581], %swap3A_584 {strides = array<i32>} : memref<16x128xi32, #tpu.memory_space<vmem>>, vector<1x16xi32>,
        }
        %scan3A_548 = arith.constant 64 : i32
      } else {
      }
      %eq3A_478 = arith.constant 4 : i32
      %eq3A_479 = arith.cmpi eq, %select_n3A_444, %eq3A_478 : i32
      %add3A_480 = arith.constant 1 : i32
      %add3A_481 = arith.addi %select_n3A_429, %add3A_480 : i32
      %lt3A_482 = arith.cmpi slt, %add3A_481, %max3A_196 : i32
      %and3A_483 = arith.andi %eq3A_479, %lt3A_482 : i1
      %convert_element_type3A_484 = arith.extui %and3A_483 : i1 to i32
      %cond3A_485 = arith.constant 0 : i32
      %cond3A_486 = arith.cmpi ne, %convert_element_type3A_484, %cond3A_485 : i32
      scf.if %cond3A_486 {
        %dma_wait3A_536 = arith.constant 0 : i32
        %dma_wait3A_537 = tpu.memref_slice %arg7[%dma_wait3A_536] : memref<2048xi32, #tpu.memory_space<vmem>> -> memref<1024xi32, #tpu.memory_space<vmem>>
        %dma_wait3A_538 = arith.constant 0 : i32
        %dma_wait3A_539 = tpu.memref_slice %arg3[%dma_wait3A_538] : memref<1064960xi32, #tpu.memory_space<hbm>> -> memref<1024xi32, #tpu.memory_space<hbm>>
        %dma_wait3A_540 = arith.constant 0 : i32
        %dma_wait3A_541 = tpu.memref_slice %arg7[%dma_wait3A_540] : memref<2048xi32, #tpu.memory_space<vmem>> -> memref<1024xi32, #tpu.memory_space<vmem>>
        %dma_wait3A_542 = arith.constant 0 : i32
        %dma_wait3A_543 = tpu.memref_slice %arg3[%dma_wait3A_542] : memref<1064960xi32, #tpu.memory_space<hbm>> -> memref<1024xi32, #tpu.memory_space<hbm>>
        tpu.wait_dma2 semaphore(%arg15 : memref<!tpu.dma_semaphore, #tpu.memory_space<semaphore_mem>>) src(%dma_wait3A_543 : memref<1024xi32, #tpu.memory_space<hbm>>) dst(%dma_wait3A_541 : memref<1024xi32, #tpu.memory_space<vmem>>)
        %dma_wait3A_544 = arith.constant 0 : i32
        %dma_wait3A_545 = tpu.memref_slice %arg8[%dma_wait3A_544] : memref<2048xi32, #tpu.memory_space<vmem>> -> memref<1024xi32, #tpu.memory_space<vmem>>
        %dma_wait3A_546 = arith.constant 0 : i32
        %dma_wait3A_547 = tpu.memref_slice %arg4[%dma_wait3A_546] : memref<1064960xi32, #tpu.memory_space<hbm>> -> memref<1024xi32, #tpu.memory_space<hbm>>
        %dma_wait3A_548 = arith.constant 0 : i32
        %dma_wait3A_549 = tpu.memref_slice %arg8[%dma_wait3A_548] : memref<2048xi32, #tpu.memory_space<vmem>> -> memref<1024xi32, #tpu.memory_space<vmem>>
        %dma_wait3A_550 = arith.constant 0 : i32
        %dma_wait3A_551 = tpu.memref_slice %arg4[%dma_wait3A_550] : memref<1064960xi32, #tpu.memory_space<hbm>> -> memref<1024xi32, #tpu.memory_space<hbm>>
        tpu.wait_dma2 semaphore(%arg15 : memref<!tpu.dma_semaphore, #tpu.memory_space<semaphore_mem>>) src(%dma_wait3A_551 : memref<1024xi32, #tpu.memory_space<hbm>>) dst(%dma_wait3A_549 : memref<1024xi32, #tpu.memory_space<vmem>>)
      } else {
      }
      %dma_wait3A = arith.constant 0 : i32
      %dma_wait3A_487 = arith.constant 0 : i32
      %dma_wait3A_488 = tpu.memref_slice %arg10[%dma_wait3A, %dma_wait3A_487] : memref<512x32xf32, #tpu.memory_space<vmem>> -> memref<128x32xf32, #tpu.memory_space<vmem>>
      %dma_wait3A_489 = arith.constant 0 : i32
      %dma_wait3A_490 = arith.constant 0 : i32
      %dma_wait3A_491 = tpu.memref_slice %arg2[%dma_wait3A_489, %dma_wait3A_490] : memref<1000000x32xf32, #tpu.memory_space<hbm>> -> memref<128x32xf32, #tpu.memory_space<hbm>>
      %dma_wait3A_492 = arith.constant 0 : i32
      %dma_wait3A_493 = arith.constant 0 : i32
      %dma_wait3A_494 = tpu.memref_slice %arg10[%dma_wait3A_492, %dma_wait3A_493] : memref<512x32xf32, #tpu.memory_space<vmem>> -> memref<128x32xf32, #tpu.memory_space<vmem>>
      %dma_wait3A_495 = arith.constant 0 : i32
      %dma_wait3A_496 = arith.constant 0 : i32
      %dma_wait3A_497 = tpu.memref_slice %arg2[%dma_wait3A_495, %dma_wait3A_496] : memref<1000000x32xf32, #tpu.memory_space<hbm>> -> memref<128x32xf32, #tpu.memory_space<hbm>>
      tpu.wait_dma2 semaphore(%arg13 : memref<!tpu.dma_semaphore, #tpu.memory_space<semaphore_mem>>) src(%dma_wait3A_497 : memref<128x32xf32, #tpu.memory_space<hbm>>) dst(%dma_wait3A_494 : memref<128x32xf32, #tpu.memory_space<vmem>>)
      %jit3A_498 = arith.constant 4 : i32
      %eq3A_499 = arith.constant 0 : i32
      %eq3A_500 = arith.cmpi eq, %jit3A_498, %eq3A_499 : i32
      %jit3A_501 = arith.constant 1 : i32
      %select_n3A_502 = arith.select %eq3A_500, %jit3A_501, %jit3A_498 : i32
      %rem3A_503 = arith.remsi %while3A_405, %select_n3A_502 : i32
      %ne3A_504 = arith.constant 0 : i32
      %ne3A_505 = arith.cmpi ne, %rem3A_503, %ne3A_504 : i32
      %lt3A_506 = arith.constant 0 : i32
      %lt3A_507 = arith.cmpi slt, %rem3A_503, %lt3A_506 : i32
      %lt3A_508 = arith.constant 0 : i32
      %lt3A_509 = arith.cmpi slt, %select_n3A_502, %lt3A_508 : i32
      %ne3A_510 = arith.xori %lt3A_507, %lt3A_509 : i1
      %and3A_511 = arith.andi %ne3A_510, %ne3A_505 : i1
      %add3A_512 = arith.addi %rem3A_503, %select_n3A_502 : i32
      %select_n3A_513 = arith.select %and3A_511, %add3A_512, %rem3A_503 : i32
      %mul3A_514 = arith.constant 128 : i32
      %mul3A_515 = arith.muli %select_n3A_513, %mul3A_514 : i32
      %mul3A_516 = arith.constant 8 : i32
      %mul3A_517 = arith.muli %select_n3A_460, %mul3A_516 : i32
      %add3A_518 = arith.addi %mul3A_517, %select_n3A_444 : i32
      %dma_start3A = arith.constant 0 : i32
      %dma_start3A_519 = tpu.memref_slice %arg10[%mul3A_515, %dma_start3A] : memref<512x32xf32, #tpu.memory_space<vmem>> -> memref<128x32xf32, #tpu.memory_space<vmem>>
      %dma_start3A_520 = arith.constant 0 : i32
      %dma_start3A_521 = tpu.memref_slice %arg9[%add3A_518, %dma_start3A_520] : memref<16x128xi32, #tpu.memory_space<vmem>> -> memref<1x128xi32, #tpu.memory_space<vmem>>
      %dma_start3A_522 = tpu.memref_squeeze %dma_start3A_521 : memref<1x128xi32, #tpu.memory_space<vmem>> -> memref<128xi32, #tpu.memory_space<vmem>>
      %dma_start3A_523 = arith.constant 0 : i32
      %dma_start3A_524 = arith.constant 0 : i32
      %dma_start3A_525 = tpu.memref_slice %arg12[%dma_start3A_523, %dma_start3A_524] : memref<53256x32xf32, #tpu.memory_space<vmem_shared>> -> memref<53256x32xf32, #tpu.memory_space<vmem_shared>>
      tpu.enqueue_indirect_dma source(%dma_start3A_519 : memref<128x32xf32, #tpu.memory_space<vmem>>) target(%dma_start3A_525 : memref<53256x32xf32, #tpu.memory_space<vmem_shared>>) offsets(%dma_start3A_522 : memref<128xi32, #tpu.memory_space<vmem>>) semaphore(%arg14 : memref<!tpu.dma_semaphore, #tpu.memory_space<semaphore_mem>>) {add = true}
      %ge3A = arith.constant 1 : i32
      %ge3A_526 = arith.cmpi sge, %while3A_405, %ge3A : i32
      %convert_element_type3A_527 = arith.extui %ge3A_526 : i1 to i32
      %cond3A_528 = arith.constant 0 : i32
      %cond3A_529 = arith.cmpi ne, %convert_element_type3A_527, %cond3A_528 : i32
      scf.if %cond3A_529 {
        %dma_wait3A_536 = arith.constant 0 : i32
        %dma_wait3A_537 = arith.constant 0 : i32
        %dma_wait3A_538 = tpu.memref_slice %arg10[%dma_wait3A_536, %dma_wait3A_537] : memref<512x32xf32, #tpu.memory_space<vmem>> -> memref<128x32xf32, #tpu.memory_space<vmem>>
        %dma_wait3A_539 = arith.constant 0 : i32
        %dma_wait3A_540 = arith.constant 0 : i32
        %dma_wait3A_541 = tpu.memref_slice %arg2[%dma_wait3A_539, %dma_wait3A_540] : memref<1000000x32xf32, #tpu.memory_space<hbm>> -> memref<128x32xf32, #tpu.memory_space<hbm>>
        %dma_wait3A_542 = arith.constant 0 : i32
        %dma_wait3A_543 = arith.constant 0 : i32
        %dma_wait3A_544 = tpu.memref_slice %arg10[%dma_wait3A_542, %dma_wait3A_543] : memref<512x32xf32, #tpu.memory_space<vmem>> -> memref<128x32xf32, #tpu.memory_space<vmem>>
        %dma_wait3A_545 = arith.constant 0 : i32
        %dma_wait3A_546 = arith.constant 0 : i32
        %dma_wait3A_547 = tpu.memref_slice %arg2[%dma_wait3A_545, %dma_wait3A_546] : memref<1000000x32xf32, #tpu.memory_space<hbm>> -> memref<128x32xf32, #tpu.memory_space<hbm>>
        tpu.wait_dma2 semaphore(%arg14 : memref<!tpu.dma_semaphore, #tpu.memory_space<semaphore_mem>>) src(%dma_wait3A_547 : memref<128x32xf32, #tpu.memory_space<hbm>>) dst(%dma_wait3A_544 : memref<128x32xf32, #tpu.memory_space<vmem>>)
      } else {
      }
      %add3A_530 = arith.constant 3 : i32
      %add3A_531 = arith.addi %while3A_405, %add3A_530 : i32
      %lt3A_532 = arith.cmpi slt, %add3A_531, %mul3A_257 : i32
      %convert_element_type3A_533 = arith.extui %lt3A_532 : i1 to i32
      %cond3A_534 = arith.constant 0 : i32
      %cond3A_535 = arith.cmpi ne, %convert_element_type3A_533, %cond3A_534 : i32
      scf.if %cond3A_535 {
        %add3A_536 = arith.constant 3 : i32
        %add3A_537 = arith.addi %while3A_405, %add3A_536 : i32
        %jit3A_538 = arith.constant 8 : i32
        %div3A_539 = arith.divsi %add3A_537, %jit3A_538 : i32
        %sign3A_540 = arith.constant 0 : i32
        %sign3A_541 = arith.cmpi sgt, %add3A_537, %sign3A_540 : i32
        %sign3A_542 = arith.extui %sign3A_541 : i1 to i32
        %sign3A_543 = arith.constant 0 : i32
        %sign3A_544 = arith.cmpi slt, %add3A_537, %sign3A_543 : i32
        %sign3A_545 = arith.extui %sign3A_544 : i1 to i32
        %sign3A_546 = arith.subi %sign3A_542, %sign3A_545 : i32
        %sign3A_547 = arith.constant 0 : i32
        %sign3A_548 = arith.cmpi sgt, %jit3A_538, %sign3A_547 : i32
        %sign3A_549 = arith.extui %sign3A_548 : i1 to i32
        %sign3A_550 = arith.constant 0 : i32
        %sign3A_551 = arith.cmpi slt, %jit3A_538, %sign3A_550 : i32
        %sign3A_552 = arith.extui %sign3A_551 : i1 to i32
        %sign3A_553 = arith.subi %sign3A_549, %sign3A_552 : i32
        %ne3A_554 = arith.cmpi ne, %sign3A_546, %sign3A_553 : i32
        %rem3A_555 = arith.remsi %add3A_537, %jit3A_538 : i32
        %ne3A_556 = arith.constant 0 : i32
        %ne3A_557 = arith.cmpi ne, %rem3A_555, %ne3A_556 : i32
        %and3A_558 = arith.andi %ne3A_554, %ne3A_557 : i1
        %sub3A_559 = arith.constant 1 : i32
        %sub3A_560 = arith.subi %div3A_539, %sub3A_559 : i32
        %select_n3A_561 = arith.select %and3A_558, %sub3A_560, %div3A_539 : i32
        %jit3A_562 = arith.constant 2 : i32
        %eq3A_563 = arith.constant 0 : i32
        %eq3A_564 = arith.cmpi eq, %jit3A_562, %eq3A_563 : i32
        %jit3A_565 = arith.constant 1 : i32
        %select_n3A_566 = arith.select %eq3A_564, %jit3A_565, %jit3A_562 : i32
        %rem3A_567 = arith.remsi %select_n3A_561, %select_n3A_566 : i32
        %ne3A_568 = arith.constant 0 : i32
        %ne3A_569 = arith.cmpi ne, %rem3A_567, %ne3A_568 : i32
        %lt3A_570 = arith.constant 0 : i32
        %lt3A_571 = arith.cmpi slt, %rem3A_567, %lt3A_570 : i32
        %lt3A_572 = arith.constant 0 : i32
        %lt3A_573 = arith.cmpi slt, %select_n3A_566, %lt3A_572 : i32
        %ne3A_574 = arith.xori %lt3A_571, %lt3A_573 : i1
        %and3A_575 = arith.andi %ne3A_574, %ne3A_569 : i1
        %add3A_576 = arith.addi %rem3A_567, %select_n3A_566 : i32
        %select_n3A_577 = arith.select %and3A_575, %add3A_576, %rem3A_567 : i32
        %mul3A_578 = arith.constant 8 : i32
        %mul3A_579 = arith.muli %select_n3A_577, %mul3A_578 : i32
        %mul3A_580 = arith.constant 128 : i32
        %mul3A_581 = arith.muli %mul3A_579, %mul3A_580 : i32
        %jit3A_582 = arith.constant 8 : i32
        %eq3A_583 = arith.constant 0 : i32
        %eq3A_584 = arith.cmpi eq, %jit3A_582, %eq3A_583 : i32
        %jit3A_585 = arith.constant 1 : i32
        %select_n3A_586 = arith.select %eq3A_584, %jit3A_585, %jit3A_582 : i32
        %rem3A_587 = arith.remsi %add3A_537, %select_n3A_586 : i32
        %ne3A_588 = arith.constant 0 : i32
        %ne3A_589 = arith.cmpi ne, %rem3A_587, %ne3A_588 : i32
        %lt3A_590 = arith.constant 0 : i32
        %lt3A_591 = arith.cmpi slt, %rem3A_587, %lt3A_590 : i32
        %lt3A_592 = arith.constant 0 : i32
        %lt3A_593 = arith.cmpi slt, %select_n3A_586, %lt3A_592 : i32
        %ne3A_594 = arith.xori %lt3A_591, %lt3A_593 : i1
        %and3A_595 = arith.andi %ne3A_594, %ne3A_589 : i1
        %add3A_596 = arith.addi %rem3A_587, %select_n3A_586 : i32
        %select_n3A_597 = arith.select %and3A_595, %add3A_596, %rem3A_587 : i32
        %mul3A_598 = arith.constant 128 : i32
        %mul3A_599 = arith.muli %select_n3A_597, %mul3A_598 : i32
        %add3A_600 = arith.addi %mul3A_581, %mul3A_599 : i32
        %jit3A_601 = arith.constant 4 : i32
        %eq3A_602 = arith.constant 0 : i32
        %eq3A_603 = arith.cmpi eq, %jit3A_601, %eq3A_602 : i32
        %jit3A_604 = arith.constant 1 : i32
        %select_n3A_605 = arith.select %eq3A_603, %jit3A_604, %jit3A_601 : i32
        %rem3A_606 = arith.remsi %add3A_537, %select_n3A_605 : i32
        %ne3A_607 = arith.constant 0 : i32
        %ne3A_608 = arith.cmpi ne, %rem3A_606, %ne3A_607 : i32
        %lt3A_609 = arith.constant 0 : i32
        %lt3A_610 = arith.cmpi slt, %rem3A_606, %lt3A_609 : i32
        %lt3A_611 = arith.constant 0 : i32
        %lt3A_612 = arith.cmpi slt, %select_n3A_605, %lt3A_611 : i32
        %ne3A_613 = arith.xori %lt3A_610, %lt3A_612 : i1
        %and3A_614 = arith.andi %ne3A_613, %ne3A_608 : i1
        %add3A_615 = arith.addi %rem3A_606, %select_n3A_605 : i32
        %select_n3A_616 = arith.select %and3A_614, %add3A_615, %rem3A_606 : i32
        %mul3A_617 = arith.constant 128 : i32
        %mul3A_618 = arith.muli %select_n3A_616, %mul3A_617 : i32
        %dma_start3A_619 = arith.constant 0 : i32
        %dma_start3A_620 = tpu.memref_slice %arg10[%mul3A_618, %dma_start3A_619] : memref<512x32xf32, #tpu.memory_space<vmem>> -> memref<128x32xf32, #tpu.memory_space<vmem>>
        %dma_start3A_621 = tpu.memref_slice %arg7[%add3A_600] : memref<2048xi32, #tpu.memory_space<vmem>> -> memref<128xi32, #tpu.memory_space<vmem>>
        %dma_start3A_622 = arith.constant 0 : i32
        %dma_start3A_623 = arith.constant 0 : i32
        %dma_start3A_624 = tpu.memref_slice %arg2[%dma_start3A_622, %dma_start3A_623] : memref<1000000x32xf32, #tpu.memory_space<hbm>> -> memref<1000000x32xf32, #tpu.memory_space<hbm>>
        tpu.enqueue_indirect_dma source(%dma_start3A_624 : memref<1000000x32xf32, #tpu.memory_space<hbm>>) target(%dma_start3A_620 : memref<128x32xf32, #tpu.memory_space<vmem>>) offsets(%dma_start3A_621 : memref<128xi32, #tpu.memory_space<vmem>>) semaphore(%arg13 : memref<!tpu.dma_semaphore, #tpu.memory_space<semaphore_mem>>)
      } else {
      }
    }
    %while3A_268 = arith.constant 1 : i32
    scf.for %while3A_405 = %while3A_266 to %while3A_262 step %while3A_268  : i32 {
      %jit3A_406 = arith.constant 8 : i32
      %div3A_407 = arith.divsi %while3A_405, %jit3A_406 : i32
      %sign3A_408 = arith.constant 0 : i32
      %sign3A_409 = arith.cmpi sgt, %while3A_405, %sign3A_408 : i32
      %sign3A_410 = arith.extui %sign3A_409 : i1 to i32
      %sign3A_411 = arith.constant 0 : i32
      %sign3A_412 = arith.cmpi slt, %while3A_405, %sign3A_411 : i32
      %sign3A_413 = arith.extui %sign3A_412 : i1 to i32
      %sign3A_414 = arith.subi %sign3A_410, %sign3A_413 : i32
      %sign3A_415 = arith.constant 0 : i32
      %sign3A_416 = arith.cmpi sgt, %jit3A_406, %sign3A_415 : i32
      %sign3A_417 = arith.extui %sign3A_416 : i1 to i32
      %sign3A_418 = arith.constant 0 : i32
      %sign3A_419 = arith.cmpi slt, %jit3A_406, %sign3A_418 : i32
      %sign3A_420 = arith.extui %sign3A_419 : i1 to i32
      %sign3A_421 = arith.subi %sign3A_417, %sign3A_420 : i32
      %ne3A_422 = arith.cmpi ne, %sign3A_414, %sign3A_421 : i32
      %rem3A_423 = arith.remsi %while3A_405, %jit3A_406 : i32
      %ne3A_424 = arith.constant 0 : i32
      %ne3A_425 = arith.cmpi ne, %rem3A_423, %ne3A_424 : i32
      %and3A_426 = arith.andi %ne3A_422, %ne3A_425 : i1
      %sub3A_427 = arith.constant 1 : i32
      %sub3A_428 = arith.subi %div3A_407, %sub3A_427 : i32
      %select_n3A_429 = arith.select %and3A_426, %sub3A_428, %div3A_407 : i32
      %jit3A_430 = arith.constant 8 : i32
      %eq3A_431 = arith.constant 0 : i32
      %eq3A_432 = arith.cmpi eq, %jit3A_430, %eq3A_431 : i32
      %jit3A_433 = arith.constant 1 : i32
      %select_n3A_434 = arith.select %eq3A_432, %jit3A_433, %jit3A_430 : i32
      %rem3A_435 = arith.remsi %while3A_405, %select_n3A_434 : i32
      %ne3A_436 = arith.constant 0 : i32
      %ne3A_437 = arith.cmpi ne, %rem3A_435, %ne3A_436 : i32
      %lt3A = arith.constant 0 : i32
      %lt3A_438 = arith.cmpi slt, %rem3A_435, %lt3A : i32
      %lt3A_439 = arith.constant 0 : i32
      %lt3A_440 = arith.cmpi slt, %select_n3A_434, %lt3A_439 : i32
      %ne3A_441 = arith.xori %lt3A_438, %lt3A_440 : i1
      %and3A_442 = arith.andi %ne3A_441, %ne3A_437 : i1
      %add3A_443 = arith.addi %rem3A_435, %select_n3A_434 : i32
      %select_n3A_444 = arith.select %and3A_442, %add3A_443, %rem3A_435 : i32
      %jit3A_445 = arith.constant 2 : i32
      %eq3A_446 = arith.constant 0 : i32
      %eq3A_447 = arith.cmpi eq, %jit3A_445, %eq3A_446 : i32
      %jit3A_448 = arith.constant 1 : i32
      %select_n3A_449 = arith.select %eq3A_447, %jit3A_448, %jit3A_445 : i32
      %rem3A_450 = arith.remsi %select_n3A_429, %select_n3A_449 : i32
      %ne3A_451 = arith.constant 0 : i32
      %ne3A_452 = arith.cmpi ne, %rem3A_450, %ne3A_451 : i32
      %lt3A_453 = arith.constant 0 : i32
      %lt3A_454 = arith.cmpi slt, %rem3A_450, %lt3A_453 : i32
      %lt3A_455 = arith.constant 0 : i32
      %lt3A_456 = arith.cmpi slt, %select_n3A_449, %lt3A_455 : i32
      %ne3A_457 = arith.xori %lt3A_454, %lt3A_456 : i1
      %and3A_458 = arith.andi %ne3A_457, %ne3A_452 : i1
      %add3A_459 = arith.addi %rem3A_450, %select_n3A_449 : i32
      %select_n3A_460 = arith.select %and3A_458, %add3A_459, %rem3A_450 : i32
      %eq3A_461 = arith.constant 0 : i32
      %eq3A_462 = arith.cmpi eq, %select_n3A_444, %eq3A_461 : i32
      %add3A_463 = arith.constant 1 : i32
      %add3A_464 = arith.addi %select_n3A_429, %add3A_463 : i32
      %lt3A_465 = arith.cmpi slt, %add3A_464, %max3A_196 : i32
      %and3A_466 = arith.andi %eq3A_462, %lt3A_465 : i1
      %convert_element_type3A_467 = arith.extui %and3A_466 : i1 to i32
      %cond3A_468 = arith.constant 0 : i32
      %cond3A_469 = arith.cmpi ne, %convert_element_type3A_467, %cond3A_468 : i32
      scf.if %cond3A_469 {
        %add3A_536 = arith.constant 1 : i32
        %add3A_537 = arith.addi %select_n3A_429, %add3A_536 : i32
        %mul3A_538 = arith.constant 8 : i32
        %mul3A_539 = arith.muli %add3A_537, %mul3A_538 : i32
        %add3A_540 = arith.addi %add3A_166, %mul3A_539 : i32
        %multiple_of3A = tpu.assume_multiple %add3A_540, 8 : i32
        %sub3A_541 = arith.constant 1 : i32
        %sub3A_542 = arith.subi %sub3A_541, %select_n3A_460 : i32
        %mul3A_543 = arith.constant 128 : i32
        %mul3A_544 = arith.muli %multiple_of3A, %mul3A_543 : i32
        %mul3A_545 = arith.constant 8 : i32
        %mul3A_546 = arith.muli %sub3A_542, %mul3A_545 : i32
        %mul3A_547 = arith.constant 128 : i32
        %mul3A_548 = arith.muli %mul3A_546, %mul3A_547 : i32
        %dma_start3A_549 = tpu.memref_slice %arg7[%mul3A_548] : memref<2048xi32, #tpu.memory_space<vmem>> -> memref<1024xi32, #tpu.memory_space<vmem>>
        %dma_start3A_550 = tpu.memref_slice %arg3[%mul3A_544] : memref<1064960xi32, #tpu.memory_space<hbm>> -> memref<1024xi32, #tpu.memory_space<hbm>>
        %dma_start3A_551 = tpu.memref_slice %arg7[%mul3A_548] : memref<2048xi32, #tpu.memory_space<vmem>> -> memref<1024xi32, #tpu.memory_space<vmem>>
        %dma_start3A_552 = tpu.memref_slice %arg3[%mul3A_544] : memref<1064960xi32, #tpu.memory_space<hbm>> -> memref<1024xi32, #tpu.memory_space<hbm>>
        tpu.enqueue_dma source(%dma_start3A_552 : memref<1024xi32, #tpu.memory_space<hbm>>) target(%dma_start3A_551 : memref<1024xi32, #tpu.memory_space<vmem>>) target_semaphore(%arg15 : memref<!tpu.dma_semaphore, #tpu.memory_space<semaphore_mem>>)
        %mul3A_553 = arith.constant 128 : i32
        %mul3A_554 = arith.muli %multiple_of3A, %mul3A_553 : i32
        %mul3A_555 = arith.constant 8 : i32
        %mul3A_556 = arith.muli %sub3A_542, %mul3A_555 : i32
        %mul3A_557 = arith.constant 128 : i32
        %mul3A_558 = arith.muli %mul3A_556, %mul3A_557 : i32
        %dma_start3A_559 = tpu.memref_slice %arg8[%mul3A_558] : memref<2048xi32, #tpu.memory_space<vmem>> -> memref<1024xi32, #tpu.memory_space<vmem>>
        %dma_start3A_560 = tpu.memref_slice %arg4[%mul3A_554] : memref<1064960xi32, #tpu.memory_space<hbm>> -> memref<1024xi32, #tpu.memory_space<hbm>>
        %dma_start3A_561 = tpu.memref_slice %arg8[%mul3A_558] : memref<2048xi32, #tpu.memory_space<vmem>> -> memref<1024xi32, #tpu.memory_space<vmem>>
        %dma_start3A_562 = tpu.memref_slice %arg4[%mul3A_554] : memref<1064960xi32, #tpu.memory_space<hbm>> -> memref<1024xi32, #tpu.memory_space<hbm>>
        tpu.enqueue_dma source(%dma_start3A_562 : memref<1024xi32, #tpu.memory_space<hbm>>) target(%dma_start3A_561 : memref<1024xi32, #tpu.memory_space<vmem>>) target_semaphore(%arg15 : memref<!tpu.dma_semaphore, #tpu.memory_space<semaphore_mem>>)
      } else {
      }
      %eq3A_470 = arith.constant 0 : i32
      %eq3A_471 = arith.cmpi eq, %select_n3A_444, %eq3A_470 : i32
      %gt3A_472 = arith.constant 0 : i32
      %gt3A_473 = arith.cmpi sgt, %select_n3A_429, %gt3A_472 : i32
      %and3A_474 = arith.andi %eq3A_471, %gt3A_473 : i1
      %convert_element_type3A_475 = arith.extui %and3A_474 : i1 to i32
      %cond3A_476 = arith.constant 0 : i32
      %cond3A_477 = arith.cmpi ne, %convert_element_type3A_475, %cond3A_476 : i32
      scf.if %cond3A_477 {
        %mul3A_536 = arith.constant 8 : i32
        %mul3A_537 = arith.muli %select_n3A_429, %mul3A_536 : i32
        %add3A_538 = arith.addi %add3A_166, %mul3A_537 : i32
        %mul3A_539 = arith.constant 8 : i32
        %mul3A_540 = arith.muli %select_n3A_460, %mul3A_539 : i32
        %mul3A_541 = arith.constant 128 : i32
        %mul3A_542 = arith.muli %mul3A_540, %mul3A_541 : i32
        %scan3A_543 = arith.constant 0 : i32
        %scan3A_544 = arith.constant 0 : i32
        %scan3A_545 = arith.constant 64 : i32
        %scan3A_546 = arith.addi %scan3A_544, %scan3A_545 : i32
        %scan3A_547 = arith.constant 1 : i32
        scf.for %scan3A_549 = %scan3A_544 to %scan3A_546 step %scan3A_547  : i32 {
          %shift_right_arithmetic3A = arith.constant 3 : i32
          %shift_right_arithmetic3A_550 = arith.shrsi %scan3A_549, %shift_right_arithmetic3A : i32
          %and3A_551 = arith.constant 7 : i32
          %and3A_552 = arith.andi %scan3A_549, %and3A_551 : i32
          %mul3A_553 = arith.constant 16 : i32
          %mul3A_554 = arith.muli %scan3A_549, %mul3A_553 : i32
          %add3A_555 = arith.addi %mul3A_542, %mul3A_554 : i32
          %get3A_556 = arith.index_cast %add3A_555 : i32 to index
          %get3A_557 = tpu.vector_load %arg8[%get3A_556] {strides = array<i32>} : memref<2048xi32, #tpu.memory_space<vmem>>, vector<16xi32>,
          %get3A_558 = vector.shape_cast %get3A_557 : vector<16xi32> to vector<16xi32>
          %add3A_559 = arith.addi %add3A_538, %shift_right_arithmetic3A_550 : i32
          %lt3A_560 = arith.cmpi slt, %add3A_559, %min3A_168 : i32
          %jit3A_561 = arith.constant 0 : i32
          %jit3A_562 = arith.constant 268435456 : i32
          %select_n3A_563 = arith.select %lt3A_560, %jit3A_561, %jit3A_562 : i32
          %sub3A_564 = arith.subi %select_n3A_563, %mul3A_12 : i32
          %add3A_565 = vector.broadcast %sub3A_564 : i32 to vector<16xi32>
          %add3A_566 = arith.addi %get3A_558, %add3A_565 : vector<16xi32>
          %ge3A_567 = arith.constant 0 : i32
          %ge3A_568 = vector.broadcast %ge3A_567 : i32 to vector<16xi32>
          %ge3A_569 = arith.cmpi sge, %add3A_566, %ge3A_568 : vector<16xi32>
          %lt3A_570 = arith.constant 53248 : i32
          %lt3A_571 = vector.broadcast %lt3A_570 : i32 to vector<16xi32>
          %lt3A_572 = arith.cmpi slt, %add3A_566, %lt3A_571 : vector<16xi32>
          %and3A_573 = arith.andi %ge3A_569, %lt3A_572 : vector<16xi1>
          %jit3A_574 = arith.constant 53248 : i32
          %broadcast_in_dim3A = vector.broadcast %jit3A_574 : i32 to vector<16xi32>
          %select_n3A_575 = arith.select %and3A_573, %add3A_566, %broadcast_in_dim3A : vector<16xi1>, vector<16xi32>
          %mul3A_576 = arith.constant 8 : i32
          %mul3A_577 = arith.muli %select_n3A_460, %mul3A_576 : i32
          %add3A_578 = arith.addi %mul3A_577, %shift_right_arithmetic3A_550 : i32
          %mul3A_579 = arith.constant 16 : i32
          %mul3A_580 = arith.muli %and3A_552, %mul3A_579 : i32
          %swap3A = arith.index_cast %add3A_578 : i32 to index
          %swap3A_581 = arith.index_cast %mul3A_580 : i32 to index
          %swap3A_582 = tpu.vector_load %arg9[%swap3A, %swap3A_581] {strides = array<i32>} : memref<16x128xi32, #tpu.memory_space<vmem>>, vector<1x16xi32>,
          %swap3A_583 = vector.shape_cast %swap3A_582 : vector<1x16xi32> to vector<16xi32>
          %swap3A_584 = vector.shape_cast %select_n3A_575 : vector<16xi32> to vector<1x16xi32>
          tpu.vector_store %arg9[%swap3A, %swap3A_581], %swap3A_584 {strides = array<i32>} : memref<16x128xi32, #tpu.memory_space<vmem>>, vector<1x16xi32>,
        }
        %scan3A_548 = arith.constant 64 : i32
      } else {
      }
      %eq3A_478 = arith.constant 4 : i32
      %eq3A_479 = arith.cmpi eq, %select_n3A_444, %eq3A_478 : i32
      %add3A_480 = arith.constant 1 : i32
      %add3A_481 = arith.addi %select_n3A_429, %add3A_480 : i32
      %lt3A_482 = arith.cmpi slt, %add3A_481, %max3A_196 : i32
      %and3A_483 = arith.andi %eq3A_479, %lt3A_482 : i1
      %convert_element_type3A_484 = arith.extui %and3A_483 : i1 to i32
      %cond3A_485 = arith.constant 0 : i32
      %cond3A_486 = arith.cmpi ne, %convert_element_type3A_484, %cond3A_485 : i32
      scf.if %cond3A_486 {
        %dma_wait3A_536 = arith.constant 0 : i32
        %dma_wait3A_537 = tpu.memref_slice %arg7[%dma_wait3A_536] : memref<2048xi32, #tpu.memory_space<vmem>> -> memref<1024xi32, #tpu.memory_space<vmem>>
        %dma_wait3A_538 = arith.constant 0 : i32
        %dma_wait3A_539 = tpu.memref_slice %arg3[%dma_wait3A_538] : memref<1064960xi32, #tpu.memory_space<hbm>> -> memref<1024xi32, #tpu.memory_space<hbm>>
        %dma_wait3A_540 = arith.constant 0 : i32
        %dma_wait3A_541 = tpu.memref_slice %arg7[%dma_wait3A_540] : memref<2048xi32, #tpu.memory_space<vmem>> -> memref<1024xi32, #tpu.memory_space<vmem>>
        %dma_wait3A_542 = arith.constant 0 : i32
        %dma_wait3A_543 = tpu.memref_slice %arg3[%dma_wait3A_542] : memref<1064960xi32, #tpu.memory_space<hbm>> -> memref<1024xi32, #tpu.memory_space<hbm>>
        tpu.wait_dma2 semaphore(%arg15 : memref<!tpu.dma_semaphore, #tpu.memory_space<semaphore_mem>>) src(%dma_wait3A_543 : memref<1024xi32, #tpu.memory_space<hbm>>) dst(%dma_wait3A_541 : memref<1024xi32, #tpu.memory_space<vmem>>)
        %dma_wait3A_544 = arith.constant 0 : i32
        %dma_wait3A_545 = tpu.memref_slice %arg8[%dma_wait3A_544] : memref<2048xi32, #tpu.memory_space<vmem>> -> memref<1024xi32, #tpu.memory_space<vmem>>
        %dma_wait3A_546 = arith.constant 0 : i32
        %dma_wait3A_547 = tpu.memref_slice %arg4[%dma_wait3A_546] : memref<1064960xi32, #tpu.memory_space<hbm>> -> memref<1024xi32, #tpu.memory_space<hbm>>
        %dma_wait3A_548 = arith.constant 0 : i32
        %dma_wait3A_549 = tpu.memref_slice %arg8[%dma_wait3A_548] : memref<2048xi32, #tpu.memory_space<vmem>> -> memref<1024xi32, #tpu.memory_space<vmem>>
        %dma_wait3A_550 = arith.constant 0 : i32
        %dma_wait3A_551 = tpu.memref_slice %arg4[%dma_wait3A_550] : memref<1064960xi32, #tpu.memory_space<hbm>> -> memref<1024xi32, #tpu.memory_space<hbm>>
        tpu.wait_dma2 semaphore(%arg15 : memref<!tpu.dma_semaphore, #tpu.memory_space<semaphore_mem>>) src(%dma_wait3A_551 : memref<1024xi32, #tpu.memory_space<hbm>>) dst(%dma_wait3A_549 : memref<1024xi32, #tpu.memory_space<vmem>>)
      } else {
      }
      %dma_wait3A = arith.constant 0 : i32
      %dma_wait3A_487 = arith.constant 0 : i32
      %dma_wait3A_488 = tpu.memref_slice %arg10[%dma_wait3A, %dma_wait3A_487] : memref<512x32xf32, #tpu.memory_space<vmem>> -> memref<128x32xf32, #tpu.memory_space<vmem>>
      %dma_wait3A_489 = arith.constant 0 : i32
      %dma_wait3A_490 = arith.constant 0 : i32
      %dma_wait3A_491 = tpu.memref_slice %arg2[%dma_wait3A_489, %dma_wait3A_490] : memref<1000000x32xf32, #tpu.memory_space<hbm>> -> memref<128x32xf32, #tpu.memory_space<hbm>>
      %dma_wait3A_492 = arith.constant 0 : i32
      %dma_wait3A_493 = arith.constant 0 : i32
      %dma_wait3A_494 = tpu.memref_slice %arg10[%dma_wait3A_492, %dma_wait3A_493] : memref<512x32xf32, #tpu.memory_space<vmem>> -> memref<128x32xf32, #tpu.memory_space<vmem>>
      %dma_wait3A_495 = arith.constant 0 : i32
      %dma_wait3A_496 = arith.constant 0 : i32
      %dma_wait3A_497 = tpu.memref_slice %arg2[%dma_wait3A_495, %dma_wait3A_496] : memref<1000000x32xf32, #tpu.memory_space<hbm>> -> memref<128x32xf32, #tpu.memory_space<hbm>>
      tpu.wait_dma2 semaphore(%arg13 : memref<!tpu.dma_semaphore, #tpu.memory_space<semaphore_mem>>) src(%dma_wait3A_497 : memref<128x32xf32, #tpu.memory_space<hbm>>) dst(%dma_wait3A_494 : memref<128x32xf32, #tpu.memory_space<vmem>>)
      %jit3A_498 = arith.constant 4 : i32
      %eq3A_499 = arith.constant 0 : i32
      %eq3A_500 = arith.cmpi eq, %jit3A_498, %eq3A_499 : i32
      %jit3A_501 = arith.constant 1 : i32
      %select_n3A_502 = arith.select %eq3A_500, %jit3A_501, %jit3A_498 : i32
      %rem3A_503 = arith.remsi %while3A_405, %select_n3A_502 : i32
      %ne3A_504 = arith.constant 0 : i32
      %ne3A_505 = arith.cmpi ne, %rem3A_503, %ne3A_504 : i32
      %lt3A_506 = arith.constant 0 : i32
      %lt3A_507 = arith.cmpi slt, %rem3A_503, %lt3A_506 : i32
      %lt3A_508 = arith.constant 0 : i32
      %lt3A_509 = arith.cmpi slt, %select_n3A_502, %lt3A_508 : i32
      %ne3A_510 = arith.xori %lt3A_507, %lt3A_509 : i1
      %and3A_511 = arith.andi %ne3A_510, %ne3A_505 : i1
      %add3A_512 = arith.addi %rem3A_503, %select_n3A_502 : i32
      %select_n3A_513 = arith.select %and3A_511, %add3A_512, %rem3A_503 : i32
      %mul3A_514 = arith.constant 128 : i32
      %mul3A_515 = arith.muli %select_n3A_513, %mul3A_514 : i32
      %mul3A_516 = arith.constant 8 : i32
      %mul3A_517 = arith.muli %select_n3A_460, %mul3A_516 : i32
      %add3A_518 = arith.addi %mul3A_517, %select_n3A_444 : i32
      %dma_start3A = arith.constant 0 : i32
      %dma_start3A_519 = tpu.memref_slice %arg10[%mul3A_515, %dma_start3A] : memref<512x32xf32, #tpu.memory_space<vmem>> -> memref<128x32xf32, #tpu.memory_space<vmem>>
      %dma_start3A_520 = arith.constant 0 : i32
      %dma_start3A_521 = tpu.memref_slice %arg9[%add3A_518, %dma_start3A_520] : memref<16x128xi32, #tpu.memory_space<vmem>> -> memref<1x128xi32, #tpu.memory_space<vmem>>
      %dma_start3A_522 = tpu.memref_squeeze %dma_start3A_521 : memref<1x128xi32, #tpu.memory_space<vmem>> -> memref<128xi32, #tpu.memory_space<vmem>>
      %dma_start3A_523 = arith.constant 0 : i32
      %dma_start3A_524 = arith.constant 0 : i32
      %dma_start3A_525 = tpu.memref_slice %arg12[%dma_start3A_523, %dma_start3A_524] : memref<53256x32xf32, #tpu.memory_space<vmem_shared>> -> memref<53256x32xf32, #tpu.memory_space<vmem_shared>>
      tpu.enqueue_indirect_dma source(%dma_start3A_519 : memref<128x32xf32, #tpu.memory_space<vmem>>) target(%dma_start3A_525 : memref<53256x32xf32, #tpu.memory_space<vmem_shared>>) offsets(%dma_start3A_522 : memref<128xi32, #tpu.memory_space<vmem>>) semaphore(%arg14 : memref<!tpu.dma_semaphore, #tpu.memory_space<semaphore_mem>>) {add = true}
      %ge3A = arith.constant 1 : i32
      %ge3A_526 = arith.cmpi sge, %while3A_405, %ge3A : i32
      %convert_element_type3A_527 = arith.extui %ge3A_526 : i1 to i32
      %cond3A_528 = arith.constant 0 : i32
      %cond3A_529 = arith.cmpi ne, %convert_element_type3A_527, %cond3A_528 : i32
      scf.if %cond3A_529 {
        %dma_wait3A_536 = arith.constant 0 : i32
        %dma_wait3A_537 = arith.constant 0 : i32
        %dma_wait3A_538 = tpu.memref_slice %arg10[%dma_wait3A_536, %dma_wait3A_537] : memref<512x32xf32, #tpu.memory_space<vmem>> -> memref<128x32xf32, #tpu.memory_space<vmem>>
        %dma_wait3A_539 = arith.constant 0 : i32
        %dma_wait3A_540 = arith.constant 0 : i32
        %dma_wait3A_541 = tpu.memref_slice %arg2[%dma_wait3A_539, %dma_wait3A_540] : memref<1000000x32xf32, #tpu.memory_space<hbm>> -> memref<128x32xf32, #tpu.memory_space<hbm>>
        %dma_wait3A_542 = arith.constant 0 : i32
        %dma_wait3A_543 = arith.constant 0 : i32
        %dma_wait3A_544 = tpu.memref_slice %arg10[%dma_wait3A_542, %dma_wait3A_543] : memref<512x32xf32, #tpu.memory_space<vmem>> -> memref<128x32xf32, #tpu.memory_space<vmem>>
        %dma_wait3A_545 = arith.constant 0 : i32
        %dma_wait3A_546 = arith.constant 0 : i32
        %dma_wait3A_547 = tpu.memref_slice %arg2[%dma_wait3A_545, %dma_wait3A_546] : memref<1000000x32xf32, #tpu.memory_space<hbm>> -> memref<128x32xf32, #tpu.memory_space<hbm>>
        tpu.wait_dma2 semaphore(%arg14 : memref<!tpu.dma_semaphore, #tpu.memory_space<semaphore_mem>>) src(%dma_wait3A_547 : memref<128x32xf32, #tpu.memory_space<hbm>>) dst(%dma_wait3A_544 : memref<128x32xf32, #tpu.memory_space<vmem>>)
      } else {
      }
      %add3A_530 = arith.constant 3 : i32
      %add3A_531 = arith.addi %while3A_405, %add3A_530 : i32
      %lt3A_532 = arith.cmpi slt, %add3A_531, %mul3A_257 : i32
      %convert_element_type3A_533 = arith.extui %lt3A_532 : i1 to i32
      %cond3A_534 = arith.constant 0 : i32
      %cond3A_535 = arith.cmpi ne, %convert_element_type3A_533, %cond3A_534 : i32
      scf.if %cond3A_535 {
        %add3A_536 = arith.constant 3 : i32
        %add3A_537 = arith.addi %while3A_405, %add3A_536 : i32
        %jit3A_538 = arith.constant 8 : i32
        %div3A_539 = arith.divsi %add3A_537, %jit3A_538 : i32
        %sign3A_540 = arith.constant 0 : i32
        %sign3A_541 = arith.cmpi sgt, %add3A_537, %sign3A_540 : i32
        %sign3A_542 = arith.extui %sign3A_541 : i1 to i32
        %sign3A_543 = arith.constant 0 : i32
        %sign3A_544 = arith.cmpi slt, %add3A_537, %sign3A_543 : i32
        %sign3A_545 = arith.extui %sign3A_544 : i1 to i32
        %sign3A_546 = arith.subi %sign3A_542, %sign3A_545 : i32
        %sign3A_547 = arith.constant 0 : i32
        %sign3A_548 = arith.cmpi sgt, %jit3A_538, %sign3A_547 : i32
        %sign3A_549 = arith.extui %sign3A_548 : i1 to i32
        %sign3A_550 = arith.constant 0 : i32
        %sign3A_551 = arith.cmpi slt, %jit3A_538, %sign3A_550 : i32
        %sign3A_552 = arith.extui %sign3A_551 : i1 to i32
        %sign3A_553 = arith.subi %sign3A_549, %sign3A_552 : i32
        %ne3A_554 = arith.cmpi ne, %sign3A_546, %sign3A_553 : i32
        %rem3A_555 = arith.remsi %add3A_537, %jit3A_538 : i32
        %ne3A_556 = arith.constant 0 : i32
        %ne3A_557 = arith.cmpi ne, %rem3A_555, %ne3A_556 : i32
        %and3A_558 = arith.andi %ne3A_554, %ne3A_557 : i1
        %sub3A_559 = arith.constant 1 : i32
        %sub3A_560 = arith.subi %div3A_539, %sub3A_559 : i32
        %select_n3A_561 = arith.select %and3A_558, %sub3A_560, %div3A_539 : i32
        %jit3A_562 = arith.constant 2 : i32
        %eq3A_563 = arith.constant 0 : i32
        %eq3A_564 = arith.cmpi eq, %jit3A_562, %eq3A_563 : i32
        %jit3A_565 = arith.constant 1 : i32
        %select_n3A_566 = arith.select %eq3A_564, %jit3A_565, %jit3A_562 : i32
        %rem3A_567 = arith.remsi %select_n3A_561, %select_n3A_566 : i32
        %ne3A_568 = arith.constant 0 : i32
        %ne3A_569 = arith.cmpi ne, %rem3A_567, %ne3A_568 : i32
        %lt3A_570 = arith.constant 0 : i32
        %lt3A_571 = arith.cmpi slt, %rem3A_567, %lt3A_570 : i32
        %lt3A_572 = arith.constant 0 : i32
        %lt3A_573 = arith.cmpi slt, %select_n3A_566, %lt3A_572 : i32
        %ne3A_574 = arith.xori %lt3A_571, %lt3A_573 : i1
        %and3A_575 = arith.andi %ne3A_574, %ne3A_569 : i1
        %add3A_576 = arith.addi %rem3A_567, %select_n3A_566 : i32
        %select_n3A_577 = arith.select %and3A_575, %add3A_576, %rem3A_567 : i32
        %mul3A_578 = arith.constant 8 : i32
        %mul3A_579 = arith.muli %select_n3A_577, %mul3A_578 : i32
        %mul3A_580 = arith.constant 128 : i32
        %mul3A_581 = arith.muli %mul3A_579, %mul3A_580 : i32
        %jit3A_582 = arith.constant 8 : i32
        %eq3A_583 = arith.constant 0 : i32
        %eq3A_584 = arith.cmpi eq, %jit3A_582, %eq3A_583 : i32
        %jit3A_585 = arith.constant 1 : i32
        %select_n3A_586 = arith.select %eq3A_584, %jit3A_585, %jit3A_582 : i32
        %rem3A_587 = arith.remsi %add3A_537, %select_n3A_586 : i32
        %ne3A_588 = arith.constant 0 : i32
        %ne3A_589 = arith.cmpi ne, %rem3A_587, %ne3A_588 : i32
        %lt3A_590 = arith.constant 0 : i32
        %lt3A_591 = arith.cmpi slt, %rem3A_587, %lt3A_590 : i32
        %lt3A_592 = arith.constant 0 : i32
        %lt3A_593 = arith.cmpi slt, %select_n3A_586, %lt3A_592 : i32
        %ne3A_594 = arith.xori %lt3A_591, %lt3A_593 : i1
        %and3A_595 = arith.andi %ne3A_594, %ne3A_589 : i1
        %add3A_596 = arith.addi %rem3A_587, %select_n3A_586 : i32
        %select_n3A_597 = arith.select %and3A_595, %add3A_596, %rem3A_587 : i32
        %mul3A_598 = arith.constant 128 : i32
        %mul3A_599 = arith.muli %select_n3A_597, %mul3A_598 : i32
        %add3A_600 = arith.addi %mul3A_581, %mul3A_599 : i32
        %jit3A_601 = arith.constant 4 : i32
        %eq3A_602 = arith.constant 0 : i32
        %eq3A_603 = arith.cmpi eq, %jit3A_601, %eq3A_602 : i32
        %jit3A_604 = arith.constant 1 : i32
        %select_n3A_605 = arith.select %eq3A_603, %jit3A_604, %jit3A_601 : i32
        %rem3A_606 = arith.remsi %add3A_537, %select_n3A_605 : i32
        %ne3A_607 = arith.constant 0 : i32
        %ne3A_608 = arith.cmpi ne, %rem3A_606, %ne3A_607 : i32
        %lt3A_609 = arith.constant 0 : i32
        %lt3A_610 = arith.cmpi slt, %rem3A_606, %lt3A_609 : i32
        %lt3A_611 = arith.constant 0 : i32
        %lt3A_612 = arith.cmpi slt, %select_n3A_605, %lt3A_611 : i32
        %ne3A_613 = arith.xori %lt3A_610, %lt3A_612 : i1
        %and3A_614 = arith.andi %ne3A_613, %ne3A_608 : i1
        %add3A_615 = arith.addi %rem3A_606, %select_n3A_605 : i32
        %select_n3A_616 = arith.select %and3A_614, %add3A_615, %rem3A_606 : i32
        %mul3A_617 = arith.constant 128 : i32
        %mul3A_618 = arith.muli %select_n3A_616, %mul3A_617 : i32
        %dma_start3A_619 = arith.constant 0 : i32
        %dma_start3A_620 = tpu.memref_slice %arg10[%mul3A_618, %dma_start3A_619] : memref<512x32xf32, #tpu.memory_space<vmem>> -> memref<128x32xf32, #tpu.memory_space<vmem>>
        %dma_start3A_621 = tpu.memref_slice %arg7[%add3A_600] : memref<2048xi32, #tpu.memory_space<vmem>> -> memref<128xi32, #tpu.memory_space<vmem>>
        %dma_start3A_622 = arith.constant 0 : i32
        %dma_start3A_623 = arith.constant 0 : i32
        %dma_start3A_624 = tpu.memref_slice %arg2[%dma_start3A_622, %dma_start3A_623] : memref<1000000x32xf32, #tpu.memory_space<hbm>> -> memref<1000000x32xf32, #tpu.memory_space<hbm>>
        tpu.enqueue_indirect_dma source(%dma_start3A_624 : memref<1000000x32xf32, #tpu.memory_space<hbm>>) target(%dma_start3A_620 : memref<128x32xf32, #tpu.memory_space<vmem>>) offsets(%dma_start3A_621 : memref<128xi32, #tpu.memory_space<vmem>>) semaphore(%arg13 : memref<!tpu.dma_semaphore, #tpu.memory_space<semaphore_mem>>)
      } else {
      }
    }
    %gt3A_269 = arith.constant 0 : i32
    %gt3A_270 = arith.cmpi sgt, %max3A_196, %gt3A_269 : i32
    %convert_element_type3A_271 = arith.extui %gt3A_270 : i1 to i32
    %cond3A_272 = arith.constant 0 : i32
    %cond3A_273 = arith.cmpi ne, %convert_element_type3A_271, %cond3A_272 : i32
    scf.if %cond3A_273 {
      %dma_wait3A = arith.constant 0 : i32
      %dma_wait3A_405 = arith.constant 0 : i32
      %dma_wait3A_406 = tpu.memref_slice %arg10[%dma_wait3A, %dma_wait3A_405] : memref<512x32xf32, #tpu.memory_space<vmem>> -> memref<128x32xf32, #tpu.memory_space<vmem>>
      %dma_wait3A_407 = arith.constant 0 : i32
      %dma_wait3A_408 = arith.constant 0 : i32
      %dma_wait3A_409 = tpu.memref_slice %arg2[%dma_wait3A_407, %dma_wait3A_408] : memref<1000000x32xf32, #tpu.memory_space<hbm>> -> memref<128x32xf32, #tpu.memory_space<hbm>>
      %dma_wait3A_410 = arith.constant 0 : i32
      %dma_wait3A_411 = arith.constant 0 : i32
      %dma_wait3A_412 = tpu.memref_slice %arg10[%dma_wait3A_410, %dma_wait3A_411] : memref<512x32xf32, #tpu.memory_space<vmem>> -> memref<128x32xf32, #tpu.memory_space<vmem>>
      %dma_wait3A_413 = arith.constant 0 : i32
      %dma_wait3A_414 = arith.constant 0 : i32
      %dma_wait3A_415 = tpu.memref_slice %arg2[%dma_wait3A_413, %dma_wait3A_414] : memref<1000000x32xf32, #tpu.memory_space<hbm>> -> memref<128x32xf32, #tpu.memory_space<hbm>>
      tpu.wait_dma2 semaphore(%arg14 : memref<!tpu.dma_semaphore, #tpu.memory_space<semaphore_mem>>) src(%dma_wait3A_415 : memref<128x32xf32, #tpu.memory_space<hbm>>) dst(%dma_wait3A_412 : memref<128x32xf32, #tpu.memory_space<vmem>>)
    } else {
    }
    %barrier3A_274 = arith.constant 0 : index
    tpu.barrier barrier_id(%barrier3A_274)
    %add3A_275 = arith.constant 0 : i32
    %add3A_276 = arith.addi %mul3A_203, %add3A_275 : i32
    "tpu.region"() ({
      %run_scoped3A = tpu.sem_alloc : memref<!tpu.dma_semaphore, #tpu.memory_space<semaphore_mem>>
      %dma_start3A = arith.constant 0 : i32
      %dma_start3A_405 = arith.constant 0 : i32
      %dma_start3A_406 = tpu.memref_slice %arg10[%dma_start3A, %dma_start3A_405] : memref<512x32xf32, #tpu.memory_space<vmem>> -> memref<128x32xf32, #tpu.memory_space<vmem>>
      %dma_start3A_407 = arith.constant 0 : i32
      %dma_start3A_408 = tpu.memref_slice %arg12[%add3A_276, %dma_start3A_407] : memref<53256x32xf32, #tpu.memory_space<vmem_shared>> -> memref<128x32xf32, #tpu.memory_space<vmem_shared>>
      %dma_start3A_409 = arith.constant 0 : i32
      %dma_start3A_410 = arith.constant 0 : i32
      %dma_start3A_411 = tpu.memref_slice %arg10[%dma_start3A_409, %dma_start3A_410] : memref<512x32xf32, #tpu.memory_space<vmem>> -> memref<128x32xf32, #tpu.memory_space<vmem>>
      %dma_start3A_412 = arith.constant 0 : i32
      %dma_start3A_413 = tpu.memref_slice %arg12[%add3A_276, %dma_start3A_412] : memref<53256x32xf32, #tpu.memory_space<vmem_shared>> -> memref<128x32xf32, #tpu.memory_space<vmem_shared>>
      tpu.enqueue_dma source(%dma_start3A_413 : memref<128x32xf32, #tpu.memory_space<vmem_shared>>) target(%dma_start3A_411 : memref<128x32xf32, #tpu.memory_space<vmem>>) target_semaphore(%run_scoped3A : memref<!tpu.dma_semaphore, #tpu.memory_space<semaphore_mem>>)
      %dma_wait3A = arith.constant 0 : i32
      %dma_wait3A_414 = arith.constant 0 : i32
      %dma_wait3A_415 = tpu.memref_slice %arg10[%dma_wait3A, %dma_wait3A_414] : memref<512x32xf32, #tpu.memory_space<vmem>> -> memref<128x32xf32, #tpu.memory_space<vmem>>
      %dma_wait3A_416 = arith.constant 0 : i32
      %dma_wait3A_417 = tpu.memref_slice %arg12[%add3A_276, %dma_wait3A_416] : memref<53256x32xf32, #tpu.memory_space<vmem_shared>> -> memref<128x32xf32, #tpu.memory_space<vmem_shared>>
      %dma_wait3A_418 = arith.constant 0 : i32
      %dma_wait3A_419 = arith.constant 0 : i32
      %dma_wait3A_420 = tpu.memref_slice %arg10[%dma_wait3A_418, %dma_wait3A_419] : memref<512x32xf32, #tpu.memory_space<vmem>> -> memref<128x32xf32, #tpu.memory_space<vmem>>
      %dma_wait3A_421 = arith.constant 0 : i32
      %dma_wait3A_422 = tpu.memref_slice %arg12[%add3A_276, %dma_wait3A_421] : memref<53256x32xf32, #tpu.memory_space<vmem_shared>> -> memref<128x32xf32, #tpu.memory_space<vmem_shared>>
      tpu.wait_dma2 semaphore(%run_scoped3A : memref<!tpu.dma_semaphore, #tpu.memory_space<semaphore_mem>>) src(%dma_wait3A_422 : memref<128x32xf32, #tpu.memory_space<vmem_shared>>) dst(%dma_wait3A_420 : memref<128x32xf32, #tpu.memory_space<vmem>>)
      tpu.yield
    }) : () -> ()
    %add3A_277 = arith.addi %mul3A_12, %mul3A_203 : i32
    %add3A_278 = arith.constant 0 : i32
    %add3A_279 = arith.addi %add3A_277, %add3A_278 : i32
    "tpu.region"() ({
      %run_scoped3A = tpu.sem_alloc : memref<!tpu.dma_semaphore, #tpu.memory_space<semaphore_mem>>
      %dma_start3A = arith.constant 0 : i32
      %dma_start3A_405 = arith.constant 0 : i32
      %dma_start3A_406 = tpu.memref_slice %arg10[%dma_start3A, %dma_start3A_405] : memref<512x32xf32, #tpu.memory_space<vmem>> -> memref<128x32xf32, #tpu.memory_space<vmem>>
      %dma_start3A_407 = arith.constant 0 : i32
      %dma_start3A_408 = tpu.memref_slice %arg6[%add3A_279, %dma_start3A_407] : memref<106496x32xf32, #tpu.memory_space<hbm>> -> memref<128x32xf32, #tpu.memory_space<hbm>>
      %dma_start3A_409 = arith.constant 0 : i32
      %dma_start3A_410 = tpu.memref_slice %arg6[%add3A_279, %dma_start3A_409] : memref<106496x32xf32, #tpu.memory_space<hbm>> -> memref<128x32xf32, #tpu.memory_space<hbm>>
      %dma_start3A_411 = arith.constant 0 : i32
      %dma_start3A_412 = arith.constant 0 : i32
      %dma_start3A_413 = tpu.memref_slice %arg10[%dma_start3A_411, %dma_start3A_412] : memref<512x32xf32, #tpu.memory_space<vmem>> -> memref<128x32xf32, #tpu.memory_space<vmem>>
      tpu.enqueue_dma source(%dma_start3A_413 : memref<128x32xf32, #tpu.memory_space<vmem>>) target(%dma_start3A_410 : memref<128x32xf32, #tpu.memory_space<hbm>>) target_semaphore(%run_scoped3A : memref<!tpu.dma_semaphore, #tpu.memory_space<semaphore_mem>>)
      %dma_wait3A = arith.constant 0 : i32
      %dma_wait3A_414 = arith.constant 0 : i32
      %dma_wait3A_415 = tpu.memref_slice %arg10[%dma_wait3A, %dma_wait3A_414] : memref<512x32xf32, #tpu.memory_space<vmem>> -> memref<128x32xf32, #tpu.memory_space<vmem>>
      %dma_wait3A_416 = arith.constant 0 : i32
      %dma_wait3A_417 = tpu.memref_slice %arg6[%add3A_279, %dma_wait3A_416] : memref<106496x32xf32, #tpu.memory_space<hbm>> -> memref<128x32xf32, #tpu.memory_space<hbm>>
      %dma_wait3A_418 = arith.constant 0 : i32
      %dma_wait3A_419 = tpu.memref_slice %arg6[%add3A_279, %dma_wait3A_418] : memref<106496x32xf32, #tpu.memory_space<hbm>> -> memref<128x32xf32, #tpu.memory_space<hbm>>
      %dma_wait3A_420 = arith.constant 0 : i32
      %dma_wait3A_421 = arith.constant 0 : i32
      %dma_wait3A_422 = tpu.memref_slice %arg10[%dma_wait3A_420, %dma_wait3A_421] : memref<512x32xf32, #tpu.memory_space<vmem>> -> memref<128x32xf32, #tpu.memory_space<vmem>>
      tpu.wait_dma2 semaphore(%run_scoped3A : memref<!tpu.dma_semaphore, #tpu.memory_space<semaphore_mem>>) src(%dma_wait3A_422 : memref<128x32xf32, #tpu.memory_space<vmem>>) dst(%dma_wait3A_419 : memref<128x32xf32, #tpu.memory_space<hbm>>)
      tpu.yield
    }) : () -> ()
    %add3A_280 = arith.constant 128 : i32
    %add3A_281 = arith.addi %mul3A_203, %add3A_280 : i32
    "tpu.region"() ({
      %run_scoped3A = tpu.sem_alloc : memref<!tpu.dma_semaphore, #tpu.memory_space<semaphore_mem>>
      %dma_start3A = arith.constant 0 : i32
      %dma_start3A_405 = arith.constant 0 : i32
      %dma_start3A_406 = tpu.memref_slice %arg10[%dma_start3A, %dma_start3A_405] : memref<512x32xf32, #tpu.memory_space<vmem>> -> memref<128x32xf32, #tpu.memory_space<vmem>>
      %dma_start3A_407 = arith.constant 0 : i32
      %dma_start3A_408 = tpu.memref_slice %arg12[%add3A_281, %dma_start3A_407] : memref<53256x32xf32, #tpu.memory_space<vmem_shared>> -> memref<128x32xf32, #tpu.memory_space<vmem_shared>>
      %dma_start3A_409 = arith.constant 0 : i32
      %dma_start3A_410 = arith.constant 0 : i32
      %dma_start3A_411 = tpu.memref_slice %arg10[%dma_start3A_409, %dma_start3A_410] : memref<512x32xf32, #tpu.memory_space<vmem>> -> memref<128x32xf32, #tpu.memory_space<vmem>>
      %dma_start3A_412 = arith.constant 0 : i32
      %dma_start3A_413 = tpu.memref_slice %arg12[%add3A_281, %dma_start3A_412] : memref<53256x32xf32, #tpu.memory_space<vmem_shared>> -> memref<128x32xf32, #tpu.memory_space<vmem_shared>>
      tpu.enqueue_dma source(%dma_start3A_413 : memref<128x32xf32, #tpu.memory_space<vmem_shared>>) target(%dma_start3A_411 : memref<128x32xf32, #tpu.memory_space<vmem>>) target_semaphore(%run_scoped3A : memref<!tpu.dma_semaphore, #tpu.memory_space<semaphore_mem>>)
      %dma_wait3A = arith.constant 0 : i32
      %dma_wait3A_414 = arith.constant 0 : i32
      %dma_wait3A_415 = tpu.memref_slice %arg10[%dma_wait3A, %dma_wait3A_414] : memref<512x32xf32, #tpu.memory_space<vmem>> -> memref<128x32xf32, #tpu.memory_space<vmem>>
      %dma_wait3A_416 = arith.constant 0 : i32
      %dma_wait3A_417 = tpu.memref_slice %arg12[%add3A_281, %dma_wait3A_416] : memref<53256x32xf32, #tpu.memory_space<vmem_shared>> -> memref<128x32xf32, #tpu.memory_space<vmem_shared>>
      %dma_wait3A_418 = arith.constant 0 : i32
      %dma_wait3A_419 = arith.constant 0 : i32
      %dma_wait3A_420 = tpu.memref_slice %arg10[%dma_wait3A_418, %dma_wait3A_419] : memref<512x32xf32, #tpu.memory_space<vmem>> -> memref<128x32xf32, #tpu.memory_space<vmem>>
      %dma_wait3A_421 = arith.constant 0 : i32
      %dma_wait3A_422 = tpu.memref_slice %arg12[%add3A_281, %dma_wait3A_421] : memref<53256x32xf32, #tpu.memory_space<vmem_shared>> -> memref<128x32xf32, #tpu.memory_space<vmem_shared>>
      tpu.wait_dma2 semaphore(%run_scoped3A : memref<!tpu.dma_semaphore, #tpu.memory_space<semaphore_mem>>) src(%dma_wait3A_422 : memref<128x32xf32, #tpu.memory_space<vmem_shared>>) dst(%dma_wait3A_420 : memref<128x32xf32, #tpu.memory_space<vmem>>)
      tpu.yield
    }) : () -> ()
    %add3A_282 = arith.addi %mul3A_12, %mul3A_203 : i32
    %add3A_283 = arith.constant 128 : i32
    %add3A_284 = arith.addi %add3A_282, %add3A_283 : i32
    "tpu.region"() ({
      %run_scoped3A = tpu.sem_alloc : memref<!tpu.dma_semaphore, #tpu.memory_space<semaphore_mem>>
      %dma_start3A = arith.constant 0 : i32
      %dma_start3A_405 = arith.constant 0 : i32
      %dma_start3A_406 = tpu.memref_slice %arg10[%dma_start3A, %dma_start3A_405] : memref<512x32xf32, #tpu.memory_space<vmem>> -> memref<128x32xf32, #tpu.memory_space<vmem>>
      %dma_start3A_407 = arith.constant 0 : i32
      %dma_start3A_408 = tpu.memref_slice %arg6[%add3A_284, %dma_start3A_407] : memref<106496x32xf32, #tpu.memory_space<hbm>> -> memref<128x32xf32, #tpu.memory_space<hbm>>
      %dma_start3A_409 = arith.constant 0 : i32
      %dma_start3A_410 = tpu.memref_slice %arg6[%add3A_284, %dma_start3A_409] : memref<106496x32xf32, #tpu.memory_space<hbm>> -> memref<128x32xf32, #tpu.memory_space<hbm>>
      %dma_start3A_411 = arith.constant 0 : i32
      %dma_start3A_412 = arith.constant 0 : i32
      %dma_start3A_413 = tpu.memref_slice %arg10[%dma_start3A_411, %dma_start3A_412] : memref<512x32xf32, #tpu.memory_space<vmem>> -> memref<128x32xf32, #tpu.memory_space<vmem>>
      tpu.enqueue_dma source(%dma_start3A_413 : memref<128x32xf32, #tpu.memory_space<vmem>>) target(%dma_start3A_410 : memref<128x32xf32, #tpu.memory_space<hbm>>) target_semaphore(%run_scoped3A : memref<!tpu.dma_semaphore, #tpu.memory_space<semaphore_mem>>)
      %dma_wait3A = arith.constant 0 : i32
      %dma_wait3A_414 = arith.constant 0 : i32
      %dma_wait3A_415 = tpu.memref_slice %arg10[%dma_wait3A, %dma_wait3A_414] : memref<512x32xf32, #tpu.memory_space<vmem>> -> memref<128x32xf32, #tpu.memory_space<vmem>>
      %dma_wait3A_416 = arith.constant 0 : i32
      %dma_wait3A_417 = tpu.memref_slice %arg6[%add3A_284, %dma_wait3A_416] : memref<106496x32xf32, #tpu.memory_space<hbm>> -> memref<128x32xf32, #tpu.memory_space<hbm>>
      %dma_wait3A_418 = arith.constant 0 : i32
      %dma_wait3A_419 = tpu.memref_slice %arg6[%add3A_284, %dma_wait3A_418] : memref<106496x32xf32, #tpu.memory_space<hbm>> -> memref<128x32xf32, #tpu.memory_space<hbm>>
      %dma_wait3A_420 = arith.constant 0 : i32
      %dma_wait3A_421 = arith.constant 0 : i32
      %dma_wait3A_422 = tpu.memref_slice %arg10[%dma_wait3A_420, %dma_wait3A_421] : memref<512x32xf32, #tpu.memory_space<vmem>> -> memref<128x32xf32, #tpu.memory_space<vmem>>
      tpu.wait_dma2 semaphore(%run_scoped3A : memref<!tpu.dma_semaphore, #tpu.memory_space<semaphore_mem>>) src(%dma_wait3A_422 : memref<128x32xf32, #tpu.memory_space<vmem>>) dst(%dma_wait3A_419 : memref<128x32xf32, #tpu.memory_space<hbm>>)
      tpu.yield
    }) : () -> ()
    %add3A_285 = arith.constant 256 : i32
    %add3A_286 = arith.addi %mul3A_203, %add3A_285 : i32
    "tpu.region"() ({
      %run_scoped3A = tpu.sem_alloc : memref<!tpu.dma_semaphore, #tpu.memory_space<semaphore_mem>>
      %dma_start3A = arith.constant 0 : i32
      %dma_start3A_405 = arith.constant 0 : i32
      %dma_start3A_406 = tpu.memref_slice %arg10[%dma_start3A, %dma_start3A_405] : memref<512x32xf32, #tpu.memory_space<vmem>> -> memref<128x32xf32, #tpu.memory_space<vmem>>
      %dma_start3A_407 = arith.constant 0 : i32
      %dma_start3A_408 = tpu.memref_slice %arg12[%add3A_286, %dma_start3A_407] : memref<53256x32xf32, #tpu.memory_space<vmem_shared>> -> memref<128x32xf32, #tpu.memory_space<vmem_shared>>
      %dma_start3A_409 = arith.constant 0 : i32
      %dma_start3A_410 = arith.constant 0 : i32
      %dma_start3A_411 = tpu.memref_slice %arg10[%dma_start3A_409, %dma_start3A_410] : memref<512x32xf32, #tpu.memory_space<vmem>> -> memref<128x32xf32, #tpu.memory_space<vmem>>
      %dma_start3A_412 = arith.constant 0 : i32
      %dma_start3A_413 = tpu.memref_slice %arg12[%add3A_286, %dma_start3A_412] : memref<53256x32xf32, #tpu.memory_space<vmem_shared>> -> memref<128x32xf32, #tpu.memory_space<vmem_shared>>
      tpu.enqueue_dma source(%dma_start3A_413 : memref<128x32xf32, #tpu.memory_space<vmem_shared>>) target(%dma_start3A_411 : memref<128x32xf32, #tpu.memory_space<vmem>>) target_semaphore(%run_scoped3A : memref<!tpu.dma_semaphore, #tpu.memory_space<semaphore_mem>>)
      %dma_wait3A = arith.constant 0 : i32
      %dma_wait3A_414 = arith.constant 0 : i32
      %dma_wait3A_415 = tpu.memref_slice %arg10[%dma_wait3A, %dma_wait3A_414] : memref<512x32xf32, #tpu.memory_space<vmem>> -> memref<128x32xf32, #tpu.memory_space<vmem>>
      %dma_wait3A_416 = arith.constant 0 : i32
      %dma_wait3A_417 = tpu.memref_slice %arg12[%add3A_286, %dma_wait3A_416] : memref<53256x32xf32, #tpu.memory_space<vmem_shared>> -> memref<128x32xf32, #tpu.memory_space<vmem_shared>>
      %dma_wait3A_418 = arith.constant 0 : i32
      %dma_wait3A_419 = arith.constant 0 : i32
      %dma_wait3A_420 = tpu.memref_slice %arg10[%dma_wait3A_418, %dma_wait3A_419] : memref<512x32xf32, #tpu.memory_space<vmem>> -> memref<128x32xf32, #tpu.memory_space<vmem>>
      %dma_wait3A_421 = arith.constant 0 : i32
      %dma_wait3A_422 = tpu.memref_slice %arg12[%add3A_286, %dma_wait3A_421] : memref<53256x32xf32, #tpu.memory_space<vmem_shared>> -> memref<128x32xf32, #tpu.memory_space<vmem_shared>>
      tpu.wait_dma2 semaphore(%run_scoped3A : memref<!tpu.dma_semaphore, #tpu.memory_space<semaphore_mem>>) src(%dma_wait3A_422 : memref<128x32xf32, #tpu.memory_space<vmem_shared>>) dst(%dma_wait3A_420 : memref<128x32xf32, #tpu.memory_space<vmem>>)
      tpu.yield
    }) : () -> ()
    %add3A_287 = arith.addi %mul3A_12, %mul3A_203 : i32
    %add3A_288 = arith.constant 256 : i32
    %add3A_289 = arith.addi %add3A_287, %add3A_288 : i32
    "tpu.region"() ({
      %run_scoped3A = tpu.sem_alloc : memref<!tpu.dma_semaphore, #tpu.memory_space<semaphore_mem>>
      %dma_start3A = arith.constant 0 : i32
      %dma_start3A_405 = arith.constant 0 : i32
      %dma_start3A_406 = tpu.memref_slice %arg10[%dma_start3A, %dma_start3A_405] : memref<512x32xf32, #tpu.memory_space<vmem>> -> memref<128x32xf32, #tpu.memory_space<vmem>>
      %dma_start3A_407 = arith.constant 0 : i32
      %dma_start3A_408 = tpu.memref_slice %arg6[%add3A_289, %dma_start3A_407] : memref<106496x32xf32, #tpu.memory_space<hbm>> -> memref<128x32xf32, #tpu.memory_space<hbm>>
      %dma_start3A_409 = arith.constant 0 : i32
      %dma_start3A_410 = tpu.memref_slice %arg6[%add3A_289, %dma_start3A_409] : memref<106496x32xf32, #tpu.memory_space<hbm>> -> memref<128x32xf32, #tpu.memory_space<hbm>>
      %dma_start3A_411 = arith.constant 0 : i32
      %dma_start3A_412 = arith.constant 0 : i32
      %dma_start3A_413 = tpu.memref_slice %arg10[%dma_start3A_411, %dma_start3A_412] : memref<512x32xf32, #tpu.memory_space<vmem>> -> memref<128x32xf32, #tpu.memory_space<vmem>>
      tpu.enqueue_dma source(%dma_start3A_413 : memref<128x32xf32, #tpu.memory_space<vmem>>) target(%dma_start3A_410 : memref<128x32xf32, #tpu.memory_space<hbm>>) target_semaphore(%run_scoped3A : memref<!tpu.dma_semaphore, #tpu.memory_space<semaphore_mem>>)
      %dma_wait3A = arith.constant 0 : i32
      %dma_wait3A_414 = arith.constant 0 : i32
      %dma_wait3A_415 = tpu.memref_slice %arg10[%dma_wait3A, %dma_wait3A_414] : memref<512x32xf32, #tpu.memory_space<vmem>> -> memref<128x32xf32, #tpu.memory_space<vmem>>
      %dma_wait3A_416 = arith.constant 0 : i32
      %dma_wait3A_417 = tpu.memref_slice %arg6[%add3A_289, %dma_wait3A_416] : memref<106496x32xf32, #tpu.memory_space<hbm>> -> memref<128x32xf32, #tpu.memory_space<hbm>>
      %dma_wait3A_418 = arith.constant 0 : i32
      %dma_wait3A_419 = tpu.memref_slice %arg6[%add3A_289, %dma_wait3A_418] : memref<106496x32xf32, #tpu.memory_space<hbm>> -> memref<128x32xf32, #tpu.memory_space<hbm>>
      %dma_wait3A_420 = arith.constant 0 : i32
      %dma_wait3A_421 = arith.constant 0 : i32
      %dma_wait3A_422 = tpu.memref_slice %arg10[%dma_wait3A_420, %dma_wait3A_421] : memref<512x32xf32, #tpu.memory_space<vmem>> -> memref<128x32xf32, #tpu.memory_space<vmem>>
      tpu.wait_dma2 semaphore(%run_scoped3A : memref<!tpu.dma_semaphore, #tpu.memory_space<semaphore_mem>>) src(%dma_wait3A_422 : memref<128x32xf32, #tpu.memory_space<vmem>>) dst(%dma_wait3A_419 : memref<128x32xf32, #tpu.memory_space<hbm>>)
      tpu.yield
    }) : () -> ()
    %add3A_290 = arith.constant 384 : i32
    %add3A_291 = arith.addi %mul3A_203, %add3A_290 : i32
    "tpu.region"() ({
      %run_scoped3A = tpu.sem_alloc : memref<!tpu.dma_semaphore, #tpu.memory_space<semaphore_mem>>
      %dma_start3A = arith.constant 0 : i32
      %dma_start3A_405 = arith.constant 0 : i32
      %dma_start3A_406 = tpu.memref_slice %arg10[%dma_start3A, %dma_start3A_405] : memref<512x32xf32, #tpu.memory_space<vmem>> -> memref<128x32xf32, #tpu.memory_space<vmem>>
      %dma_start3A_407 = arith.constant 0 : i32
      %dma_start3A_408 = tpu.memref_slice %arg12[%add3A_291, %dma_start3A_407] : memref<53256x32xf32, #tpu.memory_space<vmem_shared>> -> memref<128x32xf32, #tpu.memory_space<vmem_shared>>
      %dma_start3A_409 = arith.constant 0 : i32
      %dma_start3A_410 = arith.constant 0 : i32
      %dma_start3A_411 = tpu.memref_slice %arg10[%dma_start3A_409, %dma_start3A_410] : memref<512x32xf32, #tpu.memory_space<vmem>> -> memref<128x32xf32, #tpu.memory_space<vmem>>
      %dma_start3A_412 = arith.constant 0 : i32
      %dma_start3A_413 = tpu.memref_slice %arg12[%add3A_291, %dma_start3A_412] : memref<53256x32xf32, #tpu.memory_space<vmem_shared>> -> memref<128x32xf32, #tpu.memory_space<vmem_shared>>
      tpu.enqueue_dma source(%dma_start3A_413 : memref<128x32xf32, #tpu.memory_space<vmem_shared>>) target(%dma_start3A_411 : memref<128x32xf32, #tpu.memory_space<vmem>>) target_semaphore(%run_scoped3A : memref<!tpu.dma_semaphore, #tpu.memory_space<semaphore_mem>>)
      %dma_wait3A = arith.constant 0 : i32
      %dma_wait3A_414 = arith.constant 0 : i32
      %dma_wait3A_415 = tpu.memref_slice %arg10[%dma_wait3A, %dma_wait3A_414] : memref<512x32xf32, #tpu.memory_space<vmem>> -> memref<128x32xf32, #tpu.memory_space<vmem>>
      %dma_wait3A_416 = arith.constant 0 : i32
      %dma_wait3A_417 = tpu.memref_slice %arg12[%add3A_291, %dma_wait3A_416] : memref<53256x32xf32, #tpu.memory_space<vmem_shared>> -> memref<128x32xf32, #tpu.memory_space<vmem_shared>>
      %dma_wait3A_418 = arith.constant 0 : i32
      %dma_wait3A_419 = arith.constant 0 : i32
      %dma_wait3A_420 = tpu.memref_slice %arg10[%dma_wait3A_418, %dma_wait3A_419] : memref<512x32xf32, #tpu.memory_space<vmem>> -> memref<128x32xf32, #tpu.memory_space<vmem>>
      %dma_wait3A_421 = arith.constant 0 : i32
      %dma_wait3A_422 = tpu.memref_slice %arg12[%add3A_291, %dma_wait3A_421] : memref<53256x32xf32, #tpu.memory_space<vmem_shared>> -> memref<128x32xf32, #tpu.memory_space<vmem_shared>>
      tpu.wait_dma2 semaphore(%run_scoped3A : memref<!tpu.dma_semaphore, #tpu.memory_space<semaphore_mem>>) src(%dma_wait3A_422 : memref<128x32xf32, #tpu.memory_space<vmem_shared>>) dst(%dma_wait3A_420 : memref<128x32xf32, #tpu.memory_space<vmem>>)
      tpu.yield
    }) : () -> ()
    %add3A_292 = arith.addi %mul3A_12, %mul3A_203 : i32
    %add3A_293 = arith.constant 384 : i32
    %add3A_294 = arith.addi %add3A_292, %add3A_293 : i32
    "tpu.region"() ({
      %run_scoped3A = tpu.sem_alloc : memref<!tpu.dma_semaphore, #tpu.memory_space<semaphore_mem>>
      %dma_start3A = arith.constant 0 : i32
      %dma_start3A_405 = arith.constant 0 : i32
      %dma_start3A_406 = tpu.memref_slice %arg10[%dma_start3A, %dma_start3A_405] : memref<512x32xf32, #tpu.memory_space<vmem>> -> memref<128x32xf32, #tpu.memory_space<vmem>>
      %dma_start3A_407 = arith.constant 0 : i32
      %dma_start3A_408 = tpu.memref_slice %arg6[%add3A_294, %dma_start3A_407] : memref<106496x32xf32, #tpu.memory_space<hbm>> -> memref<128x32xf32, #tpu.memory_space<hbm>>
      %dma_start3A_409 = arith.constant 0 : i32
      %dma_start3A_410 = tpu.memref_slice %arg6[%add3A_294, %dma_start3A_409] : memref<106496x32xf32, #tpu.memory_space<hbm>> -> memref<128x32xf32, #tpu.memory_space<hbm>>
      %dma_start3A_411 = arith.constant 0 : i32
      %dma_start3A_412 = arith.constant 0 : i32
      %dma_start3A_413 = tpu.memref_slice %arg10[%dma_start3A_411, %dma_start3A_412] : memref<512x32xf32, #tpu.memory_space<vmem>> -> memref<128x32xf32, #tpu.memory_space<vmem>>
      tpu.enqueue_dma source(%dma_start3A_413 : memref<128x32xf32, #tpu.memory_space<vmem>>) target(%dma_start3A_410 : memref<128x32xf32, #tpu.memory_space<hbm>>) target_semaphore(%run_scoped3A : memref<!tpu.dma_semaphore, #tpu.memory_space<semaphore_mem>>)
      %dma_wait3A = arith.constant 0 : i32
      %dma_wait3A_414 = arith.constant 0 : i32
      %dma_wait3A_415 = tpu.memref_slice %arg10[%dma_wait3A, %dma_wait3A_414] : memref<512x32xf32, #tpu.memory_space<vmem>> -> memref<128x32xf32, #tpu.memory_space<vmem>>
      %dma_wait3A_416 = arith.constant 0 : i32
      %dma_wait3A_417 = tpu.memref_slice %arg6[%add3A_294, %dma_wait3A_416] : memref<106496x32xf32, #tpu.memory_space<hbm>> -> memref<128x32xf32, #tpu.memory_space<hbm>>
      %dma_wait3A_418 = arith.constant 0 : i32
      %dma_wait3A_419 = tpu.memref_slice %arg6[%add3A_294, %dma_wait3A_418] : memref<106496x32xf32, #tpu.memory_space<hbm>> -> memref<128x32xf32, #tpu.memory_space<hbm>>
      %dma_wait3A_420 = arith.constant 0 : i32
      %dma_wait3A_421 = arith.constant 0 : i32
      %dma_wait3A_422 = tpu.memref_slice %arg10[%dma_wait3A_420, %dma_wait3A_421] : memref<512x32xf32, #tpu.memory_space<vmem>> -> memref<128x32xf32, #tpu.memory_space<vmem>>
      tpu.wait_dma2 semaphore(%run_scoped3A : memref<!tpu.dma_semaphore, #tpu.memory_space<semaphore_mem>>) src(%dma_wait3A_422 : memref<128x32xf32, #tpu.memory_space<vmem>>) dst(%dma_wait3A_419 : memref<128x32xf32, #tpu.memory_space<hbm>>)
      tpu.yield
    }) : () -> ()
    %add3A_295 = arith.constant 512 : i32
    %add3A_296 = arith.addi %mul3A_203, %add3A_295 : i32
    "tpu.region"() ({
      %run_scoped3A = tpu.sem_alloc : memref<!tpu.dma_semaphore, #tpu.memory_space<semaphore_mem>>
      %dma_start3A = arith.constant 0 : i32
      %dma_start3A_405 = arith.constant 0 : i32
      %dma_start3A_406 = tpu.memref_slice %arg10[%dma_start3A, %dma_start3A_405] : memref<512x32xf32, #tpu.memory_space<vmem>> -> memref<128x32xf32, #tpu.memory_space<vmem>>
      %dma_start3A_407 = arith.constant 0 : i32
      %dma_start3A_408 = tpu.memref_slice %arg12[%add3A_296, %dma_start3A_407] : memref<53256x32xf32, #tpu.memory_space<vmem_shared>> -> memref<128x32xf32, #tpu.memory_space<vmem_shared>>
      %dma_start3A_409 = arith.constant 0 : i32
      %dma_start3A_410 = arith.constant 0 : i32
      %dma_start3A_411 = tpu.memref_slice %arg10[%dma_start3A_409, %dma_start3A_410] : memref<512x32xf32, #tpu.memory_space<vmem>> -> memref<128x32xf32, #tpu.memory_space<vmem>>
      %dma_start3A_412 = arith.constant 0 : i32
      %dma_start3A_413 = tpu.memref_slice %arg12[%add3A_296, %dma_start3A_412] : memref<53256x32xf32, #tpu.memory_space<vmem_shared>> -> memref<128x32xf32, #tpu.memory_space<vmem_shared>>
      tpu.enqueue_dma source(%dma_start3A_413 : memref<128x32xf32, #tpu.memory_space<vmem_shared>>) target(%dma_start3A_411 : memref<128x32xf32, #tpu.memory_space<vmem>>) target_semaphore(%run_scoped3A : memref<!tpu.dma_semaphore, #tpu.memory_space<semaphore_mem>>)
      %dma_wait3A = arith.constant 0 : i32
      %dma_wait3A_414 = arith.constant 0 : i32
      %dma_wait3A_415 = tpu.memref_slice %arg10[%dma_wait3A, %dma_wait3A_414] : memref<512x32xf32, #tpu.memory_space<vmem>> -> memref<128x32xf32, #tpu.memory_space<vmem>>
      %dma_wait3A_416 = arith.constant 0 : i32
      %dma_wait3A_417 = tpu.memref_slice %arg12[%add3A_296, %dma_wait3A_416] : memref<53256x32xf32, #tpu.memory_space<vmem_shared>> -> memref<128x32xf32, #tpu.memory_space<vmem_shared>>
      %dma_wait3A_418 = arith.constant 0 : i32
      %dma_wait3A_419 = arith.constant 0 : i32
      %dma_wait3A_420 = tpu.memref_slice %arg10[%dma_wait3A_418, %dma_wait3A_419] : memref<512x32xf32, #tpu.memory_space<vmem>> -> memref<128x32xf32, #tpu.memory_space<vmem>>
      %dma_wait3A_421 = arith.constant 0 : i32
      %dma_wait3A_422 = tpu.memref_slice %arg12[%add3A_296, %dma_wait3A_421] : memref<53256x32xf32, #tpu.memory_space<vmem_shared>> -> memref<128x32xf32, #tpu.memory_space<vmem_shared>>
      tpu.wait_dma2 semaphore(%run_scoped3A : memref<!tpu.dma_semaphore, #tpu.memory_space<semaphore_mem>>) src(%dma_wait3A_422 : memref<128x32xf32, #tpu.memory_space<vmem_shared>>) dst(%dma_wait3A_420 : memref<128x32xf32, #tpu.memory_space<vmem>>)
      tpu.yield
    }) : () -> ()
    %add3A_297 = arith.addi %mul3A_12, %mul3A_203 : i32
    %add3A_298 = arith.constant 512 : i32
    %add3A_299 = arith.addi %add3A_297, %add3A_298 : i32
    "tpu.region"() ({
      %run_scoped3A = tpu.sem_alloc : memref<!tpu.dma_semaphore, #tpu.memory_space<semaphore_mem>>
      %dma_start3A = arith.constant 0 : i32
      %dma_start3A_405 = arith.constant 0 : i32
      %dma_start3A_406 = tpu.memref_slice %arg10[%dma_start3A, %dma_start3A_405] : memref<512x32xf32, #tpu.memory_space<vmem>> -> memref<128x32xf32, #tpu.memory_space<vmem>>
      %dma_start3A_407 = arith.constant 0 : i32
      %dma_start3A_408 = tpu.memref_slice %arg6[%add3A_299, %dma_start3A_407] : memref<106496x32xf32, #tpu.memory_space<hbm>> -> memref<128x32xf32, #tpu.memory_space<hbm>>
      %dma_start3A_409 = arith.constant 0 : i32
      %dma_start3A_410 = tpu.memref_slice %arg6[%add3A_299, %dma_start3A_409] : memref<106496x32xf32, #tpu.memory_space<hbm>> -> memref<128x32xf32, #tpu.memory_space<hbm>>
      %dma_start3A_411 = arith.constant 0 : i32
      %dma_start3A_412 = arith.constant 0 : i32
      %dma_start3A_413 = tpu.memref_slice %arg10[%dma_start3A_411, %dma_start3A_412] : memref<512x32xf32, #tpu.memory_space<vmem>> -> memref<128x32xf32, #tpu.memory_space<vmem>>
      tpu.enqueue_dma source(%dma_start3A_413 : memref<128x32xf32, #tpu.memory_space<vmem>>) target(%dma_start3A_410 : memref<128x32xf32, #tpu.memory_space<hbm>>) target_semaphore(%run_scoped3A : memref<!tpu.dma_semaphore, #tpu.memory_space<semaphore_mem>>)
      %dma_wait3A = arith.constant 0 : i32
      %dma_wait3A_414 = arith.constant 0 : i32
      %dma_wait3A_415 = tpu.memref_slice %arg10[%dma_wait3A, %dma_wait3A_414] : memref<512x32xf32, #tpu.memory_space<vmem>> -> memref<128x32xf32, #tpu.memory_space<vmem>>
      %dma_wait3A_416 = arith.constant 0 : i32
      %dma_wait3A_417 = tpu.memref_slice %arg6[%add3A_299, %dma_wait3A_416] : memref<106496x32xf32, #tpu.memory_space<hbm>> -> memref<128x32xf32, #tpu.memory_space<hbm>>
      %dma_wait3A_418 = arith.constant 0 : i32
      %dma_wait3A_419 = tpu.memref_slice %arg6[%add3A_299, %dma_wait3A_418] : memref<106496x32xf32, #tpu.memory_space<hbm>> -> memref<128x32xf32, #tpu.memory_space<hbm>>
      %dma_wait3A_420 = arith.constant 0 : i32
      %dma_wait3A_421 = arith.constant 0 : i32
      %dma_wait3A_422 = tpu.memref_slice %arg10[%dma_wait3A_420, %dma_wait3A_421] : memref<512x32xf32, #tpu.memory_space<vmem>> -> memref<128x32xf32, #tpu.memory_space<vmem>>
      tpu.wait_dma2 semaphore(%run_scoped3A : memref<!tpu.dma_semaphore, #tpu.memory_space<semaphore_mem>>) src(%dma_wait3A_422 : memref<128x32xf32, #tpu.memory_space<vmem>>) dst(%dma_wait3A_419 : memref<128x32xf32, #tpu.memory_space<hbm>>)
      tpu.yield
    }) : () -> ()
    %add3A_300 = arith.constant 640 : i32
    %add3A_301 = arith.addi %mul3A_203, %add3A_300 : i32
    "tpu.region"() ({
      %run_scoped3A = tpu.sem_alloc : memref<!tpu.dma_semaphore, #tpu.memory_space<semaphore_mem>>
      %dma_start3A = arith.constant 0 : i32
      %dma_start3A_405 = arith.constant 0 : i32
      %dma_start3A_406 = tpu.memref_slice %arg10[%dma_start3A, %dma_start3A_405] : memref<512x32xf32, #tpu.memory_space<vmem>> -> memref<128x32xf32, #tpu.memory_space<vmem>>
      %dma_start3A_407 = arith.constant 0 : i32
      %dma_start3A_408 = tpu.memref_slice %arg12[%add3A_301, %dma_start3A_407] : memref<53256x32xf32, #tpu.memory_space<vmem_shared>> -> memref<128x32xf32, #tpu.memory_space<vmem_shared>>
      %dma_start3A_409 = arith.constant 0 : i32
      %dma_start3A_410 = arith.constant 0 : i32
      %dma_start3A_411 = tpu.memref_slice %arg10[%dma_start3A_409, %dma_start3A_410] : memref<512x32xf32, #tpu.memory_space<vmem>> -> memref<128x32xf32, #tpu.memory_space<vmem>>
      %dma_start3A_412 = arith.constant 0 : i32
      %dma_start3A_413 = tpu.memref_slice %arg12[%add3A_301, %dma_start3A_412] : memref<53256x32xf32, #tpu.memory_space<vmem_shared>> -> memref<128x32xf32, #tpu.memory_space<vmem_shared>>
      tpu.enqueue_dma source(%dma_start3A_413 : memref<128x32xf32, #tpu.memory_space<vmem_shared>>) target(%dma_start3A_411 : memref<128x32xf32, #tpu.memory_space<vmem>>) target_semaphore(%run_scoped3A : memref<!tpu.dma_semaphore, #tpu.memory_space<semaphore_mem>>)
      %dma_wait3A = arith.constant 0 : i32
      %dma_wait3A_414 = arith.constant 0 : i32
      %dma_wait3A_415 = tpu.memref_slice %arg10[%dma_wait3A, %dma_wait3A_414] : memref<512x32xf32, #tpu.memory_space<vmem>> -> memref<128x32xf32, #tpu.memory_space<vmem>>
      %dma_wait3A_416 = arith.constant 0 : i32
      %dma_wait3A_417 = tpu.memref_slice %arg12[%add3A_301, %dma_wait3A_416] : memref<53256x32xf32, #tpu.memory_space<vmem_shared>> -> memref<128x32xf32, #tpu.memory_space<vmem_shared>>
      %dma_wait3A_418 = arith.constant 0 : i32
      %dma_wait3A_419 = arith.constant 0 : i32
      %dma_wait3A_420 = tpu.memref_slice %arg10[%dma_wait3A_418, %dma_wait3A_419] : memref<512x32xf32, #tpu.memory_space<vmem>> -> memref<128x32xf32, #tpu.memory_space<vmem>>
      %dma_wait3A_421 = arith.constant 0 : i32
      %dma_wait3A_422 = tpu.memref_slice %arg12[%add3A_301, %dma_wait3A_421] : memref<53256x32xf32, #tpu.memory_space<vmem_shared>> -> memref<128x32xf32, #tpu.memory_space<vmem_shared>>
      tpu.wait_dma2 semaphore(%run_scoped3A : memref<!tpu.dma_semaphore, #tpu.memory_space<semaphore_mem>>) src(%dma_wait3A_422 : memref<128x32xf32, #tpu.memory_space<vmem_shared>>) dst(%dma_wait3A_420 : memref<128x32xf32, #tpu.memory_space<vmem>>)
      tpu.yield
    }) : () -> ()
    %add3A_302 = arith.addi %mul3A_12, %mul3A_203 : i32
    %add3A_303 = arith.constant 640 : i32
    %add3A_304 = arith.addi %add3A_302, %add3A_303 : i32
    "tpu.region"() ({
      %run_scoped3A = tpu.sem_alloc : memref<!tpu.dma_semaphore, #tpu.memory_space<semaphore_mem>>
      %dma_start3A = arith.constant 0 : i32
      %dma_start3A_405 = arith.constant 0 : i32
      %dma_start3A_406 = tpu.memref_slice %arg10[%dma_start3A, %dma_start3A_405] : memref<512x32xf32, #tpu.memory_space<vmem>> -> memref<128x32xf32, #tpu.memory_space<vmem>>
      %dma_start3A_407 = arith.constant 0 : i32
      %dma_start3A_408 = tpu.memref_slice %arg6[%add3A_304, %dma_start3A_407] : memref<106496x32xf32, #tpu.memory_space<hbm>> -> memref<128x32xf32, #tpu.memory_space<hbm>>
      %dma_start3A_409 = arith.constant 0 : i32
      %dma_start3A_410 = tpu.memref_slice %arg6[%add3A_304, %dma_start3A_409] : memref<106496x32xf32, #tpu.memory_space<hbm>> -> memref<128x32xf32, #tpu.memory_space<hbm>>
      %dma_start3A_411 = arith.constant 0 : i32
      %dma_start3A_412 = arith.constant 0 : i32
      %dma_start3A_413 = tpu.memref_slice %arg10[%dma_start3A_411, %dma_start3A_412] : memref<512x32xf32, #tpu.memory_space<vmem>> -> memref<128x32xf32, #tpu.memory_space<vmem>>
      tpu.enqueue_dma source(%dma_start3A_413 : memref<128x32xf32, #tpu.memory_space<vmem>>) target(%dma_start3A_410 : memref<128x32xf32, #tpu.memory_space<hbm>>) target_semaphore(%run_scoped3A : memref<!tpu.dma_semaphore, #tpu.memory_space<semaphore_mem>>)
      %dma_wait3A = arith.constant 0 : i32
      %dma_wait3A_414 = arith.constant 0 : i32
      %dma_wait3A_415 = tpu.memref_slice %arg10[%dma_wait3A, %dma_wait3A_414] : memref<512x32xf32, #tpu.memory_space<vmem>> -> memref<128x32xf32, #tpu.memory_space<vmem>>
      %dma_wait3A_416 = arith.constant 0 : i32
      %dma_wait3A_417 = tpu.memref_slice %arg6[%add3A_304, %dma_wait3A_416] : memref<106496x32xf32, #tpu.memory_space<hbm>> -> memref<128x32xf32, #tpu.memory_space<hbm>>
      %dma_wait3A_418 = arith.constant 0 : i32
      %dma_wait3A_419 = tpu.memref_slice %arg6[%add3A_304, %dma_wait3A_418] : memref<106496x32xf32, #tpu.memory_space<hbm>> -> memref<128x32xf32, #tpu.memory_space<hbm>>
      %dma_wait3A_420 = arith.constant 0 : i32
      %dma_wait3A_421 = arith.constant 0 : i32
      %dma_wait3A_422 = tpu.memref_slice %arg10[%dma_wait3A_420, %dma_wait3A_421] : memref<512x32xf32, #tpu.memory_space<vmem>> -> memref<128x32xf32, #tpu.memory_space<vmem>>
      tpu.wait_dma2 semaphore(%run_scoped3A : memref<!tpu.dma_semaphore, #tpu.memory_space<semaphore_mem>>) src(%dma_wait3A_422 : memref<128x32xf32, #tpu.memory_space<vmem>>) dst(%dma_wait3A_419 : memref<128x32xf32, #tpu.memory_space<hbm>>)
      tpu.yield
    }) : () -> ()
    %add3A_305 = arith.constant 768 : i32
    %add3A_306 = arith.addi %mul3A_203, %add3A_305 : i32
    "tpu.region"() ({
      %run_scoped3A = tpu.sem_alloc : memref<!tpu.dma_semaphore, #tpu.memory_space<semaphore_mem>>
      %dma_start3A = arith.constant 0 : i32
      %dma_start3A_405 = arith.constant 0 : i32
      %dma_start3A_406 = tpu.memref_slice %arg10[%dma_start3A, %dma_start3A_405] : memref<512x32xf32, #tpu.memory_space<vmem>> -> memref<128x32xf32, #tpu.memory_space<vmem>>
      %dma_start3A_407 = arith.constant 0 : i32
      %dma_start3A_408 = tpu.memref_slice %arg12[%add3A_306, %dma_start3A_407] : memref<53256x32xf32, #tpu.memory_space<vmem_shared>> -> memref<128x32xf32, #tpu.memory_space<vmem_shared>>
      %dma_start3A_409 = arith.constant 0 : i32
      %dma_start3A_410 = arith.constant 0 : i32
      %dma_start3A_411 = tpu.memref_slice %arg10[%dma_start3A_409, %dma_start3A_410] : memref<512x32xf32, #tpu.memory_space<vmem>> -> memref<128x32xf32, #tpu.memory_space<vmem>>
      %dma_start3A_412 = arith.constant 0 : i32
      %dma_start3A_413 = tpu.memref_slice %arg12[%add3A_306, %dma_start3A_412] : memref<53256x32xf32, #tpu.memory_space<vmem_shared>> -> memref<128x32xf32, #tpu.memory_space<vmem_shared>>
      tpu.enqueue_dma source(%dma_start3A_413 : memref<128x32xf32, #tpu.memory_space<vmem_shared>>) target(%dma_start3A_411 : memref<128x32xf32, #tpu.memory_space<vmem>>) target_semaphore(%run_scoped3A : memref<!tpu.dma_semaphore, #tpu.memory_space<semaphore_mem>>)
      %dma_wait3A = arith.constant 0 : i32
      %dma_wait3A_414 = arith.constant 0 : i32
      %dma_wait3A_415 = tpu.memref_slice %arg10[%dma_wait3A, %dma_wait3A_414] : memref<512x32xf32, #tpu.memory_space<vmem>> -> memref<128x32xf32, #tpu.memory_space<vmem>>
      %dma_wait3A_416 = arith.constant 0 : i32
      %dma_wait3A_417 = tpu.memref_slice %arg12[%add3A_306, %dma_wait3A_416] : memref<53256x32xf32, #tpu.memory_space<vmem_shared>> -> memref<128x32xf32, #tpu.memory_space<vmem_shared>>
      %dma_wait3A_418 = arith.constant 0 : i32
      %dma_wait3A_419 = arith.constant 0 : i32
      %dma_wait3A_420 = tpu.memref_slice %arg10[%dma_wait3A_418, %dma_wait3A_419] : memref<512x32xf32, #tpu.memory_space<vmem>> -> memref<128x32xf32, #tpu.memory_space<vmem>>
      %dma_wait3A_421 = arith.constant 0 : i32
      %dma_wait3A_422 = tpu.memref_slice %arg12[%add3A_306, %dma_wait3A_421] : memref<53256x32xf32, #tpu.memory_space<vmem_shared>> -> memref<128x32xf32, #tpu.memory_space<vmem_shared>>
      tpu.wait_dma2 semaphore(%run_scoped3A : memref<!tpu.dma_semaphore, #tpu.memory_space<semaphore_mem>>) src(%dma_wait3A_422 : memref<128x32xf32, #tpu.memory_space<vmem_shared>>) dst(%dma_wait3A_420 : memref<128x32xf32, #tpu.memory_space<vmem>>)
      tpu.yield
    }) : () -> ()
    %add3A_307 = arith.addi %mul3A_12, %mul3A_203 : i32
    %add3A_308 = arith.constant 768 : i32
    %add3A_309 = arith.addi %add3A_307, %add3A_308 : i32
    "tpu.region"() ({
      %run_scoped3A = tpu.sem_alloc : memref<!tpu.dma_semaphore, #tpu.memory_space<semaphore_mem>>
      %dma_start3A = arith.constant 0 : i32
      %dma_start3A_405 = arith.constant 0 : i32
      %dma_start3A_406 = tpu.memref_slice %arg10[%dma_start3A, %dma_start3A_405] : memref<512x32xf32, #tpu.memory_space<vmem>> -> memref<128x32xf32, #tpu.memory_space<vmem>>
      %dma_start3A_407 = arith.constant 0 : i32
      %dma_start3A_408 = tpu.memref_slice %arg6[%add3A_309, %dma_start3A_407] : memref<106496x32xf32, #tpu.memory_space<hbm>> -> memref<128x32xf32, #tpu.memory_space<hbm>>
      %dma_start3A_409 = arith.constant 0 : i32
      %dma_start3A_410 = tpu.memref_slice %arg6[%add3A_309, %dma_start3A_409] : memref<106496x32xf32, #tpu.memory_space<hbm>> -> memref<128x32xf32, #tpu.memory_space<hbm>>
      %dma_start3A_411 = arith.constant 0 : i32
      %dma_start3A_412 = arith.constant 0 : i32
      %dma_start3A_413 = tpu.memref_slice %arg10[%dma_start3A_411, %dma_start3A_412] : memref<512x32xf32, #tpu.memory_space<vmem>> -> memref<128x32xf32, #tpu.memory_space<vmem>>
      tpu.enqueue_dma source(%dma_start3A_413 : memref<128x32xf32, #tpu.memory_space<vmem>>) target(%dma_start3A_410 : memref<128x32xf32, #tpu.memory_space<hbm>>) target_semaphore(%run_scoped3A : memref<!tpu.dma_semaphore, #tpu.memory_space<semaphore_mem>>)
      %dma_wait3A = arith.constant 0 : i32
      %dma_wait3A_414 = arith.constant 0 : i32
      %dma_wait3A_415 = tpu.memref_slice %arg10[%dma_wait3A, %dma_wait3A_414] : memref<512x32xf32, #tpu.memory_space<vmem>> -> memref<128x32xf32, #tpu.memory_space<vmem>>
      %dma_wait3A_416 = arith.constant 0 : i32
      %dma_wait3A_417 = tpu.memref_slice %arg6[%add3A_309, %dma_wait3A_416] : memref<106496x32xf32, #tpu.memory_space<hbm>> -> memref<128x32xf32, #tpu.memory_space<hbm>>
      %dma_wait3A_418 = arith.constant 0 : i32
      %dma_wait3A_419 = tpu.memref_slice %arg6[%add3A_309, %dma_wait3A_418] : memref<106496x32xf32, #tpu.memory_space<hbm>> -> memref<128x32xf32, #tpu.memory_space<hbm>>
      %dma_wait3A_420 = arith.constant 0 : i32
      %dma_wait3A_421 = arith.constant 0 : i32
      %dma_wait3A_422 = tpu.memref_slice %arg10[%dma_wait3A_420, %dma_wait3A_421] : memref<512x32xf32, #tpu.memory_space<vmem>> -> memref<128x32xf32, #tpu.memory_space<vmem>>
      tpu.wait_dma2 semaphore(%run_scoped3A : memref<!tpu.dma_semaphore, #tpu.memory_space<semaphore_mem>>) src(%dma_wait3A_422 : memref<128x32xf32, #tpu.memory_space<vmem>>) dst(%dma_wait3A_419 : memref<128x32xf32, #tpu.memory_space<hbm>>)
      tpu.yield
    }) : () -> ()
    %add3A_310 = arith.constant 896 : i32
    %add3A_311 = arith.addi %mul3A_203, %add3A_310 : i32
    "tpu.region"() ({
      %run_scoped3A = tpu.sem_alloc : memref<!tpu.dma_semaphore, #tpu.memory_space<semaphore_mem>>
      %dma_start3A = arith.constant 0 : i32
      %dma_start3A_405 = arith.constant 0 : i32
      %dma_start3A_406 = tpu.memref_slice %arg10[%dma_start3A, %dma_start3A_405] : memref<512x32xf32, #tpu.memory_space<vmem>> -> memref<128x32xf32, #tpu.memory_space<vmem>>
      %dma_start3A_407 = arith.constant 0 : i32
      %dma_start3A_408 = tpu.memref_slice %arg12[%add3A_311, %dma_start3A_407] : memref<53256x32xf32, #tpu.memory_space<vmem_shared>> -> memref<128x32xf32, #tpu.memory_space<vmem_shared>>
      %dma_start3A_409 = arith.constant 0 : i32
      %dma_start3A_410 = arith.constant 0 : i32
      %dma_start3A_411 = tpu.memref_slice %arg10[%dma_start3A_409, %dma_start3A_410] : memref<512x32xf32, #tpu.memory_space<vmem>> -> memref<128x32xf32, #tpu.memory_space<vmem>>
      %dma_start3A_412 = arith.constant 0 : i32
      %dma_start3A_413 = tpu.memref_slice %arg12[%add3A_311, %dma_start3A_412] : memref<53256x32xf32, #tpu.memory_space<vmem_shared>> -> memref<128x32xf32, #tpu.memory_space<vmem_shared>>
      tpu.enqueue_dma source(%dma_start3A_413 : memref<128x32xf32, #tpu.memory_space<vmem_shared>>) target(%dma_start3A_411 : memref<128x32xf32, #tpu.memory_space<vmem>>) target_semaphore(%run_scoped3A : memref<!tpu.dma_semaphore, #tpu.memory_space<semaphore_mem>>)
      %dma_wait3A = arith.constant 0 : i32
      %dma_wait3A_414 = arith.constant 0 : i32
      %dma_wait3A_415 = tpu.memref_slice %arg10[%dma_wait3A, %dma_wait3A_414] : memref<512x32xf32, #tpu.memory_space<vmem>> -> memref<128x32xf32, #tpu.memory_space<vmem>>
      %dma_wait3A_416 = arith.constant 0 : i32
      %dma_wait3A_417 = tpu.memref_slice %arg12[%add3A_311, %dma_wait3A_416] : memref<53256x32xf32, #tpu.memory_space<vmem_shared>> -> memref<128x32xf32, #tpu.memory_space<vmem_shared>>
      %dma_wait3A_418 = arith.constant 0 : i32
      %dma_wait3A_419 = arith.constant 0 : i32
      %dma_wait3A_420 = tpu.memref_slice %arg10[%dma_wait3A_418, %dma_wait3A_419] : memref<512x32xf32, #tpu.memory_space<vmem>> -> memref<128x32xf32, #tpu.memory_space<vmem>>
      %dma_wait3A_421 = arith.constant 0 : i32
      %dma_wait3A_422 = tpu.memref_slice %arg12[%add3A_311, %dma_wait3A_421] : memref<53256x32xf32, #tpu.memory_space<vmem_shared>> -> memref<128x32xf32, #tpu.memory_space<vmem_shared>>
      tpu.wait_dma2 semaphore(%run_scoped3A : memref<!tpu.dma_semaphore, #tpu.memory_space<semaphore_mem>>) src(%dma_wait3A_422 : memref<128x32xf32, #tpu.memory_space<vmem_shared>>) dst(%dma_wait3A_420 : memref<128x32xf32, #tpu.memory_space<vmem>>)
      tpu.yield
    }) : () -> ()
    %add3A_312 = arith.addi %mul3A_12, %mul3A_203 : i32
    %add3A_313 = arith.constant 896 : i32
    %add3A_314 = arith.addi %add3A_312, %add3A_313 : i32
    "tpu.region"() ({
      %run_scoped3A = tpu.sem_alloc : memref<!tpu.dma_semaphore, #tpu.memory_space<semaphore_mem>>
      %dma_start3A = arith.constant 0 : i32
      %dma_start3A_405 = arith.constant 0 : i32
      %dma_start3A_406 = tpu.memref_slice %arg10[%dma_start3A, %dma_start3A_405] : memref<512x32xf32, #tpu.memory_space<vmem>> -> memref<128x32xf32, #tpu.memory_space<vmem>>
      %dma_start3A_407 = arith.constant 0 : i32
      %dma_start3A_408 = tpu.memref_slice %arg6[%add3A_314, %dma_start3A_407] : memref<106496x32xf32, #tpu.memory_space<hbm>> -> memref<128x32xf32, #tpu.memory_space<hbm>>
      %dma_start3A_409 = arith.constant 0 : i32
      %dma_start3A_410 = tpu.memref_slice %arg6[%add3A_314, %dma_start3A_409] : memref<106496x32xf32, #tpu.memory_space<hbm>> -> memref<128x32xf32, #tpu.memory_space<hbm>>
      %dma_start3A_411 = arith.constant 0 : i32
      %dma_start3A_412 = arith.constant 0 : i32
      %dma_start3A_413 = tpu.memref_slice %arg10[%dma_start3A_411, %dma_start3A_412] : memref<512x32xf32, #tpu.memory_space<vmem>> -> memref<128x32xf32, #tpu.memory_space<vmem>>
      tpu.enqueue_dma source(%dma_start3A_413 : memref<128x32xf32, #tpu.memory_space<vmem>>) target(%dma_start3A_410 : memref<128x32xf32, #tpu.memory_space<hbm>>) target_semaphore(%run_scoped3A : memref<!tpu.dma_semaphore, #tpu.memory_space<semaphore_mem>>)
      %dma_wait3A = arith.constant 0 : i32
      %dma_wait3A_414 = arith.constant 0 : i32
      %dma_wait3A_415 = tpu.memref_slice %arg10[%dma_wait3A, %dma_wait3A_414] : memref<512x32xf32, #tpu.memory_space<vmem>> -> memref<128x32xf32, #tpu.memory_space<vmem>>
      %dma_wait3A_416 = arith.constant 0 : i32
      %dma_wait3A_417 = tpu.memref_slice %arg6[%add3A_314, %dma_wait3A_416] : memref<106496x32xf32, #tpu.memory_space<hbm>> -> memref<128x32xf32, #tpu.memory_space<hbm>>
      %dma_wait3A_418 = arith.constant 0 : i32
      %dma_wait3A_419 = tpu.memref_slice %arg6[%add3A_314, %dma_wait3A_418] : memref<106496x32xf32, #tpu.memory_space<hbm>> -> memref<128x32xf32, #tpu.memory_space<hbm>>
      %dma_wait3A_420 = arith.constant 0 : i32
      %dma_wait3A_421 = arith.constant 0 : i32
      %dma_wait3A_422 = tpu.memref_slice %arg10[%dma_wait3A_420, %dma_wait3A_421] : memref<512x32xf32, #tpu.memory_space<vmem>> -> memref<128x32xf32, #tpu.memory_space<vmem>>
      tpu.wait_dma2 semaphore(%run_scoped3A : memref<!tpu.dma_semaphore, #tpu.memory_space<semaphore_mem>>) src(%dma_wait3A_422 : memref<128x32xf32, #tpu.memory_space<vmem>>) dst(%dma_wait3A_419 : memref<128x32xf32, #tpu.memory_space<hbm>>)
      tpu.yield
    }) : () -> ()
    %add3A_315 = arith.constant 1024 : i32
    %add3A_316 = arith.addi %mul3A_203, %add3A_315 : i32
    "tpu.region"() ({
      %run_scoped3A = tpu.sem_alloc : memref<!tpu.dma_semaphore, #tpu.memory_space<semaphore_mem>>
      %dma_start3A = arith.constant 0 : i32
      %dma_start3A_405 = arith.constant 0 : i32
      %dma_start3A_406 = tpu.memref_slice %arg10[%dma_start3A, %dma_start3A_405] : memref<512x32xf32, #tpu.memory_space<vmem>> -> memref<128x32xf32, #tpu.memory_space<vmem>>
      %dma_start3A_407 = arith.constant 0 : i32
      %dma_start3A_408 = tpu.memref_slice %arg12[%add3A_316, %dma_start3A_407] : memref<53256x32xf32, #tpu.memory_space<vmem_shared>> -> memref<128x32xf32, #tpu.memory_space<vmem_shared>>
      %dma_start3A_409 = arith.constant 0 : i32
      %dma_start3A_410 = arith.constant 0 : i32
      %dma_start3A_411 = tpu.memref_slice %arg10[%dma_start3A_409, %dma_start3A_410] : memref<512x32xf32, #tpu.memory_space<vmem>> -> memref<128x32xf32, #tpu.memory_space<vmem>>
      %dma_start3A_412 = arith.constant 0 : i32
      %dma_start3A_413 = tpu.memref_slice %arg12[%add3A_316, %dma_start3A_412] : memref<53256x32xf32, #tpu.memory_space<vmem_shared>> -> memref<128x32xf32, #tpu.memory_space<vmem_shared>>
      tpu.enqueue_dma source(%dma_start3A_413 : memref<128x32xf32, #tpu.memory_space<vmem_shared>>) target(%dma_start3A_411 : memref<128x32xf32, #tpu.memory_space<vmem>>) target_semaphore(%run_scoped3A : memref<!tpu.dma_semaphore, #tpu.memory_space<semaphore_mem>>)
      %dma_wait3A = arith.constant 0 : i32
      %dma_wait3A_414 = arith.constant 0 : i32
      %dma_wait3A_415 = tpu.memref_slice %arg10[%dma_wait3A, %dma_wait3A_414] : memref<512x32xf32, #tpu.memory_space<vmem>> -> memref<128x32xf32, #tpu.memory_space<vmem>>
      %dma_wait3A_416 = arith.constant 0 : i32
      %dma_wait3A_417 = tpu.memref_slice %arg12[%add3A_316, %dma_wait3A_416] : memref<53256x32xf32, #tpu.memory_space<vmem_shared>> -> memref<128x32xf32, #tpu.memory_space<vmem_shared>>
      %dma_wait3A_418 = arith.constant 0 : i32
      %dma_wait3A_419 = arith.constant 0 : i32
      %dma_wait3A_420 = tpu.memref_slice %arg10[%dma_wait3A_418, %dma_wait3A_419] : memref<512x32xf32, #tpu.memory_space<vmem>> -> memref<128x32xf32, #tpu.memory_space<vmem>>
      %dma_wait3A_421 = arith.constant 0 : i32
      %dma_wait3A_422 = tpu.memref_slice %arg12[%add3A_316, %dma_wait3A_421] : memref<53256x32xf32, #tpu.memory_space<vmem_shared>> -> memref<128x32xf32, #tpu.memory_space<vmem_shared>>
      tpu.wait_dma2 semaphore(%run_scoped3A : memref<!tpu.dma_semaphore, #tpu.memory_space<semaphore_mem>>) src(%dma_wait3A_422 : memref<128x32xf32, #tpu.memory_space<vmem_shared>>) dst(%dma_wait3A_420 : memref<128x32xf32, #tpu.memory_space<vmem>>)
      tpu.yield
    }) : () -> ()
    %add3A_317 = arith.addi %mul3A_12, %mul3A_203 : i32
    %add3A_318 = arith.constant 1024 : i32
    %add3A_319 = arith.addi %add3A_317, %add3A_318 : i32
    "tpu.region"() ({
      %run_scoped3A = tpu.sem_alloc : memref<!tpu.dma_semaphore, #tpu.memory_space<semaphore_mem>>
      %dma_start3A = arith.constant 0 : i32
      %dma_start3A_405 = arith.constant 0 : i32
      %dma_start3A_406 = tpu.memref_slice %arg10[%dma_start3A, %dma_start3A_405] : memref<512x32xf32, #tpu.memory_space<vmem>> -> memref<128x32xf32, #tpu.memory_space<vmem>>
      %dma_start3A_407 = arith.constant 0 : i32
      %dma_start3A_408 = tpu.memref_slice %arg6[%add3A_319, %dma_start3A_407] : memref<106496x32xf32, #tpu.memory_space<hbm>> -> memref<128x32xf32, #tpu.memory_space<hbm>>
      %dma_start3A_409 = arith.constant 0 : i32
      %dma_start3A_410 = tpu.memref_slice %arg6[%add3A_319, %dma_start3A_409] : memref<106496x32xf32, #tpu.memory_space<hbm>> -> memref<128x32xf32, #tpu.memory_space<hbm>>
      %dma_start3A_411 = arith.constant 0 : i32
      %dma_start3A_412 = arith.constant 0 : i32
      %dma_start3A_413 = tpu.memref_slice %arg10[%dma_start3A_411, %dma_start3A_412] : memref<512x32xf32, #tpu.memory_space<vmem>> -> memref<128x32xf32, #tpu.memory_space<vmem>>
      tpu.enqueue_dma source(%dma_start3A_413 : memref<128x32xf32, #tpu.memory_space<vmem>>) target(%dma_start3A_410 : memref<128x32xf32, #tpu.memory_space<hbm>>) target_semaphore(%run_scoped3A : memref<!tpu.dma_semaphore, #tpu.memory_space<semaphore_mem>>)
      %dma_wait3A = arith.constant 0 : i32
      %dma_wait3A_414 = arith.constant 0 : i32
      %dma_wait3A_415 = tpu.memref_slice %arg10[%dma_wait3A, %dma_wait3A_414] : memref<512x32xf32, #tpu.memory_space<vmem>> -> memref<128x32xf32, #tpu.memory_space<vmem>>
      %dma_wait3A_416 = arith.constant 0 : i32
      %dma_wait3A_417 = tpu.memref_slice %arg6[%add3A_319, %dma_wait3A_416] : memref<106496x32xf32, #tpu.memory_space<hbm>> -> memref<128x32xf32, #tpu.memory_space<hbm>>
      %dma_wait3A_418 = arith.constant 0 : i32
      %dma_wait3A_419 = tpu.memref_slice %arg6[%add3A_319, %dma_wait3A_418] : memref<106496x32xf32, #tpu.memory_space<hbm>> -> memref<128x32xf32, #tpu.memory_space<hbm>>
      %dma_wait3A_420 = arith.constant 0 : i32
      %dma_wait3A_421 = arith.constant 0 : i32
      %dma_wait3A_422 = tpu.memref_slice %arg10[%dma_wait3A_420, %dma_wait3A_421] : memref<512x32xf32, #tpu.memory_space<vmem>> -> memref<128x32xf32, #tpu.memory_space<vmem>>
      tpu.wait_dma2 semaphore(%run_scoped3A : memref<!tpu.dma_semaphore, #tpu.memory_space<semaphore_mem>>) src(%dma_wait3A_422 : memref<128x32xf32, #tpu.memory_space<vmem>>) dst(%dma_wait3A_419 : memref<128x32xf32, #tpu.memory_space<hbm>>)
      tpu.yield
    }) : () -> ()
    %add3A_320 = arith.constant 1152 : i32
    %add3A_321 = arith.addi %mul3A_203, %add3A_320 : i32
    "tpu.region"() ({
      %run_scoped3A = tpu.sem_alloc : memref<!tpu.dma_semaphore, #tpu.memory_space<semaphore_mem>>
      %dma_start3A = arith.constant 0 : i32
      %dma_start3A_405 = arith.constant 0 : i32
      %dma_start3A_406 = tpu.memref_slice %arg10[%dma_start3A, %dma_start3A_405] : memref<512x32xf32, #tpu.memory_space<vmem>> -> memref<128x32xf32, #tpu.memory_space<vmem>>
      %dma_start3A_407 = arith.constant 0 : i32
      %dma_start3A_408 = tpu.memref_slice %arg12[%add3A_321, %dma_start3A_407] : memref<53256x32xf32, #tpu.memory_space<vmem_shared>> -> memref<128x32xf32, #tpu.memory_space<vmem_shared>>
      %dma_start3A_409 = arith.constant 0 : i32
      %dma_start3A_410 = arith.constant 0 : i32
      %dma_start3A_411 = tpu.memref_slice %arg10[%dma_start3A_409, %dma_start3A_410] : memref<512x32xf32, #tpu.memory_space<vmem>> -> memref<128x32xf32, #tpu.memory_space<vmem>>
      %dma_start3A_412 = arith.constant 0 : i32
      %dma_start3A_413 = tpu.memref_slice %arg12[%add3A_321, %dma_start3A_412] : memref<53256x32xf32, #tpu.memory_space<vmem_shared>> -> memref<128x32xf32, #tpu.memory_space<vmem_shared>>
      tpu.enqueue_dma source(%dma_start3A_413 : memref<128x32xf32, #tpu.memory_space<vmem_shared>>) target(%dma_start3A_411 : memref<128x32xf32, #tpu.memory_space<vmem>>) target_semaphore(%run_scoped3A : memref<!tpu.dma_semaphore, #tpu.memory_space<semaphore_mem>>)
      %dma_wait3A = arith.constant 0 : i32
      %dma_wait3A_414 = arith.constant 0 : i32
      %dma_wait3A_415 = tpu.memref_slice %arg10[%dma_wait3A, %dma_wait3A_414] : memref<512x32xf32, #tpu.memory_space<vmem>> -> memref<128x32xf32, #tpu.memory_space<vmem>>
      %dma_wait3A_416 = arith.constant 0 : i32
      %dma_wait3A_417 = tpu.memref_slice %arg12[%add3A_321, %dma_wait3A_416] : memref<53256x32xf32, #tpu.memory_space<vmem_shared>> -> memref<128x32xf32, #tpu.memory_space<vmem_shared>>
      %dma_wait3A_418 = arith.constant 0 : i32
      %dma_wait3A_419 = arith.constant 0 : i32
      %dma_wait3A_420 = tpu.memref_slice %arg10[%dma_wait3A_418, %dma_wait3A_419] : memref<512x32xf32, #tpu.memory_space<vmem>> -> memref<128x32xf32, #tpu.memory_space<vmem>>
      %dma_wait3A_421 = arith.constant 0 : i32
      %dma_wait3A_422 = tpu.memref_slice %arg12[%add3A_321, %dma_wait3A_421] : memref<53256x32xf32, #tpu.memory_space<vmem_shared>> -> memref<128x32xf32, #tpu.memory_space<vmem_shared>>
      tpu.wait_dma2 semaphore(%run_scoped3A : memref<!tpu.dma_semaphore, #tpu.memory_space<semaphore_mem>>) src(%dma_wait3A_422 : memref<128x32xf32, #tpu.memory_space<vmem_shared>>) dst(%dma_wait3A_420 : memref<128x32xf32, #tpu.memory_space<vmem>>)
      tpu.yield
    }) : () -> ()
    %add3A_322 = arith.addi %mul3A_12, %mul3A_203 : i32
    %add3A_323 = arith.constant 1152 : i32
    %add3A_324 = arith.addi %add3A_322, %add3A_323 : i32
    "tpu.region"() ({
      %run_scoped3A = tpu.sem_alloc : memref<!tpu.dma_semaphore, #tpu.memory_space<semaphore_mem>>
      %dma_start3A = arith.constant 0 : i32
      %dma_start3A_405 = arith.constant 0 : i32
      %dma_start3A_406 = tpu.memref_slice %arg10[%dma_start3A, %dma_start3A_405] : memref<512x32xf32, #tpu.memory_space<vmem>> -> memref<128x32xf32, #tpu.memory_space<vmem>>
      %dma_start3A_407 = arith.constant 0 : i32
      %dma_start3A_408 = tpu.memref_slice %arg6[%add3A_324, %dma_start3A_407] : memref<106496x32xf32, #tpu.memory_space<hbm>> -> memref<128x32xf32, #tpu.memory_space<hbm>>
      %dma_start3A_409 = arith.constant 0 : i32
      %dma_start3A_410 = tpu.memref_slice %arg6[%add3A_324, %dma_start3A_409] : memref<106496x32xf32, #tpu.memory_space<hbm>> -> memref<128x32xf32, #tpu.memory_space<hbm>>
      %dma_start3A_411 = arith.constant 0 : i32
      %dma_start3A_412 = arith.constant 0 : i32
      %dma_start3A_413 = tpu.memref_slice %arg10[%dma_start3A_411, %dma_start3A_412] : memref<512x32xf32, #tpu.memory_space<vmem>> -> memref<128x32xf32, #tpu.memory_space<vmem>>
      tpu.enqueue_dma source(%dma_start3A_413 : memref<128x32xf32, #tpu.memory_space<vmem>>) target(%dma_start3A_410 : memref<128x32xf32, #tpu.memory_space<hbm>>) target_semaphore(%run_scoped3A : memref<!tpu.dma_semaphore, #tpu.memory_space<semaphore_mem>>)
      %dma_wait3A = arith.constant 0 : i32
      %dma_wait3A_414 = arith.constant 0 : i32
      %dma_wait3A_415 = tpu.memref_slice %arg10[%dma_wait3A, %dma_wait3A_414] : memref<512x32xf32, #tpu.memory_space<vmem>> -> memref<128x32xf32, #tpu.memory_space<vmem>>
      %dma_wait3A_416 = arith.constant 0 : i32
      %dma_wait3A_417 = tpu.memref_slice %arg6[%add3A_324, %dma_wait3A_416] : memref<106496x32xf32, #tpu.memory_space<hbm>> -> memref<128x32xf32, #tpu.memory_space<hbm>>
      %dma_wait3A_418 = arith.constant 0 : i32
      %dma_wait3A_419 = tpu.memref_slice %arg6[%add3A_324, %dma_wait3A_418] : memref<106496x32xf32, #tpu.memory_space<hbm>> -> memref<128x32xf32, #tpu.memory_space<hbm>>
      %dma_wait3A_420 = arith.constant 0 : i32
      %dma_wait3A_421 = arith.constant 0 : i32
      %dma_wait3A_422 = tpu.memref_slice %arg10[%dma_wait3A_420, %dma_wait3A_421] : memref<512x32xf32, #tpu.memory_space<vmem>> -> memref<128x32xf32, #tpu.memory_space<vmem>>
      tpu.wait_dma2 semaphore(%run_scoped3A : memref<!tpu.dma_semaphore, #tpu.memory_space<semaphore_mem>>) src(%dma_wait3A_422 : memref<128x32xf32, #tpu.memory_space<vmem>>) dst(%dma_wait3A_419 : memref<128x32xf32, #tpu.memory_space<hbm>>)
      tpu.yield
    }) : () -> ()
    %add3A_325 = arith.constant 1280 : i32
    %add3A_326 = arith.addi %mul3A_203, %add3A_325 : i32
    "tpu.region"() ({
      %run_scoped3A = tpu.sem_alloc : memref<!tpu.dma_semaphore, #tpu.memory_space<semaphore_mem>>
      %dma_start3A = arith.constant 0 : i32
      %dma_start3A_405 = arith.constant 0 : i32
      %dma_start3A_406 = tpu.memref_slice %arg10[%dma_start3A, %dma_start3A_405] : memref<512x32xf32, #tpu.memory_space<vmem>> -> memref<128x32xf32, #tpu.memory_space<vmem>>
      %dma_start3A_407 = arith.constant 0 : i32
      %dma_start3A_408 = tpu.memref_slice %arg12[%add3A_326, %dma_start3A_407] : memref<53256x32xf32, #tpu.memory_space<vmem_shared>> -> memref<128x32xf32, #tpu.memory_space<vmem_shared>>
      %dma_start3A_409 = arith.constant 0 : i32
      %dma_start3A_410 = arith.constant 0 : i32
      %dma_start3A_411 = tpu.memref_slice %arg10[%dma_start3A_409, %dma_start3A_410] : memref<512x32xf32, #tpu.memory_space<vmem>> -> memref<128x32xf32, #tpu.memory_space<vmem>>
      %dma_start3A_412 = arith.constant 0 : i32
      %dma_start3A_413 = tpu.memref_slice %arg12[%add3A_326, %dma_start3A_412] : memref<53256x32xf32, #tpu.memory_space<vmem_shared>> -> memref<128x32xf32, #tpu.memory_space<vmem_shared>>
      tpu.enqueue_dma source(%dma_start3A_413 : memref<128x32xf32, #tpu.memory_space<vmem_shared>>) target(%dma_start3A_411 : memref<128x32xf32, #tpu.memory_space<vmem>>) target_semaphore(%run_scoped3A : memref<!tpu.dma_semaphore, #tpu.memory_space<semaphore_mem>>)
      %dma_wait3A = arith.constant 0 : i32
      %dma_wait3A_414 = arith.constant 0 : i32
      %dma_wait3A_415 = tpu.memref_slice %arg10[%dma_wait3A, %dma_wait3A_414] : memref<512x32xf32, #tpu.memory_space<vmem>> -> memref<128x32xf32, #tpu.memory_space<vmem>>
      %dma_wait3A_416 = arith.constant 0 : i32
      %dma_wait3A_417 = tpu.memref_slice %arg12[%add3A_326, %dma_wait3A_416] : memref<53256x32xf32, #tpu.memory_space<vmem_shared>> -> memref<128x32xf32, #tpu.memory_space<vmem_shared>>
      %dma_wait3A_418 = arith.constant 0 : i32
      %dma_wait3A_419 = arith.constant 0 : i32
      %dma_wait3A_420 = tpu.memref_slice %arg10[%dma_wait3A_418, %dma_wait3A_419] : memref<512x32xf32, #tpu.memory_space<vmem>> -> memref<128x32xf32, #tpu.memory_space<vmem>>
      %dma_wait3A_421 = arith.constant 0 : i32
      %dma_wait3A_422 = tpu.memref_slice %arg12[%add3A_326, %dma_wait3A_421] : memref<53256x32xf32, #tpu.memory_space<vmem_shared>> -> memref<128x32xf32, #tpu.memory_space<vmem_shared>>
      tpu.wait_dma2 semaphore(%run_scoped3A : memref<!tpu.dma_semaphore, #tpu.memory_space<semaphore_mem>>) src(%dma_wait3A_422 : memref<128x32xf32, #tpu.memory_space<vmem_shared>>) dst(%dma_wait3A_420 : memref<128x32xf32, #tpu.memory_space<vmem>>)
      tpu.yield
    }) : () -> ()
    %add3A_327 = arith.addi %mul3A_12, %mul3A_203 : i32
    %add3A_328 = arith.constant 1280 : i32
    %add3A_329 = arith.addi %add3A_327, %add3A_328 : i32
    "tpu.region"() ({
      %run_scoped3A = tpu.sem_alloc : memref<!tpu.dma_semaphore, #tpu.memory_space<semaphore_mem>>
      %dma_start3A = arith.constant 0 : i32
      %dma_start3A_405 = arith.constant 0 : i32
      %dma_start3A_406 = tpu.memref_slice %arg10[%dma_start3A, %dma_start3A_405] : memref<512x32xf32, #tpu.memory_space<vmem>> -> memref<128x32xf32, #tpu.memory_space<vmem>>
      %dma_start3A_407 = arith.constant 0 : i32
      %dma_start3A_408 = tpu.memref_slice %arg6[%add3A_329, %dma_start3A_407] : memref<106496x32xf32, #tpu.memory_space<hbm>> -> memref<128x32xf32, #tpu.memory_space<hbm>>
      %dma_start3A_409 = arith.constant 0 : i32
      %dma_start3A_410 = tpu.memref_slice %arg6[%add3A_329, %dma_start3A_409] : memref<106496x32xf32, #tpu.memory_space<hbm>> -> memref<128x32xf32, #tpu.memory_space<hbm>>
      %dma_start3A_411 = arith.constant 0 : i32
      %dma_start3A_412 = arith.constant 0 : i32
      %dma_start3A_413 = tpu.memref_slice %arg10[%dma_start3A_411, %dma_start3A_412] : memref<512x32xf32, #tpu.memory_space<vmem>> -> memref<128x32xf32, #tpu.memory_space<vmem>>
      tpu.enqueue_dma source(%dma_start3A_413 : memref<128x32xf32, #tpu.memory_space<vmem>>) target(%dma_start3A_410 : memref<128x32xf32, #tpu.memory_space<hbm>>) target_semaphore(%run_scoped3A : memref<!tpu.dma_semaphore, #tpu.memory_space<semaphore_mem>>)
      %dma_wait3A = arith.constant 0 : i32
      %dma_wait3A_414 = arith.constant 0 : i32
      %dma_wait3A_415 = tpu.memref_slice %arg10[%dma_wait3A, %dma_wait3A_414] : memref<512x32xf32, #tpu.memory_space<vmem>> -> memref<128x32xf32, #tpu.memory_space<vmem>>
      %dma_wait3A_416 = arith.constant 0 : i32
      %dma_wait3A_417 = tpu.memref_slice %arg6[%add3A_329, %dma_wait3A_416] : memref<106496x32xf32, #tpu.memory_space<hbm>> -> memref<128x32xf32, #tpu.memory_space<hbm>>
      %dma_wait3A_418 = arith.constant 0 : i32
      %dma_wait3A_419 = tpu.memref_slice %arg6[%add3A_329, %dma_wait3A_418] : memref<106496x32xf32, #tpu.memory_space<hbm>> -> memref<128x32xf32, #tpu.memory_space<hbm>>
      %dma_wait3A_420 = arith.constant 0 : i32
      %dma_wait3A_421 = arith.constant 0 : i32
      %dma_wait3A_422 = tpu.memref_slice %arg10[%dma_wait3A_420, %dma_wait3A_421] : memref<512x32xf32, #tpu.memory_space<vmem>> -> memref<128x32xf32, #tpu.memory_space<vmem>>
      tpu.wait_dma2 semaphore(%run_scoped3A : memref<!tpu.dma_semaphore, #tpu.memory_space<semaphore_mem>>) src(%dma_wait3A_422 : memref<128x32xf32, #tpu.memory_space<vmem>>) dst(%dma_wait3A_419 : memref<128x32xf32, #tpu.memory_space<hbm>>)
      tpu.yield
    }) : () -> ()
    %add3A_330 = arith.constant 1408 : i32
    %add3A_331 = arith.addi %mul3A_203, %add3A_330 : i32
    "tpu.region"() ({
      %run_scoped3A = tpu.sem_alloc : memref<!tpu.dma_semaphore, #tpu.memory_space<semaphore_mem>>
      %dma_start3A = arith.constant 0 : i32
      %dma_start3A_405 = arith.constant 0 : i32
      %dma_start3A_406 = tpu.memref_slice %arg10[%dma_start3A, %dma_start3A_405] : memref<512x32xf32, #tpu.memory_space<vmem>> -> memref<128x32xf32, #tpu.memory_space<vmem>>
      %dma_start3A_407 = arith.constant 0 : i32
      %dma_start3A_408 = tpu.memref_slice %arg12[%add3A_331, %dma_start3A_407] : memref<53256x32xf32, #tpu.memory_space<vmem_shared>> -> memref<128x32xf32, #tpu.memory_space<vmem_shared>>
      %dma_start3A_409 = arith.constant 0 : i32
      %dma_start3A_410 = arith.constant 0 : i32
      %dma_start3A_411 = tpu.memref_slice %arg10[%dma_start3A_409, %dma_start3A_410] : memref<512x32xf32, #tpu.memory_space<vmem>> -> memref<128x32xf32, #tpu.memory_space<vmem>>
      %dma_start3A_412 = arith.constant 0 : i32
      %dma_start3A_413 = tpu.memref_slice %arg12[%add3A_331, %dma_start3A_412] : memref<53256x32xf32, #tpu.memory_space<vmem_shared>> -> memref<128x32xf32, #tpu.memory_space<vmem_shared>>
      tpu.enqueue_dma source(%dma_start3A_413 : memref<128x32xf32, #tpu.memory_space<vmem_shared>>) target(%dma_start3A_411 : memref<128x32xf32, #tpu.memory_space<vmem>>) target_semaphore(%run_scoped3A : memref<!tpu.dma_semaphore, #tpu.memory_space<semaphore_mem>>)
      %dma_wait3A = arith.constant 0 : i32
      %dma_wait3A_414 = arith.constant 0 : i32
      %dma_wait3A_415 = tpu.memref_slice %arg10[%dma_wait3A, %dma_wait3A_414] : memref<512x32xf32, #tpu.memory_space<vmem>> -> memref<128x32xf32, #tpu.memory_space<vmem>>
      %dma_wait3A_416 = arith.constant 0 : i32
      %dma_wait3A_417 = tpu.memref_slice %arg12[%add3A_331, %dma_wait3A_416] : memref<53256x32xf32, #tpu.memory_space<vmem_shared>> -> memref<128x32xf32, #tpu.memory_space<vmem_shared>>
      %dma_wait3A_418 = arith.constant 0 : i32
      %dma_wait3A_419 = arith.constant 0 : i32
      %dma_wait3A_420 = tpu.memref_slice %arg10[%dma_wait3A_418, %dma_wait3A_419] : memref<512x32xf32, #tpu.memory_space<vmem>> -> memref<128x32xf32, #tpu.memory_space<vmem>>
      %dma_wait3A_421 = arith.constant 0 : i32
      %dma_wait3A_422 = tpu.memref_slice %arg12[%add3A_331, %dma_wait3A_421] : memref<53256x32xf32, #tpu.memory_space<vmem_shared>> -> memref<128x32xf32, #tpu.memory_space<vmem_shared>>
      tpu.wait_dma2 semaphore(%run_scoped3A : memref<!tpu.dma_semaphore, #tpu.memory_space<semaphore_mem>>) src(%dma_wait3A_422 : memref<128x32xf32, #tpu.memory_space<vmem_shared>>) dst(%dma_wait3A_420 : memref<128x32xf32, #tpu.memory_space<vmem>>)
      tpu.yield
    }) : () -> ()
    %add3A_332 = arith.addi %mul3A_12, %mul3A_203 : i32
    %add3A_333 = arith.constant 1408 : i32
    %add3A_334 = arith.addi %add3A_332, %add3A_333 : i32
    "tpu.region"() ({
      %run_scoped3A = tpu.sem_alloc : memref<!tpu.dma_semaphore, #tpu.memory_space<semaphore_mem>>
      %dma_start3A = arith.constant 0 : i32
      %dma_start3A_405 = arith.constant 0 : i32
      %dma_start3A_406 = tpu.memref_slice %arg10[%dma_start3A, %dma_start3A_405] : memref<512x32xf32, #tpu.memory_space<vmem>> -> memref<128x32xf32, #tpu.memory_space<vmem>>
      %dma_start3A_407 = arith.constant 0 : i32
      %dma_start3A_408 = tpu.memref_slice %arg6[%add3A_334, %dma_start3A_407] : memref<106496x32xf32, #tpu.memory_space<hbm>> -> memref<128x32xf32, #tpu.memory_space<hbm>>
      %dma_start3A_409 = arith.constant 0 : i32
      %dma_start3A_410 = tpu.memref_slice %arg6[%add3A_334, %dma_start3A_409] : memref<106496x32xf32, #tpu.memory_space<hbm>> -> memref<128x32xf32, #tpu.memory_space<hbm>>
      %dma_start3A_411 = arith.constant 0 : i32
      %dma_start3A_412 = arith.constant 0 : i32
      %dma_start3A_413 = tpu.memref_slice %arg10[%dma_start3A_411, %dma_start3A_412] : memref<512x32xf32, #tpu.memory_space<vmem>> -> memref<128x32xf32, #tpu.memory_space<vmem>>
      tpu.enqueue_dma source(%dma_start3A_413 : memref<128x32xf32, #tpu.memory_space<vmem>>) target(%dma_start3A_410 : memref<128x32xf32, #tpu.memory_space<hbm>>) target_semaphore(%run_scoped3A : memref<!tpu.dma_semaphore, #tpu.memory_space<semaphore_mem>>)
      %dma_wait3A = arith.constant 0 : i32
      %dma_wait3A_414 = arith.constant 0 : i32
      %dma_wait3A_415 = tpu.memref_slice %arg10[%dma_wait3A, %dma_wait3A_414] : memref<512x32xf32, #tpu.memory_space<vmem>> -> memref<128x32xf32, #tpu.memory_space<vmem>>
      %dma_wait3A_416 = arith.constant 0 : i32
      %dma_wait3A_417 = tpu.memref_slice %arg6[%add3A_334, %dma_wait3A_416] : memref<106496x32xf32, #tpu.memory_space<hbm>> -> memref<128x32xf32, #tpu.memory_space<hbm>>
      %dma_wait3A_418 = arith.constant 0 : i32
      %dma_wait3A_419 = tpu.memref_slice %arg6[%add3A_334, %dma_wait3A_418] : memref<106496x32xf32, #tpu.memory_space<hbm>> -> memref<128x32xf32, #tpu.memory_space<hbm>>
      %dma_wait3A_420 = arith.constant 0 : i32
      %dma_wait3A_421 = arith.constant 0 : i32
      %dma_wait3A_422 = tpu.memref_slice %arg10[%dma_wait3A_420, %dma_wait3A_421] : memref<512x32xf32, #tpu.memory_space<vmem>> -> memref<128x32xf32, #tpu.memory_space<vmem>>
      tpu.wait_dma2 semaphore(%run_scoped3A : memref<!tpu.dma_semaphore, #tpu.memory_space<semaphore_mem>>) src(%dma_wait3A_422 : memref<128x32xf32, #tpu.memory_space<vmem>>) dst(%dma_wait3A_419 : memref<128x32xf32, #tpu.memory_space<hbm>>)
      tpu.yield
    }) : () -> ()
    %add3A_335 = arith.constant 1536 : i32
    %add3A_336 = arith.addi %mul3A_203, %add3A_335 : i32
    "tpu.region"() ({
      %run_scoped3A = tpu.sem_alloc : memref<!tpu.dma_semaphore, #tpu.memory_space<semaphore_mem>>
      %dma_start3A = arith.constant 0 : i32
      %dma_start3A_405 = arith.constant 0 : i32
      %dma_start3A_406 = tpu.memref_slice %arg10[%dma_start3A, %dma_start3A_405] : memref<512x32xf32, #tpu.memory_space<vmem>> -> memref<128x32xf32, #tpu.memory_space<vmem>>
      %dma_start3A_407 = arith.constant 0 : i32
      %dma_start3A_408 = tpu.memref_slice %arg12[%add3A_336, %dma_start3A_407] : memref<53256x32xf32, #tpu.memory_space<vmem_shared>> -> memref<128x32xf32, #tpu.memory_space<vmem_shared>>
      %dma_start3A_409 = arith.constant 0 : i32
      %dma_start3A_410 = arith.constant 0 : i32
      %dma_start3A_411 = tpu.memref_slice %arg10[%dma_start3A_409, %dma_start3A_410] : memref<512x32xf32, #tpu.memory_space<vmem>> -> memref<128x32xf32, #tpu.memory_space<vmem>>
      %dma_start3A_412 = arith.constant 0 : i32
      %dma_start3A_413 = tpu.memref_slice %arg12[%add3A_336, %dma_start3A_412] : memref<53256x32xf32, #tpu.memory_space<vmem_shared>> -> memref<128x32xf32, #tpu.memory_space<vmem_shared>>
      tpu.enqueue_dma source(%dma_start3A_413 : memref<128x32xf32, #tpu.memory_space<vmem_shared>>) target(%dma_start3A_411 : memref<128x32xf32, #tpu.memory_space<vmem>>) target_semaphore(%run_scoped3A : memref<!tpu.dma_semaphore, #tpu.memory_space<semaphore_mem>>)
      %dma_wait3A = arith.constant 0 : i32
      %dma_wait3A_414 = arith.constant 0 : i32
      %dma_wait3A_415 = tpu.memref_slice %arg10[%dma_wait3A, %dma_wait3A_414] : memref<512x32xf32, #tpu.memory_space<vmem>> -> memref<128x32xf32, #tpu.memory_space<vmem>>
      %dma_wait3A_416 = arith.constant 0 : i32
      %dma_wait3A_417 = tpu.memref_slice %arg12[%add3A_336, %dma_wait3A_416] : memref<53256x32xf32, #tpu.memory_space<vmem_shared>> -> memref<128x32xf32, #tpu.memory_space<vmem_shared>>
      %dma_wait3A_418 = arith.constant 0 : i32
      %dma_wait3A_419 = arith.constant 0 : i32
      %dma_wait3A_420 = tpu.memref_slice %arg10[%dma_wait3A_418, %dma_wait3A_419] : memref<512x32xf32, #tpu.memory_space<vmem>> -> memref<128x32xf32, #tpu.memory_space<vmem>>
      %dma_wait3A_421 = arith.constant 0 : i32
      %dma_wait3A_422 = tpu.memref_slice %arg12[%add3A_336, %dma_wait3A_421] : memref<53256x32xf32, #tpu.memory_space<vmem_shared>> -> memref<128x32xf32, #tpu.memory_space<vmem_shared>>
      tpu.wait_dma2 semaphore(%run_scoped3A : memref<!tpu.dma_semaphore, #tpu.memory_space<semaphore_mem>>) src(%dma_wait3A_422 : memref<128x32xf32, #tpu.memory_space<vmem_shared>>) dst(%dma_wait3A_420 : memref<128x32xf32, #tpu.memory_space<vmem>>)
      tpu.yield
    }) : () -> ()
    %add3A_337 = arith.addi %mul3A_12, %mul3A_203 : i32
    %add3A_338 = arith.constant 1536 : i32
    %add3A_339 = arith.addi %add3A_337, %add3A_338 : i32
    "tpu.region"() ({
      %run_scoped3A = tpu.sem_alloc : memref<!tpu.dma_semaphore, #tpu.memory_space<semaphore_mem>>
      %dma_start3A = arith.constant 0 : i32
      %dma_start3A_405 = arith.constant 0 : i32
      %dma_start3A_406 = tpu.memref_slice %arg10[%dma_start3A, %dma_start3A_405] : memref<512x32xf32, #tpu.memory_space<vmem>> -> memref<128x32xf32, #tpu.memory_space<vmem>>
      %dma_start3A_407 = arith.constant 0 : i32
      %dma_start3A_408 = tpu.memref_slice %arg6[%add3A_339, %dma_start3A_407] : memref<106496x32xf32, #tpu.memory_space<hbm>> -> memref<128x32xf32, #tpu.memory_space<hbm>>
      %dma_start3A_409 = arith.constant 0 : i32
      %dma_start3A_410 = tpu.memref_slice %arg6[%add3A_339, %dma_start3A_409] : memref<106496x32xf32, #tpu.memory_space<hbm>> -> memref<128x32xf32, #tpu.memory_space<hbm>>
      %dma_start3A_411 = arith.constant 0 : i32
      %dma_start3A_412 = arith.constant 0 : i32
      %dma_start3A_413 = tpu.memref_slice %arg10[%dma_start3A_411, %dma_start3A_412] : memref<512x32xf32, #tpu.memory_space<vmem>> -> memref<128x32xf32, #tpu.memory_space<vmem>>
      tpu.enqueue_dma source(%dma_start3A_413 : memref<128x32xf32, #tpu.memory_space<vmem>>) target(%dma_start3A_410 : memref<128x32xf32, #tpu.memory_space<hbm>>) target_semaphore(%run_scoped3A : memref<!tpu.dma_semaphore, #tpu.memory_space<semaphore_mem>>)
      %dma_wait3A = arith.constant 0 : i32
      %dma_wait3A_414 = arith.constant 0 : i32
      %dma_wait3A_415 = tpu.memref_slice %arg10[%dma_wait3A, %dma_wait3A_414] : memref<512x32xf32, #tpu.memory_space<vmem>> -> memref<128x32xf32, #tpu.memory_space<vmem>>
      %dma_wait3A_416 = arith.constant 0 : i32
      %dma_wait3A_417 = tpu.memref_slice %arg6[%add3A_339, %dma_wait3A_416] : memref<106496x32xf32, #tpu.memory_space<hbm>> -> memref<128x32xf32, #tpu.memory_space<hbm>>
      %dma_wait3A_418 = arith.constant 0 : i32
      %dma_wait3A_419 = tpu.memref_slice %arg6[%add3A_339, %dma_wait3A_418] : memref<106496x32xf32, #tpu.memory_space<hbm>> -> memref<128x32xf32, #tpu.memory_space<hbm>>
      %dma_wait3A_420 = arith.constant 0 : i32
      %dma_wait3A_421 = arith.constant 0 : i32
      %dma_wait3A_422 = tpu.memref_slice %arg10[%dma_wait3A_420, %dma_wait3A_421] : memref<512x32xf32, #tpu.memory_space<vmem>> -> memref<128x32xf32, #tpu.memory_space<vmem>>
      tpu.wait_dma2 semaphore(%run_scoped3A : memref<!tpu.dma_semaphore, #tpu.memory_space<semaphore_mem>>) src(%dma_wait3A_422 : memref<128x32xf32, #tpu.memory_space<vmem>>) dst(%dma_wait3A_419 : memref<128x32xf32, #tpu.memory_space<hbm>>)
      tpu.yield
    }) : () -> ()
    %add3A_340 = arith.constant 1664 : i32
    %add3A_341 = arith.addi %mul3A_203, %add3A_340 : i32
    "tpu.region"() ({
      %run_scoped3A = tpu.sem_alloc : memref<!tpu.dma_semaphore, #tpu.memory_space<semaphore_mem>>
      %dma_start3A = arith.constant 0 : i32
      %dma_start3A_405 = arith.constant 0 : i32
      %dma_start3A_406 = tpu.memref_slice %arg10[%dma_start3A, %dma_start3A_405] : memref<512x32xf32, #tpu.memory_space<vmem>> -> memref<128x32xf32, #tpu.memory_space<vmem>>
      %dma_start3A_407 = arith.constant 0 : i32
      %dma_start3A_408 = tpu.memref_slice %arg12[%add3A_341, %dma_start3A_407] : memref<53256x32xf32, #tpu.memory_space<vmem_shared>> -> memref<128x32xf32, #tpu.memory_space<vmem_shared>>
      %dma_start3A_409 = arith.constant 0 : i32
      %dma_start3A_410 = arith.constant 0 : i32
      %dma_start3A_411 = tpu.memref_slice %arg10[%dma_start3A_409, %dma_start3A_410] : memref<512x32xf32, #tpu.memory_space<vmem>> -> memref<128x32xf32, #tpu.memory_space<vmem>>
      %dma_start3A_412 = arith.constant 0 : i32
      %dma_start3A_413 = tpu.memref_slice %arg12[%add3A_341, %dma_start3A_412] : memref<53256x32xf32, #tpu.memory_space<vmem_shared>> -> memref<128x32xf32, #tpu.memory_space<vmem_shared>>
      tpu.enqueue_dma source(%dma_start3A_413 : memref<128x32xf32, #tpu.memory_space<vmem_shared>>) target(%dma_start3A_411 : memref<128x32xf32, #tpu.memory_space<vmem>>) target_semaphore(%run_scoped3A : memref<!tpu.dma_semaphore, #tpu.memory_space<semaphore_mem>>)
      %dma_wait3A = arith.constant 0 : i32
      %dma_wait3A_414 = arith.constant 0 : i32
      %dma_wait3A_415 = tpu.memref_slice %arg10[%dma_wait3A, %dma_wait3A_414] : memref<512x32xf32, #tpu.memory_space<vmem>> -> memref<128x32xf32, #tpu.memory_space<vmem>>
      %dma_wait3A_416 = arith.constant 0 : i32
      %dma_wait3A_417 = tpu.memref_slice %arg12[%add3A_341, %dma_wait3A_416] : memref<53256x32xf32, #tpu.memory_space<vmem_shared>> -> memref<128x32xf32, #tpu.memory_space<vmem_shared>>
      %dma_wait3A_418 = arith.constant 0 : i32
      %dma_wait3A_419 = arith.constant 0 : i32
      %dma_wait3A_420 = tpu.memref_slice %arg10[%dma_wait3A_418, %dma_wait3A_419] : memref<512x32xf32, #tpu.memory_space<vmem>> -> memref<128x32xf32, #tpu.memory_space<vmem>>
      %dma_wait3A_421 = arith.constant 0 : i32
      %dma_wait3A_422 = tpu.memref_slice %arg12[%add3A_341, %dma_wait3A_421] : memref<53256x32xf32, #tpu.memory_space<vmem_shared>> -> memref<128x32xf32, #tpu.memory_space<vmem_shared>>
      tpu.wait_dma2 semaphore(%run_scoped3A : memref<!tpu.dma_semaphore, #tpu.memory_space<semaphore_mem>>) src(%dma_wait3A_422 : memref<128x32xf32, #tpu.memory_space<vmem_shared>>) dst(%dma_wait3A_420 : memref<128x32xf32, #tpu.memory_space<vmem>>)
      tpu.yield
    }) : () -> ()
    %add3A_342 = arith.addi %mul3A_12, %mul3A_203 : i32
    %add3A_343 = arith.constant 1664 : i32
    %add3A_344 = arith.addi %add3A_342, %add3A_343 : i32
    "tpu.region"() ({
      %run_scoped3A = tpu.sem_alloc : memref<!tpu.dma_semaphore, #tpu.memory_space<semaphore_mem>>
      %dma_start3A = arith.constant 0 : i32
      %dma_start3A_405 = arith.constant 0 : i32
      %dma_start3A_406 = tpu.memref_slice %arg10[%dma_start3A, %dma_start3A_405] : memref<512x32xf32, #tpu.memory_space<vmem>> -> memref<128x32xf32, #tpu.memory_space<vmem>>
      %dma_start3A_407 = arith.constant 0 : i32
      %dma_start3A_408 = tpu.memref_slice %arg6[%add3A_344, %dma_start3A_407] : memref<106496x32xf32, #tpu.memory_space<hbm>> -> memref<128x32xf32, #tpu.memory_space<hbm>>
      %dma_start3A_409 = arith.constant 0 : i32
      %dma_start3A_410 = tpu.memref_slice %arg6[%add3A_344, %dma_start3A_409] : memref<106496x32xf32, #tpu.memory_space<hbm>> -> memref<128x32xf32, #tpu.memory_space<hbm>>
      %dma_start3A_411 = arith.constant 0 : i32
      %dma_start3A_412 = arith.constant 0 : i32
      %dma_start3A_413 = tpu.memref_slice %arg10[%dma_start3A_411, %dma_start3A_412] : memref<512x32xf32, #tpu.memory_space<vmem>> -> memref<128x32xf32, #tpu.memory_space<vmem>>
      tpu.enqueue_dma source(%dma_start3A_413 : memref<128x32xf32, #tpu.memory_space<vmem>>) target(%dma_start3A_410 : memref<128x32xf32, #tpu.memory_space<hbm>>) target_semaphore(%run_scoped3A : memref<!tpu.dma_semaphore, #tpu.memory_space<semaphore_mem>>)
      %dma_wait3A = arith.constant 0 : i32
      %dma_wait3A_414 = arith.constant 0 : i32
      %dma_wait3A_415 = tpu.memref_slice %arg10[%dma_wait3A, %dma_wait3A_414] : memref<512x32xf32, #tpu.memory_space<vmem>> -> memref<128x32xf32, #tpu.memory_space<vmem>>
      %dma_wait3A_416 = arith.constant 0 : i32
      %dma_wait3A_417 = tpu.memref_slice %arg6[%add3A_344, %dma_wait3A_416] : memref<106496x32xf32, #tpu.memory_space<hbm>> -> memref<128x32xf32, #tpu.memory_space<hbm>>
      %dma_wait3A_418 = arith.constant 0 : i32
      %dma_wait3A_419 = tpu.memref_slice %arg6[%add3A_344, %dma_wait3A_418] : memref<106496x32xf32, #tpu.memory_space<hbm>> -> memref<128x32xf32, #tpu.memory_space<hbm>>
      %dma_wait3A_420 = arith.constant 0 : i32
      %dma_wait3A_421 = arith.constant 0 : i32
      %dma_wait3A_422 = tpu.memref_slice %arg10[%dma_wait3A_420, %dma_wait3A_421] : memref<512x32xf32, #tpu.memory_space<vmem>> -> memref<128x32xf32, #tpu.memory_space<vmem>>
      tpu.wait_dma2 semaphore(%run_scoped3A : memref<!tpu.dma_semaphore, #tpu.memory_space<semaphore_mem>>) src(%dma_wait3A_422 : memref<128x32xf32, #tpu.memory_space<vmem>>) dst(%dma_wait3A_419 : memref<128x32xf32, #tpu.memory_space<hbm>>)
      tpu.yield
    }) : () -> ()
    %add3A_345 = arith.constant 1792 : i32
    %add3A_346 = arith.addi %mul3A_203, %add3A_345 : i32
    "tpu.region"() ({
      %run_scoped3A = tpu.sem_alloc : memref<!tpu.dma_semaphore, #tpu.memory_space<semaphore_mem>>
      %dma_start3A = arith.constant 0 : i32
      %dma_start3A_405 = arith.constant 0 : i32
      %dma_start3A_406 = tpu.memref_slice %arg10[%dma_start3A, %dma_start3A_405] : memref<512x32xf32, #tpu.memory_space<vmem>> -> memref<128x32xf32, #tpu.memory_space<vmem>>
      %dma_start3A_407 = arith.constant 0 : i32
      %dma_start3A_408 = tpu.memref_slice %arg12[%add3A_346, %dma_start3A_407] : memref<53256x32xf32, #tpu.memory_space<vmem_shared>> -> memref<128x32xf32, #tpu.memory_space<vmem_shared>>
      %dma_start3A_409 = arith.constant 0 : i32
      %dma_start3A_410 = arith.constant 0 : i32
      %dma_start3A_411 = tpu.memref_slice %arg10[%dma_start3A_409, %dma_start3A_410] : memref<512x32xf32, #tpu.memory_space<vmem>> -> memref<128x32xf32, #tpu.memory_space<vmem>>
      %dma_start3A_412 = arith.constant 0 : i32
      %dma_start3A_413 = tpu.memref_slice %arg12[%add3A_346, %dma_start3A_412] : memref<53256x32xf32, #tpu.memory_space<vmem_shared>> -> memref<128x32xf32, #tpu.memory_space<vmem_shared>>
      tpu.enqueue_dma source(%dma_start3A_413 : memref<128x32xf32, #tpu.memory_space<vmem_shared>>) target(%dma_start3A_411 : memref<128x32xf32, #tpu.memory_space<vmem>>) target_semaphore(%run_scoped3A : memref<!tpu.dma_semaphore, #tpu.memory_space<semaphore_mem>>)
      %dma_wait3A = arith.constant 0 : i32
      %dma_wait3A_414 = arith.constant 0 : i32
      %dma_wait3A_415 = tpu.memref_slice %arg10[%dma_wait3A, %dma_wait3A_414] : memref<512x32xf32, #tpu.memory_space<vmem>> -> memref<128x32xf32, #tpu.memory_space<vmem>>
      %dma_wait3A_416 = arith.constant 0 : i32
      %dma_wait3A_417 = tpu.memref_slice %arg12[%add3A_346, %dma_wait3A_416] : memref<53256x32xf32, #tpu.memory_space<vmem_shared>> -> memref<128x32xf32, #tpu.memory_space<vmem_shared>>
      %dma_wait3A_418 = arith.constant 0 : i32
      %dma_wait3A_419 = arith.constant 0 : i32
      %dma_wait3A_420 = tpu.memref_slice %arg10[%dma_wait3A_418, %dma_wait3A_419] : memref<512x32xf32, #tpu.memory_space<vmem>> -> memref<128x32xf32, #tpu.memory_space<vmem>>
      %dma_wait3A_421 = arith.constant 0 : i32
      %dma_wait3A_422 = tpu.memref_slice %arg12[%add3A_346, %dma_wait3A_421] : memref<53256x32xf32, #tpu.memory_space<vmem_shared>> -> memref<128x32xf32, #tpu.memory_space<vmem_shared>>
      tpu.wait_dma2 semaphore(%run_scoped3A : memref<!tpu.dma_semaphore, #tpu.memory_space<semaphore_mem>>) src(%dma_wait3A_422 : memref<128x32xf32, #tpu.memory_space<vmem_shared>>) dst(%dma_wait3A_420 : memref<128x32xf32, #tpu.memory_space<vmem>>)
      tpu.yield
    }) : () -> ()
    %add3A_347 = arith.addi %mul3A_12, %mul3A_203 : i32
    %add3A_348 = arith.constant 1792 : i32
    %add3A_349 = arith.addi %add3A_347, %add3A_348 : i32
    "tpu.region"() ({
      %run_scoped3A = tpu.sem_alloc : memref<!tpu.dma_semaphore, #tpu.memory_space<semaphore_mem>>
      %dma_start3A = arith.constant 0 : i32
      %dma_start3A_405 = arith.constant 0 : i32
      %dma_start3A_406 = tpu.memref_slice %arg10[%dma_start3A, %dma_start3A_405] : memref<512x32xf32, #tpu.memory_space<vmem>> -> memref<128x32xf32, #tpu.memory_space<vmem>>
      %dma_start3A_407 = arith.constant 0 : i32
      %dma_start3A_408 = tpu.memref_slice %arg6[%add3A_349, %dma_start3A_407] : memref<106496x32xf32, #tpu.memory_space<hbm>> -> memref<128x32xf32, #tpu.memory_space<hbm>>
      %dma_start3A_409 = arith.constant 0 : i32
      %dma_start3A_410 = tpu.memref_slice %arg6[%add3A_349, %dma_start3A_409] : memref<106496x32xf32, #tpu.memory_space<hbm>> -> memref<128x32xf32, #tpu.memory_space<hbm>>
      %dma_start3A_411 = arith.constant 0 : i32
      %dma_start3A_412 = arith.constant 0 : i32
      %dma_start3A_413 = tpu.memref_slice %arg10[%dma_start3A_411, %dma_start3A_412] : memref<512x32xf32, #tpu.memory_space<vmem>> -> memref<128x32xf32, #tpu.memory_space<vmem>>
      tpu.enqueue_dma source(%dma_start3A_413 : memref<128x32xf32, #tpu.memory_space<vmem>>) target(%dma_start3A_410 : memref<128x32xf32, #tpu.memory_space<hbm>>) target_semaphore(%run_scoped3A : memref<!tpu.dma_semaphore, #tpu.memory_space<semaphore_mem>>)
      %dma_wait3A = arith.constant 0 : i32
      %dma_wait3A_414 = arith.constant 0 : i32
      %dma_wait3A_415 = tpu.memref_slice %arg10[%dma_wait3A, %dma_wait3A_414] : memref<512x32xf32, #tpu.memory_space<vmem>> -> memref<128x32xf32, #tpu.memory_space<vmem>>
      %dma_wait3A_416 = arith.constant 0 : i32
      %dma_wait3A_417 = tpu.memref_slice %arg6[%add3A_349, %dma_wait3A_416] : memref<106496x32xf32, #tpu.memory_space<hbm>> -> memref<128x32xf32, #tpu.memory_space<hbm>>
      %dma_wait3A_418 = arith.constant 0 : i32
      %dma_wait3A_419 = tpu.memref_slice %arg6[%add3A_349, %dma_wait3A_418] : memref<106496x32xf32, #tpu.memory_space<hbm>> -> memref<128x32xf32, #tpu.memory_space<hbm>>
      %dma_wait3A_420 = arith.constant 0 : i32
      %dma_wait3A_421 = arith.constant 0 : i32
      %dma_wait3A_422 = tpu.memref_slice %arg10[%dma_wait3A_420, %dma_wait3A_421] : memref<512x32xf32, #tpu.memory_space<vmem>> -> memref<128x32xf32, #tpu.memory_space<vmem>>
      tpu.wait_dma2 semaphore(%run_scoped3A : memref<!tpu.dma_semaphore, #tpu.memory_space<semaphore_mem>>) src(%dma_wait3A_422 : memref<128x32xf32, #tpu.memory_space<vmem>>) dst(%dma_wait3A_419 : memref<128x32xf32, #tpu.memory_space<hbm>>)
      tpu.yield
    }) : () -> ()
    %add3A_350 = arith.constant 1920 : i32
    %add3A_351 = arith.addi %mul3A_203, %add3A_350 : i32
    "tpu.region"() ({
      %run_scoped3A = tpu.sem_alloc : memref<!tpu.dma_semaphore, #tpu.memory_space<semaphore_mem>>
      %dma_start3A = arith.constant 0 : i32
      %dma_start3A_405 = arith.constant 0 : i32
      %dma_start3A_406 = tpu.memref_slice %arg10[%dma_start3A, %dma_start3A_405] : memref<512x32xf32, #tpu.memory_space<vmem>> -> memref<128x32xf32, #tpu.memory_space<vmem>>
      %dma_start3A_407 = arith.constant 0 : i32
      %dma_start3A_408 = tpu.memref_slice %arg12[%add3A_351, %dma_start3A_407] : memref<53256x32xf32, #tpu.memory_space<vmem_shared>> -> memref<128x32xf32, #tpu.memory_space<vmem_shared>>
      %dma_start3A_409 = arith.constant 0 : i32
      %dma_start3A_410 = arith.constant 0 : i32
      %dma_start3A_411 = tpu.memref_slice %arg10[%dma_start3A_409, %dma_start3A_410] : memref<512x32xf32, #tpu.memory_space<vmem>> -> memref<128x32xf32, #tpu.memory_space<vmem>>
      %dma_start3A_412 = arith.constant 0 : i32
      %dma_start3A_413 = tpu.memref_slice %arg12[%add3A_351, %dma_start3A_412] : memref<53256x32xf32, #tpu.memory_space<vmem_shared>> -> memref<128x32xf32, #tpu.memory_space<vmem_shared>>
      tpu.enqueue_dma source(%dma_start3A_413 : memref<128x32xf32, #tpu.memory_space<vmem_shared>>) target(%dma_start3A_411 : memref<128x32xf32, #tpu.memory_space<vmem>>) target_semaphore(%run_scoped3A : memref<!tpu.dma_semaphore, #tpu.memory_space<semaphore_mem>>)
      %dma_wait3A = arith.constant 0 : i32
      %dma_wait3A_414 = arith.constant 0 : i32
      %dma_wait3A_415 = tpu.memref_slice %arg10[%dma_wait3A, %dma_wait3A_414] : memref<512x32xf32, #tpu.memory_space<vmem>> -> memref<128x32xf32, #tpu.memory_space<vmem>>
      %dma_wait3A_416 = arith.constant 0 : i32
      %dma_wait3A_417 = tpu.memref_slice %arg12[%add3A_351, %dma_wait3A_416] : memref<53256x32xf32, #tpu.memory_space<vmem_shared>> -> memref<128x32xf32, #tpu.memory_space<vmem_shared>>
      %dma_wait3A_418 = arith.constant 0 : i32
      %dma_wait3A_419 = arith.constant 0 : i32
      %dma_wait3A_420 = tpu.memref_slice %arg10[%dma_wait3A_418, %dma_wait3A_419] : memref<512x32xf32, #tpu.memory_space<vmem>> -> memref<128x32xf32, #tpu.memory_space<vmem>>
      %dma_wait3A_421 = arith.constant 0 : i32
      %dma_wait3A_422 = tpu.memref_slice %arg12[%add3A_351, %dma_wait3A_421] : memref<53256x32xf32, #tpu.memory_space<vmem_shared>> -> memref<128x32xf32, #tpu.memory_space<vmem_shared>>
      tpu.wait_dma2 semaphore(%run_scoped3A : memref<!tpu.dma_semaphore, #tpu.memory_space<semaphore_mem>>) src(%dma_wait3A_422 : memref<128x32xf32, #tpu.memory_space<vmem_shared>>) dst(%dma_wait3A_420 : memref<128x32xf32, #tpu.memory_space<vmem>>)
      tpu.yield
    }) : () -> ()
    %add3A_352 = arith.addi %mul3A_12, %mul3A_203 : i32
    %add3A_353 = arith.constant 1920 : i32
    %add3A_354 = arith.addi %add3A_352, %add3A_353 : i32
    "tpu.region"() ({
      %run_scoped3A = tpu.sem_alloc : memref<!tpu.dma_semaphore, #tpu.memory_space<semaphore_mem>>
      %dma_start3A = arith.constant 0 : i32
      %dma_start3A_405 = arith.constant 0 : i32
      %dma_start3A_406 = tpu.memref_slice %arg10[%dma_start3A, %dma_start3A_405] : memref<512x32xf32, #tpu.memory_space<vmem>> -> memref<128x32xf32, #tpu.memory_space<vmem>>
      %dma_start3A_407 = arith.constant 0 : i32
      %dma_start3A_408 = tpu.memref_slice %arg6[%add3A_354, %dma_start3A_407] : memref<106496x32xf32, #tpu.memory_space<hbm>> -> memref<128x32xf32, #tpu.memory_space<hbm>>
      %dma_start3A_409 = arith.constant 0 : i32
      %dma_start3A_410 = tpu.memref_slice %arg6[%add3A_354, %dma_start3A_409] : memref<106496x32xf32, #tpu.memory_space<hbm>> -> memref<128x32xf32, #tpu.memory_space<hbm>>
      %dma_start3A_411 = arith.constant 0 : i32
      %dma_start3A_412 = arith.constant 0 : i32
      %dma_start3A_413 = tpu.memref_slice %arg10[%dma_start3A_411, %dma_start3A_412] : memref<512x32xf32, #tpu.memory_space<vmem>> -> memref<128x32xf32, #tpu.memory_space<vmem>>
      tpu.enqueue_dma source(%dma_start3A_413 : memref<128x32xf32, #tpu.memory_space<vmem>>) target(%dma_start3A_410 : memref<128x32xf32, #tpu.memory_space<hbm>>) target_semaphore(%run_scoped3A : memref<!tpu.dma_semaphore, #tpu.memory_space<semaphore_mem>>)
      %dma_wait3A = arith.constant 0 : i32
      %dma_wait3A_414 = arith.constant 0 : i32
      %dma_wait3A_415 = tpu.memref_slice %arg10[%dma_wait3A, %dma_wait3A_414] : memref<512x32xf32, #tpu.memory_space<vmem>> -> memref<128x32xf32, #tpu.memory_space<vmem>>
      %dma_wait3A_416 = arith.constant 0 : i32
      %dma_wait3A_417 = tpu.memref_slice %arg6[%add3A_354, %dma_wait3A_416] : memref<106496x32xf32, #tpu.memory_space<hbm>> -> memref<128x32xf32, #tpu.memory_space<hbm>>
      %dma_wait3A_418 = arith.constant 0 : i32
      %dma_wait3A_419 = tpu.memref_slice %arg6[%add3A_354, %dma_wait3A_418] : memref<106496x32xf32, #tpu.memory_space<hbm>> -> memref<128x32xf32, #tpu.memory_space<hbm>>
      %dma_wait3A_420 = arith.constant 0 : i32
      %dma_wait3A_421 = arith.constant 0 : i32
      %dma_wait3A_422 = tpu.memref_slice %arg10[%dma_wait3A_420, %dma_wait3A_421] : memref<512x32xf32, #tpu.memory_space<vmem>> -> memref<128x32xf32, #tpu.memory_space<vmem>>
      tpu.wait_dma2 semaphore(%run_scoped3A : memref<!tpu.dma_semaphore, #tpu.memory_space<semaphore_mem>>) src(%dma_wait3A_422 : memref<128x32xf32, #tpu.memory_space<vmem>>) dst(%dma_wait3A_419 : memref<128x32xf32, #tpu.memory_space<hbm>>)
      tpu.yield
    }) : () -> ()
    %add3A_355 = arith.constant 2048 : i32
    %add3A_356 = arith.addi %mul3A_203, %add3A_355 : i32
    "tpu.region"() ({
      %run_scoped3A = tpu.sem_alloc : memref<!tpu.dma_semaphore, #tpu.memory_space<semaphore_mem>>
      %dma_start3A = arith.constant 0 : i32
      %dma_start3A_405 = arith.constant 0 : i32
      %dma_start3A_406 = tpu.memref_slice %arg10[%dma_start3A, %dma_start3A_405] : memref<512x32xf32, #tpu.memory_space<vmem>> -> memref<128x32xf32, #tpu.memory_space<vmem>>
      %dma_start3A_407 = arith.constant 0 : i32
      %dma_start3A_408 = tpu.memref_slice %arg12[%add3A_356, %dma_start3A_407] : memref<53256x32xf32, #tpu.memory_space<vmem_shared>> -> memref<128x32xf32, #tpu.memory_space<vmem_shared>>
      %dma_start3A_409 = arith.constant 0 : i32
      %dma_start3A_410 = arith.constant 0 : i32
      %dma_start3A_411 = tpu.memref_slice %arg10[%dma_start3A_409, %dma_start3A_410] : memref<512x32xf32, #tpu.memory_space<vmem>> -> memref<128x32xf32, #tpu.memory_space<vmem>>
      %dma_start3A_412 = arith.constant 0 : i32
      %dma_start3A_413 = tpu.memref_slice %arg12[%add3A_356, %dma_start3A_412] : memref<53256x32xf32, #tpu.memory_space<vmem_shared>> -> memref<128x32xf32, #tpu.memory_space<vmem_shared>>
      tpu.enqueue_dma source(%dma_start3A_413 : memref<128x32xf32, #tpu.memory_space<vmem_shared>>) target(%dma_start3A_411 : memref<128x32xf32, #tpu.memory_space<vmem>>) target_semaphore(%run_scoped3A : memref<!tpu.dma_semaphore, #tpu.memory_space<semaphore_mem>>)
      %dma_wait3A = arith.constant 0 : i32
      %dma_wait3A_414 = arith.constant 0 : i32
      %dma_wait3A_415 = tpu.memref_slice %arg10[%dma_wait3A, %dma_wait3A_414] : memref<512x32xf32, #tpu.memory_space<vmem>> -> memref<128x32xf32, #tpu.memory_space<vmem>>
      %dma_wait3A_416 = arith.constant 0 : i32
      %dma_wait3A_417 = tpu.memref_slice %arg12[%add3A_356, %dma_wait3A_416] : memref<53256x32xf32, #tpu.memory_space<vmem_shared>> -> memref<128x32xf32, #tpu.memory_space<vmem_shared>>
      %dma_wait3A_418 = arith.constant 0 : i32
      %dma_wait3A_419 = arith.constant 0 : i32
      %dma_wait3A_420 = tpu.memref_slice %arg10[%dma_wait3A_418, %dma_wait3A_419] : memref<512x32xf32, #tpu.memory_space<vmem>> -> memref<128x32xf32, #tpu.memory_space<vmem>>
      %dma_wait3A_421 = arith.constant 0 : i32
      %dma_wait3A_422 = tpu.memref_slice %arg12[%add3A_356, %dma_wait3A_421] : memref<53256x32xf32, #tpu.memory_space<vmem_shared>> -> memref<128x32xf32, #tpu.memory_space<vmem_shared>>
      tpu.wait_dma2 semaphore(%run_scoped3A : memref<!tpu.dma_semaphore, #tpu.memory_space<semaphore_mem>>) src(%dma_wait3A_422 : memref<128x32xf32, #tpu.memory_space<vmem_shared>>) dst(%dma_wait3A_420 : memref<128x32xf32, #tpu.memory_space<vmem>>)
      tpu.yield
    }) : () -> ()
    %add3A_357 = arith.addi %mul3A_12, %mul3A_203 : i32
    %add3A_358 = arith.constant 2048 : i32
    %add3A_359 = arith.addi %add3A_357, %add3A_358 : i32
    "tpu.region"() ({
      %run_scoped3A = tpu.sem_alloc : memref<!tpu.dma_semaphore, #tpu.memory_space<semaphore_mem>>
      %dma_start3A = arith.constant 0 : i32
      %dma_start3A_405 = arith.constant 0 : i32
      %dma_start3A_406 = tpu.memref_slice %arg10[%dma_start3A, %dma_start3A_405] : memref<512x32xf32, #tpu.memory_space<vmem>> -> memref<128x32xf32, #tpu.memory_space<vmem>>
      %dma_start3A_407 = arith.constant 0 : i32
      %dma_start3A_408 = tpu.memref_slice %arg6[%add3A_359, %dma_start3A_407] : memref<106496x32xf32, #tpu.memory_space<hbm>> -> memref<128x32xf32, #tpu.memory_space<hbm>>
      %dma_start3A_409 = arith.constant 0 : i32
      %dma_start3A_410 = tpu.memref_slice %arg6[%add3A_359, %dma_start3A_409] : memref<106496x32xf32, #tpu.memory_space<hbm>> -> memref<128x32xf32, #tpu.memory_space<hbm>>
      %dma_start3A_411 = arith.constant 0 : i32
      %dma_start3A_412 = arith.constant 0 : i32
      %dma_start3A_413 = tpu.memref_slice %arg10[%dma_start3A_411, %dma_start3A_412] : memref<512x32xf32, #tpu.memory_space<vmem>> -> memref<128x32xf32, #tpu.memory_space<vmem>>
      tpu.enqueue_dma source(%dma_start3A_413 : memref<128x32xf32, #tpu.memory_space<vmem>>) target(%dma_start3A_410 : memref<128x32xf32, #tpu.memory_space<hbm>>) target_semaphore(%run_scoped3A : memref<!tpu.dma_semaphore, #tpu.memory_space<semaphore_mem>>)
      %dma_wait3A = arith.constant 0 : i32
      %dma_wait3A_414 = arith.constant 0 : i32
      %dma_wait3A_415 = tpu.memref_slice %arg10[%dma_wait3A, %dma_wait3A_414] : memref<512x32xf32, #tpu.memory_space<vmem>> -> memref<128x32xf32, #tpu.memory_space<vmem>>
      %dma_wait3A_416 = arith.constant 0 : i32
      %dma_wait3A_417 = tpu.memref_slice %arg6[%add3A_359, %dma_wait3A_416] : memref<106496x32xf32, #tpu.memory_space<hbm>> -> memref<128x32xf32, #tpu.memory_space<hbm>>
      %dma_wait3A_418 = arith.constant 0 : i32
      %dma_wait3A_419 = tpu.memref_slice %arg6[%add3A_359, %dma_wait3A_418] : memref<106496x32xf32, #tpu.memory_space<hbm>> -> memref<128x32xf32, #tpu.memory_space<hbm>>
      %dma_wait3A_420 = arith.constant 0 : i32
      %dma_wait3A_421 = arith.constant 0 : i32
      %dma_wait3A_422 = tpu.memref_slice %arg10[%dma_wait3A_420, %dma_wait3A_421] : memref<512x32xf32, #tpu.memory_space<vmem>> -> memref<128x32xf32, #tpu.memory_space<vmem>>
      tpu.wait_dma2 semaphore(%run_scoped3A : memref<!tpu.dma_semaphore, #tpu.memory_space<semaphore_mem>>) src(%dma_wait3A_422 : memref<128x32xf32, #tpu.memory_space<vmem>>) dst(%dma_wait3A_419 : memref<128x32xf32, #tpu.memory_space<hbm>>)
      tpu.yield
    }) : () -> ()
    %add3A_360 = arith.constant 2176 : i32
    %add3A_361 = arith.addi %mul3A_203, %add3A_360 : i32
    "tpu.region"() ({
      %run_scoped3A = tpu.sem_alloc : memref<!tpu.dma_semaphore, #tpu.memory_space<semaphore_mem>>
      %dma_start3A = arith.constant 0 : i32
      %dma_start3A_405 = arith.constant 0 : i32
      %dma_start3A_406 = tpu.memref_slice %arg10[%dma_start3A, %dma_start3A_405] : memref<512x32xf32, #tpu.memory_space<vmem>> -> memref<128x32xf32, #tpu.memory_space<vmem>>
      %dma_start3A_407 = arith.constant 0 : i32
      %dma_start3A_408 = tpu.memref_slice %arg12[%add3A_361, %dma_start3A_407] : memref<53256x32xf32, #tpu.memory_space<vmem_shared>> -> memref<128x32xf32, #tpu.memory_space<vmem_shared>>
      %dma_start3A_409 = arith.constant 0 : i32
      %dma_start3A_410 = arith.constant 0 : i32
      %dma_start3A_411 = tpu.memref_slice %arg10[%dma_start3A_409, %dma_start3A_410] : memref<512x32xf32, #tpu.memory_space<vmem>> -> memref<128x32xf32, #tpu.memory_space<vmem>>
      %dma_start3A_412 = arith.constant 0 : i32
      %dma_start3A_413 = tpu.memref_slice %arg12[%add3A_361, %dma_start3A_412] : memref<53256x32xf32, #tpu.memory_space<vmem_shared>> -> memref<128x32xf32, #tpu.memory_space<vmem_shared>>
      tpu.enqueue_dma source(%dma_start3A_413 : memref<128x32xf32, #tpu.memory_space<vmem_shared>>) target(%dma_start3A_411 : memref<128x32xf32, #tpu.memory_space<vmem>>) target_semaphore(%run_scoped3A : memref<!tpu.dma_semaphore, #tpu.memory_space<semaphore_mem>>)
      %dma_wait3A = arith.constant 0 : i32
      %dma_wait3A_414 = arith.constant 0 : i32
      %dma_wait3A_415 = tpu.memref_slice %arg10[%dma_wait3A, %dma_wait3A_414] : memref<512x32xf32, #tpu.memory_space<vmem>> -> memref<128x32xf32, #tpu.memory_space<vmem>>
      %dma_wait3A_416 = arith.constant 0 : i32
      %dma_wait3A_417 = tpu.memref_slice %arg12[%add3A_361, %dma_wait3A_416] : memref<53256x32xf32, #tpu.memory_space<vmem_shared>> -> memref<128x32xf32, #tpu.memory_space<vmem_shared>>
      %dma_wait3A_418 = arith.constant 0 : i32
      %dma_wait3A_419 = arith.constant 0 : i32
      %dma_wait3A_420 = tpu.memref_slice %arg10[%dma_wait3A_418, %dma_wait3A_419] : memref<512x32xf32, #tpu.memory_space<vmem>> -> memref<128x32xf32, #tpu.memory_space<vmem>>
      %dma_wait3A_421 = arith.constant 0 : i32
      %dma_wait3A_422 = tpu.memref_slice %arg12[%add3A_361, %dma_wait3A_421] : memref<53256x32xf32, #tpu.memory_space<vmem_shared>> -> memref<128x32xf32, #tpu.memory_space<vmem_shared>>
      tpu.wait_dma2 semaphore(%run_scoped3A : memref<!tpu.dma_semaphore, #tpu.memory_space<semaphore_mem>>) src(%dma_wait3A_422 : memref<128x32xf32, #tpu.memory_space<vmem_shared>>) dst(%dma_wait3A_420 : memref<128x32xf32, #tpu.memory_space<vmem>>)
      tpu.yield
    }) : () -> ()
    %add3A_362 = arith.addi %mul3A_12, %mul3A_203 : i32
    %add3A_363 = arith.constant 2176 : i32
    %add3A_364 = arith.addi %add3A_362, %add3A_363 : i32
    "tpu.region"() ({
      %run_scoped3A = tpu.sem_alloc : memref<!tpu.dma_semaphore, #tpu.memory_space<semaphore_mem>>
      %dma_start3A = arith.constant 0 : i32
      %dma_start3A_405 = arith.constant 0 : i32
      %dma_start3A_406 = tpu.memref_slice %arg10[%dma_start3A, %dma_start3A_405] : memref<512x32xf32, #tpu.memory_space<vmem>> -> memref<128x32xf32, #tpu.memory_space<vmem>>
      %dma_start3A_407 = arith.constant 0 : i32
      %dma_start3A_408 = tpu.memref_slice %arg6[%add3A_364, %dma_start3A_407] : memref<106496x32xf32, #tpu.memory_space<hbm>> -> memref<128x32xf32, #tpu.memory_space<hbm>>
      %dma_start3A_409 = arith.constant 0 : i32
      %dma_start3A_410 = tpu.memref_slice %arg6[%add3A_364, %dma_start3A_409] : memref<106496x32xf32, #tpu.memory_space<hbm>> -> memref<128x32xf32, #tpu.memory_space<hbm>>
      %dma_start3A_411 = arith.constant 0 : i32
      %dma_start3A_412 = arith.constant 0 : i32
      %dma_start3A_413 = tpu.memref_slice %arg10[%dma_start3A_411, %dma_start3A_412] : memref<512x32xf32, #tpu.memory_space<vmem>> -> memref<128x32xf32, #tpu.memory_space<vmem>>
      tpu.enqueue_dma source(%dma_start3A_413 : memref<128x32xf32, #tpu.memory_space<vmem>>) target(%dma_start3A_410 : memref<128x32xf32, #tpu.memory_space<hbm>>) target_semaphore(%run_scoped3A : memref<!tpu.dma_semaphore, #tpu.memory_space<semaphore_mem>>)
      %dma_wait3A = arith.constant 0 : i32
      %dma_wait3A_414 = arith.constant 0 : i32
      %dma_wait3A_415 = tpu.memref_slice %arg10[%dma_wait3A, %dma_wait3A_414] : memref<512x32xf32, #tpu.memory_space<vmem>> -> memref<128x32xf32, #tpu.memory_space<vmem>>
      %dma_wait3A_416 = arith.constant 0 : i32
      %dma_wait3A_417 = tpu.memref_slice %arg6[%add3A_364, %dma_wait3A_416] : memref<106496x32xf32, #tpu.memory_space<hbm>> -> memref<128x32xf32, #tpu.memory_space<hbm>>
      %dma_wait3A_418 = arith.constant 0 : i32
      %dma_wait3A_419 = tpu.memref_slice %arg6[%add3A_364, %dma_wait3A_418] : memref<106496x32xf32, #tpu.memory_space<hbm>> -> memref<128x32xf32, #tpu.memory_space<hbm>>
      %dma_wait3A_420 = arith.constant 0 : i32
      %dma_wait3A_421 = arith.constant 0 : i32
      %dma_wait3A_422 = tpu.memref_slice %arg10[%dma_wait3A_420, %dma_wait3A_421] : memref<512x32xf32, #tpu.memory_space<vmem>> -> memref<128x32xf32, #tpu.memory_space<vmem>>
      tpu.wait_dma2 semaphore(%run_scoped3A : memref<!tpu.dma_semaphore, #tpu.memory_space<semaphore_mem>>) src(%dma_wait3A_422 : memref<128x32xf32, #tpu.memory_space<vmem>>) dst(%dma_wait3A_419 : memref<128x32xf32, #tpu.memory_space<hbm>>)
      tpu.yield
    }) : () -> ()
    %add3A_365 = arith.constant 2304 : i32
    %add3A_366 = arith.addi %mul3A_203, %add3A_365 : i32
    "tpu.region"() ({
      %run_scoped3A = tpu.sem_alloc : memref<!tpu.dma_semaphore, #tpu.memory_space<semaphore_mem>>
      %dma_start3A = arith.constant 0 : i32
      %dma_start3A_405 = arith.constant 0 : i32
      %dma_start3A_406 = tpu.memref_slice %arg10[%dma_start3A, %dma_start3A_405] : memref<512x32xf32, #tpu.memory_space<vmem>> -> memref<128x32xf32, #tpu.memory_space<vmem>>
      %dma_start3A_407 = arith.constant 0 : i32
      %dma_start3A_408 = tpu.memref_slice %arg12[%add3A_366, %dma_start3A_407] : memref<53256x32xf32, #tpu.memory_space<vmem_shared>> -> memref<128x32xf32, #tpu.memory_space<vmem_shared>>
      %dma_start3A_409 = arith.constant 0 : i32
      %dma_start3A_410 = arith.constant 0 : i32
      %dma_start3A_411 = tpu.memref_slice %arg10[%dma_start3A_409, %dma_start3A_410] : memref<512x32xf32, #tpu.memory_space<vmem>> -> memref<128x32xf32, #tpu.memory_space<vmem>>
      %dma_start3A_412 = arith.constant 0 : i32
      %dma_start3A_413 = tpu.memref_slice %arg12[%add3A_366, %dma_start3A_412] : memref<53256x32xf32, #tpu.memory_space<vmem_shared>> -> memref<128x32xf32, #tpu.memory_space<vmem_shared>>
      tpu.enqueue_dma source(%dma_start3A_413 : memref<128x32xf32, #tpu.memory_space<vmem_shared>>) target(%dma_start3A_411 : memref<128x32xf32, #tpu.memory_space<vmem>>) target_semaphore(%run_scoped3A : memref<!tpu.dma_semaphore, #tpu.memory_space<semaphore_mem>>)
      %dma_wait3A = arith.constant 0 : i32
      %dma_wait3A_414 = arith.constant 0 : i32
      %dma_wait3A_415 = tpu.memref_slice %arg10[%dma_wait3A, %dma_wait3A_414] : memref<512x32xf32, #tpu.memory_space<vmem>> -> memref<128x32xf32, #tpu.memory_space<vmem>>
      %dma_wait3A_416 = arith.constant 0 : i32
      %dma_wait3A_417 = tpu.memref_slice %arg12[%add3A_366, %dma_wait3A_416] : memref<53256x32xf32, #tpu.memory_space<vmem_shared>> -> memref<128x32xf32, #tpu.memory_space<vmem_shared>>
      %dma_wait3A_418 = arith.constant 0 : i32
      %dma_wait3A_419 = arith.constant 0 : i32
      %dma_wait3A_420 = tpu.memref_slice %arg10[%dma_wait3A_418, %dma_wait3A_419] : memref<512x32xf32, #tpu.memory_space<vmem>> -> memref<128x32xf32, #tpu.memory_space<vmem>>
      %dma_wait3A_421 = arith.constant 0 : i32
      %dma_wait3A_422 = tpu.memref_slice %arg12[%add3A_366, %dma_wait3A_421] : memref<53256x32xf32, #tpu.memory_space<vmem_shared>> -> memref<128x32xf32, #tpu.memory_space<vmem_shared>>
      tpu.wait_dma2 semaphore(%run_scoped3A : memref<!tpu.dma_semaphore, #tpu.memory_space<semaphore_mem>>) src(%dma_wait3A_422 : memref<128x32xf32, #tpu.memory_space<vmem_shared>>) dst(%dma_wait3A_420 : memref<128x32xf32, #tpu.memory_space<vmem>>)
      tpu.yield
    }) : () -> ()
    %add3A_367 = arith.addi %mul3A_12, %mul3A_203 : i32
    %add3A_368 = arith.constant 2304 : i32
    %add3A_369 = arith.addi %add3A_367, %add3A_368 : i32
    "tpu.region"() ({
      %run_scoped3A = tpu.sem_alloc : memref<!tpu.dma_semaphore, #tpu.memory_space<semaphore_mem>>
      %dma_start3A = arith.constant 0 : i32
      %dma_start3A_405 = arith.constant 0 : i32
      %dma_start3A_406 = tpu.memref_slice %arg10[%dma_start3A, %dma_start3A_405] : memref<512x32xf32, #tpu.memory_space<vmem>> -> memref<128x32xf32, #tpu.memory_space<vmem>>
      %dma_start3A_407 = arith.constant 0 : i32
      %dma_start3A_408 = tpu.memref_slice %arg6[%add3A_369, %dma_start3A_407] : memref<106496x32xf32, #tpu.memory_space<hbm>> -> memref<128x32xf32, #tpu.memory_space<hbm>>
      %dma_start3A_409 = arith.constant 0 : i32
      %dma_start3A_410 = tpu.memref_slice %arg6[%add3A_369, %dma_start3A_409] : memref<106496x32xf32, #tpu.memory_space<hbm>> -> memref<128x32xf32, #tpu.memory_space<hbm>>
      %dma_start3A_411 = arith.constant 0 : i32
      %dma_start3A_412 = arith.constant 0 : i32
      %dma_start3A_413 = tpu.memref_slice %arg10[%dma_start3A_411, %dma_start3A_412] : memref<512x32xf32, #tpu.memory_space<vmem>> -> memref<128x32xf32, #tpu.memory_space<vmem>>
      tpu.enqueue_dma source(%dma_start3A_413 : memref<128x32xf32, #tpu.memory_space<vmem>>) target(%dma_start3A_410 : memref<128x32xf32, #tpu.memory_space<hbm>>) target_semaphore(%run_scoped3A : memref<!tpu.dma_semaphore, #tpu.memory_space<semaphore_mem>>)
      %dma_wait3A = arith.constant 0 : i32
      %dma_wait3A_414 = arith.constant 0 : i32
      %dma_wait3A_415 = tpu.memref_slice %arg10[%dma_wait3A, %dma_wait3A_414] : memref<512x32xf32, #tpu.memory_space<vmem>> -> memref<128x32xf32, #tpu.memory_space<vmem>>
      %dma_wait3A_416 = arith.constant 0 : i32
      %dma_wait3A_417 = tpu.memref_slice %arg6[%add3A_369, %dma_wait3A_416] : memref<106496x32xf32, #tpu.memory_space<hbm>> -> memref<128x32xf32, #tpu.memory_space<hbm>>
      %dma_wait3A_418 = arith.constant 0 : i32
      %dma_wait3A_419 = tpu.memref_slice %arg6[%add3A_369, %dma_wait3A_418] : memref<106496x32xf32, #tpu.memory_space<hbm>> -> memref<128x32xf32, #tpu.memory_space<hbm>>
      %dma_wait3A_420 = arith.constant 0 : i32
      %dma_wait3A_421 = arith.constant 0 : i32
      %dma_wait3A_422 = tpu.memref_slice %arg10[%dma_wait3A_420, %dma_wait3A_421] : memref<512x32xf32, #tpu.memory_space<vmem>> -> memref<128x32xf32, #tpu.memory_space<vmem>>
      tpu.wait_dma2 semaphore(%run_scoped3A : memref<!tpu.dma_semaphore, #tpu.memory_space<semaphore_mem>>) src(%dma_wait3A_422 : memref<128x32xf32, #tpu.memory_space<vmem>>) dst(%dma_wait3A_419 : memref<128x32xf32, #tpu.memory_space<hbm>>)
      tpu.yield
    }) : () -> ()
    %add3A_370 = arith.constant 2432 : i32
    %add3A_371 = arith.addi %mul3A_203, %add3A_370 : i32
    "tpu.region"() ({
      %run_scoped3A = tpu.sem_alloc : memref<!tpu.dma_semaphore, #tpu.memory_space<semaphore_mem>>
      %dma_start3A = arith.constant 0 : i32
      %dma_start3A_405 = arith.constant 0 : i32
      %dma_start3A_406 = tpu.memref_slice %arg10[%dma_start3A, %dma_start3A_405] : memref<512x32xf32, #tpu.memory_space<vmem>> -> memref<128x32xf32, #tpu.memory_space<vmem>>
      %dma_start3A_407 = arith.constant 0 : i32
      %dma_start3A_408 = tpu.memref_slice %arg12[%add3A_371, %dma_start3A_407] : memref<53256x32xf32, #tpu.memory_space<vmem_shared>> -> memref<128x32xf32, #tpu.memory_space<vmem_shared>>
      %dma_start3A_409 = arith.constant 0 : i32
      %dma_start3A_410 = arith.constant 0 : i32
      %dma_start3A_411 = tpu.memref_slice %arg10[%dma_start3A_409, %dma_start3A_410] : memref<512x32xf32, #tpu.memory_space<vmem>> -> memref<128x32xf32, #tpu.memory_space<vmem>>
      %dma_start3A_412 = arith.constant 0 : i32
      %dma_start3A_413 = tpu.memref_slice %arg12[%add3A_371, %dma_start3A_412] : memref<53256x32xf32, #tpu.memory_space<vmem_shared>> -> memref<128x32xf32, #tpu.memory_space<vmem_shared>>
      tpu.enqueue_dma source(%dma_start3A_413 : memref<128x32xf32, #tpu.memory_space<vmem_shared>>) target(%dma_start3A_411 : memref<128x32xf32, #tpu.memory_space<vmem>>) target_semaphore(%run_scoped3A : memref<!tpu.dma_semaphore, #tpu.memory_space<semaphore_mem>>)
      %dma_wait3A = arith.constant 0 : i32
      %dma_wait3A_414 = arith.constant 0 : i32
      %dma_wait3A_415 = tpu.memref_slice %arg10[%dma_wait3A, %dma_wait3A_414] : memref<512x32xf32, #tpu.memory_space<vmem>> -> memref<128x32xf32, #tpu.memory_space<vmem>>
      %dma_wait3A_416 = arith.constant 0 : i32
      %dma_wait3A_417 = tpu.memref_slice %arg12[%add3A_371, %dma_wait3A_416] : memref<53256x32xf32, #tpu.memory_space<vmem_shared>> -> memref<128x32xf32, #tpu.memory_space<vmem_shared>>
      %dma_wait3A_418 = arith.constant 0 : i32
      %dma_wait3A_419 = arith.constant 0 : i32
      %dma_wait3A_420 = tpu.memref_slice %arg10[%dma_wait3A_418, %dma_wait3A_419] : memref<512x32xf32, #tpu.memory_space<vmem>> -> memref<128x32xf32, #tpu.memory_space<vmem>>
      %dma_wait3A_421 = arith.constant 0 : i32
      %dma_wait3A_422 = tpu.memref_slice %arg12[%add3A_371, %dma_wait3A_421] : memref<53256x32xf32, #tpu.memory_space<vmem_shared>> -> memref<128x32xf32, #tpu.memory_space<vmem_shared>>
      tpu.wait_dma2 semaphore(%run_scoped3A : memref<!tpu.dma_semaphore, #tpu.memory_space<semaphore_mem>>) src(%dma_wait3A_422 : memref<128x32xf32, #tpu.memory_space<vmem_shared>>) dst(%dma_wait3A_420 : memref<128x32xf32, #tpu.memory_space<vmem>>)
      tpu.yield
    }) : () -> ()
    %add3A_372 = arith.addi %mul3A_12, %mul3A_203 : i32
    %add3A_373 = arith.constant 2432 : i32
    %add3A_374 = arith.addi %add3A_372, %add3A_373 : i32
    "tpu.region"() ({
      %run_scoped3A = tpu.sem_alloc : memref<!tpu.dma_semaphore, #tpu.memory_space<semaphore_mem>>
      %dma_start3A = arith.constant 0 : i32
      %dma_start3A_405 = arith.constant 0 : i32
      %dma_start3A_406 = tpu.memref_slice %arg10[%dma_start3A, %dma_start3A_405] : memref<512x32xf32, #tpu.memory_space<vmem>> -> memref<128x32xf32, #tpu.memory_space<vmem>>
      %dma_start3A_407 = arith.constant 0 : i32
      %dma_start3A_408 = tpu.memref_slice %arg6[%add3A_374, %dma_start3A_407] : memref<106496x32xf32, #tpu.memory_space<hbm>> -> memref<128x32xf32, #tpu.memory_space<hbm>>
      %dma_start3A_409 = arith.constant 0 : i32
      %dma_start3A_410 = tpu.memref_slice %arg6[%add3A_374, %dma_start3A_409] : memref<106496x32xf32, #tpu.memory_space<hbm>> -> memref<128x32xf32, #tpu.memory_space<hbm>>
      %dma_start3A_411 = arith.constant 0 : i32
      %dma_start3A_412 = arith.constant 0 : i32
      %dma_start3A_413 = tpu.memref_slice %arg10[%dma_start3A_411, %dma_start3A_412] : memref<512x32xf32, #tpu.memory_space<vmem>> -> memref<128x32xf32, #tpu.memory_space<vmem>>
      tpu.enqueue_dma source(%dma_start3A_413 : memref<128x32xf32, #tpu.memory_space<vmem>>) target(%dma_start3A_410 : memref<128x32xf32, #tpu.memory_space<hbm>>) target_semaphore(%run_scoped3A : memref<!tpu.dma_semaphore, #tpu.memory_space<semaphore_mem>>)
      %dma_wait3A = arith.constant 0 : i32
      %dma_wait3A_414 = arith.constant 0 : i32
      %dma_wait3A_415 = tpu.memref_slice %arg10[%dma_wait3A, %dma_wait3A_414] : memref<512x32xf32, #tpu.memory_space<vmem>> -> memref<128x32xf32, #tpu.memory_space<vmem>>
      %dma_wait3A_416 = arith.constant 0 : i32
      %dma_wait3A_417 = tpu.memref_slice %arg6[%add3A_374, %dma_wait3A_416] : memref<106496x32xf32, #tpu.memory_space<hbm>> -> memref<128x32xf32, #tpu.memory_space<hbm>>
      %dma_wait3A_418 = arith.constant 0 : i32
      %dma_wait3A_419 = tpu.memref_slice %arg6[%add3A_374, %dma_wait3A_418] : memref<106496x32xf32, #tpu.memory_space<hbm>> -> memref<128x32xf32, #tpu.memory_space<hbm>>
      %dma_wait3A_420 = arith.constant 0 : i32
      %dma_wait3A_421 = arith.constant 0 : i32
      %dma_wait3A_422 = tpu.memref_slice %arg10[%dma_wait3A_420, %dma_wait3A_421] : memref<512x32xf32, #tpu.memory_space<vmem>> -> memref<128x32xf32, #tpu.memory_space<vmem>>
      tpu.wait_dma2 semaphore(%run_scoped3A : memref<!tpu.dma_semaphore, #tpu.memory_space<semaphore_mem>>) src(%dma_wait3A_422 : memref<128x32xf32, #tpu.memory_space<vmem>>) dst(%dma_wait3A_419 : memref<128x32xf32, #tpu.memory_space<hbm>>)
      tpu.yield
    }) : () -> ()
    %add3A_375 = arith.constant 2560 : i32
    %add3A_376 = arith.addi %mul3A_203, %add3A_375 : i32
    "tpu.region"() ({
      %run_scoped3A = tpu.sem_alloc : memref<!tpu.dma_semaphore, #tpu.memory_space<semaphore_mem>>
      %dma_start3A = arith.constant 0 : i32
      %dma_start3A_405 = arith.constant 0 : i32
      %dma_start3A_406 = tpu.memref_slice %arg10[%dma_start3A, %dma_start3A_405] : memref<512x32xf32, #tpu.memory_space<vmem>> -> memref<128x32xf32, #tpu.memory_space<vmem>>
      %dma_start3A_407 = arith.constant 0 : i32
      %dma_start3A_408 = tpu.memref_slice %arg12[%add3A_376, %dma_start3A_407] : memref<53256x32xf32, #tpu.memory_space<vmem_shared>> -> memref<128x32xf32, #tpu.memory_space<vmem_shared>>
      %dma_start3A_409 = arith.constant 0 : i32
      %dma_start3A_410 = arith.constant 0 : i32
      %dma_start3A_411 = tpu.memref_slice %arg10[%dma_start3A_409, %dma_start3A_410] : memref<512x32xf32, #tpu.memory_space<vmem>> -> memref<128x32xf32, #tpu.memory_space<vmem>>
      %dma_start3A_412 = arith.constant 0 : i32
      %dma_start3A_413 = tpu.memref_slice %arg12[%add3A_376, %dma_start3A_412] : memref<53256x32xf32, #tpu.memory_space<vmem_shared>> -> memref<128x32xf32, #tpu.memory_space<vmem_shared>>
      tpu.enqueue_dma source(%dma_start3A_413 : memref<128x32xf32, #tpu.memory_space<vmem_shared>>) target(%dma_start3A_411 : memref<128x32xf32, #tpu.memory_space<vmem>>) target_semaphore(%run_scoped3A : memref<!tpu.dma_semaphore, #tpu.memory_space<semaphore_mem>>)
      %dma_wait3A = arith.constant 0 : i32
      %dma_wait3A_414 = arith.constant 0 : i32
      %dma_wait3A_415 = tpu.memref_slice %arg10[%dma_wait3A, %dma_wait3A_414] : memref<512x32xf32, #tpu.memory_space<vmem>> -> memref<128x32xf32, #tpu.memory_space<vmem>>
      %dma_wait3A_416 = arith.constant 0 : i32
      %dma_wait3A_417 = tpu.memref_slice %arg12[%add3A_376, %dma_wait3A_416] : memref<53256x32xf32, #tpu.memory_space<vmem_shared>> -> memref<128x32xf32, #tpu.memory_space<vmem_shared>>
      %dma_wait3A_418 = arith.constant 0 : i32
      %dma_wait3A_419 = arith.constant 0 : i32
      %dma_wait3A_420 = tpu.memref_slice %arg10[%dma_wait3A_418, %dma_wait3A_419] : memref<512x32xf32, #tpu.memory_space<vmem>> -> memref<128x32xf32, #tpu.memory_space<vmem>>
      %dma_wait3A_421 = arith.constant 0 : i32
      %dma_wait3A_422 = tpu.memref_slice %arg12[%add3A_376, %dma_wait3A_421] : memref<53256x32xf32, #tpu.memory_space<vmem_shared>> -> memref<128x32xf32, #tpu.memory_space<vmem_shared>>
      tpu.wait_dma2 semaphore(%run_scoped3A : memref<!tpu.dma_semaphore, #tpu.memory_space<semaphore_mem>>) src(%dma_wait3A_422 : memref<128x32xf32, #tpu.memory_space<vmem_shared>>) dst(%dma_wait3A_420 : memref<128x32xf32, #tpu.memory_space<vmem>>)
      tpu.yield
    }) : () -> ()
    %add3A_377 = arith.addi %mul3A_12, %mul3A_203 : i32
    %add3A_378 = arith.constant 2560 : i32
    %add3A_379 = arith.addi %add3A_377, %add3A_378 : i32
    "tpu.region"() ({
      %run_scoped3A = tpu.sem_alloc : memref<!tpu.dma_semaphore, #tpu.memory_space<semaphore_mem>>
      %dma_start3A = arith.constant 0 : i32
      %dma_start3A_405 = arith.constant 0 : i32
      %dma_start3A_406 = tpu.memref_slice %arg10[%dma_start3A, %dma_start3A_405] : memref<512x32xf32, #tpu.memory_space<vmem>> -> memref<128x32xf32, #tpu.memory_space<vmem>>
      %dma_start3A_407 = arith.constant 0 : i32
      %dma_start3A_408 = tpu.memref_slice %arg6[%add3A_379, %dma_start3A_407] : memref<106496x32xf32, #tpu.memory_space<hbm>> -> memref<128x32xf32, #tpu.memory_space<hbm>>
      %dma_start3A_409 = arith.constant 0 : i32
      %dma_start3A_410 = tpu.memref_slice %arg6[%add3A_379, %dma_start3A_409] : memref<106496x32xf32, #tpu.memory_space<hbm>> -> memref<128x32xf32, #tpu.memory_space<hbm>>
      %dma_start3A_411 = arith.constant 0 : i32
      %dma_start3A_412 = arith.constant 0 : i32
      %dma_start3A_413 = tpu.memref_slice %arg10[%dma_start3A_411, %dma_start3A_412] : memref<512x32xf32, #tpu.memory_space<vmem>> -> memref<128x32xf32, #tpu.memory_space<vmem>>
      tpu.enqueue_dma source(%dma_start3A_413 : memref<128x32xf32, #tpu.memory_space<vmem>>) target(%dma_start3A_410 : memref<128x32xf32, #tpu.memory_space<hbm>>) target_semaphore(%run_scoped3A : memref<!tpu.dma_semaphore, #tpu.memory_space<semaphore_mem>>)
      %dma_wait3A = arith.constant 0 : i32
      %dma_wait3A_414 = arith.constant 0 : i32
      %dma_wait3A_415 = tpu.memref_slice %arg10[%dma_wait3A, %dma_wait3A_414] : memref<512x32xf32, #tpu.memory_space<vmem>> -> memref<128x32xf32, #tpu.memory_space<vmem>>
      %dma_wait3A_416 = arith.constant 0 : i32
      %dma_wait3A_417 = tpu.memref_slice %arg6[%add3A_379, %dma_wait3A_416] : memref<106496x32xf32, #tpu.memory_space<hbm>> -> memref<128x32xf32, #tpu.memory_space<hbm>>
      %dma_wait3A_418 = arith.constant 0 : i32
      %dma_wait3A_419 = tpu.memref_slice %arg6[%add3A_379, %dma_wait3A_418] : memref<106496x32xf32, #tpu.memory_space<hbm>> -> memref<128x32xf32, #tpu.memory_space<hbm>>
      %dma_wait3A_420 = arith.constant 0 : i32
      %dma_wait3A_421 = arith.constant 0 : i32
      %dma_wait3A_422 = tpu.memref_slice %arg10[%dma_wait3A_420, %dma_wait3A_421] : memref<512x32xf32, #tpu.memory_space<vmem>> -> memref<128x32xf32, #tpu.memory_space<vmem>>
      tpu.wait_dma2 semaphore(%run_scoped3A : memref<!tpu.dma_semaphore, #tpu.memory_space<semaphore_mem>>) src(%dma_wait3A_422 : memref<128x32xf32, #tpu.memory_space<vmem>>) dst(%dma_wait3A_419 : memref<128x32xf32, #tpu.memory_space<hbm>>)
      tpu.yield
    }) : () -> ()
    %add3A_380 = arith.constant 2688 : i32
    %add3A_381 = arith.addi %mul3A_203, %add3A_380 : i32
    "tpu.region"() ({
      %run_scoped3A = tpu.sem_alloc : memref<!tpu.dma_semaphore, #tpu.memory_space<semaphore_mem>>
      %dma_start3A = arith.constant 0 : i32
      %dma_start3A_405 = arith.constant 0 : i32
      %dma_start3A_406 = tpu.memref_slice %arg10[%dma_start3A, %dma_start3A_405] : memref<512x32xf32, #tpu.memory_space<vmem>> -> memref<128x32xf32, #tpu.memory_space<vmem>>
      %dma_start3A_407 = arith.constant 0 : i32
      %dma_start3A_408 = tpu.memref_slice %arg12[%add3A_381, %dma_start3A_407] : memref<53256x32xf32, #tpu.memory_space<vmem_shared>> -> memref<128x32xf32, #tpu.memory_space<vmem_shared>>
      %dma_start3A_409 = arith.constant 0 : i32
      %dma_start3A_410 = arith.constant 0 : i32
      %dma_start3A_411 = tpu.memref_slice %arg10[%dma_start3A_409, %dma_start3A_410] : memref<512x32xf32, #tpu.memory_space<vmem>> -> memref<128x32xf32, #tpu.memory_space<vmem>>
      %dma_start3A_412 = arith.constant 0 : i32
      %dma_start3A_413 = tpu.memref_slice %arg12[%add3A_381, %dma_start3A_412] : memref<53256x32xf32, #tpu.memory_space<vmem_shared>> -> memref<128x32xf32, #tpu.memory_space<vmem_shared>>
      tpu.enqueue_dma source(%dma_start3A_413 : memref<128x32xf32, #tpu.memory_space<vmem_shared>>) target(%dma_start3A_411 : memref<128x32xf32, #tpu.memory_space<vmem>>) target_semaphore(%run_scoped3A : memref<!tpu.dma_semaphore, #tpu.memory_space<semaphore_mem>>)
      %dma_wait3A = arith.constant 0 : i32
      %dma_wait3A_414 = arith.constant 0 : i32
      %dma_wait3A_415 = tpu.memref_slice %arg10[%dma_wait3A, %dma_wait3A_414] : memref<512x32xf32, #tpu.memory_space<vmem>> -> memref<128x32xf32, #tpu.memory_space<vmem>>
      %dma_wait3A_416 = arith.constant 0 : i32
      %dma_wait3A_417 = tpu.memref_slice %arg12[%add3A_381, %dma_wait3A_416] : memref<53256x32xf32, #tpu.memory_space<vmem_shared>> -> memref<128x32xf32, #tpu.memory_space<vmem_shared>>
      %dma_wait3A_418 = arith.constant 0 : i32
      %dma_wait3A_419 = arith.constant 0 : i32
      %dma_wait3A_420 = tpu.memref_slice %arg10[%dma_wait3A_418, %dma_wait3A_419] : memref<512x32xf32, #tpu.memory_space<vmem>> -> memref<128x32xf32, #tpu.memory_space<vmem>>
      %dma_wait3A_421 = arith.constant 0 : i32
      %dma_wait3A_422 = tpu.memref_slice %arg12[%add3A_381, %dma_wait3A_421] : memref<53256x32xf32, #tpu.memory_space<vmem_shared>> -> memref<128x32xf32, #tpu.memory_space<vmem_shared>>
      tpu.wait_dma2 semaphore(%run_scoped3A : memref<!tpu.dma_semaphore, #tpu.memory_space<semaphore_mem>>) src(%dma_wait3A_422 : memref<128x32xf32, #tpu.memory_space<vmem_shared>>) dst(%dma_wait3A_420 : memref<128x32xf32, #tpu.memory_space<vmem>>)
      tpu.yield
    }) : () -> ()
    %add3A_382 = arith.addi %mul3A_12, %mul3A_203 : i32
    %add3A_383 = arith.constant 2688 : i32
    %add3A_384 = arith.addi %add3A_382, %add3A_383 : i32
    "tpu.region"() ({
      %run_scoped3A = tpu.sem_alloc : memref<!tpu.dma_semaphore, #tpu.memory_space<semaphore_mem>>
      %dma_start3A = arith.constant 0 : i32
      %dma_start3A_405 = arith.constant 0 : i32
      %dma_start3A_406 = tpu.memref_slice %arg10[%dma_start3A, %dma_start3A_405] : memref<512x32xf32, #tpu.memory_space<vmem>> -> memref<128x32xf32, #tpu.memory_space<vmem>>
      %dma_start3A_407 = arith.constant 0 : i32
      %dma_start3A_408 = tpu.memref_slice %arg6[%add3A_384, %dma_start3A_407] : memref<106496x32xf32, #tpu.memory_space<hbm>> -> memref<128x32xf32, #tpu.memory_space<hbm>>
      %dma_start3A_409 = arith.constant 0 : i32
      %dma_start3A_410 = tpu.memref_slice %arg6[%add3A_384, %dma_start3A_409] : memref<106496x32xf32, #tpu.memory_space<hbm>> -> memref<128x32xf32, #tpu.memory_space<hbm>>
      %dma_start3A_411 = arith.constant 0 : i32
      %dma_start3A_412 = arith.constant 0 : i32
      %dma_start3A_413 = tpu.memref_slice %arg10[%dma_start3A_411, %dma_start3A_412] : memref<512x32xf32, #tpu.memory_space<vmem>> -> memref<128x32xf32, #tpu.memory_space<vmem>>
      tpu.enqueue_dma source(%dma_start3A_413 : memref<128x32xf32, #tpu.memory_space<vmem>>) target(%dma_start3A_410 : memref<128x32xf32, #tpu.memory_space<hbm>>) target_semaphore(%run_scoped3A : memref<!tpu.dma_semaphore, #tpu.memory_space<semaphore_mem>>)
      %dma_wait3A = arith.constant 0 : i32
      %dma_wait3A_414 = arith.constant 0 : i32
      %dma_wait3A_415 = tpu.memref_slice %arg10[%dma_wait3A, %dma_wait3A_414] : memref<512x32xf32, #tpu.memory_space<vmem>> -> memref<128x32xf32, #tpu.memory_space<vmem>>
      %dma_wait3A_416 = arith.constant 0 : i32
      %dma_wait3A_417 = tpu.memref_slice %arg6[%add3A_384, %dma_wait3A_416] : memref<106496x32xf32, #tpu.memory_space<hbm>> -> memref<128x32xf32, #tpu.memory_space<hbm>>
      %dma_wait3A_418 = arith.constant 0 : i32
      %dma_wait3A_419 = tpu.memref_slice %arg6[%add3A_384, %dma_wait3A_418] : memref<106496x32xf32, #tpu.memory_space<hbm>> -> memref<128x32xf32, #tpu.memory_space<hbm>>
      %dma_wait3A_420 = arith.constant 0 : i32
      %dma_wait3A_421 = arith.constant 0 : i32
      %dma_wait3A_422 = tpu.memref_slice %arg10[%dma_wait3A_420, %dma_wait3A_421] : memref<512x32xf32, #tpu.memory_space<vmem>> -> memref<128x32xf32, #tpu.memory_space<vmem>>
      tpu.wait_dma2 semaphore(%run_scoped3A : memref<!tpu.dma_semaphore, #tpu.memory_space<semaphore_mem>>) src(%dma_wait3A_422 : memref<128x32xf32, #tpu.memory_space<vmem>>) dst(%dma_wait3A_419 : memref<128x32xf32, #tpu.memory_space<hbm>>)
      tpu.yield
    }) : () -> ()
    %add3A_385 = arith.constant 2816 : i32
    %add3A_386 = arith.addi %mul3A_203, %add3A_385 : i32
    "tpu.region"() ({
      %run_scoped3A = tpu.sem_alloc : memref<!tpu.dma_semaphore, #tpu.memory_space<semaphore_mem>>
      %dma_start3A = arith.constant 0 : i32
      %dma_start3A_405 = arith.constant 0 : i32
      %dma_start3A_406 = tpu.memref_slice %arg10[%dma_start3A, %dma_start3A_405] : memref<512x32xf32, #tpu.memory_space<vmem>> -> memref<128x32xf32, #tpu.memory_space<vmem>>
      %dma_start3A_407 = arith.constant 0 : i32
      %dma_start3A_408 = tpu.memref_slice %arg12[%add3A_386, %dma_start3A_407] : memref<53256x32xf32, #tpu.memory_space<vmem_shared>> -> memref<128x32xf32, #tpu.memory_space<vmem_shared>>
      %dma_start3A_409 = arith.constant 0 : i32
      %dma_start3A_410 = arith.constant 0 : i32
      %dma_start3A_411 = tpu.memref_slice %arg10[%dma_start3A_409, %dma_start3A_410] : memref<512x32xf32, #tpu.memory_space<vmem>> -> memref<128x32xf32, #tpu.memory_space<vmem>>
      %dma_start3A_412 = arith.constant 0 : i32
      %dma_start3A_413 = tpu.memref_slice %arg12[%add3A_386, %dma_start3A_412] : memref<53256x32xf32, #tpu.memory_space<vmem_shared>> -> memref<128x32xf32, #tpu.memory_space<vmem_shared>>
      tpu.enqueue_dma source(%dma_start3A_413 : memref<128x32xf32, #tpu.memory_space<vmem_shared>>) target(%dma_start3A_411 : memref<128x32xf32, #tpu.memory_space<vmem>>) target_semaphore(%run_scoped3A : memref<!tpu.dma_semaphore, #tpu.memory_space<semaphore_mem>>)
      %dma_wait3A = arith.constant 0 : i32
      %dma_wait3A_414 = arith.constant 0 : i32
      %dma_wait3A_415 = tpu.memref_slice %arg10[%dma_wait3A, %dma_wait3A_414] : memref<512x32xf32, #tpu.memory_space<vmem>> -> memref<128x32xf32, #tpu.memory_space<vmem>>
      %dma_wait3A_416 = arith.constant 0 : i32
      %dma_wait3A_417 = tpu.memref_slice %arg12[%add3A_386, %dma_wait3A_416] : memref<53256x32xf32, #tpu.memory_space<vmem_shared>> -> memref<128x32xf32, #tpu.memory_space<vmem_shared>>
      %dma_wait3A_418 = arith.constant 0 : i32
      %dma_wait3A_419 = arith.constant 0 : i32
      %dma_wait3A_420 = tpu.memref_slice %arg10[%dma_wait3A_418, %dma_wait3A_419] : memref<512x32xf32, #tpu.memory_space<vmem>> -> memref<128x32xf32, #tpu.memory_space<vmem>>
      %dma_wait3A_421 = arith.constant 0 : i32
      %dma_wait3A_422 = tpu.memref_slice %arg12[%add3A_386, %dma_wait3A_421] : memref<53256x32xf32, #tpu.memory_space<vmem_shared>> -> memref<128x32xf32, #tpu.memory_space<vmem_shared>>
      tpu.wait_dma2 semaphore(%run_scoped3A : memref<!tpu.dma_semaphore, #tpu.memory_space<semaphore_mem>>) src(%dma_wait3A_422 : memref<128x32xf32, #tpu.memory_space<vmem_shared>>) dst(%dma_wait3A_420 : memref<128x32xf32, #tpu.memory_space<vmem>>)
      tpu.yield
    }) : () -> ()
    %add3A_387 = arith.addi %mul3A_12, %mul3A_203 : i32
    %add3A_388 = arith.constant 2816 : i32
    %add3A_389 = arith.addi %add3A_387, %add3A_388 : i32
    "tpu.region"() ({
      %run_scoped3A = tpu.sem_alloc : memref<!tpu.dma_semaphore, #tpu.memory_space<semaphore_mem>>
      %dma_start3A = arith.constant 0 : i32
      %dma_start3A_405 = arith.constant 0 : i32
      %dma_start3A_406 = tpu.memref_slice %arg10[%dma_start3A, %dma_start3A_405] : memref<512x32xf32, #tpu.memory_space<vmem>> -> memref<128x32xf32, #tpu.memory_space<vmem>>
      %dma_start3A_407 = arith.constant 0 : i32
      %dma_start3A_408 = tpu.memref_slice %arg6[%add3A_389, %dma_start3A_407] : memref<106496x32xf32, #tpu.memory_space<hbm>> -> memref<128x32xf32, #tpu.memory_space<hbm>>
      %dma_start3A_409 = arith.constant 0 : i32
      %dma_start3A_410 = tpu.memref_slice %arg6[%add3A_389, %dma_start3A_409] : memref<106496x32xf32, #tpu.memory_space<hbm>> -> memref<128x32xf32, #tpu.memory_space<hbm>>
      %dma_start3A_411 = arith.constant 0 : i32
      %dma_start3A_412 = arith.constant 0 : i32
      %dma_start3A_413 = tpu.memref_slice %arg10[%dma_start3A_411, %dma_start3A_412] : memref<512x32xf32, #tpu.memory_space<vmem>> -> memref<128x32xf32, #tpu.memory_space<vmem>>
      tpu.enqueue_dma source(%dma_start3A_413 : memref<128x32xf32, #tpu.memory_space<vmem>>) target(%dma_start3A_410 : memref<128x32xf32, #tpu.memory_space<hbm>>) target_semaphore(%run_scoped3A : memref<!tpu.dma_semaphore, #tpu.memory_space<semaphore_mem>>)
      %dma_wait3A = arith.constant 0 : i32
      %dma_wait3A_414 = arith.constant 0 : i32
      %dma_wait3A_415 = tpu.memref_slice %arg10[%dma_wait3A, %dma_wait3A_414] : memref<512x32xf32, #tpu.memory_space<vmem>> -> memref<128x32xf32, #tpu.memory_space<vmem>>
      %dma_wait3A_416 = arith.constant 0 : i32
      %dma_wait3A_417 = tpu.memref_slice %arg6[%add3A_389, %dma_wait3A_416] : memref<106496x32xf32, #tpu.memory_space<hbm>> -> memref<128x32xf32, #tpu.memory_space<hbm>>
      %dma_wait3A_418 = arith.constant 0 : i32
      %dma_wait3A_419 = tpu.memref_slice %arg6[%add3A_389, %dma_wait3A_418] : memref<106496x32xf32, #tpu.memory_space<hbm>> -> memref<128x32xf32, #tpu.memory_space<hbm>>
      %dma_wait3A_420 = arith.constant 0 : i32
      %dma_wait3A_421 = arith.constant 0 : i32
      %dma_wait3A_422 = tpu.memref_slice %arg10[%dma_wait3A_420, %dma_wait3A_421] : memref<512x32xf32, #tpu.memory_space<vmem>> -> memref<128x32xf32, #tpu.memory_space<vmem>>
      tpu.wait_dma2 semaphore(%run_scoped3A : memref<!tpu.dma_semaphore, #tpu.memory_space<semaphore_mem>>) src(%dma_wait3A_422 : memref<128x32xf32, #tpu.memory_space<vmem>>) dst(%dma_wait3A_419 : memref<128x32xf32, #tpu.memory_space<hbm>>)
      tpu.yield
    }) : () -> ()
    %add3A_390 = arith.constant 2944 : i32
    %add3A_391 = arith.addi %mul3A_203, %add3A_390 : i32
    "tpu.region"() ({
      %run_scoped3A = tpu.sem_alloc : memref<!tpu.dma_semaphore, #tpu.memory_space<semaphore_mem>>
      %dma_start3A = arith.constant 0 : i32
      %dma_start3A_405 = arith.constant 0 : i32
      %dma_start3A_406 = tpu.memref_slice %arg10[%dma_start3A, %dma_start3A_405] : memref<512x32xf32, #tpu.memory_space<vmem>> -> memref<128x32xf32, #tpu.memory_space<vmem>>
      %dma_start3A_407 = arith.constant 0 : i32
      %dma_start3A_408 = tpu.memref_slice %arg12[%add3A_391, %dma_start3A_407] : memref<53256x32xf32, #tpu.memory_space<vmem_shared>> -> memref<128x32xf32, #tpu.memory_space<vmem_shared>>
      %dma_start3A_409 = arith.constant 0 : i32
      %dma_start3A_410 = arith.constant 0 : i32
      %dma_start3A_411 = tpu.memref_slice %arg10[%dma_start3A_409, %dma_start3A_410] : memref<512x32xf32, #tpu.memory_space<vmem>> -> memref<128x32xf32, #tpu.memory_space<vmem>>
      %dma_start3A_412 = arith.constant 0 : i32
      %dma_start3A_413 = tpu.memref_slice %arg12[%add3A_391, %dma_start3A_412] : memref<53256x32xf32, #tpu.memory_space<vmem_shared>> -> memref<128x32xf32, #tpu.memory_space<vmem_shared>>
      tpu.enqueue_dma source(%dma_start3A_413 : memref<128x32xf32, #tpu.memory_space<vmem_shared>>) target(%dma_start3A_411 : memref<128x32xf32, #tpu.memory_space<vmem>>) target_semaphore(%run_scoped3A : memref<!tpu.dma_semaphore, #tpu.memory_space<semaphore_mem>>)
      %dma_wait3A = arith.constant 0 : i32
      %dma_wait3A_414 = arith.constant 0 : i32
      %dma_wait3A_415 = tpu.memref_slice %arg10[%dma_wait3A, %dma_wait3A_414] : memref<512x32xf32, #tpu.memory_space<vmem>> -> memref<128x32xf32, #tpu.memory_space<vmem>>
      %dma_wait3A_416 = arith.constant 0 : i32
      %dma_wait3A_417 = tpu.memref_slice %arg12[%add3A_391, %dma_wait3A_416] : memref<53256x32xf32, #tpu.memory_space<vmem_shared>> -> memref<128x32xf32, #tpu.memory_space<vmem_shared>>
      %dma_wait3A_418 = arith.constant 0 : i32
      %dma_wait3A_419 = arith.constant 0 : i32
      %dma_wait3A_420 = tpu.memref_slice %arg10[%dma_wait3A_418, %dma_wait3A_419] : memref<512x32xf32, #tpu.memory_space<vmem>> -> memref<128x32xf32, #tpu.memory_space<vmem>>
      %dma_wait3A_421 = arith.constant 0 : i32
      %dma_wait3A_422 = tpu.memref_slice %arg12[%add3A_391, %dma_wait3A_421] : memref<53256x32xf32, #tpu.memory_space<vmem_shared>> -> memref<128x32xf32, #tpu.memory_space<vmem_shared>>
      tpu.wait_dma2 semaphore(%run_scoped3A : memref<!tpu.dma_semaphore, #tpu.memory_space<semaphore_mem>>) src(%dma_wait3A_422 : memref<128x32xf32, #tpu.memory_space<vmem_shared>>) dst(%dma_wait3A_420 : memref<128x32xf32, #tpu.memory_space<vmem>>)
      tpu.yield
    }) : () -> ()
    %add3A_392 = arith.addi %mul3A_12, %mul3A_203 : i32
    %add3A_393 = arith.constant 2944 : i32
    %add3A_394 = arith.addi %add3A_392, %add3A_393 : i32
    "tpu.region"() ({
      %run_scoped3A = tpu.sem_alloc : memref<!tpu.dma_semaphore, #tpu.memory_space<semaphore_mem>>
      %dma_start3A = arith.constant 0 : i32
      %dma_start3A_405 = arith.constant 0 : i32
      %dma_start3A_406 = tpu.memref_slice %arg10[%dma_start3A, %dma_start3A_405] : memref<512x32xf32, #tpu.memory_space<vmem>> -> memref<128x32xf32, #tpu.memory_space<vmem>>
      %dma_start3A_407 = arith.constant 0 : i32
      %dma_start3A_408 = tpu.memref_slice %arg6[%add3A_394, %dma_start3A_407] : memref<106496x32xf32, #tpu.memory_space<hbm>> -> memref<128x32xf32, #tpu.memory_space<hbm>>
      %dma_start3A_409 = arith.constant 0 : i32
      %dma_start3A_410 = tpu.memref_slice %arg6[%add3A_394, %dma_start3A_409] : memref<106496x32xf32, #tpu.memory_space<hbm>> -> memref<128x32xf32, #tpu.memory_space<hbm>>
      %dma_start3A_411 = arith.constant 0 : i32
      %dma_start3A_412 = arith.constant 0 : i32
      %dma_start3A_413 = tpu.memref_slice %arg10[%dma_start3A_411, %dma_start3A_412] : memref<512x32xf32, #tpu.memory_space<vmem>> -> memref<128x32xf32, #tpu.memory_space<vmem>>
      tpu.enqueue_dma source(%dma_start3A_413 : memref<128x32xf32, #tpu.memory_space<vmem>>) target(%dma_start3A_410 : memref<128x32xf32, #tpu.memory_space<hbm>>) target_semaphore(%run_scoped3A : memref<!tpu.dma_semaphore, #tpu.memory_space<semaphore_mem>>)
      %dma_wait3A = arith.constant 0 : i32
      %dma_wait3A_414 = arith.constant 0 : i32
      %dma_wait3A_415 = tpu.memref_slice %arg10[%dma_wait3A, %dma_wait3A_414] : memref<512x32xf32, #tpu.memory_space<vmem>> -> memref<128x32xf32, #tpu.memory_space<vmem>>
      %dma_wait3A_416 = arith.constant 0 : i32
      %dma_wait3A_417 = tpu.memref_slice %arg6[%add3A_394, %dma_wait3A_416] : memref<106496x32xf32, #tpu.memory_space<hbm>> -> memref<128x32xf32, #tpu.memory_space<hbm>>
      %dma_wait3A_418 = arith.constant 0 : i32
      %dma_wait3A_419 = tpu.memref_slice %arg6[%add3A_394, %dma_wait3A_418] : memref<106496x32xf32, #tpu.memory_space<hbm>> -> memref<128x32xf32, #tpu.memory_space<hbm>>
      %dma_wait3A_420 = arith.constant 0 : i32
      %dma_wait3A_421 = arith.constant 0 : i32
      %dma_wait3A_422 = tpu.memref_slice %arg10[%dma_wait3A_420, %dma_wait3A_421] : memref<512x32xf32, #tpu.memory_space<vmem>> -> memref<128x32xf32, #tpu.memory_space<vmem>>
      tpu.wait_dma2 semaphore(%run_scoped3A : memref<!tpu.dma_semaphore, #tpu.memory_space<semaphore_mem>>) src(%dma_wait3A_422 : memref<128x32xf32, #tpu.memory_space<vmem>>) dst(%dma_wait3A_419 : memref<128x32xf32, #tpu.memory_space<hbm>>)
      tpu.yield
    }) : () -> ()
    %add3A_395 = arith.constant 3072 : i32
    %add3A_396 = arith.addi %mul3A_203, %add3A_395 : i32
    "tpu.region"() ({
      %run_scoped3A = tpu.sem_alloc : memref<!tpu.dma_semaphore, #tpu.memory_space<semaphore_mem>>
      %dma_start3A = arith.constant 0 : i32
      %dma_start3A_405 = arith.constant 0 : i32
      %dma_start3A_406 = tpu.memref_slice %arg10[%dma_start3A, %dma_start3A_405] : memref<512x32xf32, #tpu.memory_space<vmem>> -> memref<128x32xf32, #tpu.memory_space<vmem>>
      %dma_start3A_407 = arith.constant 0 : i32
      %dma_start3A_408 = tpu.memref_slice %arg12[%add3A_396, %dma_start3A_407] : memref<53256x32xf32, #tpu.memory_space<vmem_shared>> -> memref<128x32xf32, #tpu.memory_space<vmem_shared>>
      %dma_start3A_409 = arith.constant 0 : i32
      %dma_start3A_410 = arith.constant 0 : i32
      %dma_start3A_411 = tpu.memref_slice %arg10[%dma_start3A_409, %dma_start3A_410] : memref<512x32xf32, #tpu.memory_space<vmem>> -> memref<128x32xf32, #tpu.memory_space<vmem>>
      %dma_start3A_412 = arith.constant 0 : i32
      %dma_start3A_413 = tpu.memref_slice %arg12[%add3A_396, %dma_start3A_412] : memref<53256x32xf32, #tpu.memory_space<vmem_shared>> -> memref<128x32xf32, #tpu.memory_space<vmem_shared>>
      tpu.enqueue_dma source(%dma_start3A_413 : memref<128x32xf32, #tpu.memory_space<vmem_shared>>) target(%dma_start3A_411 : memref<128x32xf32, #tpu.memory_space<vmem>>) target_semaphore(%run_scoped3A : memref<!tpu.dma_semaphore, #tpu.memory_space<semaphore_mem>>)
      %dma_wait3A = arith.constant 0 : i32
      %dma_wait3A_414 = arith.constant 0 : i32
      %dma_wait3A_415 = tpu.memref_slice %arg10[%dma_wait3A, %dma_wait3A_414] : memref<512x32xf32, #tpu.memory_space<vmem>> -> memref<128x32xf32, #tpu.memory_space<vmem>>
      %dma_wait3A_416 = arith.constant 0 : i32
      %dma_wait3A_417 = tpu.memref_slice %arg12[%add3A_396, %dma_wait3A_416] : memref<53256x32xf32, #tpu.memory_space<vmem_shared>> -> memref<128x32xf32, #tpu.memory_space<vmem_shared>>
      %dma_wait3A_418 = arith.constant 0 : i32
      %dma_wait3A_419 = arith.constant 0 : i32
      %dma_wait3A_420 = tpu.memref_slice %arg10[%dma_wait3A_418, %dma_wait3A_419] : memref<512x32xf32, #tpu.memory_space<vmem>> -> memref<128x32xf32, #tpu.memory_space<vmem>>
      %dma_wait3A_421 = arith.constant 0 : i32
      %dma_wait3A_422 = tpu.memref_slice %arg12[%add3A_396, %dma_wait3A_421] : memref<53256x32xf32, #tpu.memory_space<vmem_shared>> -> memref<128x32xf32, #tpu.memory_space<vmem_shared>>
      tpu.wait_dma2 semaphore(%run_scoped3A : memref<!tpu.dma_semaphore, #tpu.memory_space<semaphore_mem>>) src(%dma_wait3A_422 : memref<128x32xf32, #tpu.memory_space<vmem_shared>>) dst(%dma_wait3A_420 : memref<128x32xf32, #tpu.memory_space<vmem>>)
      tpu.yield
    }) : () -> ()
    %add3A_397 = arith.addi %mul3A_12, %mul3A_203 : i32
    %add3A_398 = arith.constant 3072 : i32
    %add3A_399 = arith.addi %add3A_397, %add3A_398 : i32
    "tpu.region"() ({
      %run_scoped3A = tpu.sem_alloc : memref<!tpu.dma_semaphore, #tpu.memory_space<semaphore_mem>>
      %dma_start3A = arith.constant 0 : i32
      %dma_start3A_405 = arith.constant 0 : i32
      %dma_start3A_406 = tpu.memref_slice %arg10[%dma_start3A, %dma_start3A_405] : memref<512x32xf32, #tpu.memory_space<vmem>> -> memref<128x32xf32, #tpu.memory_space<vmem>>
      %dma_start3A_407 = arith.constant 0 : i32
      %dma_start3A_408 = tpu.memref_slice %arg6[%add3A_399, %dma_start3A_407] : memref<106496x32xf32, #tpu.memory_space<hbm>> -> memref<128x32xf32, #tpu.memory_space<hbm>>
      %dma_start3A_409 = arith.constant 0 : i32
      %dma_start3A_410 = tpu.memref_slice %arg6[%add3A_399, %dma_start3A_409] : memref<106496x32xf32, #tpu.memory_space<hbm>> -> memref<128x32xf32, #tpu.memory_space<hbm>>
      %dma_start3A_411 = arith.constant 0 : i32
      %dma_start3A_412 = arith.constant 0 : i32
      %dma_start3A_413 = tpu.memref_slice %arg10[%dma_start3A_411, %dma_start3A_412] : memref<512x32xf32, #tpu.memory_space<vmem>> -> memref<128x32xf32, #tpu.memory_space<vmem>>
      tpu.enqueue_dma source(%dma_start3A_413 : memref<128x32xf32, #tpu.memory_space<vmem>>) target(%dma_start3A_410 : memref<128x32xf32, #tpu.memory_space<hbm>>) target_semaphore(%run_scoped3A : memref<!tpu.dma_semaphore, #tpu.memory_space<semaphore_mem>>)
      %dma_wait3A = arith.constant 0 : i32
      %dma_wait3A_414 = arith.constant 0 : i32
      %dma_wait3A_415 = tpu.memref_slice %arg10[%dma_wait3A, %dma_wait3A_414] : memref<512x32xf32, #tpu.memory_space<vmem>> -> memref<128x32xf32, #tpu.memory_space<vmem>>
      %dma_wait3A_416 = arith.constant 0 : i32
      %dma_wait3A_417 = tpu.memref_slice %arg6[%add3A_399, %dma_wait3A_416] : memref<106496x32xf32, #tpu.memory_space<hbm>> -> memref<128x32xf32, #tpu.memory_space<hbm>>
      %dma_wait3A_418 = arith.constant 0 : i32
      %dma_wait3A_419 = tpu.memref_slice %arg6[%add3A_399, %dma_wait3A_418] : memref<106496x32xf32, #tpu.memory_space<hbm>> -> memref<128x32xf32, #tpu.memory_space<hbm>>
      %dma_wait3A_420 = arith.constant 0 : i32
      %dma_wait3A_421 = arith.constant 0 : i32
      %dma_wait3A_422 = tpu.memref_slice %arg10[%dma_wait3A_420, %dma_wait3A_421] : memref<512x32xf32, #tpu.memory_space<vmem>> -> memref<128x32xf32, #tpu.memory_space<vmem>>
      tpu.wait_dma2 semaphore(%run_scoped3A : memref<!tpu.dma_semaphore, #tpu.memory_space<semaphore_mem>>) src(%dma_wait3A_422 : memref<128x32xf32, #tpu.memory_space<vmem>>) dst(%dma_wait3A_419 : memref<128x32xf32, #tpu.memory_space<hbm>>)
      tpu.yield
    }) : () -> ()
    %add3A_400 = arith.constant 3200 : i32
    %add3A_401 = arith.addi %mul3A_203, %add3A_400 : i32
    "tpu.region"() ({
      %run_scoped3A = tpu.sem_alloc : memref<!tpu.dma_semaphore, #tpu.memory_space<semaphore_mem>>
      %dma_start3A = arith.constant 0 : i32
      %dma_start3A_405 = arith.constant 0 : i32
      %dma_start3A_406 = tpu.memref_slice %arg10[%dma_start3A, %dma_start3A_405] : memref<512x32xf32, #tpu.memory_space<vmem>> -> memref<128x32xf32, #tpu.memory_space<vmem>>
      %dma_start3A_407 = arith.constant 0 : i32
      %dma_start3A_408 = tpu.memref_slice %arg12[%add3A_401, %dma_start3A_407] : memref<53256x32xf32, #tpu.memory_space<vmem_shared>> -> memref<128x32xf32, #tpu.memory_space<vmem_shared>>
      %dma_start3A_409 = arith.constant 0 : i32
      %dma_start3A_410 = arith.constant 0 : i32
      %dma_start3A_411 = tpu.memref_slice %arg10[%dma_start3A_409, %dma_start3A_410] : memref<512x32xf32, #tpu.memory_space<vmem>> -> memref<128x32xf32, #tpu.memory_space<vmem>>
      %dma_start3A_412 = arith.constant 0 : i32
      %dma_start3A_413 = tpu.memref_slice %arg12[%add3A_401, %dma_start3A_412] : memref<53256x32xf32, #tpu.memory_space<vmem_shared>> -> memref<128x32xf32, #tpu.memory_space<vmem_shared>>
      tpu.enqueue_dma source(%dma_start3A_413 : memref<128x32xf32, #tpu.memory_space<vmem_shared>>) target(%dma_start3A_411 : memref<128x32xf32, #tpu.memory_space<vmem>>) target_semaphore(%run_scoped3A : memref<!tpu.dma_semaphore, #tpu.memory_space<semaphore_mem>>)
      %dma_wait3A = arith.constant 0 : i32
      %dma_wait3A_414 = arith.constant 0 : i32
      %dma_wait3A_415 = tpu.memref_slice %arg10[%dma_wait3A, %dma_wait3A_414] : memref<512x32xf32, #tpu.memory_space<vmem>> -> memref<128x32xf32, #tpu.memory_space<vmem>>
      %dma_wait3A_416 = arith.constant 0 : i32
      %dma_wait3A_417 = tpu.memref_slice %arg12[%add3A_401, %dma_wait3A_416] : memref<53256x32xf32, #tpu.memory_space<vmem_shared>> -> memref<128x32xf32, #tpu.memory_space<vmem_shared>>
      %dma_wait3A_418 = arith.constant 0 : i32
      %dma_wait3A_419 = arith.constant 0 : i32
      %dma_wait3A_420 = tpu.memref_slice %arg10[%dma_wait3A_418, %dma_wait3A_419] : memref<512x32xf32, #tpu.memory_space<vmem>> -> memref<128x32xf32, #tpu.memory_space<vmem>>
      %dma_wait3A_421 = arith.constant 0 : i32
      %dma_wait3A_422 = tpu.memref_slice %arg12[%add3A_401, %dma_wait3A_421] : memref<53256x32xf32, #tpu.memory_space<vmem_shared>> -> memref<128x32xf32, #tpu.memory_space<vmem_shared>>
      tpu.wait_dma2 semaphore(%run_scoped3A : memref<!tpu.dma_semaphore, #tpu.memory_space<semaphore_mem>>) src(%dma_wait3A_422 : memref<128x32xf32, #tpu.memory_space<vmem_shared>>) dst(%dma_wait3A_420 : memref<128x32xf32, #tpu.memory_space<vmem>>)
      tpu.yield
    }) : () -> ()
    %add3A_402 = arith.addi %mul3A_12, %mul3A_203 : i32
    %add3A_403 = arith.constant 3200 : i32
    %add3A_404 = arith.addi %add3A_402, %add3A_403 : i32
    "tpu.region"() ({
      %run_scoped3A = tpu.sem_alloc : memref<!tpu.dma_semaphore, #tpu.memory_space<semaphore_mem>>
      %dma_start3A = arith.constant 0 : i32
      %dma_start3A_405 = arith.constant 0 : i32
      %dma_start3A_406 = tpu.memref_slice %arg10[%dma_start3A, %dma_start3A_405] : memref<512x32xf32, #tpu.memory_space<vmem>> -> memref<128x32xf32, #tpu.memory_space<vmem>>
      %dma_start3A_407 = arith.constant 0 : i32
      %dma_start3A_408 = tpu.memref_slice %arg6[%add3A_404, %dma_start3A_407] : memref<106496x32xf32, #tpu.memory_space<hbm>> -> memref<128x32xf32, #tpu.memory_space<hbm>>
      %dma_start3A_409 = arith.constant 0 : i32
      %dma_start3A_410 = tpu.memref_slice %arg6[%add3A_404, %dma_start3A_409] : memref<106496x32xf32, #tpu.memory_space<hbm>> -> memref<128x32xf32, #tpu.memory_space<hbm>>
      %dma_start3A_411 = arith.constant 0 : i32
      %dma_start3A_412 = arith.constant 0 : i32
      %dma_start3A_413 = tpu.memref_slice %arg10[%dma_start3A_411, %dma_start3A_412] : memref<512x32xf32, #tpu.memory_space<vmem>> -> memref<128x32xf32, #tpu.memory_space<vmem>>
      tpu.enqueue_dma source(%dma_start3A_413 : memref<128x32xf32, #tpu.memory_space<vmem>>) target(%dma_start3A_410 : memref<128x32xf32, #tpu.memory_space<hbm>>) target_semaphore(%run_scoped3A : memref<!tpu.dma_semaphore, #tpu.memory_space<semaphore_mem>>)
      %dma_wait3A = arith.constant 0 : i32
      %dma_wait3A_414 = arith.constant 0 : i32
      %dma_wait3A_415 = tpu.memref_slice %arg10[%dma_wait3A, %dma_wait3A_414] : memref<512x32xf32, #tpu.memory_space<vmem>> -> memref<128x32xf32, #tpu.memory_space<vmem>>
      %dma_wait3A_416 = arith.constant 0 : i32
      %dma_wait3A_417 = tpu.memref_slice %arg6[%add3A_404, %dma_wait3A_416] : memref<106496x32xf32, #tpu.memory_space<hbm>> -> memref<128x32xf32, #tpu.memory_space<hbm>>
      %dma_wait3A_418 = arith.constant 0 : i32
      %dma_wait3A_419 = tpu.memref_slice %arg6[%add3A_404, %dma_wait3A_418] : memref<106496x32xf32, #tpu.memory_space<hbm>> -> memref<128x32xf32, #tpu.memory_space<hbm>>
      %dma_wait3A_420 = arith.constant 0 : i32
      %dma_wait3A_421 = arith.constant 0 : i32
      %dma_wait3A_422 = tpu.memref_slice %arg10[%dma_wait3A_420, %dma_wait3A_421] : memref<512x32xf32, #tpu.memory_space<vmem>> -> memref<128x32xf32, #tpu.memory_space<vmem>>
      tpu.wait_dma2 semaphore(%run_scoped3A : memref<!tpu.dma_semaphore, #tpu.memory_space<semaphore_mem>>) src(%dma_wait3A_422 : memref<128x32xf32, #tpu.memory_space<vmem>>) dst(%dma_wait3A_419 : memref<128x32xf32, #tpu.memory_space<hbm>>)
      tpu.yield
    }) : () -> ()
    return
  }
}

</mosaic_0001>

<sc_bundles>
// kernel: _sc_lookup.3.cloned.1.call-start
scs
__scs_entry_jumppad:
0x0: {  	(pc) =	sbr.rel $0x88, $3  }
0x1: {  	(tag) =	ssettag $0x0;
	lr =	simm.s32 $0x1  }
0x2: {  	[smem:$0x3F9D] =	sst lr;
	_ =	strace $0xD0000000  }
0x3: {  	_ = 	snop  }
0x4: {  	_ = 	snop  }
0x5: {  	_ = 	snop  }
0x6: {  	_ = 	snop  }
0x7: {  	_ = 	snop  }
__scs_overlays_trampoline_lowered:
0x8: {  	[smem:$0x3FAC] =	sst s0  }
0x9: {  	[smem:$0x3FAD] =	sst s1  }
0xa: {  	[smem:$0x3FAE] =	sst s2  }
0xb: {  	[smem:$0x3FAF] =	sst s3  }
0xc: {  	[smem:$0x3FB0] =	sst s4  }
0xd: {  	[smem:$0x3FB1] =	sst s5  }
0xe: {  	[smem:$0x3FB2] =	sst s6  }
0xf: {  	[smem:$0x3FB3] =	sst s7  }
0x10: {  	[smem:$0x3FB4] =	sst s8  }
0x11: {  	[smem:$0x3FB5] =	sst s9;
	s0 =	simm.s32 @!p0 $0x0  }
0x12: {  	s1 =	sld [smem:$0x3F9B];
	s0 =	simm.s32 @p0 $0x1  }
0x13: {  	[smem:$0x3FB6] =	sst s0;
	s0 =	simm.s32 @!p1 $0x0  }
0x14: {  	s2 =	sld [smem:$0x3F9A];
	s0 =	simm.s32 @p1 $0x1  }
0x15: {  	[smem:$0x3FB7] =	sst s0;
	s0 =	simm.s32 @!p2 $0x0  }
0x16: {  	s3 =	sld [smem:$0x3FDB];
	s0 =	simm.s32 @p2 $0x1  }
0x17: {  	s4 =	simm.s32 $0x1BF5;
	[smem:$0x3FB9] =	sst s0  }
0x18: {  	s0 =	sld [smem:$0x3F9C];
	_ =	swait.ge [sflag:s4], $0x0  }
0x19: {  	s7 =	sld [smem:$0x3F9D]  }
0x1a: {  	s8 =	sadd.s32 $0xFFFFE003, lr  }
0x1b: {  	s9 =	sadd.s32 $0xFFFFFEF7, lr;
	s5 =	simm.s32 $0xFFFFFFFF;
	p2 =	slt.u32 s8, $0xFFFFF086  }
0x1c: {  	p1 =	slt.u32 s9, $0xF7A;
	s5 =	simm.s32 @!p2 $0x0  }
0x1d: {  	s5 =	simm.s32 @p1 $0x1;
	p0 =	seq.s32 s7, s2  }
0x1e: {  	s7 =	smul.u32 @!p0 $0xF7A, s2;
	p2 =	seq.s32 @!p0 s5, $0x0  }
0x1f: {  	s9 =	smul.u32 $0xF7A, s1;
	s8 =	simm.s32 @!p0 $0x1BF5;
	p2 =	por !p2, p0  }
0x20: {  	[sflag:s8] =	ssyncset.s32 @!p0 $0xFFFFF086;
	s6 =	sadd.s32 @!p0 s3, s7;
	s7 =	simm.s32 @!p0 $0x108  }
0x21: {  	s3 =	sadd.s32 s3, s9;
	s6 =	sadd.s32 @!p0 $0x88, s6;
	s7 =	simm.s32 @p2 $0x1082  }
0x22: {  	[simem:s7], [sflag:s8] =	dma.local @!p0 [hbm:s6], $0xF7A  }
0x23: {  	s9 =	sor.u32 $0xD0000000, s2;
	s6 =	simm.s32 $0x108;
	_ =	swait.ge @!p0 [sflag:s8], $0x0  }
0x24: {  	s3 =	sadd.s32 $0x88, s3;
	s6 =	simm.s32 @!p1 $0x1082;
	[sflag:s4] =	ssyncset.s32 $0xFFFFF086  }
0x25: {  	[simem:s6], [sflag:s4] =	dma.local [hbm:s3], $0xF7A  }
0x26: {  	[smem:$0x3F9D] =	sst s1;
	(tag) =	ssettag s2;
	_ =	strace s9  }
0x27: {  	s1 =	sld [smem:$0x3FAD]  }
0x28: {  	s2 =	sld [smem:$0x3FAE]  }
0x29: {  	s4 =	sld [smem:$0x3FB0]  }
0x2a: {  	p0 =	seq.s32 s5, $0x0;
	s5 =	sld [smem:$0x3FB1]  }
0x2b: {  	s6 =	sld [smem:$0x3FB2]  }
0x2c: {  	s7 =	sld [smem:$0x3FB3]  }
0x2d: {  	s3 =	simm.s32 $0x108;
	s8 =	sld [smem:$0x3FB4]  }
0x2e: {  	s3 =	simm.s32 @!p0 $0x1082;
	s9 =	sld [smem:$0x3FB5]  }
0x2f: {  	lr =	sadd.s32 s0, s3;
	s0 =	sld [smem:$0x3FAC]  }
0x30: {  	s3 =	sld [smem:$0x3FAF]  }
0x31: {  	[smem:$0x3FB8] =	sst s10  }
0x32: {  	s10 =	sld [smem:$0x3FB6];
	_ =	sdelay $0x3  }
0x33: {  	p0 =	seq.s32 s10, $0x1;
	s10 =	sld [smem:$0x3FB8];
	_ =	sdelay $0x3  }
0x34: {  	[smem:$0x3FB8] =	sst s10  }
0x35: {  	s10 =	sld [smem:$0x3FB7];
	_ =	sdelay $0x3  }
0x36: {  	p1 =	seq.s32 s10, $0x1;
	s10 =	sld [smem:$0x3FB8];
	_ =	sdelay $0x3  }
0x37: {  	[smem:$0x3FB8] =	sst s10  }
0x38: {  	s10 =	sld [smem:$0x3FB9]  }
0x39: {  	_ = 	snop;
	(pc) =	sbr.ind lr, $3  }
0x3a: {  	_ = 	snop  }
0x3b: {  	_ = 	snop  }
0x3c: {  	p2 =	seq.s32 s10, $0x1;
	s10 =	sld [smem:$0x3FB8]  }
0x3d: {  	_ =	shalt  }
0x3e: {  	_ =	shalt  }
0x3f: {  	_ =	shalt  }
0x40: {  	_ =	shalt  }
0x41: {  	_ =	shalt  }
0x42: {  	_ =	shalt  }
0x43: {  	_ =	shalt  }
0x44: {  	_ =	shalt  }
0x45: {  	_ =	shalt  }
0x46: {  	_ =	shalt  }
0x47: {  	_ =	shalt  }
0x48: {  	_ =	shalt  }
0x49: {  	_ =	shalt  }
0x4a: {  	_ =	shalt  }
0x4b: {  	_ =	shalt  }
0x4c: {  	_ =	shalt  }
0x4d: {  	_ =	shalt  }
0x4e: {  	_ =	shalt  }
0x4f: {  	_ =	shalt  }
0x50: {  	_ =	shalt  }
0x51: {  	_ =	shalt  }
0x52: {  	_ =	shalt  }
0x53: {  	_ =	shalt  }
0x54: {  	_ =	shalt  }
0x55: {  	_ =	shalt  }
0x56: {  	_ =	shalt  }
0x57: {  	_ =	shalt  }
0x58: {  	_ =	shalt  }
0x59: {  	_ =	shalt  }
0x5a: {  	_ =	shalt  }
0x5b: {  	_ =	shalt  }
0x5c: {  	_ =	shalt  }
0x5d: {  	_ =	shalt  }
0x5e: {  	_ =	shalt  }
0x5f: {  	_ =	shalt  }
0x60: {  	_ =	shalt  }
0x61: {  	_ =	shalt  }
0x62: {  	_ =	shalt  }
0x63: {  	_ =	shalt  }
0x64: {  	_ =	shalt  }
0x65: {  	_ =	shalt  }
0x66: {  	_ =	shalt  }
0x67: {  	_ =	shalt  }
0x68: {  	_ =	shalt  }
0x69: {  	_ =	shalt  }
0x6a: {  	_ =	shalt  }
0x6b: {  	_ =	shalt  }
0x6c: {  	_ =	shalt  }
0x6d: {  	_ =	shalt  }
0x6e: {  	_ =	shalt  }
0x6f: {  	_ =	shalt  }
0x70: {  	_ =	shalt  }
0x71: {  	_ =	shalt  }
0x72: {  	_ =	shalt  }
0x73: {  	_ =	shalt  }
0x74: {  	_ =	shalt  }
0x75: {  	_ =	shalt  }
0x76: {  	_ =	shalt  }
0x77: {  	_ =	shalt  }
0x78: {  	_ =	shalt  }
0x79: {  	_ =	shalt  }
0x7a: {  	_ =	shalt  }
0x7b: {  	_ =	shalt  }
0x7c: {  	_ =	shalt  }
0x7d: {  	_ =	shalt  }
0x7e: {  	_ =	shalt  }
0x7f: {  	_ =	shalt  }
0x80: {  	_ =	shalt  }
0x81: {  	_ =	shalt  }
0x82: {  	_ =	shalt  }
0x83: {  	_ =	shalt  }
0x84: {  	_ =	shalt  }
0x85: {  	_ =	shalt  }
0x86: {  	_ =	shalt  }
0x87: {  	_ =	shalt  }
.Lfunc_end0:
.L_simem_size_0:
called_computation_lowered:
.L_overlay_start_0:
0x88: {  	s2 =	sld [smem:$0x3FD9]  }
0x89: {  	s3 =	sld [smem:$0x3FFE];
	_ =	sdelay $0x1  }
0x8a: {  	s1 =	srdreg.scid  }
0x8b: {  	s0 =	sand.u32 $0x1, s1  }
0x8c: {  	s17 =	sshll.u32 s0, $0xA;
	s2 =	sadd.s32 s3, s2  }
0x8d: {  	s2 =	sadd.s32 s2, s17  }
0x8e: {  	[smem:$0x3FC4] =	sst s2  }
0x8f: {  	_ = 	snop  }
0x90: {  	s2 =	sld [smem:$0x3FC8]  }
0x91: {  	s18 =	sld [smem:$0x3FC7]  }
0x92: {  	s4 =	sld [smem:$0x3FC6]  }
0x93: {  	s5 =	sld [smem:$0x3FD0];
	(tm) =	ssettm $0x1  }
0x94: {  	s6 =	sld [smem:$0x3FFB];
	_ =	sdelay $0x3  }
0x95: {  	_ =	strace s6  }
0x96: {  	s6 =	sld [smem:$0x3FFC];
	_ =	sdelay $0x3  }
0x97: {  	_ =	strace s6  }
0x98: {  	s6 =	sld [smem:$0x3FFD];
	_ =	sdelay $0x3  }
0x99: {  	_ =	strace s6  }
0x9a: {  	_ =	strace $0x8FFFFFFF  }
0x9b: {  	s19 =	sld [smem:$0x3FDB];
	_ =	sdelay $0x1  }
0x9c: {  	s7 =	simm.s32 $_scs_section_size  }
0x9d: {  	s8 =	simm.s32 $_size__tile_overlayer_lowered;
	s9 =	simm.s32 $_tile_overlayer_lowered  }
0x9e: {  	s22 =	simm.s32 $0x1BFF;
	s21 =	sshll.u32 s9, $0x1;
	s6 =	sadd.s32 s7, s19  }
0x9f: {  	s10 =	simm.s32 $0x0;
	s20 =	sshll.u32 s8, $0x1;
	s8 =	sadd.s32 s21, s6  }
0xa0: {  	[timem:s10], [sflag:s22] =	dma.local [hbm:s8], s20  }
0xa1: {  	_ =	swait.ge [sflag:s22], s20  }
0xa2: {  	s7 =	ssub.s32 $0x0, s20;
	[sflag:s22] =	ssyncset.done $0x0  }
0xa3: {  	[sflag:s22] =	ssyncadd.s32 s7;
	_ =	sdelay $0x1  }
0xa4: {  	s23 =	simm.s32 $0x1B8B  }
0xa5: {  	_ =	swait.ge [sflag:s23], $0x1  }
0xa6: {  	[sflag:s23] =	ssyncset.done $0x0  }
0xa7: {  	s25 =	simm.s32 $0x1B8E;
	s24 =	sld [smem:$0x3FFE];
	[sflag:s23] =	ssyncadd.s32 $0xFFFFFFFF  }
0xa8: {  	s26 =	simm.s32 $execute0_lowered;
	[smem:$0x3FD2] =	sst s25  }
0xa9: {  	s8 =	sshll.u32 s26, $0x1;
	_ =	strace $0x80000046;
	[dreg:$0x1] =	wrdreg $0xFFFFFFFF  }
0xaa: {  	s28 =	simm.s32 $_size_execute0_lowered;
	s6 =	sadd.s32 s6, s8;
	[dreg:$0x0] =	wrdreg $0x0  }
0xab: {  	s8 =	sshll.u32 s28, $0x1;
	[dreg:$0x2] =	wrdreg s6  }
0xac: {  	[dreg:$0x3] =	wrdreg s8  }
0xad: {  	[dreg:$0x4] =	wrdreg $0xC0  }
0xae: {  	_ =	task [dreg:s10], $0x5FFFF  }
0xaf: {  	[dreg:$0x1] =	wrdreg $0xFFFFFFFF  }
0xb0: {  	[dreg:$0x0] =	wrdreg $0x60  }
0xb1: {  	[dreg:$0x2] =	wrdreg s24  }
0xb2: {  	[dreg:$0x3] =	wrdreg s2  }
0xb3: {  	[dreg:$0x4] =	wrdreg s18  }
0xb4: {  	[dreg:$0x5] =	wrdreg s4  }
0xb5: {  	[dreg:$0x6] =	wrdreg s5  }
0xb6: {  	[dreg:$0x7] =	wrdreg $0x58100  }
0xb7: {  	[dreg:$0x8] =	wrdreg $0x9  }
0xb8: {  	_ =	task.clear_ibuf [dreg:s10], $0x9FFFF;
	_ =	strace $0x90000046  }
0xb9: {  	s29 =	simm.s32 $0x9;
	_ =	strace $0x80000048  }
0xba: {  	_ =	swait.ge [sflag:s29], $0x1  }
0xbb: {  	[sflag:s29] =	ssyncadd.s32 $0xFFFFFFFF  }
0xbc: {  	_ =	strace $0x90000048  }
0xbd: {  	_ =	sfence  }
0xbe: {  	s30 =	sld [smem:$0x0];
	_ =	sdelay $0x2  }
0xbf: {  	s31 =	sshll.u32 s1, $0xD;
	s1 =	sshrl.u32 s1, $0x2  }
0xc0: {  	s3 =	sand.u32 $0x4000, s31;
	s1 =	sadd.s32 s1, s30  }
0xc1: {  	s0 =	sor.u32 s3, s0;
	s1 =	sshll.u32 s1, $0x11  }
0xc2: {  	s0 =	sor.u32 s1, s0  }
0xc3: {  	s0 =	sadd.s32 $0x8F2B, s0  }
0xc4: {  	[sflag:s0] =	ssyncadd.remote.s32 $0x1  }
0xc5: {  	_ =	sfence.sel $0xFFFF  }
0xc6: {  	[dreg:$0x0] =	wrdreg $0xFFFFFFFF;
	(pc) =	sbr.abs _section_cstart, $3  }
0xc7: {  	[dreg:$0x1] =	wrdreg $0xFFFFFFFF  }
0xc8: {  	_ =	task.clear_ibuf [dreg:s10], $0x2FFFF;
	_ =	strace $0x9FFFFFFF  }
0xc9: {  	(tm) =	ssettm $0x7FFFFFFF  }
tec
execute0_lowered:
.L_overlay_start_1:
0x0: {  	(tag) =	ssettag $0x1  }
0x1: {  	s0 =	rddreg [dreg:$0x0]  }
0x2: {  	s1 =	rddreg [dreg:$0x1]  }
0x3: {  	s2 =	rddreg [dreg:$0x2]  }
0x4: {  	s4 =	srdreg.scid;
	s11 =	stileid.u32  }
0x5: {  	s3 =	rddreg [dreg:$0x4];
	s4 =	sand.u32 $0x1, s4;
	s8 =	smul.u32 $0x68000, s11  }
0x6: {  	s5 =	rddreg [dreg:$0x5];
	s6 =	simm.s32 $0x0;
	s9 =	ssub.s32 $0x2, s4  }
0x7: {  	[smem:$0x7FF] =	sst s6;
	s18 =	sshrl.u32 s9, $0x1;
	s10 =	sshrl.u32 s8, $0x2  }
0x8: {  	s7 =	sadd.s32 $0xF42800, s0;
	s0 =	ssub.s32 s9, s18;
	s9 =	sadd.s32 s10, s5  }
0x9: {  	_ =	strace $0x80000047;
	s12 =	sadd.s32 $0xD000, s9;
	[dreg:$0x7] =	wrdreg s9  }
0xa: {  	s13 =	sadd.s32 $0xE000, s9;
	[dreg:$0x11] =	wrdreg s12  }
0xb: {  	s0 =	smax.u32 s0, $0x1;
	[dreg:$0x12] =	wrdreg s13  }
0xc: {  	s14 =	sadd.s32 $0xF000, s9;
	[dreg:$0x13] =	wrdreg s0  }
0xd: {  	s15 =	sadd.s32 $0x10000, s9;
	[dreg:$0x14] =	wrdreg s14  }
0xe: {  	s16 =	sadd.s32 $0x11000, s9;
	[dreg:$0x15] =	wrdreg s15  }
0xf: {  	s17 =	sadd.s32 $0x12000, s9;
	[dreg:$0x16] =	wrdreg s16  }
0x10: {  	p0 =	seq.s32 s4, $0x0;
	s18 =	sadd.s32 $0x13000, s9;
	[dreg:$0x17] =	wrdreg s17  }
0x11: {  	s8 =	smul.u32 $0xD000, s4;
	s4 =	sadd.s32 $0x15000, s9;
	[dreg:$0x18] =	wrdreg s18  }
0x12: {  	s19 =	smul.u32 $0xD00, s11;
	s11 =	sadd.s32 $0x16000, s9;
	[dreg:$0x1a] =	wrdreg s4  }
0x13: {  	s24 =	sadd.s32 $0x5000, s9;
	[dreg:$0x1b] =	wrdreg s11  }
0x14: {  	s25 =	sadd.s32 $0x6000, s9;
	[dreg:$0x8] =	wrdreg s24  }
0x15: {  	s26 =	sadd.s32 $0x7000, s9;
	[dreg:$0x9] =	wrdreg s25  }
0x16: {  	s28 =	sadd.s32 $0x8000, s9;
	[dreg:$0xa] =	wrdreg s26  }
0x17: {  	s29 =	sadd.s32 $0x9000, s9;
	[dreg:$0xb] =	wrdreg s28  }
0x18: {  	s30 =	sadd.s32 $0xA000, s9;
	[dreg:$0xc] =	wrdreg s29  }
0x19: {  	s10 =	sadd.s32 s19, s8;
	s19 =	sadd.s32 $0xC000, s9;
	[dreg:$0xd] =	wrdreg s30  }
0x1a: {  	s31 =	sadd.s32 $0xB000, s9;
	s12 =	sadd.s32 $0x17000, s9;
	[dreg:$0xf] =	wrdreg s19  }
0x1b: {  	s10 =	sshll.u32 s10, $0x2;
	s13 =	sadd.s32 $0x18000, s9;
	[dreg:$0x1c] =	wrdreg s12  }
0x1c: {  	s14 =	sadd.s32 $0x19000, s9;
	s3 =	sadd.s32 s3, s10;
	[dreg:$0x1d] =	wrdreg s13  }
0x1d: {  	s10 =	smov.u32 s31;
	s31 =	sadd.s32 $0x14000, s9;
	[dreg:$0x1e] =	wrdreg s14  }
0x1e: {  	[dreg:$0x19] =	wrdreg s31  }
0x1f: {  	[dreg:$0x10] =	wrdreg s3  }
0x20: {  	s15 =	sadd.s32 $0x200, s3;
	[dreg:$0xe] =	wrdreg s10  }
0x21: {  	s16 =	sadd.s32 $0x400, s3;
	[dreg:$0x1f] =	wrdreg s15  }
0x22: {  	s17 =	sadd.s32 $0x600, s3;
	[smem:$0x7E6] =	sst s16  }
0x23: {  	s18 =	sadd.s32 $0x800, s3;
	[smem:$0x7E7] =	sst s17  }
0x24: {  	s31 =	sadd.s32 $0xA00, s3;
	[smem:$0x7E8] =	sst s18  }
0x25: {  	s4 =	sadd.s32 $0xC00, s3;
	[smem:$0x7E9] =	sst s31  }
0x26: {  	s11 =	sadd.s32 $0xE00, s3;
	[smem:$0x7EA] =	sst s4  }
0x27: {  	s12 =	sadd.s32 $0x1000, s3;
	[smem:$0x7EB] =	sst s11  }
0x28: {  	s13 =	sadd.s32 $0x1200, s3;
	[smem:$0x7EC] =	sst s12  }
0x29: {  	s14 =	sadd.s32 $0x1400, s3;
	[smem:$0x7ED] =	sst s13  }
0x2a: {  	[smem:$0x7EE] =	sst s14;
	s15 =	sadd.s32 $0x1600, s3  }
0x2b: {  	s16 =	sadd.s32 $0x1800, s3;
	[smem:$0x7EF] =	sst s15  }
0x2c: {  	s17 =	sadd.s32 $0x1A00, s3;
	[smem:$0x7F0] =	sst s16  }
0x2d: {  	s18 =	sadd.s32 $0x1C00, s3;
	[smem:$0x7F1] =	sst s17  }
0x2e: {  	s31 =	sadd.s32 $0x1E00, s3;
	[smem:$0x7F2] =	sst s18  }
0x2f: {  	s4 =	sadd.s32 $0x2000, s3;
	[smem:$0x7F3] =	sst s31  }
0x30: {  	s11 =	sadd.s32 $0x2200, s3;
	[smem:$0x7F4] =	sst s4  }
0x31: {  	s20 =	sadd.s32 $0x1000, s9;
	s12 =	sadd.s32 $0x2400, s3;
	[smem:$0x7F5] =	sst s11  }
0x32: {  	s21 =	sadd.s32 $0x2000, s9;
	s13 =	sadd.s32 $0x2600, s3;
	[smem:$0x7F6] =	sst s12  }
0x33: {  	s22 =	sadd.s32 $0x3000, s9;
	s14 =	sadd.s32 $0x2800, s3;
	[smem:$0x7F7] =	sst s13  }
0x34: {  	s23 =	sadd.s32 $0x4000, s9;
	[smem:$0x7F8] =	sst s14;
	s15 =	sadd.s32 $0x2A00, s3  }
.Ltmp0:
0x35: {  	s16 =	sadd.s32 $0x2C00, s3;
	[smem:$0x7F9] =	sst s15;
	(pc) =	sbr.rel .LBB2_1-.Ltmp0, $4  }
0x36: {  	s17 =	sadd.s32 $0x2E00, s3;
	s18 =	sadd.s32 $0x3000, s3;
	[smem:$0x7FA] =	sst s16  }
0x37: {  	s31 =	sadd.s32 $0x3200, s3;
	s11 =	simm.s32 $0x4;
	[smem:$0x7FB] =	sst s17  }
0x38: {  	s12 =	simm.s32 $0x1;
	s13 =	simm.s32 $0x1800;
	[smem:$0x7FC] =	sst s18  }
0x39: {  	v0 =	vimm.f32 $0.0e+00;
	s14 =	simm.s32 $0x80;
	[smem:$0x7FD] =	sst s31;
	s15 =	simm.s32 $0x0  }
.LBB2_13:
0x3a: {  	s0 =	simm.s32 $0x2  }
0x3b: {  	_ =	swait.ge [sflag:s0], $0x1000  }
0x3c: {  	s23 =	smov.u32 s9;
	s9 =	rddreg [dreg:$0x7]  }
0x3d: {  	s24 =	rddreg [dreg:$0x8]  }
0x3e: {  	s20 =	smov.u32 s25;
	s25 =	rddreg [dreg:$0x9]  }
0x3f: {  	s26 =	rddreg [dreg:$0xa]  }
0x40: {  	s28 =	rddreg [dreg:$0xb]  }
0x41: {  	s29 =	rddreg [dreg:$0xc]  }
0x42: {  	s21 =	smov.u32 s22;
	[sflag:s0] =	ssyncset.done $0x0;
	s30 =	rddreg [dreg:$0xd]  }
0x43: {  	s22 =	smov.u32 s10;
	s10 =	rddreg [dreg:$0xe];
	[sflag:s0] =	ssyncadd.s32 $0xFFFFF000  }
.LBB2_14:
0x44: {  	[bflag:$0x0] =	sbarrier.arrive $0xFFFF  }
0x45: {  	[tilespmem:s13], [sflag:$0x4] =	stream.linear.gather [spmem:s9], $0x1000, $0x38;
	[tilespmem:$0x1F820] =	vst v63  }
0x46: {  	_ =	swait.ge [sflag:s11], $0x1000  }
0x47: {  	[sflag:s11] =	ssyncset.done $0x0  }
0x48: {  	s0 =	rddreg [dreg:$0x10];
	[sflag:s11] =	ssyncadd.s32 $0xFFFFF000  }
0x49: {  	[hbm4b:s0+s6] =	stream.linear.scatter [tilespmem:s13], [sflag:$0x4], $0x1000, $0x38;
	[tilespmem:$0x1F820] =	vst v63  }
0x4a: {  	_ =	swait.ge [sflag:s11], $0x1000  }
0x4b: {  	[sflag:s11] =	ssyncset.done $0x0  }
0x4c: {  	[sflag:s11] =	ssyncadd.s32 $0xFFFFF000  }
0x4d: {  	[tilespmem:s13], [sflag:$0x4] =	stream.linear.gather [spmem:s20], $0x1000, $0x38;
	[tilespmem:$0x1F820] =	vst v63  }
0x4e: {  	_ =	swait.ge [sflag:s11], $0x1000  }
0x4f: {  	[sflag:s11] =	ssyncset.done $0x0  }
0x50: {  	s19 =	rddreg [dreg:$0x1f];
	[sflag:s11] =	ssyncadd.s32 $0xFFFFF000  }
0x51: {  	[hbm4b:s19+s6] =	stream.linear.scatter [tilespmem:s13], [sflag:$0x4], $0x1000, $0x38;
	[tilespmem:$0x1F820] =	vst v63  }
0x52: {  	_ =	swait.ge [sflag:s11], $0x1000  }
0x53: {  	[sflag:s11] =	ssyncset.done $0x0  }
0x54: {  	[sflag:s11] =	ssyncadd.s32 $0xFFFFF000  }
0x55: {  	[tilespmem:s13], [sflag:$0x4] =	stream.linear.gather [spmem:s21], $0x1000, $0x38;
	[tilespmem:$0x1F820] =	vst v63  }
0x56: {  	_ =	swait.ge [sflag:s11], $0x1000  }
0x57: {  	s31 =	sld [smem:$0x7E6]  }
0x58: {  	[sflag:s11] =	ssyncset.done $0x0  }
0x59: {  	[sflag:s11] =	ssyncadd.s32 $0xFFFFF000  }
0x5a: {  	[hbm4b:s31+s6] =	stream.linear.scatter [tilespmem:s13], [sflag:$0x4], $0x1000, $0x38;
	[tilespmem:$0x1F820] =	vst v63  }
0x5b: {  	_ =	swait.ge [sflag:s11], $0x1000  }
0x5c: {  	[sflag:s11] =	ssyncset.done $0x0  }
0x5d: {  	[sflag:s11] =	ssyncadd.s32 $0xFFFFF000  }
0x5e: {  	[tilespmem:s13], [sflag:$0x4] =	stream.linear.gather [spmem:s22], $0x1000, $0x38;
	[tilespmem:$0x1F820] =	vst v63  }
0x5f: {  	_ =	swait.ge [sflag:s11], $0x1000  }
0x60: {  	s3 =	sld [smem:$0x7E7]  }
0x61: {  	[sflag:s11] =	ssyncset.done $0x0  }
0x62: {  	[sflag:s11] =	ssyncadd.s32 $0xFFFFF000  }
0x63: {  	[hbm4b:s3+s6] =	stream.linear.scatter [tilespmem:s13], [sflag:$0x4], $0x1000, $0x38;
	[tilespmem:$0x1F820] =	vst v63  }
0x64: {  	_ =	swait.ge [sflag:s11], $0x1000  }
0x65: {  	[sflag:s11] =	ssyncset.done $0x0  }
0x66: {  	[sflag:s11] =	ssyncadd.s32 $0xFFFFF000  }
0x67: {  	[tilespmem:s13], [sflag:$0x4] =	stream.linear.gather [spmem:s23], $0x1000, $0x38;
	[tilespmem:$0x1F820] =	vst v63  }
0x68: {  	_ =	swait.ge [sflag:s11], $0x1000  }
0x69: {  	s4 =	sld [smem:$0x7E8]  }
0x6a: {  	[sflag:s11] =	ssyncset.done $0x0  }
0x6b: {  	[sflag:s11] =	ssyncadd.s32 $0xFFFFF000  }
0x6c: {  	[hbm4b:s4+s6] =	stream.linear.scatter [tilespmem:s13], [sflag:$0x4], $0x1000, $0x38;
	[tilespmem:$0x1F820] =	vst v63  }
0x6d: {  	_ =	swait.ge [sflag:s11], $0x1000  }
0x6e: {  	[sflag:s11] =	ssyncset.done $0x0  }
0x6f: {  	[sflag:s11] =	ssyncadd.s32 $0xFFFFF000  }
0x70: {  	[tilespmem:s13], [sflag:$0x4] =	stream.linear.gather [spmem:s24], $0x1000, $0x38;
	[tilespmem:$0x1F820] =	vst v63  }
0x71: {  	_ =	swait.ge [sflag:s11], $0x1000  }
0x72: {  	s16 =	sld [smem:$0x7E9]  }
0x73: {  	[sflag:s11] =	ssyncset.done $0x0  }
0x74: {  	[sflag:s11] =	ssyncadd.s32 $0xFFFFF000  }
0x75: {  	[hbm4b:s16+s6] =	stream.linear.scatter [tilespmem:s13], [sflag:$0x4], $0x1000, $0x38;
	[tilespmem:$0x1F820] =	vst v63  }
0x76: {  	_ =	swait.ge [sflag:s11], $0x1000  }
0x77: {  	[sflag:s11] =	ssyncset.done $0x0  }
0x78: {  	[sflag:s11] =	ssyncadd.s32 $0xFFFFF000  }
0x79: {  	[tilespmem:s13], [sflag:$0x4] =	stream.linear.gather [spmem:s25], $0x1000, $0x38;
	[tilespmem:$0x1F820] =	vst v63  }
0x7a: {  	_ =	swait.ge [sflag:s11], $0x1000  }
0x7b: {  	s17 =	sld [smem:$0x7EA]  }
0x7c: {  	[sflag:s11] =	ssyncset.done $0x0  }
0x7d: {  	[sflag:s11] =	ssyncadd.s32 $0xFFFFF000  }
0x7e: {  	[hbm4b:s17+s6] =	stream.linear.scatter [tilespmem:s13], [sflag:$0x4], $0x1000, $0x38;
	[tilespmem:$0x1F820] =	vst v63  }
0x7f: {  	_ =	swait.ge [sflag:s11], $0x1000  }
0x80: {  	[sflag:s11] =	ssyncset.done $0x0  }
0x81: {  	[sflag:s11] =	ssyncadd.s32 $0xFFFFF000  }
0x82: {  	[tilespmem:s13], [sflag:$0x4] =	stream.linear.gather [spmem:s26], $0x1000, $0x38;
	[tilespmem:$0x1F820] =	vst v63  }
0x83: {  	_ =	swait.ge [sflag:s11], $0x1000  }
0x84: {  	s18 =	sld [smem:$0x7EB]  }
0x85: {  	[sflag:s11] =	ssyncset.done $0x0  }
0x86: {  	[sflag:s11] =	ssyncadd.s32 $0xFFFFF000  }
0x87: {  	[hbm4b:s18+s6] =	stream.linear.scatter [tilespmem:s13], [sflag:$0x4], $0x1000, $0x38;
	[tilespmem:$0x1F820] =	vst v63  }
0x88: {  	_ =	swait.ge [sflag:s11], $0x1000  }
0x89: {  	[sflag:s11] =	ssyncset.done $0x0  }
0x8a: {  	[sflag:s11] =	ssyncadd.s32 $0xFFFFF000  }
0x8b: {  	[tilespmem:s13], [sflag:$0x4] =	stream.linear.gather [spmem:s28], $0x1000, $0x38;
	[tilespmem:$0x1F820] =	vst v63  }
0x8c: {  	_ =	swait.ge [sflag:s11], $0x1000  }
0x8d: {  	s19 =	sld [smem:$0x7EC]  }
0x8e: {  	[sflag:s11] =	ssyncset.done $0x0  }
0x8f: {  	[sflag:s11] =	ssyncadd.s32 $0xFFFFF000  }
0x90: {  	[hbm4b:s19+s6] =	stream.linear.scatter [tilespmem:s13], [sflag:$0x4], $0x1000, $0x38;
	[tilespmem:$0x1F820] =	vst v63  }
0x91: {  	_ =	swait.ge [sflag:s11], $0x1000  }
0x92: {  	[sflag:s11] =	ssyncset.done $0x0  }
0x93: {  	[sflag:s11] =	ssyncadd.s32 $0xFFFFF000  }
0x94: {  	[tilespmem:s13], [sflag:$0x4] =	stream.linear.gather [spmem:s29], $0x1000, $0x38;
	[tilespmem:$0x1F820] =	vst v63  }
0x95: {  	_ =	swait.ge [sflag:s11], $0x1000  }
0x96: {  	s31 =	sld [smem:$0x7ED]  }
0x97: {  	[sflag:s11] =	ssyncset.done $0x0  }
0x98: {  	[sflag:s11] =	ssyncadd.s32 $0xFFFFF000  }
0x99: {  	[hbm4b:s31+s6] =	stream.linear.scatter [tilespmem:s13], [sflag:$0x4], $0x1000, $0x38;
	[tilespmem:$0x1F820] =	vst v63  }
0x9a: {  	_ =	swait.ge [sflag:s11], $0x1000  }
0x9b: {  	[sflag:s11] =	ssyncset.done $0x0  }
0x9c: {  	[sflag:s11] =	ssyncadd.s32 $0xFFFFF000  }
0x9d: {  	[tilespmem:s13], [sflag:$0x4] =	stream.linear.gather [spmem:s30], $0x1000, $0x38;
	[tilespmem:$0x1F820] =	vst v63  }
0x9e: {  	_ =	swait.ge [sflag:s11], $0x1000  }
0x9f: {  	s3 =	sld [smem:$0x7EE]  }
0xa0: {  	[sflag:s11] =	ssyncset.done $0x0  }
0xa1: {  	[sflag:s11] =	ssyncadd.s32 $0xFFFFF000  }
0xa2: {  	[hbm4b:s3+s6] =	stream.linear.scatter [tilespmem:s13], [sflag:$0x4], $0x1000, $0x38;
	[tilespmem:$0x1F820] =	vst v63  }
0xa3: {  	_ =	swait.ge [sflag:s11], $0x1000  }
0xa4: {  	[sflag:s11] =	ssyncset.done $0x0  }
0xa5: {  	[sflag:s11] =	ssyncadd.s32 $0xFFFFF000  }
0xa6: {  	[tilespmem:s13], [sflag:$0x4] =	stream.linear.gather [spmem:s10], $0x1000, $0x38;
	[tilespmem:$0x1F820] =	vst v63  }
0xa7: {  	_ =	swait.ge [sflag:s11], $0x1000  }
0xa8: {  	s4 =	sld [smem:$0x7EF]  }
0xa9: {  	[sflag:s11] =	ssyncset.done $0x0  }
0xaa: {  	[sflag:s11] =	ssyncadd.s32 $0xFFFFF000  }
0xab: {  	[hbm4b:s4+s6] =	stream.linear.scatter [tilespmem:s13], [sflag:$0x4], $0x1000, $0x38;
	[tilespmem:$0x1F820] =	vst v63  }
0xac: {  	_ =	swait.ge [sflag:s11], $0x1000  }
0xad: {  	[sflag:s11] =	ssyncset.done $0x0  }
0xae: {  	s19 =	rddreg [dreg:$0xf];
	[sflag:s11] =	ssyncadd.s32 $0xFFFFF000  }
0xaf: {  	[tilespmem:s13], [sflag:$0x4] =	stream.linear.gather [spmem:s19], $0x1000, $0x38;
	[tilespmem:$0x1F820] =	vst v63  }
0xb0: {  	_ =	swait.ge [sflag:s11], $0x1000  }
0xb1: {  	s16 =	sld [smem:$0x7F0]  }
0xb2: {  	[sflag:s11] =	ssyncset.done $0x0  }
0xb3: {  	[sflag:s11] =	ssyncadd.s32 $0xFFFFF000  }
0xb4: {  	[hbm4b:s16+s6] =	stream.linear.scatter [tilespmem:s13], [sflag:$0x4], $0x1000, $0x38;
	[tilespmem:$0x1F820] =	vst v63  }
0xb5: {  	_ =	swait.ge [sflag:s11], $0x1000  }
0xb6: {  	[sflag:s11] =	ssyncset.done $0x0  }
0xb7: {  	s17 =	rddreg [dreg:$0x11];
	[sflag:s11] =	ssyncadd.s32 $0xFFFFF000  }
0xb8: {  	[tilespmem:s13], [sflag:$0x4] =	stream.linear.gather [spmem:s17], $0x1000, $0x38;
	[tilespmem:$0x1F820] =	vst v63  }
0xb9: {  	_ =	swait.ge [sflag:s11], $0x1000  }
0xba: {  	s18 =	sld [smem:$0x7F1]  }
0xbb: {  	[sflag:s11] =	ssyncset.done $0x0  }
0xbc: {  	[sflag:s11] =	ssyncadd.s32 $0xFFFFF000  }
0xbd: {  	[hbm4b:s18+s6] =	stream.linear.scatter [tilespmem:s13], [sflag:$0x4], $0x1000, $0x38;
	[tilespmem:$0x1F820] =	vst v63  }
0xbe: {  	_ =	swait.ge [sflag:s11], $0x1000  }
0xbf: {  	[sflag:s11] =	ssyncset.done $0x0  }
0xc0: {  	s31 =	rddreg [dreg:$0x12];
	[sflag:s11] =	ssyncadd.s32 $0xFFFFF000  }
0xc1: {  	[tilespmem:s13], [sflag:$0x4] =	stream.linear.gather [spmem:s31], $0x1000, $0x38;
	[tilespmem:$0x1F820] =	vst v63  }
0xc2: {  	_ =	swait.ge [sflag:s11], $0x1000  }
0xc3: {  	s3 =	sld [smem:$0x7F2]  }
0xc4: {  	[sflag:s11] =	ssyncset.done $0x0  }
0xc5: {  	[sflag:s11] =	ssyncadd.s32 $0xFFFFF000  }
0xc6: {  	[hbm4b:s3+s6] =	stream.linear.scatter [tilespmem:s13], [sflag:$0x4], $0x1000, $0x38;
	[tilespmem:$0x1F820] =	vst v63  }
0xc7: {  	_ =	swait.ge [sflag:s11], $0x1000  }
0xc8: {  	[sflag:s11] =	ssyncset.done $0x0  }
0xc9: {  	s4 =	rddreg [dreg:$0x14];
	[sflag:s11] =	ssyncadd.s32 $0xFFFFF000  }
0xca: {  	[tilespmem:s13], [sflag:$0x4] =	stream.linear.gather [spmem:s4], $0x1000, $0x38;
	[tilespmem:$0x1F820] =	vst v63  }
0xcb: {  	_ =	swait.ge [sflag:s11], $0x1000  }
0xcc: {  	s16 =	sld [smem:$0x7F3]  }
0xcd: {  	[sflag:s11] =	ssyncset.done $0x0  }
0xce: {  	[sflag:s11] =	ssyncadd.s32 $0xFFFFF000  }
0xcf: {  	[hbm4b:s16+s6] =	stream.linear.scatter [tilespmem:s13], [sflag:$0x4], $0x1000, $0x38;
	[tilespmem:$0x1F820] =	vst v63  }
0xd0: {  	_ =	swait.ge [sflag:s11], $0x1000  }
0xd1: {  	[sflag:s11] =	ssyncset.done $0x0  }
0xd2: {  	s17 =	rddreg [dreg:$0x15];
	[sflag:s11] =	ssyncadd.s32 $0xFFFFF000  }
0xd3: {  	[tilespmem:s13], [sflag:$0x4] =	stream.linear.gather [spmem:s17], $0x1000, $0x38;
	[tilespmem:$0x1F820] =	vst v63  }
0xd4: {  	_ =	swait.ge [sflag:s11], $0x1000  }
0xd5: {  	s18 =	sld [smem:$0x7F4]  }
0xd6: {  	[sflag:s11] =	ssyncset.done $0x0  }
0xd7: {  	[sflag:s11] =	ssyncadd.s32 $0xFFFFF000  }
0xd8: {  	[hbm4b:s18+s6] =	stream.linear.scatter [tilespmem:s13], [sflag:$0x4], $0x1000, $0x38;
	[tilespmem:$0x1F820] =	vst v63  }
0xd9: {  	_ =	swait.ge [sflag:s11], $0x1000  }
0xda: {  	[sflag:s11] =	ssyncset.done $0x0  }
0xdb: {  	s31 =	rddreg [dreg:$0x16];
	[sflag:s11] =	ssyncadd.s32 $0xFFFFF000  }
0xdc: {  	[tilespmem:s13], [sflag:$0x4] =	stream.linear.gather [spmem:s31], $0x1000, $0x38;
	[tilespmem:$0x1F820] =	vst v63  }
0xdd: {  	_ =	swait.ge [sflag:s11], $0x1000  }
0xde: {  	s3 =	sld [smem:$0x7F5]  }
0xdf: {  	[sflag:s11] =	ssyncset.done $0x0  }
0xe0: {  	[sflag:s11] =	ssyncadd.s32 $0xFFFFF000  }
0xe1: {  	[hbm4b:s3+s6] =	stream.linear.scatter [tilespmem:s13], [sflag:$0x4], $0x1000, $0x38;
	[tilespmem:$0x1F820] =	vst v63  }
0xe2: {  	_ =	swait.ge [sflag:s11], $0x1000  }
0xe3: {  	[sflag:s11] =	ssyncset.done $0x0  }
0xe4: {  	s4 =	rddreg [dreg:$0x17];
	[sflag:s11] =	ssyncadd.s32 $0xFFFFF000  }
0xe5: {  	[tilespmem:s13], [sflag:$0x4] =	stream.linear.gather [spmem:s4], $0x1000, $0x38;
	[tilespmem:$0x1F820] =	vst v63  }
0xe6: {  	_ =	swait.ge [sflag:s11], $0x1000  }
0xe7: {  	s16 =	sld [smem:$0x7F6]  }
0xe8: {  	[sflag:s11] =	ssyncset.done $0x0  }
0xe9: {  	[sflag:s11] =	ssyncadd.s32 $0xFFFFF000  }
0xea: {  	[hbm4b:s16+s6] =	stream.linear.scatter [tilespmem:s13], [sflag:$0x4], $0x1000, $0x38;
	[tilespmem:$0x1F820] =	vst v63  }
0xeb: {  	_ =	swait.ge [sflag:s11], $0x1000  }
0xec: {  	[sflag:s11] =	ssyncset.done $0x0  }
0xed: {  	s17 =	rddreg [dreg:$0x18];
	[sflag:s11] =	ssyncadd.s32 $0xFFFFF000  }
0xee: {  	[tilespmem:s13], [sflag:$0x4] =	stream.linear.gather [spmem:s17], $0x1000, $0x38;
	[tilespmem:$0x1F820] =	vst v63  }
0xef: {  	_ =	swait.ge [sflag:s11], $0x1000  }
0xf0: {  	s18 =	sld [smem:$0x7F7]  }
0xf1: {  	[sflag:s11] =	ssyncset.done $0x0  }
0xf2: {  	[sflag:s11] =	ssyncadd.s32 $0xFFFFF000  }
0xf3: {  	[hbm4b:s18+s6] =	stream.linear.scatter [tilespmem:s13], [sflag:$0x4], $0x1000, $0x38;
	[tilespmem:$0x1F820] =	vst v63  }
0xf4: {  	_ =	swait.ge [sflag:s11], $0x1000  }
0xf5: {  	[sflag:s11] =	ssyncset.done $0x0  }
0xf6: {  	s31 =	rddreg [dreg:$0x19];
	[sflag:s11] =	ssyncadd.s32 $0xFFFFF000  }
0xf7: {  	[tilespmem:s13], [sflag:$0x4] =	stream.linear.gather [spmem:s31], $0x1000, $0x38;
	[tilespmem:$0x1F820] =	vst v63  }
0xf8: {  	_ =	swait.ge [sflag:s11], $0x1000  }
0xf9: {  	s3 =	sld [smem:$0x7F8]  }
0xfa: {  	[sflag:s11] =	ssyncset.done $0x0  }
0xfb: {  	[sflag:s11] =	ssyncadd.s32 $0xFFFFF000  }
0xfc: {  	[hbm4b:s3+s6] =	stream.linear.scatter [tilespmem:s13], [sflag:$0x4], $0x1000, $0x38;
	[tilespmem:$0x1F820] =	vst v63  }
0xfd: {  	_ =	swait.ge [sflag:s11], $0x1000  }
0xfe: {  	[sflag:s11] =	ssyncset.done $0x0  }
0xff: {  	s4 =	rddreg [dreg:$0x1a];
	[sflag:s11] =	ssyncadd.s32 $0xFFFFF000  }
0x100: {  	[tilespmem:s13], [sflag:$0x4] =	stream.linear.gather [spmem:s4], $0x1000, $0x38;
	[tilespmem:$0x1F820] =	vst v63  }
0x101: {  	_ =	swait.ge [sflag:s11], $0x1000  }
0x102: {  	s16 =	sld [smem:$0x7F9]  }
0x103: {  	[sflag:s11] =	ssyncset.done $0x0  }
0x104: {  	[sflag:s11] =	ssyncadd.s32 $0xFFFFF000  }
0x105: {  	[hbm4b:s16+s6] =	stream.linear.scatter [tilespmem:s13], [sflag:$0x4], $0x1000, $0x38;
	[tilespmem:$0x1F820] =	vst v63  }
0x106: {  	_ =	swait.ge [sflag:s11], $0x1000  }
0x107: {  	[sflag:s11] =	ssyncset.done $0x0  }
0x108: {  	s17 =	rddreg [dreg:$0x1b];
	[sflag:s11] =	ssyncadd.s32 $0xFFFFF000  }
0x109: {  	[tilespmem:s13], [sflag:$0x4] =	stream.linear.gather [spmem:s17], $0x1000, $0x38;
	[tilespmem:$0x1F820] =	vst v63  }
0x10a: {  	_ =	swait.ge [sflag:s11], $0x1000  }
0x10b: {  	s18 =	sld [smem:$0x7FA]  }
0x10c: {  	[sflag:s11] =	ssyncset.done $0x0  }
0x10d: {  	[sflag:s11] =	ssyncadd.s32 $0xFFFFF000  }
0x10e: {  	[hbm4b:s18+s6] =	stream.linear.scatter [tilespmem:s13], [sflag:$0x4], $0x1000, $0x38;
	[tilespmem:$0x1F820] =	vst v63  }
0x10f: {  	_ =	swait.ge [sflag:s11], $0x1000  }
0x110: {  	[sflag:s11] =	ssyncset.done $0x0  }
0x111: {  	s31 =	rddreg [dreg:$0x1c];
	[sflag:s11] =	ssyncadd.s32 $0xFFFFF000  }
0x112: {  	[tilespmem:s13], [sflag:$0x4] =	stream.linear.gather [spmem:s31], $0x1000, $0x38;
	[tilespmem:$0x1F820] =	vst v63  }
0x113: {  	_ =	swait.ge [sflag:s11], $0x1000  }
0x114: {  	s3 =	sld [smem:$0x7FB]  }
0x115: {  	[sflag:s11] =	ssyncset.done $0x0  }
0x116: {  	[sflag:s11] =	ssyncadd.s32 $0xFFFFF000  }
0x117: {  	[hbm4b:s3+s6] =	stream.linear.scatter [tilespmem:s13], [sflag:$0x4], $0x1000, $0x38;
	[tilespmem:$0x1F820] =	vst v63  }
0x118: {  	_ =	swait.ge [sflag:s11], $0x1000  }
0x119: {  	[sflag:s11] =	ssyncset.done $0x0  }
0x11a: {  	s4 =	rddreg [dreg:$0x1d];
	[sflag:s11] =	ssyncadd.s32 $0xFFFFF000  }
0x11b: {  	[tilespmem:s13], [sflag:$0x4] =	stream.linear.gather [spmem:s4], $0x1000, $0x38;
	[tilespmem:$0x1F820] =	vst v63  }
0x11c: {  	_ =	swait.ge [sflag:s11], $0x1000  }
0x11d: {  	s16 =	sld [smem:$0x7FC]  }
0x11e: {  	[sflag:s11] =	ssyncset.done $0x0  }
0x11f: {  	[sflag:s11] =	ssyncadd.s32 $0xFFFFF000  }
0x120: {  	[hbm4b:s16+s6] =	stream.linear.scatter [tilespmem:s13], [sflag:$0x4], $0x1000, $0x38;
	[tilespmem:$0x1F820] =	vst v63  }
0x121: {  	_ =	swait.ge [sflag:s11], $0x1000  }
0x122: {  	[sflag:s11] =	ssyncset.done $0x0  }
0x123: {  	s17 =	rddreg [dreg:$0x1e];
	[sflag:s11] =	ssyncadd.s32 $0xFFFFF000  }
0x124: {  	[tilespmem:s13], [sflag:$0x4] =	stream.linear.gather [spmem:s17], $0x1000, $0x38;
	[tilespmem:$0x1F820] =	vst v63  }
0x125: {  	_ =	swait.ge [sflag:s11], $0x1000  }
0x126: {  	s18 =	sld [smem:$0x7FD]  }
0x127: {  	[sflag:s11] =	ssyncset.done $0x0  }
0x128: {  	[sflag:s11] =	ssyncadd.s32 $0xFFFFF000  }
0x129: {  	[hbm4b:s18+s6] =	stream.linear.scatter [tilespmem:s13], [sflag:$0x4], $0x1000, $0x38;
	[tilespmem:$0x1F820] =	vst v63  }
0x12a: {  	_ =	swait.ge [sflag:s11], $0x1000  }
0x12b: {  	s15 =	sadd.s32 $0x1, s15;
	s31 =	rddreg [dreg:$0x13]  }
0x12c: {  	p1 =	sne.s32 s15, s31  }
.Ltmp1:
0x12d: {  	_ = 	snop;
	(pc) =	sbr.rel @!p1 .LBB2_15-.Ltmp1, $3  }
0x12e: {  	_ =	sdelay $0x1  }
0x12f: {  	[sflag:s11] =	ssyncset.done $0x0  }
0x130: {  	[sflag:s11] =	ssyncadd.s32 $0xFFFFF000  }
.LBB2_1:
0x131: {  	s0 =	rddreg [dreg:$0x3];
	s3 =	simm.s32 $0x5800  }
0x132: {  	[tilespmem:s3], [sflag:$0x4] =	stream.linear.gather [hbm4b:s0+s6], $0x10, $0x38;
	[tilespmem:$0x1F820] =	vst v63  }
0x133: {  	_ =	swait.ge [sflag:s11], $0x10  }
0x134: {  	[sflag:s11] =	ssyncset.done $0x0  }
0x135: {  	[sflag:s11] =	ssyncadd.s32 $0xFFFFFFF0  }
0x136: {  	s16 =	sand.u32 $0xFF0, s6;
	s0 =	simm.s32 $0x10;
	v1 =	vld [tilespmem:$0x5800]  }
.LBB2_2:
0x137: {  	p1 =	sne.s32 s0, $0xFF0;
	[tilespmem:s16+$0x1800] =	vst v0;
	s3 =	smov.u32 s0;
	s0 =	sadd.s32 $0x10, s0  }
.Ltmp2:
0x138: {  	(pc) =	sbr.rel @p1 .LBB2_2-.Ltmp2, $2  }
0x139: {  	_ =	sdelay $0x2  }
0x13a: {  	s16 =	sand.u32 $0xFF0, s3  }
0x13b: {  	(v2sf) =	vpush v1, $0x0  }
0x13c: {  	(v2sf) =	vpush v1, $0x1  }
0x13d: {  	(v2sf) =	vpush v1, $0x2;
	_ =	sdelay $0xa  }
0x13e: {  	[tilespmem:s16+$0x1800] =	vst v0  }
0x13f: {  	[spmem:s9] =	stream.linear.scatter [tilespmem:s13], [sflag:$0x4], $0x1000, $0x38;
	[tilespmem:$0x1F820] =	vst v63  }
0x140: {  	s0 =	spop (v2sf)  }
0x141: {  	s3 =	spop (v2sf)  }
0x142: {  	s16 =	spop (v2sf)  }
0x143: {  	_ =	swait.ge [sflag:s11], $0x1000  }
0x144: {  	[sflag:s11] =	ssyncset.done $0x0  }
0x145: {  	[sflag:s11] =	ssyncadd.s32 $0xFFFFF000  }
0x146: {  	[spmem:s20] =	stream.linear.scatter [tilespmem:s13], [sflag:$0x4], $0x1000, $0x38;
	[tilespmem:$0x1F820] =	vst v63  }
0x147: {  	_ =	swait.ge [sflag:s11], $0x1000  }
0x148: {  	[sflag:s11] =	ssyncset.done $0x0  }
0x149: {  	[sflag:s11] =	ssyncadd.s32 $0xFFFFF000  }
0x14a: {  	[spmem:s21] =	stream.linear.scatter [tilespmem:s13], [sflag:$0x4], $0x1000, $0x38;
	[tilespmem:$0x1F820] =	vst v63  }
0x14b: {  	_ =	swait.ge [sflag:s11], $0x1000  }
0x14c: {  	[sflag:s11] =	ssyncset.done $0x0  }
0x14d: {  	[sflag:s11] =	ssyncadd.s32 $0xFFFFF000  }
0x14e: {  	[spmem:s22] =	stream.linear.scatter [tilespmem:s13], [sflag:$0x4], $0x1000, $0x38;
	[tilespmem:$0x1F820] =	vst v63  }
0x14f: {  	_ =	swait.ge [sflag:s11], $0x1000  }
0x150: {  	[sflag:s11] =	ssyncset.done $0x0  }
0x151: {  	[sflag:s11] =	ssyncadd.s32 $0xFFFFF000  }
0x152: {  	[spmem:s23] =	stream.linear.scatter [tilespmem:s13], [sflag:$0x4], $0x1000, $0x38;
	[tilespmem:$0x1F820] =	vst v63  }
0x153: {  	_ =	swait.ge [sflag:s11], $0x1000  }
0x154: {  	[sflag:s11] =	ssyncset.done $0x0  }
0x155: {  	[sflag:s11] =	ssyncadd.s32 $0xFFFFF000  }
0x156: {  	[spmem:s24] =	stream.linear.scatter [tilespmem:s13], [sflag:$0x4], $0x1000, $0x38;
	[tilespmem:$0x1F820] =	vst v63  }
0x157: {  	_ =	swait.ge [sflag:s11], $0x1000  }
0x158: {  	[sflag:s11] =	ssyncset.done $0x0  }
0x159: {  	[sflag:s11] =	ssyncadd.s32 $0xFFFFF000  }
0x15a: {  	[spmem:s25] =	stream.linear.scatter [tilespmem:s13], [sflag:$0x4], $0x1000, $0x38;
	[tilespmem:$0x1F820] =	vst v63  }
0x15b: {  	_ =	swait.ge [sflag:s11], $0x1000  }
0x15c: {  	[sflag:s11] =	ssyncset.done $0x0  }
0x15d: {  	s16 =	smov.u32 @p0 s3;
	s3 =	smov.u32 @p0 s0;
	[sflag:s11] =	ssyncadd.s32 $0xFFFFF000  }
0x15e: {  	[spmem:s26] =	stream.linear.scatter [tilespmem:s13], [sflag:$0x4], $0x1000, $0x38;
	[tilespmem:$0x1F820] =	vst v63  }
0x15f: {  	s0 =	sshra.s32 s3, $0x1F;
	s17 =	sand.u32 $0x7F, s3;
	_ =	swait.ge [sflag:s11], $0x1000  }
0x160: {  	p1 =	slt.s32 s3, $0x1;
	s16 =	sadd.s32 $0x7F, s16;
	[sflag:s11] =	ssyncset.done $0x0  }
0x161: {  	s0 =	sshrl.u32 s0, $0x19;
	p2 =	sne.s32 s17, $0x0;
	[sflag:s11] =	ssyncadd.s32 $0xFFFFF000  }
0x162: {  	[spmem:s28] =	stream.linear.scatter [tilespmem:s13], [sflag:$0x4], $0x1000, $0x38;
	[tilespmem:$0x1F820] =	vst v63  }
0x163: {  	s18 =	sshra.s32 s16, $0x1F;
	p5 =	slt.s32 s16, $0x1;
	_ =	swait.ge [sflag:s11], $0x1000  }
0x164: {  	s0 =	sadd.s32 s0, s3;
	p1 =	por !p1, !p2;
	[sflag:s11] =	ssyncset.done $0x0  }
0x165: {  	s3 =	simm.s32 $0x1;
	s17 =	sshrl.u32 s18, $0x19;
	[sflag:s11] =	ssyncadd.s32 $0xFFFFF000  }
0x166: {  	[spmem:s29] =	stream.linear.scatter [tilespmem:s13], [sflag:$0x4], $0x1000, $0x38;
	[tilespmem:$0x1F820] =	vst v63  }
0x167: {  	s18 =	sand.u32 $0x7F, s16;
	p1 =	por !p1, !p1;
	_ =	swait.ge [sflag:s11], $0x1000  }
0x168: {  	s0 =	sshra.s32 s0, $0x7;
	p3 =	sne.s32 s18, $0x0;
	[sflag:s11] =	ssyncset.done $0x0  }
0x169: {  	s16 =	sadd.s32 s17, s16;
	s17 =	simm.s32 $0x1;
	[sflag:s11] =	ssyncadd.s32 $0xFFFFF000  }
0x16a: {  	[spmem:s30] =	stream.linear.scatter [tilespmem:s13], [sflag:$0x4], $0x1000, $0x38;
	[tilespmem:$0x1F820] =	vst v63  }
0x16b: {  	s3 =	simm.s32 @!p1 $0x0;
	p2 =	por !p5, !p3;
	_ =	swait.ge [sflag:s11], $0x1000  }
0x16c: {  	s16 =	sshra.s32 s16, $0x7;
	s0 =	ssub.s32 s0, s3;
	[sflag:s11] =	ssyncset.done $0x0  }
0x16d: {  	p2 =	por !p2, !p2;
	s3 =	sshrl.u32 s0, $0x1D;
	[sflag:s11] =	ssyncadd.s32 $0xFFFFF000  }
0x16e: {  	[spmem:s10] =	stream.linear.scatter [tilespmem:s13], [sflag:$0x4], $0x1000, $0x38;
	[tilespmem:$0x1F820] =	vst v63  }
0x16f: {  	p4 =	slt.s32 s0, $0x1;
	s17 =	simm.s32 @!p2 $0x0;
	_ =	swait.ge [sflag:s11], $0x1000  }
0x170: {  	s31 =	sand.u32 $0x7, s0;
	s16 =	ssub.s32 s16, s17;
	[sflag:s11] =	ssyncset.done $0x0  }
0x171: {  	p6 =	sne.s32 s31, $0x0;
	s0 =	sadd.s32 s3, s0;
	[sflag:s11] =	ssyncadd.s32 $0xFFFFF000  }
0x172: {  	[spmem:s19] =	stream.linear.scatter [tilespmem:s13], [sflag:$0x4], $0x1000, $0x38;
	[tilespmem:$0x1F820] =	vst v63  }
0x173: {  	s17 =	sadd.s32 $0x7, s16;
	p1 =	por !p4, !p6;
	_ =	swait.ge [sflag:s11], $0x1000  }
0x174: {  	p3 =	slt.s32 s16, $0xFFFFFFFA;
	s4 =	sand.u32 $0x7, s17;
	[sflag:s11] =	ssyncset.done $0x0  }
0x175: {  	p4 =	sne.s32 s4, $0x0;
	s4 =	rddreg [dreg:$0x11];
	[sflag:s11] =	ssyncadd.s32 $0xFFFFF000  }
0x176: {  	[spmem:s4] =	stream.linear.scatter [tilespmem:s13], [sflag:$0x4], $0x1000, $0x38;
	[tilespmem:$0x1F820] =	vst v63  }
0x177: {  	s16 =	simm.s32 $0x1;
	p2 =	por !p3, !p4;
	_ =	swait.ge [sflag:s11], $0x1000  }
0x178: {  	p1 =	por !p1, !p1;
	p2 =	por !p2, !p2;
	[sflag:s11] =	ssyncset.done $0x0  }
0x179: {  	s19 =	sshrl.u32 s17, $0x1D;
	s31 =	rddreg [dreg:$0x12];
	[sflag:s11] =	ssyncadd.s32 $0xFFFFF000  }
0x17a: {  	[spmem:s31] =	stream.linear.scatter [tilespmem:s13], [sflag:$0x4], $0x1000, $0x38;
	[tilespmem:$0x1F820] =	vst v63  }
0x17b: {  	s16 =	simm.s32 @!p2 $0x0;
	s3 =	sadd.s32 s19, s17;
	_ =	swait.ge [sflag:s11], $0x1000  }
0x17c: {  	s17 =	simm.s32 $0x1;
	s3 =	sshrl.u32 s3, $0x3;
	[sflag:s11] =	ssyncset.done $0x0  }
0x17d: {  	s3 =	ssub.s32 s3, s16;
	s16 =	rddreg [dreg:$0x14];
	[sflag:s11] =	ssyncadd.s32 $0xFFFFF000  }
0x17e: {  	[spmem:s16] =	stream.linear.scatter [tilespmem:s13], [sflag:$0x4], $0x1000, $0x38;
	[tilespmem:$0x1F820] =	vst v63  }
0x17f: {  	s0 =	sshrl.u32 s0, $0x3;
	s17 =	simm.s32 @!p1 $0x0;
	s16 =	sshll.u32 s3, $0x3  }
0x180: {  	s0 =	ssub.s32 s0, s17;
	_ =	swait.ge [sflag:s11], $0x1000;
	p1 =	slt.s32 s16, $0x2080  }
0x181: {  	s0 =	sshll.u32 s0, $0x3;
	[sflag:s11] =	ssyncset.done $0x0;
	s16 =	simm.s32 @!p1 $0x2080  }
0x182: {  	s18 =	rddreg [dreg:$0x15];
	[sflag:s11] =	ssyncadd.s32 $0xFFFFF000;
	s19 =	ssub.s32 s16, s0  }
0x183: {  	[spmem:s18] =	stream.linear.scatter [tilespmem:s13], [sflag:$0x4], $0x1000, $0x38;
	[tilespmem:$0x1F820] =	vst v63  }
0x184: {  	s3 =	sadd.s32 $0xF, s19  }
0x185: {  	_ =	swait.ge [sflag:s11], $0x1000;
	s17 =	sshra.s32 s3, $0x1F  }
0x186: {  	[sflag:s11] =	ssyncset.done $0x0;
	s4 =	sshrl.u32 s17, $0x1C  }
0x187: {  	s31 =	rddreg [dreg:$0x16];
	[sflag:s11] =	ssyncadd.s32 $0xFFFFF000;
	s3 =	sadd.s32 s4, s3  }
0x188: {  	[spmem:s31] =	stream.linear.scatter [tilespmem:s13], [sflag:$0x4], $0x1000, $0x38;
	[tilespmem:$0x1F820] =	vst v63  }
0x189: {  	s3 =	sshra.s32 s3, $0x4;
	_ =	swait.ge [sflag:s11], $0x1000  }
0x18a: {  	s3 =	sadd.s32 s17, s3;
	[sflag:s11] =	ssyncset.done $0x0  }
0x18b: {  	s19 =	rddreg [dreg:$0x17];
	s17 =	sadd.s32 $0x7, s3;
	[sflag:s11] =	ssyncadd.s32 $0xFFFFF000  }
0x18c: {  	[spmem:s19] =	stream.linear.scatter [tilespmem:s13], [sflag:$0x4], $0x1000, $0x38;
	[tilespmem:$0x1F820] =	vst v63  }
0x18d: {  	p5 =	slt.s32 s3, $0xFFFFFFFA;
	s19 =	sand.u32 $0x7, s17;
	_ =	swait.ge [sflag:s11], $0x1000  }
0x18e: {  	s18 =	sshrl.u32 s17, $0x1D;
	p6 =	sne.s32 s19, $0x0;
	[sflag:s11] =	ssyncset.done $0x0  }
0x18f: {  	s31 =	rddreg [dreg:$0x18];
	p1 =	por !p5, !p6;
	[sflag:s11] =	ssyncadd.s32 $0xFFFFF000  }
0x190: {  	[spmem:s31] =	stream.linear.scatter [tilespmem:s13], [sflag:$0x4], $0x1000, $0x38;
	[tilespmem:$0x1F820] =	vst v63  }
0x191: {  	p1 =	por !p1, !p1;
	s31 =	sadd.s32 s18, s17;
	s17 =	simm.s32 $0x1  }
0x192: {  	_ =	swait.ge [sflag:s11], $0x1000;
	s3 =	sshrl.u32 s31, $0x3;
	s17 =	simm.s32 @!p1 $0x0  }
0x193: {  	s31 =	stileid.u32;
	[sflag:s11] =	ssyncset.done $0x0;
	s3 =	ssub.s32 s3, s17  }
0x194: {  	s18 =	rddreg [dreg:$0x19];
	[sflag:s11] =	ssyncadd.s32 $0xFFFFF000;
	s3 =	sshll.u32 s3, $0x3  }
0x195: {  	[spmem:s18] =	stream.linear.scatter [tilespmem:s13], [sflag:$0x4], $0x1000, $0x38;
	[tilespmem:$0x1F820] =	vst v63  }
0x196: {  	s4 =	smul.u32 s31, s3;
	_ =	swait.ge [sflag:s11], $0x1000  }
0x197: {  	[sflag:s11] =	ssyncset.done $0x0  }
0x198: {  	s19 =	rddreg [dreg:$0x1a];
	s17 =	sadd.s32 s0, s4;
	[sflag:s11] =	ssyncadd.s32 $0xFFFFF000  }
0x199: {  	[spmem:s19] =	stream.linear.scatter [tilespmem:s13], [sflag:$0x4], $0x1000, $0x38;
	[tilespmem:$0x1F820] =	vst v63  }
0x19a: {  	s0 =	sadd.s32 s3, s17;
	_ =	swait.ge [sflag:s11], $0x1000  }
0x19b: {  	p1 =	slt.s32 s0, s16;
	[sflag:s11] =	ssyncset.done $0x0  }
0x19c: {  	s16 =	smov.u32 @p1 s0;
	s18 =	rddreg [dreg:$0x1b];
	[sflag:s11] =	ssyncadd.s32 $0xFFFFF000  }
0x19d: {  	[spmem:s18] =	stream.linear.scatter [tilespmem:s13], [sflag:$0x4], $0x1000, $0x38;
	[tilespmem:$0x1F820] =	vst v63  }
0x19e: {  	s0 =	ssub.s32 s16, s17;
	_ =	swait.ge [sflag:s11], $0x1000  }
0x19f: {  	s3 =	sshra.s32 s0, $0x1F;
	[sflag:s11] =	ssyncset.done $0x0  }
0x1a0: {  	s18 =	sshrl.u32 s3, $0x1D;
	s19 =	rddreg [dreg:$0x1c];
	[sflag:s11] =	ssyncadd.s32 $0xFFFFF000  }
0x1a1: {  	[spmem:s19] =	stream.linear.scatter [tilespmem:s13], [sflag:$0x4], $0x1000, $0x38;
	[tilespmem:$0x1F820] =	vst v63  }
0x1a2: {  	s19 =	sxor.u32 $0xFFFFFFFF, s0;
	s0 =	sor.u32 s0, s18  }
0x1a3: {  	_ =	swait.ge [sflag:s11], $0x1000;
	s19 =	sshrl.u32 s19, $0x1F;
	s0 =	sadd.s32 $0x7, s0  }
0x1a4: {  	[sflag:s11] =	ssyncset.done $0x0;
	s31 =	rddreg [dreg:$0x1d];
	s3 =	sadd.s32 s19, s3  }
0x1a5: {  	[sflag:s11] =	ssyncadd.s32 $0xFFFFF000;
	p1 =	sne.s32 s3, $0x1;
	s3 =	simm.s32 $0x1  }
0x1a6: {  	[spmem:s31] =	stream.linear.scatter [tilespmem:s13], [sflag:$0x4], $0x1000, $0x38;
	[tilespmem:$0x1F820] =	vst v63  }
0x1a7: {  	s0 =	sshra.s32 s0, $0x3;
	s3 =	simm.s32 @!p1 $0x0;
	_ =	swait.ge [sflag:s11], $0x1000  }
0x1a8: {  	s18 =	ssub.s32 s0, s3;
	[sflag:s11] =	ssyncset.done $0x0  }
0x1a9: {  	s31 =	rddreg [dreg:$0x1e];
	p1 =	slt.s32 s18, $0x1;
	[sflag:s11] =	ssyncadd.s32 $0xFFFFF000  }
0x1aa: {  	[spmem:s31] =	stream.linear.scatter [tilespmem:s13], [sflag:$0x4], $0x1000, $0x38;
	[tilespmem:$0x1F820] =	vst v63  }
.Ltmp3:
0x1ab: {  	_ =	swait.ge [sflag:s11], $0x1000;
	(pc) =	sbr.rel @p1 .LBB2_14-.Ltmp3, $3  }
0x1ac: {  	[sflag:s11] =	ssyncset.done $0x0  }
0x1ad: {  	[sflag:s11] =	ssyncadd.s32 $0xFFFFF000  }
0x1ae: {  	[bflag:$0x0] =	sbarrier.arrive $0xFFFF;
	_ =	sdelay $0x1  }
0x1af: {  	s0 =	sshll.u32 s17, $0x4  }
0x1b0: {  	s0 =	sand.u32 $0x1FFFFF80, s0  }
0x1b1: {  	s25 =	smov.u32 s20;
	s20 =	simm.s32 $0x0;
	s3 =	sadd.s32 s1, s0  }
0x1b2: {  	[tilespmem:s20], [sflag:$0x4] =	stream.linear.gather [hbm4b:s3+s20], $0x400, $0x38;
	[tilespmem:$0x1F820] =	vst v63  }
0x1b3: {  	_ =	swait.ge [sflag:s11], $0x400  }
0x1b4: {  	[sflag:s11] =	ssyncset.done $0x0  }
0x1b5: {  	s28 =	simm.s32 $0x800;
	s0 =	sadd.s32 s2, s0;
	[sflag:s11] =	ssyncadd.s32 $0xFFFFFC00  }
0x1b6: {  	[tilespmem:s28], [sflag:$0x4] =	stream.linear.gather [hbm4b:s0+s20], $0x400, $0x38;
	[tilespmem:$0x1F820] =	vst v63  }
0x1b7: {  	_ =	swait.ge [sflag:s11], $0x400  }
0x1b8: {  	[sflag:s11] =	ssyncset.done $0x0  }
0x1b9: {  	[sflag:s11] =	ssyncadd.s32 $0xFFFFFC00  }
0x1ba: {  	s29 =	simm.s32 $0x0;
	v1 =	vld [tilespmem:s28+$0x0]  }
0x1bb: {  	s0 =	sor.u32 s17, s29  }
0x1bc: {  	p1 =	slt.s32 s0, s16;
	s0 =	simm.s32 $0x0  }
0x1bd: {  	s9 =	smov.u32 s23;
	s0 =	simm.s32 @!p1 $0x10000000  }
0x1be: {  	s10 =	smov.u32 s22;
	s30 =	simm.s32 $0x0;
	s0 =	ssub.s32 s0, s8  }
0x1bf: {  	s22 =	smov.u32 s21;
	s31 =	sand.u32 $0x70, s20;
	s3 =	sand.u32 $0x3FFFFF80, s30;
	v1 =	vadd.s32 s0, v1  }
0x1c0: {  	s19 =	smov.u32 s18;
	p1 =	sgt.s32 s18, $0x0;
	s0 =	sor.u32 s31, s3;
	v1 =	vmin.u32 v1, $0xD000  }
0x1c1: {  	s21 =	simm.s32 $0x810;
	s23 =	simm.s32 $0x1;
	s19 =	simm.s32 @!p1 $0x0;
	[tilespmem:s0+$0x1000] =	vst v1  }
0x1c2: {  	s24 =	simm.s32 $0x0;
	s19 =	sshll.u32 s19, $0x3;
	s0 =	simm.s32 $0x2;
	v1 =	vld [tilespmem:s21+$0x0]  }
.LBB2_5:
0x1c3: {  	p1 =	sne.s32 s0, $0x3F;
	s3 =	sor.u32 s17, s24  }
0x1c4: {  	p2 =	slt.s32 s3, s16;
	s3 =	simm.s32 $0x0  }
0x1c5: {  	s23 =	sshll.u32 s23, $0x4;
	s3 =	simm.s32 @!p2 $0x10000000  }
.Ltmp4:
0x1c6: {  	s20 =	sadd.s32 $0x10, s20;
	s3 =	ssub.s32 s3, s8;
	(pc) =	sbr.rel @p1 .LBB2_5-.Ltmp4, $4  }
0x1c7: {  	s24 =	sand.u32 $0x3FFFFF80, s23;
	s23 =	smov.u32 s0;
	v1 =	vadd.s32 s3, v1;
	s3 =	sand.u32 $0x70, s20  }
0x1c8: {  	v1 =	vmin.u32 v1, $0xD000;
	s3 =	sor.u32 s3, s24  }
0x1c9: {  	s21 =	sadd.s32 $0x10, s21;
	[tilespmem:s3+$0x1000] =	vst v1  }
0x1ca: {  	s0 =	sadd.s32 $0x1, s0;
	s24 =	sshrl.u32 s23, $0x3;
	v1 =	vld [tilespmem:s21+$0x0]  }
0x1cb: {  	s0 =	sor.u32 s17, s24  }
0x1cc: {  	p1 =	slt.s32 s0, s16;
	s0 =	simm.s32 $0x0  }
0x1cd: {  	s0 =	simm.s32 @!p1 $0x10000000  }
0x1ce: {  	s3 =	sshll.u32 s23, $0x4;
	s20 =	sadd.s32 $0x10, s20;
	s0 =	ssub.s32 s0, s8  }
0x1cf: {  	s28 =	sand.u32 $0x70, s20;
	s3 =	sand.u32 $0x3FFFFF80, s3;
	v1 =	vadd.s32 s0, v1  }
0x1d0: {  	s0 =	sor.u32 s28, s3;
	v1 =	vmin.u32 v1, $0xD000  }
0x1d1: {  	s20 =	simm.s32 $0x0;
	[tilespmem:s0+$0x1000] =	vst v1  }
0x1d2: {  	[tilespmem:s13], [sflag:$0x1] =	stream.indirect.gather [hbm4b:s7+s14], $0x20, s20, s14, $0xb8;
	[tilespmem:$0x1F820] =	vst v63  }
.Ltmp5:
0x1d3: {  	_ = 	snop;
	(pc) =	sbr.rel .LBB2_7-.Ltmp5, $4  }
0x1d4: {  	s29 =	simm.s32 $0x2800  }
0x1d5: {  	[tilespmem:s29], [sflag:$0x1] =	stream.indirect.gather [hbm4b:s7+s14], $0x20, s14, s14, $0xb8;
	[tilespmem:$0x1F820] =	vst v63  }
0x1d6: {  	s30 =	simm.s32 $0x100;
	s31 =	simm.s32 $0x3800;
	s21 =	sshll.u32 s17, $0x7  }
0x1d7: {  	[tilespmem:s31], [sflag:$0x1] =	stream.indirect.gather [hbm4b:s7+s14], $0x20, s30, s14, $0xb8;
	[tilespmem:$0x1F820] =	vst v63  }
.LBB2_11:
0x1d8: {  	p1 =	sne.s32 s23, $0x4  }
0x1d9: {  	p2 =	sle.s32 @!p1 s18, s0  }
0x1da: {  	p1 =	por p2, p1  }
0x1db: {  	s0 =	simm.s32 @!p1 $0x3  }
0x1dc: {  	_ =	swait.ge @!p1 [sflag:s0], $0x400  }
0x1dd: {  	[sflag:s0] =	ssyncset.done @!p1 $0x0  }
0x1de: {  	[sflag:s0] =	ssyncadd.s32 @!p1 $0xFFFFFC00  }
0x1df: {  	_ =	swait.ge @!p1 [sflag:s0], $0x400  }
0x1e0: {  	[sflag:s0] =	ssyncset.done @!p1 $0x0  }
0x1e1: {  	[sflag:s0] =	ssyncadd.s32 @!p1 $0xFFFFFC00  }
.LBB2_12:
0x1e2: {  	_ =	swait.ge [sflag:s12], $0x1000  }
0x1e3: {  	s0 =	sshll.u32 s20, $0xC;
	s3 =	sshll.u32 s23, $0x7;
	p1 =	seq.s32 s20, $0x0  }
0x1e4: {  	[sflag:s12] =	ssyncset.done $0x0;
	s0 =	sand.u32 $0x3000, s0;
	s3 =	sor.u32 s3, s24  }
0x1e5: {  	[sflag:s12] =	ssyncadd.s32 $0xFFFFF000;
	s0 =	sadd.s32 $0x1800, s0;
	s3 =	sor.u32 $0x1000, s3  }
0x1e6: {  	[spmem:s5] =	stream.indirect.scatter.add.f32 [tilespmem:s0], [sflag:$0x2], $0x20, s3, s14, $0xb8;
	[tilespmem:$0x1F820] =	vst v63  }
0x1e7: {  	s0 =	simm.s32 @!p1 $0x2  }
0x1e8: {  	_ =	swait.ge @!p1 [sflag:s0], $0x1000  }
0x1e9: {  	s3 =	sadd.s32 $0x3, s20;
	s20 =	sadd.s32 $0x1, s20;
	[sflag:s0] =	ssyncset.done @!p1 $0x0  }
0x1ea: {  	[sflag:s0] =	ssyncadd.s32 @!p1 $0xFFFFF000;
	p1 =	sne.s32 s20, s19  }
.Ltmp6:
0x1eb: {  	p2 =	sge.u32 s3, s19;
	(pc) =	sbr.rel @!p1 .LBB2_13-.Ltmp6, $4  }
0x1ec: {  	s4 =	sshll.u32 @!p2 s3, $0xC  }
0x1ed: {  	s0 =	sshll.u32 @!p2 s3, $0x7;
	s3 =	sand.u32 @!p2 $0x3000, s4  }
0x1ee: {  	s4 =	simm.s32 @!p2 $0x80;
	s3 =	sadd.s32 @!p2 $0x1800, s3;
	s0 =	sand.u32 @!p2 $0x780, s0  }
0x1ef: {  	[tilespmem:s3], [sflag:$0x1] =	stream.indirect.gather @!p2 [hbm4b:s7+s4], $0x20, s0, s4, $0xb8;
	[tilespmem:$0x1F820] =	vst v63  }
.LBB2_7:
0x1f0: {  	s3 =	sshrl.u32 s20, $0x3;
	s23 =	sand.u32 $0x7, s20  }
0x1f1: {  	p1 =	sne.s32 s23, $0x0;
	s0 =	sadd.s32 $0x1, s3  }
0x1f2: {  	p2 =	sle.s32 @!p1 s18, s0  }
0x1f3: {  	p2 =	por p2, p1  }
0x1f4: {  	s24 =	sshll.u32 @!p2 s0, $0xA  }
0x1f5: {  	s26 =	sand.u32 $0x1, s3;
	s24 =	sadd.s32 @!p2 s21, s24  }
0x1f6: {  	s28 =	sshll.u32 @!p2 s26, $0xA;
	s24 =	sshrl.u32 @!p2 s24, $0x3  }
0x1f7: {  	s30 =	simm.s32 @!p2 $0x0;
	s28 =	sxor.u32 @!p2 $0x400, s28;
	s29 =	sadd.s32 @!p2 s1, s24  }
0x1f8: {  	[tilespmem:s28], [sflag:$0x3] =	stream.linear.gather @!p2 [hbm4b:s29+s30], $0x400, $0x38;
	[tilespmem:$0x1F820] =	vst v63  }
0x1f9: {  	s24 =	sadd.s32 @!p2 s2, s24;
	s28 =	sor.u32 @!p2 $0x800, s28  }
0x1fa: {  	[tilespmem:s28], [sflag:$0x3] =	stream.linear.gather @!p2 [hbm4b:s24+s30], $0x400, $0x38;
	[tilespmem:$0x1F820] =	vst v63  }
0x1fb: {  	p2 =	seq.s32 @!p1 s3, $0x0  }
0x1fc: {  	p1 =	por p1, p2  }
.Ltmp7:
0x1fd: {  	_ = 	snop;
	(pc) =	sbr.rel @p1 .LBB2_11-.Ltmp7, $2  }
0x1fe: {  	_ =	sdelay $0x2  }
0x1ff: {  	s24 =	sshll.u32 s26, $0xA  }
0x200: {  	s0 =	sor.u32 $0x800, s24  }
0x201: {  	s28 =	sadd.s32 s17, s20;
	v1 =	vld [tilespmem:s0+$0x0]  }
0x202: {  	s3 =	sadd.s32 $0x0, s28  }
0x203: {  	p1 =	slt.s32 s3, s16;
	s3 =	simm.s32 $0x0  }
0x204: {  	s26 =	sor.u32 $0x1000, s24;
	s30 =	simm.s32 $0x0;
	s3 =	simm.s32 @!p1 $0x10000000  }
0x205: {  	s29 =	simm.s32 $0x0;
	s30 =	sand.u32 $0x3FFFFF80, s30;
	s3 =	ssub.s32 s3, s8  }
0x206: {  	s4 =	sand.u32 $0x70, s29;
	s30 =	sadd.s32 s30, s26;
	v1 =	vadd.s32 s3, v1  }
0x207: {  	s3 =	sadd.s32 s4, s30;
	v1 =	vmin.u32 v1, $0xD000  }
0x208: {  	s31 =	sadd.s32 $0x10, s0;
	[tilespmem:s3+$0x0] =	vst v1  }
0x209: {  	s0 =	simm.s32 $0x2;
	s30 =	simm.s32 $0x1;
	s3 =	simm.s32 $0x0;
	v1 =	vld [tilespmem:s31+$0x0]  }
.LBB2_9:
0x20a: {  	p1 =	seq.s32 s0, $0x3F;
	s3 =	sadd.s32 s28, s3  }
0x20b: {  	s4 =	sshll.u32 s30, $0x4;
	p2 =	slt.s32 s3, s16;
	s3 =	simm.s32 $0x0  }
0x20c: {  	s30 =	smov.u32 s0;
	s29 =	sadd.s32 $0x10, s29;
	s3 =	simm.s32 @!p2 $0x10000000  }
.Ltmp8:
0x20d: {  	s4 =	sand.u32 $0x3FFFFF80, s4;
	s3 =	ssub.s32 s3, s8;
	(pc) =	sbr.rel @!p1 .LBB2_9-.Ltmp8, $4  }
0x20e: {  	s4 =	sadd.s32 s4, s26;
	v1 =	vadd.s32 s3, v1;
	s3 =	sand.u32 $0x70, s29  }
0x20f: {  	v1 =	vmin.u32 v1, $0xD000;
	s3 =	sadd.s32 s3, s4  }
0x210: {  	s31 =	sadd.s32 $0x10, s31;
	[tilespmem:s3+$0x0] =	vst v1  }
0x211: {  	s0 =	sadd.s32 $0x1, s0;
	s3 =	sshrl.u32 s30, $0x3;
	v1 =	vld [tilespmem:s31+$0x0]  }
0x212: {  	s0 =	sadd.s32 s28, s3  }
0x213: {  	p1 =	slt.s32 s0, s16;
	s0 =	simm.s32 $0x0  }
.Ltmp9:
0x214: {  	s30 =	sshll.u32 s30, $0x4;
	s0 =	simm.s32 @!p1 $0x10000000;
	(pc) =	sbr.rel .LBB2_12-.Ltmp9, $4  }
0x215: {  	s4 =	sadd.s32 $0x10, s29;
	s3 =	sand.u32 $0x3FFFFF80, s30;
	s0 =	ssub.s32 s0, s8  }
0x216: {  	s31 =	sand.u32 $0x70, s4;
	s3 =	sadd.s32 s3, s26;
	v1 =	vadd.s32 s0, v1  }
0x217: {  	s0 =	sadd.s32 s31, s3;
	v1 =	vmin.u32 v1, $0xD000  }
0x218: {  	[tilespmem:s0+$0x0] =	vst v1  }
.LBB2_15:
0x219: {  	_ =	sfence.sel $0x180000  }
0x21a: {  	[bflag:$0x0] =	sbarrier.arrive $0xFFFF  }
0x21b: {  	_ =	strace $0x90000047  }
0x21c: {  	s0 =	stileid.u32;
	[bflag:$0x2] =	sbarrier.arrive $0xFFFF  }
0x21d: {  	p0 =	sne.s32 s0, $0x0;
	s0 =	rddreg [dreg:$0x6]  }
0x21e: {  	s0 =	sadd.s32 @!p0 $0x100000, s0  }
0x21f: {  	[sflag:s0] =	ssyncadd.tile.s32 @!p0 $0x1;
	_ =	shalt  }
.Lfunc_end2:
_tile_overlayer_lowered:
.L_overlay_start_2:
0x220: {  	(tag) =	ssettag $0x2  }
0x221: {  	s0 =	rddreg [dreg:$0x0];
	s2 =	stileid.u32  }
0x222: {  	s1 =	rddreg [dreg:$0x1];
	p0 =	sne.s32 s2, $0x0  }
0x223: {  	s3 =	rddreg [dreg:$0x2];
	[bflag:$0x3] =	sbarrier.arrive $0xFFFF;
	s2 =	simm.s32 @!p0 $0x1C04  }
0x224: {  	[timem:s3], [sflag:s2] =	dma.local @!p0 [hbm:s0], s1  }
0x225: {  	s0 =	simm.s32 @!p0 $0x4  }
0x226: {  	_ =	swait.ge @!p0 [sflag:s0], s1  }
0x227: {  	s1 =	ssub.s32 @!p0 $0x0, s1;
	[sflag:s0] =	ssyncset.done @!p0 $0x0  }
0x228: {  	[sflag:s0] =	ssyncadd.s32 @!p0 s1  }
0x229: {  	[bflag:$0x3] =	sbarrier.arrive $0xFFFF  }
0x22a: {  	_ =	shalt  }

</sc_bundles>
